<compile_context>
chip_gen: v7x
topology: tpu7x:2x2x1
jax: 0.10.2.dev20260603
libtpu: 0.0.44.dev20260713+nightly
codegen_flags: <defaults>
</compile_context>

<pallas_src>
import functools

import jax
import jax.numpy as jnp
from jax import lax
from jax.experimental import pallas as pl
from jax.experimental.pallas import tpu as pltpu
from jax.experimental.pallas import tpu_sc as plsc

NC = 2
NS = 16
NW = NC * NS
CHUNK = 80
ZR = 40
WB = 10


def _zero_vmem(ref, nrows, ncols):
    def body(i, carry):
        for j in range(ncols // 16):
            ref[i, pl.ds(j * 16, 16)] = jnp.zeros((16,), jnp.float32)
        return carry
    lax.fori_loop(0, nrows, body, 0)


def _make_agg(N, d, E):
    n_chunks = E // CHUNK
    per_w = n_chunks // NW
    rows_wb = N // WB
    mesh = plsc.VectorSubcoreMesh(core_axis_name="c", subcore_axis_name="s")

    @functools.partial(
        pl.kernel,
        mesh=mesh,
        out_type=[jax.ShapeDtypeStruct((N, d), jnp.float32),
                  jax.ShapeDtypeStruct((N, d), jnp.float32)],
        scratch_types=[
            pltpu.VMEM((per_w, CHUNK), jnp.int32),
            pltpu.VMEM((CHUNK,), jnp.int32),
            pltpu.VMEM((CHUNK,), jnp.int32),
            pltpu.VMEM((CHUNK,), jnp.int32),
            pltpu.VMEM((1, CHUNK), jnp.int32),
            pltpu.VMEM((1, CHUNK), jnp.int32),
            pltpu.VMEM((1, CHUNK), jnp.int32),
            pltpu.VMEM((CHUNK, d), jnp.float32),
            pltpu.VMEM((CHUNK, d), jnp.float32),
            pltpu.VMEM((CHUNK, d), jnp.float32),
            pltpu.VMEM_SHARED((N, d), jnp.float32),
            pltpu.SemaphoreType.DMA,
            pltpu.SemaphoreType.DMA,
            pltpu.SemaphoreType.DMA,
            pltpu.SemaphoreType.DMA,
            pltpu.SemaphoreType.DMA,
            pltpu.SemaphoreType.DMA,
            pltpu.SemaphoreType.DMA,
            pltpu.SemaphoreType.DMA,
            pltpu.SemaphoreType.DMA,
        ],
        compiler_params=pltpu.CompilerParams(needs_layout_passes=False),
    )
    def agg_kernel(feat_hbm, src_hbm, dst_hbm, out0_hbm, out1_hbm,
                   src_v, sidx0, sidx1, sidx2, didx0, didx1, didx2,
                   rows0, rows1, rows2, acc_sh,
                   g0, g1, g2, ds0, ds1, ds2, ss0, ss1, ss2):
        c = lax.axis_index("c")
        s = lax.axis_index("s")
        wid = c * NS + s
        _zero_vmem(rows0, ZR, d)

        @pl.when(s < WB)
        def _():
            for k in range(rows_wb // ZR):
                pltpu.sync_copy(rows0.at[pl.ds(0, ZR)],
                                acc_sh.at[pl.ds(s * rows_wb + k * ZR, ZR)])
        plsc.subcore_barrier()
        pltpu.sync_copy(src_hbm.at[wid], src_v)

        def load_sidx(i, sidx):
            for j in range(CHUNK // 16):
                sidx[pl.ds(j * 16, 16)] = src_v[i, pl.ds(j * 16, 16)]

        def stage(i, sidx, didx, rows, gsem, dsem):
            pltpu.async_copy(dst_hbm.at[wid, i], didx, dsem)
            load_sidx(i, sidx)
            pltpu.async_copy(feat_hbm.at[sidx], rows, gsem)

        def flush(i, sidx, didx, rows, gsem, dsem, ssem):
            pltpu.make_async_copy(feat_hbm.at[sidx], rows, gsem).wait()
            pltpu.make_async_copy(dst_hbm.at[wid, i], didx, dsem).wait()
            pltpu.async_copy(rows, acc_sh.at[didx.at[0]], ssem, add=True)

        def swait(didx, rows, ssem):
            pltpu.make_async_copy(rows, acc_sh.at[didx.at[0]], ssem).wait()

        stage(0, sidx0, didx0, rows0, g0, ds0)
        stage(1, sidx1, didx1, rows1, g1, ds1)
        flush(0, sidx0, didx0, rows0, g0, ds0, ss0)

        def step3(k, carry):
            @pl.when(k > 0)
            def _():
                swait(didx2, rows2, ss2)
            stage(3 * k + 2, sidx2, didx2, rows2, g2, ds2)
            flush(3 * k + 1, sidx1, didx1, rows1, g1, ds1, ss1)
            swait(didx0, rows0, ss0)
            stage(3 * k + 3, sidx0, didx0, rows0, g0, ds0)
            flush(3 * k + 2, sidx2, didx2, rows2, g2, ds2, ss2)
            swait(didx1, rows1, ss1)
            stage(3 * k + 4, sidx1, didx1, rows1, g1, ds1)
            flush(3 * k + 3, sidx0, didx0, rows0, g0, ds0, ss0)
            return carry
        lax.fori_loop(0, (per_w - 2) // 3, step3, 0)
        flush(per_w - 1, sidx1, didx1, rows1, g1, ds1, ss1)
        swait(didx2, rows2, ss2)
        swait(didx0, rows0, ss0)
        swait(didx1, rows1, ss1)
        plsc.subcore_barrier()
        row0 = s * rows_wb

        @pl.when(jnp.logical_and(s < WB, c == 0))
        def _():
            pltpu.sync_copy(acc_sh.at[pl.ds(row0, rows_wb)],
                            out0_hbm.at[pl.ds(row0, rows_wb)])

        @pl.when(jnp.logical_and(s < WB, c == 1))
        def _():
            pltpu.sync_copy(acc_sh.at[pl.ds(row0, rows_wb)],
                            out1_hbm.at[pl.ds(row0, rows_wb)])

    return agg_kernel


def _make_deg_hist(N, E):
    n_chunks = E // CHUNK
    per_w = n_chunks // NW
    mesh = plsc.VectorSubcoreMesh(core_axis_name="c", subcore_axis_name="s")

    @functools.partial(
        pl.kernel,
        mesh=mesh,
        out_type=jax.ShapeDtypeStruct((NW, N), jnp.float32),
        scratch_types=[
            pltpu.VMEM((per_w, CHUNK), jnp.int32),
            pltpu.VMEM((N,), jnp.float32),
        ],
        compiler_params=pltpu.CompilerParams(needs_layout_passes=False),
    )
    def deg_kernel(dst_hbm, out_hbm, dst_v, hist_v):
        c = lax.axis_index("c")
        s = lax.axis_index("s")
        wid = c * NS + s

        def z(i, carry):
            hist_v[pl.ds(i * 16, 16)] = jnp.zeros((16,), jnp.float32)
            return carry
        lax.fori_loop(0, N // 16, z, 0)
        pltpu.sync_copy(dst_hbm.at[wid], dst_v)
        ones16 = jnp.ones((16,), jnp.float32)

        def step(i, carry):
            for j in range(CHUNK // 16):
                idx = dst_v[i, pl.ds(j * 16, 16)]
                plsc.addupdate_scatter(hist_v, [idx], ones16)
            return carry
        lax.fori_loop(0, per_w, step, 0)
        pltpu.sync_copy(hist_v, out_hbm.at[wid])

    return deg_kernel


def _sage_tc1(aggA, aggB, deg32, x, WlT, bl, WrT):
    N, d = x.shape
    BLK = 1000

    def body(aggA_ref, aggB_ref, deg_ref, x_ref,
             wl_ref, bl_ref, wr_ref, o_ref):
        deg = jnp.sum(deg_ref[...], axis=1, keepdims=True)
        r = 1.0 / jnp.maximum(deg, 1.0)
        agg = (aggA_ref[...] + aggB_ref[...]) * r
        h = (jnp.dot(agg, wl_ref[...], preferred_element_type=jnp.float32)
             + bl_ref[...]
             + jnp.dot(x_ref[...], wr_ref[...],
                       preferred_element_type=jnp.float32))
        o_ref[...] = jnp.maximum(h, 0.0)

    row_spec = pl.BlockSpec((BLK, d), lambda i: (i, 0))
    deg_spec = pl.BlockSpec((BLK, NW), lambda i: (i, 0))
    w_spec = pl.BlockSpec((d, d), lambda i: (0, 0))
    b_spec = pl.BlockSpec((1, d), lambda i: (0, 0))
    return pl.pallas_call(
        body,
        grid=(N // BLK,),
        in_specs=[row_spec, row_spec, deg_spec, row_spec,
                  w_spec, b_spec, w_spec],
        out_specs=row_spec,
        out_shape=jax.ShapeDtypeStruct((N, d), jnp.float32),
    )(aggA, aggB, deg32, x, WlT, bl, WrT)


def _sage_tc2(aggA, aggB, deg32, h1, WlT, bl, WrT, Wp1T, bp1, Wp2T, bp2):
    N, d = h1.shape
    BLK = 1000

    def body(aggA_ref, aggB_ref, deg_ref, h1_ref,
             wl_ref, bl_ref, wr_ref, wp1_ref, bp1_ref, wp2_ref, bp2_ref,
             o_ref):
        deg = jnp.sum(deg_ref[...], axis=1, keepdims=True)
        r = 1.0 / jnp.maximum(deg, 1.0)
        agg = (aggA_ref[...] + aggB_ref[...]) * r
        h2 = (jnp.dot(agg, wl_ref[...], preferred_element_type=jnp.float32)
              + bl_ref[...]
              + jnp.dot(h1_ref[...], wr_ref[...],
                        preferred_element_type=jnp.float32))
        h2 = jnp.maximum(h2, 0.0)
        p = jnp.dot(h2, wp1_ref[...],
                    preferred_element_type=jnp.float32) + bp1_ref[...]
        o_ref[...] = jnp.dot(p, wp2_ref[...],
                             preferred_element_type=jnp.float32) + bp2_ref[...]

    row_spec = pl.BlockSpec((BLK, d), lambda i: (i, 0))
    deg_spec = pl.BlockSpec((BLK, NW), lambda i: (i, 0))
    w_spec = pl.BlockSpec((d, d), lambda i: (0, 0))
    b_spec = pl.BlockSpec((1, d), lambda i: (0, 0))
    return pl.pallas_call(
        body,
        grid=(N // BLK,),
        in_specs=[row_spec, row_spec, deg_spec, row_spec,
                  w_spec, b_spec, w_spec, w_spec, b_spec, w_spec, b_spec],
        out_specs=row_spec,
        out_shape=jax.ShapeDtypeStruct((N, d), jnp.float32),
    )(aggA, aggB, deg32, h1, WlT, bl, WrT, Wp1T, bp1, Wp2T, bp2)


def kernel(x, edge_index, Wl1, bl1, Wr1, Wl2, bl2, Wr2, Wp1, bp1, Wp2, bp2):
    N, d = x.shape
    E = edge_index.shape[1]
    per_w = E // (NW * CHUNK)
    src3d = edge_index[0].reshape(NW, per_w, CHUNK)
    dst3d = edge_index[1].reshape(NW, per_w, CHUNK)
    dst4d = edge_index[1].reshape(NW, per_w, 1, CHUNK)

    agg_call = _make_agg(N, d, E)
    deg_call = _make_deg_hist(N, E)

    deg32 = lax.optimization_barrier(jnp.swapaxes(deg_call(dst3d), 0, 1))
    agg1A, agg1B = agg_call(x, src3d, dst4d)
    h1 = _sage_tc1(agg1A, agg1B, deg32, x, Wl1.T, bl1[None, :], Wr1.T)
    agg2A, agg2B = agg_call(h1, src3d, dst4d)
    out = _sage_tc2(agg2A, agg2B, deg32, h1, Wl2.T, bl2[None, :],
                    Wr2.T, Wp1.T, bp1[None, :], Wp2.T, bp2[None, :])
    return out

# --- scband reference (transcript-rebuilt; emitter-appended) ---
"""Pipeline reference for scband-graph-sage-29953101922952 (READ-ONLY COPY).

The authoritative reference and input builder live on the scoring server;
editing this copy changes nothing except your own understanding.
"""

import jax, jax.numpy as jnp
import numpy as np


def _sage_conv(x, src, dst, Wl, bl, Wr, num_nodes):
    # PyG SAGEConv with mean aggregation:
    #   out = lin_l(mean_{j in N(i)} x_j) + lin_r(x_i)
    msgs = x[src]
    agg = jax.ops.segment_sum(msgs, dst, num_segments=num_nodes)
    deg = jax.ops.segment_sum(jnp.ones((src.shape[0],), dtype=x.dtype), dst, num_segments=num_nodes)
    agg = agg / jnp.clip(deg, 1.0)[:, None]
    return agg @ Wl.T + bl + x @ Wr.T


def setup_inputs(seed: int = 0) -> dict:
    key = jax.random.key(seed)
    ks = jax.random.split(key, 12)
    N, E, d = 10000, 320000, 128
    s = 1.0 / np.sqrt(d)
    inp = {}
    inp["x"] = jax.random.normal(ks[0], (N, d), dtype=jnp.float32)
    inp["edge_index"] = jax.random.randint(ks[1], (2, E), 0, N, dtype=jnp.int32)
    # SAGEConv layer 1 (input_dim=128 -> hidden_dim=128): lin_l (with bias), lin_r (no bias)
    inp["Wl1"] = jax.random.normal(ks[2], (d, d), dtype=jnp.float32) * s
    inp["bl1"] = jnp.zeros((d,), dtype=jnp.float32)
    inp["Wr1"] = jax.random.normal(ks[3], (d, d), dtype=jnp.float32) * s
    # SAGEConv layer 2 (hidden_dim=128 -> hidden_dim=128)
    inp["Wl2"] = jax.random.normal(ks[4], (d, d), dtype=jnp.float32) * s
    inp["bl2"] = jnp.zeros((d,), dtype=jnp.float32)
    inp["Wr2"] = jax.random.normal(ks[5], (d, d), dtype=jnp.float32) * s
    # post_mp: Linear(hidden, hidden) -> Dropout -> Linear(hidden, output_dim)
    inp["Wp1"] = jax.random.normal(ks[6], (d, d), dtype=jnp.float32) * s
    inp["bp1"] = jnp.zeros((d,), dtype=jnp.float32)
    inp["Wp2"] = jax.random.normal(ks[7], (d, d), dtype=jnp.float32) * s
    inp["bp2"] = jnp.zeros((d,), dtype=jnp.float32)
    return inp


def reference(x, edge_index, Wl1, bl1, Wr1, Wl2, bl2, Wr2, Wp1, bp1, Wp2, bp2):
    # GNNStack.forward with num_layers=2, dropout inactive (eval), emb=True
    N = x.shape[0]
    src = edge_index[0]
    dst = edge_index[1]
    h = _sage_conv(x, src, dst, Wl1, bl1, Wr1, N)
    h = jax.nn.relu(h)
    h = _sage_conv(h, src, dst, Wl2, bl2, Wr2, N)
    h = jax.nn.relu(h)
    # post_mp
    h = h @ Wp1.T + bp1
    h = h @ Wp2.T + bp2
    return h

if __name__ == "__main__":
    import jax
    _d = setup_inputs()
    print(jax.jit(kernel)(*tuple(_d.values())))

</pallas_src>

<mosaic_0001>
#map = affine_map<(d0, d1) -> (0, 0, 0)>
#map1 = affine_map<(d0, d1) -> (0, 0)>
module attributes {stable_mosaic.version = 14 : i64} {
  func.func @deg_kernel(%arg0: i32, %arg1: i32, %arg2: memref<32x125x80xi32, #tpu.memory_space<hbm>>, %arg3: memref<32x10000xf32, #tpu.memory_space<hbm>>, %arg4: memref<125x80xi32, #tpu.memory_space<vmem>>, %arg5: memref<10000xf32, #tpu.memory_space<vmem>>) attributes {dimension_semantics = [#tpu.dimension_semantics<core_parallel>, #tpu.dimension_semantics<subcore_parallel>], iteration_bounds = array<i64: 2, 16>, scalar_prefetch = 0 : i64, scratch_operands = 2 : i64, tpu.core_type = #tpu.core_type<sc_vector_subcore>, window_params = [{transform_indices = #map}, {transform_indices = #map1}]} {
    %mul3A = arith.constant 16 : i32
    %mul3A_0 = arith.muli %arg0, %mul3A : i32
    %add3A = arith.addi %mul3A_0, %arg1 : i32
    %scan3A = arith.constant 0 : i32
    %scan3A_1 = arith.constant 0 : i32
    %scan3A_2 = arith.constant 625 : i32
    %scan3A_3 = arith.addi %scan3A_1, %scan3A_2 : i32
    %scan3A_4 = arith.constant 1 : i32
    scf.for %scan3A_13 = %scan3A_1 to %scan3A_3 step %scan3A_4  : i32 {
      %broadcast_in_dim3A_14 = arith.constant 0.000000e+00 : f32
      %broadcast_in_dim3A_15 = vector.broadcast %broadcast_in_dim3A_14 : f32 to vector<16xf32>
      %mul3A_16 = arith.constant 16 : i32
      %mul3A_17 = arith.muli %scan3A_13, %mul3A_16 : i32
      %swap3A = arith.index_cast %mul3A_17 : i32 to index
      %swap3A_18 = tpu.vector_load %arg5[%swap3A] {strides = array<i32>} : memref<10000xf32, #tpu.memory_space<vmem>>, vector<16xf32>,
      tpu.vector_store %arg5[%swap3A], %broadcast_in_dim3A_15 {strides = array<i32>} : memref<10000xf32, #tpu.memory_space<vmem>>, vector<16xf32>,
    }
    %scan3A_5 = arith.constant 625 : i32
    "tpu.region"() ({
      %run_scoped3A = tpu.sem_alloc : memref<!tpu.dma_semaphore, #tpu.memory_space<semaphore_mem>>
      %dma_start3A = arith.constant 0 : i32
      %dma_start3A_13 = arith.constant 0 : i32
      %dma_start3A_14 = tpu.memref_slice %arg2[%add3A, %dma_start3A, %dma_start3A_13] : memref<32x125x80xi32, #tpu.memory_space<hbm>> -> memref<1x125x80xi32, #tpu.memory_space<hbm>>
      %dma_start3A_15 = tpu.memref_squeeze %dma_start3A_14 : memref<1x125x80xi32, #tpu.memory_space<hbm>> -> memref<125x80xi32, #tpu.memory_space<hbm>>
      %dma_start3A_16 = arith.constant 0 : i32
      %dma_start3A_17 = arith.constant 0 : i32
      %dma_start3A_18 = tpu.memref_slice %arg2[%add3A, %dma_start3A_16, %dma_start3A_17] : memref<32x125x80xi32, #tpu.memory_space<hbm>> -> memref<1x125x80xi32, #tpu.memory_space<hbm>>
      %dma_start3A_19 = tpu.memref_squeeze %dma_start3A_18 : memref<1x125x80xi32, #tpu.memory_space<hbm>> -> memref<125x80xi32, #tpu.memory_space<hbm>>
      tpu.enqueue_dma source(%dma_start3A_19 : memref<125x80xi32, #tpu.memory_space<hbm>>) target(%arg4 : memref<125x80xi32, #tpu.memory_space<vmem>>) target_semaphore(%run_scoped3A : memref<!tpu.dma_semaphore, #tpu.memory_space<semaphore_mem>>)
      %dma_wait3A = arith.constant 0 : i32
      %dma_wait3A_20 = arith.constant 0 : i32
      %dma_wait3A_21 = tpu.memref_slice %arg2[%add3A, %dma_wait3A, %dma_wait3A_20] : memref<32x125x80xi32, #tpu.memory_space<hbm>> -> memref<1x125x80xi32, #tpu.memory_space<hbm>>
      %dma_wait3A_22 = tpu.memref_squeeze %dma_wait3A_21 : memref<1x125x80xi32, #tpu.memory_space<hbm>> -> memref<125x80xi32, #tpu.memory_space<hbm>>
      %dma_wait3A_23 = arith.constant 0 : i32
      %dma_wait3A_24 = arith.constant 0 : i32
      %dma_wait3A_25 = tpu.memref_slice %arg2[%add3A, %dma_wait3A_23, %dma_wait3A_24] : memref<32x125x80xi32, #tpu.memory_space<hbm>> -> memref<1x125x80xi32, #tpu.memory_space<hbm>>
      %dma_wait3A_26 = tpu.memref_squeeze %dma_wait3A_25 : memref<1x125x80xi32, #tpu.memory_space<hbm>> -> memref<125x80xi32, #tpu.memory_space<hbm>>
      tpu.wait_dma2 semaphore(%run_scoped3A : memref<!tpu.dma_semaphore, #tpu.memory_space<semaphore_mem>>) src(%dma_wait3A_26 : memref<125x80xi32, #tpu.memory_space<hbm>>) dst(%arg4 : memref<125x80xi32, #tpu.memory_space<vmem>>)
      tpu.yield
    }) : () -> ()
    %broadcast_in_dim3A = arith.constant 1.000000e+00 : f32
    %broadcast_in_dim3A_6 = vector.broadcast %broadcast_in_dim3A : f32 to vector<16xf32>
    %scan3A_7 = arith.constant 0 : i32
    %scan3A_8 = arith.constant 0 : i32
    %scan3A_9 = arith.constant 125 : i32
    %scan3A_10 = arith.addi %scan3A_8, %scan3A_9 : i32
    %scan3A_11 = arith.constant 1 : i32
    scf.for %scan3A_13 = %scan3A_8 to %scan3A_10 step %scan3A_11  : i32 {
      %get3A = arith.index_cast %scan3A_13 : i32 to index
      %get3A_14 = arith.constant 0 : index
      %get3A_15 = tpu.vector_load %arg4[%get3A, %get3A_14] {strides = array<i32>} : memref<125x80xi32, #tpu.memory_space<vmem>>, vector<16xi32>,
      tpu.vector_store_idx %arg5[%get3A_15], %broadcast_in_dim3A_6 {add = true} : memref<10000xf32, #tpu.memory_space<vmem>>[vector<16xi32>], vector<16xf32>,
      %get3A_16 = arith.index_cast %scan3A_13 : i32 to index
      %get3A_17 = arith.constant 16 : index
      %get3A_18 = tpu.vector_load %arg4[%get3A_16, %get3A_17] {strides = array<i32>} : memref<125x80xi32, #tpu.memory_space<vmem>>, vector<16xi32>,
      tpu.vector_store_idx %arg5[%get3A_18], %broadcast_in_dim3A_6 {add = true} : memref<10000xf32, #tpu.memory_space<vmem>>[vector<16xi32>], vector<16xf32>,
      %get3A_19 = arith.index_cast %scan3A_13 : i32 to index
      %get3A_20 = arith.constant 32 : index
      %get3A_21 = tpu.vector_load %arg4[%get3A_19, %get3A_20] {strides = array<i32>} : memref<125x80xi32, #tpu.memory_space<vmem>>, vector<16xi32>,
      tpu.vector_store_idx %arg5[%get3A_21], %broadcast_in_dim3A_6 {add = true} : memref<10000xf32, #tpu.memory_space<vmem>>[vector<16xi32>], vector<16xf32>,
      %get3A_22 = arith.index_cast %scan3A_13 : i32 to index
      %get3A_23 = arith.constant 48 : index
      %get3A_24 = tpu.vector_load %arg4[%get3A_22, %get3A_23] {strides = array<i32>} : memref<125x80xi32, #tpu.memory_space<vmem>>, vector<16xi32>,
      tpu.vector_store_idx %arg5[%get3A_24], %broadcast_in_dim3A_6 {add = true} : memref<10000xf32, #tpu.memory_space<vmem>>[vector<16xi32>], vector<16xf32>,
      %get3A_25 = arith.index_cast %scan3A_13 : i32 to index
      %get3A_26 = arith.constant 64 : index
      %get3A_27 = tpu.vector_load %arg4[%get3A_25, %get3A_26] {strides = array<i32>} : memref<125x80xi32, #tpu.memory_space<vmem>>, vector<16xi32>,
      tpu.vector_store_idx %arg5[%get3A_27], %broadcast_in_dim3A_6 {add = true} : memref<10000xf32, #tpu.memory_space<vmem>>[vector<16xi32>], vector<16xf32>,
    }
    %scan3A_12 = arith.constant 125 : i32
    "tpu.region"() ({
      %run_scoped3A = tpu.sem_alloc : memref<!tpu.dma_semaphore, #tpu.memory_space<semaphore_mem>>
      %dma_start3A = arith.constant 0 : i32
      %dma_start3A_13 = tpu.memref_slice %arg3[%add3A, %dma_start3A] : memref<32x10000xf32, #tpu.memory_space<hbm>> -> memref<1x10000xf32, #tpu.memory_space<hbm>>
      %dma_start3A_14 = tpu.memref_squeeze %dma_start3A_13 : memref<1x10000xf32, #tpu.memory_space<hbm>> -> memref<10000xf32, #tpu.memory_space<hbm>>
      %dma_start3A_15 = arith.constant 0 : i32
      %dma_start3A_16 = tpu.memref_slice %arg3[%add3A, %dma_start3A_15] : memref<32x10000xf32, #tpu.memory_space<hbm>> -> memref<1x10000xf32, #tpu.memory_space<hbm>>
      %dma_start3A_17 = tpu.memref_squeeze %dma_start3A_16 : memref<1x10000xf32, #tpu.memory_space<hbm>> -> memref<10000xf32, #tpu.memory_space<hbm>>
      tpu.enqueue_dma source(%arg5 : memref<10000xf32, #tpu.memory_space<vmem>>) target(%dma_start3A_17 : memref<10000xf32, #tpu.memory_space<hbm>>) target_semaphore(%run_scoped3A : memref<!tpu.dma_semaphore, #tpu.memory_space<semaphore_mem>>)
      %dma_wait3A = arith.constant 0 : i32
      %dma_wait3A_18 = tpu.memref_slice %arg3[%add3A, %dma_wait3A] : memref<32x10000xf32, #tpu.memory_space<hbm>> -> memref<1x10000xf32, #tpu.memory_space<hbm>>
      %dma_wait3A_19 = tpu.memref_squeeze %dma_wait3A_18 : memref<1x10000xf32, #tpu.memory_space<hbm>> -> memref<10000xf32, #tpu.memory_space<hbm>>
      %dma_wait3A_20 = arith.constant 0 : i32
      %dma_wait3A_21 = tpu.memref_slice %arg3[%add3A, %dma_wait3A_20] : memref<32x10000xf32, #tpu.memory_space<hbm>> -> memref<1x10000xf32, #tpu.memory_space<hbm>>
      %dma_wait3A_22 = tpu.memref_squeeze %dma_wait3A_21 : memref<1x10000xf32, #tpu.memory_space<hbm>> -> memref<10000xf32, #tpu.memory_space<hbm>>
      tpu.wait_dma2 semaphore(%run_scoped3A : memref<!tpu.dma_semaphore, #tpu.memory_space<semaphore_mem>>) src(%arg5 : memref<10000xf32, #tpu.memory_space<vmem>>) dst(%dma_wait3A_22 : memref<10000xf32, #tpu.memory_space<hbm>>)
      tpu.yield
    }) : () -> ()
    return
  }
}

#map = affine_map<(d0, d1) -> (0, 0)>
#map1 = affine_map<(d0, d1) -> (0, 0, 0)>
#map2 = affine_map<(d0, d1) -> (0, 0, 0, 0)>
module attributes {stable_mosaic.version = 14 : i64} {
  func.func @agg_kernel(%arg0: i32, %arg1: i32, %arg2: memref<10000x128xf32, #tpu.memory_space<hbm>>, %arg3: memref<32x125x80xi32, #tpu.memory_space<hbm>>, %arg4: memref<32x125x1x80xi32, #tpu.memory_space<hbm>>, %arg5: memref<10000x128xf32, #tpu.memory_space<hbm>>, %arg6: memref<10000x128xf32, #tpu.memory_space<hbm>>, %arg7: memref<125x80xi32, #tpu.memory_space<vmem>>, %arg8: memref<80xi32, #tpu.memory_space<vmem>>, %arg9: memref<80xi32, #tpu.memory_space<vmem>>, %arg10: memref<80xi32, #tpu.memory_space<vmem>>, %arg11: memref<1x80xi32, #tpu.memory_space<vmem>>, %arg12: memref<1x80xi32, #tpu.memory_space<vmem>>, %arg13: memref<1x80xi32, #tpu.memory_space<vmem>>, %arg14: memref<80x128xf32, #tpu.memory_space<vmem>>, %arg15: memref<80x128xf32, #tpu.memory_space<vmem>>, %arg16: memref<80x128xf32, #tpu.memory_space<vmem>>, %arg17: memref<10000x128xf32, #tpu.memory_space<vmem_shared>>, %arg18: memref<!tpu.dma_semaphore, #tpu.memory_space<semaphore_mem>>, %arg19: memref<!tpu.dma_semaphore, #tpu.memory_space<semaphore_mem>>, %arg20: memref<!tpu.dma_semaphore, #tpu.memory_space<semaphore_mem>>, %arg21: memref<!tpu.dma_semaphore, #tpu.memory_space<semaphore_mem>>, %arg22: memref<!tpu.dma_semaphore, #tpu.memory_space<semaphore_mem>>, %arg23: memref<!tpu.dma_semaphore, #tpu.memory_space<semaphore_mem>>, %arg24: memref<!tpu.dma_semaphore, #tpu.memory_space<semaphore_mem>>, %arg25: memref<!tpu.dma_semaphore, #tpu.memory_space<semaphore_mem>>, %arg26: memref<!tpu.dma_semaphore, #tpu.memory_space<semaphore_mem>>) attributes {dimension_semantics = [#tpu.dimension_semantics<core_parallel>, #tpu.dimension_semantics<subcore_parallel>], iteration_bounds = array<i64: 2, 16>, scalar_prefetch = 0 : i64, scratch_operands = 20 : i64, tpu.core_type = #tpu.core_type<sc_vector_subcore>, window_params = [{transform_indices = #map}, {transform_indices = #map1}, {transform_indices = #map2}, {transform_indices = #map}, {transform_indices = #map}]} {
    %mul3A = arith.constant 16 : i32
    %mul3A_0 = arith.muli %arg0, %mul3A : i32
    %add3A = arith.addi %mul3A_0, %arg1 : i32
    %scan3A = arith.constant 0 : i32
    %scan3A_1 = arith.constant 0 : i32
    %scan3A_2 = arith.constant 40 : i32
    %scan3A_3 = arith.addi %scan3A_1, %scan3A_2 : i32
    %scan3A_4 = arith.constant 1 : i32
    scf.for %scan3A_170 = %scan3A_1 to %scan3A_3 step %scan3A_4  : i32 {
      %broadcast_in_dim3A = arith.constant 0.000000e+00 : f32
      %broadcast_in_dim3A_171 = vector.broadcast %broadcast_in_dim3A : f32 to vector<16xf32>
      %swap3A_172 = arith.index_cast %scan3A_170 : i32 to index
      %swap3A_173 = arith.constant 0 : index
      %swap3A_174 = tpu.vector_load %arg14[%swap3A_172, %swap3A_173] {strides = array<i32>} : memref<80x128xf32, #tpu.memory_space<vmem>>, vector<16xf32>,
      tpu.vector_store %arg14[%swap3A_172, %swap3A_173], %broadcast_in_dim3A_171 {strides = array<i32>} : memref<80x128xf32, #tpu.memory_space<vmem>>, vector<16xf32>,
      %broadcast_in_dim3A_175 = arith.constant 0.000000e+00 : f32
      %broadcast_in_dim3A_176 = vector.broadcast %broadcast_in_dim3A_175 : f32 to vector<16xf32>
      %swap3A_177 = arith.index_cast %scan3A_170 : i32 to index
      %swap3A_178 = arith.constant 16 : index
      %swap3A_179 = tpu.vector_load %arg14[%swap3A_177, %swap3A_178] {strides = array<i32>} : memref<80x128xf32, #tpu.memory_space<vmem>>, vector<16xf32>,
      tpu.vector_store %arg14[%swap3A_177, %swap3A_178], %broadcast_in_dim3A_176 {strides = array<i32>} : memref<80x128xf32, #tpu.memory_space<vmem>>, vector<16xf32>,
      %broadcast_in_dim3A_180 = arith.constant 0.000000e+00 : f32
      %broadcast_in_dim3A_181 = vector.broadcast %broadcast_in_dim3A_180 : f32 to vector<16xf32>
      %swap3A_182 = arith.index_cast %scan3A_170 : i32 to index
      %swap3A_183 = arith.constant 32 : index
      %swap3A_184 = tpu.vector_load %arg14[%swap3A_182, %swap3A_183] {strides = array<i32>} : memref<80x128xf32, #tpu.memory_space<vmem>>, vector<16xf32>,
      tpu.vector_store %arg14[%swap3A_182, %swap3A_183], %broadcast_in_dim3A_181 {strides = array<i32>} : memref<80x128xf32, #tpu.memory_space<vmem>>, vector<16xf32>,
      %broadcast_in_dim3A_185 = arith.constant 0.000000e+00 : f32
      %broadcast_in_dim3A_186 = vector.broadcast %broadcast_in_dim3A_185 : f32 to vector<16xf32>
      %swap3A_187 = arith.index_cast %scan3A_170 : i32 to index
      %swap3A_188 = arith.constant 48 : index
      %swap3A_189 = tpu.vector_load %arg14[%swap3A_187, %swap3A_188] {strides = array<i32>} : memref<80x128xf32, #tpu.memory_space<vmem>>, vector<16xf32>,
      tpu.vector_store %arg14[%swap3A_187, %swap3A_188], %broadcast_in_dim3A_186 {strides = array<i32>} : memref<80x128xf32, #tpu.memory_space<vmem>>, vector<16xf32>,
      %broadcast_in_dim3A_190 = arith.constant 0.000000e+00 : f32
      %broadcast_in_dim3A_191 = vector.broadcast %broadcast_in_dim3A_190 : f32 to vector<16xf32>
      %swap3A_192 = arith.index_cast %scan3A_170 : i32 to index
      %swap3A_193 = arith.constant 64 : index
      %swap3A_194 = tpu.vector_load %arg14[%swap3A_192, %swap3A_193] {strides = array<i32>} : memref<80x128xf32, #tpu.memory_space<vmem>>, vector<16xf32>,
      tpu.vector_store %arg14[%swap3A_192, %swap3A_193], %broadcast_in_dim3A_191 {strides = array<i32>} : memref<80x128xf32, #tpu.memory_space<vmem>>, vector<16xf32>,
      %broadcast_in_dim3A_195 = arith.constant 0.000000e+00 : f32
      %broadcast_in_dim3A_196 = vector.broadcast %broadcast_in_dim3A_195 : f32 to vector<16xf32>
      %swap3A_197 = arith.index_cast %scan3A_170 : i32 to index
      %swap3A_198 = arith.constant 80 : index
      %swap3A_199 = tpu.vector_load %arg14[%swap3A_197, %swap3A_198] {strides = array<i32>} : memref<80x128xf32, #tpu.memory_space<vmem>>, vector<16xf32>,
      tpu.vector_store %arg14[%swap3A_197, %swap3A_198], %broadcast_in_dim3A_196 {strides = array<i32>} : memref<80x128xf32, #tpu.memory_space<vmem>>, vector<16xf32>,
      %broadcast_in_dim3A_200 = arith.constant 0.000000e+00 : f32
      %broadcast_in_dim3A_201 = vector.broadcast %broadcast_in_dim3A_200 : f32 to vector<16xf32>
      %swap3A_202 = arith.index_cast %scan3A_170 : i32 to index
      %swap3A_203 = arith.constant 96 : index
      %swap3A_204 = tpu.vector_load %arg14[%swap3A_202, %swap3A_203] {strides = array<i32>} : memref<80x128xf32, #tpu.memory_space<vmem>>, vector<16xf32>,
      tpu.vector_store %arg14[%swap3A_202, %swap3A_203], %broadcast_in_dim3A_201 {strides = array<i32>} : memref<80x128xf32, #tpu.memory_space<vmem>>, vector<16xf32>,
      %broadcast_in_dim3A_205 = arith.constant 0.000000e+00 : f32
      %broadcast_in_dim3A_206 = vector.broadcast %broadcast_in_dim3A_205 : f32 to vector<16xf32>
      %swap3A_207 = arith.index_cast %scan3A_170 : i32 to index
      %swap3A_208 = arith.constant 112 : index
      %swap3A_209 = tpu.vector_load %arg14[%swap3A_207, %swap3A_208] {strides = array<i32>} : memref<80x128xf32, #tpu.memory_space<vmem>>, vector<16xf32>,
      tpu.vector_store %arg14[%swap3A_207, %swap3A_208], %broadcast_in_dim3A_206 {strides = array<i32>} : memref<80x128xf32, #tpu.memory_space<vmem>>, vector<16xf32>,
    }
    %scan3A_5 = arith.constant 40 : i32
    %lt3A = arith.constant 10 : i32
    %lt3A_6 = arith.cmpi slt, %arg1, %lt3A : i32
    %convert_element_type3A = arith.extui %lt3A_6 : i1 to i32
    %cond3A = arith.constant 0 : i32
    %cond3A_7 = arith.cmpi ne, %convert_element_type3A, %cond3A : i32
    scf.if %cond3A_7 {
      %mul3A_170 = arith.constant 1000 : i32
      %mul3A_171 = arith.muli %arg1, %mul3A_170 : i32
      %add3A_172 = arith.constant 0 : i32
      %add3A_173 = arith.addi %mul3A_171, %add3A_172 : i32
      "tpu.region"() ({
        %run_scoped3A = tpu.sem_alloc : memref<!tpu.dma_semaphore, #tpu.memory_space<semaphore_mem>>
        %dma_start3A_270 = arith.constant 0 : i32
        %dma_start3A_271 = arith.constant 0 : i32
        %dma_start3A_272 = tpu.memref_slice %arg14[%dma_start3A_270, %dma_start3A_271] : memref<80x128xf32, #tpu.memory_space<vmem>> -> memref<40x128xf32, #tpu.memory_space<vmem>>
        %dma_start3A_273 = arith.constant 0 : i32
        %dma_start3A_274 = tpu.memref_slice %arg17[%add3A_173, %dma_start3A_273] : memref<10000x128xf32, #tpu.memory_space<vmem_shared>> -> memref<40x128xf32, #tpu.memory_space<vmem_shared>>
        %dma_start3A_275 = arith.constant 0 : i32
        %dma_start3A_276 = tpu.memref_slice %arg17[%add3A_173, %dma_start3A_275] : memref<10000x128xf32, #tpu.memory_space<vmem_shared>> -> memref<40x128xf32, #tpu.memory_space<vmem_shared>>
        %dma_start3A_277 = arith.constant 0 : i32
        %dma_start3A_278 = arith.constant 0 : i32
        %dma_start3A_279 = tpu.memref_slice %arg14[%dma_start3A_277, %dma_start3A_278] : memref<80x128xf32, #tpu.memory_space<vmem>> -> memref<40x128xf32, #tpu.memory_space<vmem>>
        tpu.enqueue_dma source(%dma_start3A_279 : memref<40x128xf32, #tpu.memory_space<vmem>>) target(%dma_start3A_276 : memref<40x128xf32, #tpu.memory_space<vmem_shared>>) target_semaphore(%run_scoped3A : memref<!tpu.dma_semaphore, #tpu.memory_space<semaphore_mem>>)
        %dma_wait3A_280 = arith.constant 0 : i32
        %dma_wait3A_281 = arith.constant 0 : i32
        %dma_wait3A_282 = tpu.memref_slice %arg14[%dma_wait3A_280, %dma_wait3A_281] : memref<80x128xf32, #tpu.memory_space<vmem>> -> memref<40x128xf32, #tpu.memory_space<vmem>>
        %dma_wait3A_283 = arith.constant 0 : i32
        %dma_wait3A_284 = tpu.memref_slice %arg17[%add3A_173, %dma_wait3A_283] : memref<10000x128xf32, #tpu.memory_space<vmem_shared>> -> memref<40x128xf32, #tpu.memory_space<vmem_shared>>
        %dma_wait3A_285 = arith.constant 0 : i32
        %dma_wait3A_286 = tpu.memref_slice %arg17[%add3A_173, %dma_wait3A_285] : memref<10000x128xf32, #tpu.memory_space<vmem_shared>> -> memref<40x128xf32, #tpu.memory_space<vmem_shared>>
        %dma_wait3A_287 = arith.constant 0 : i32
        %dma_wait3A_288 = arith.constant 0 : i32
        %dma_wait3A_289 = tpu.memref_slice %arg14[%dma_wait3A_287, %dma_wait3A_288] : memref<80x128xf32, #tpu.memory_space<vmem>> -> memref<40x128xf32, #tpu.memory_space<vmem>>
        tpu.wait_dma2 semaphore(%run_scoped3A : memref<!tpu.dma_semaphore, #tpu.memory_space<semaphore_mem>>) src(%dma_wait3A_289 : memref<40x128xf32, #tpu.memory_space<vmem>>) dst(%dma_wait3A_286 : memref<40x128xf32, #tpu.memory_space<vmem_shared>>)
        tpu.yield
      }) : () -> ()
      %mul3A_174 = arith.constant 1000 : i32
      %mul3A_175 = arith.muli %arg1, %mul3A_174 : i32
      %add3A_176 = arith.constant 40 : i32
      %add3A_177 = arith.addi %mul3A_175, %add3A_176 : i32
      "tpu.region"() ({
        %run_scoped3A = tpu.sem_alloc : memref<!tpu.dma_semaphore, #tpu.memory_space<semaphore_mem>>
        %dma_start3A_270 = arith.constant 0 : i32
        %dma_start3A_271 = arith.constant 0 : i32
        %dma_start3A_272 = tpu.memref_slice %arg14[%dma_start3A_270, %dma_start3A_271] : memref<80x128xf32, #tpu.memory_space<vmem>> -> memref<40x128xf32, #tpu.memory_space<vmem>>
        %dma_start3A_273 = arith.constant 0 : i32
        %dma_start3A_274 = tpu.memref_slice %arg17[%add3A_177, %dma_start3A_273] : memref<10000x128xf32, #tpu.memory_space<vmem_shared>> -> memref<40x128xf32, #tpu.memory_space<vmem_shared>>
        %dma_start3A_275 = arith.constant 0 : i32
        %dma_start3A_276 = tpu.memref_slice %arg17[%add3A_177, %dma_start3A_275] : memref<10000x128xf32, #tpu.memory_space<vmem_shared>> -> memref<40x128xf32, #tpu.memory_space<vmem_shared>>
        %dma_start3A_277 = arith.constant 0 : i32
        %dma_start3A_278 = arith.constant 0 : i32
        %dma_start3A_279 = tpu.memref_slice %arg14[%dma_start3A_277, %dma_start3A_278] : memref<80x128xf32, #tpu.memory_space<vmem>> -> memref<40x128xf32, #tpu.memory_space<vmem>>
        tpu.enqueue_dma source(%dma_start3A_279 : memref<40x128xf32, #tpu.memory_space<vmem>>) target(%dma_start3A_276 : memref<40x128xf32, #tpu.memory_space<vmem_shared>>) target_semaphore(%run_scoped3A : memref<!tpu.dma_semaphore, #tpu.memory_space<semaphore_mem>>)
        %dma_wait3A_280 = arith.constant 0 : i32
        %dma_wait3A_281 = arith.constant 0 : i32
        %dma_wait3A_282 = tpu.memref_slice %arg14[%dma_wait3A_280, %dma_wait3A_281] : memref<80x128xf32, #tpu.memory_space<vmem>> -> memref<40x128xf32, #tpu.memory_space<vmem>>
        %dma_wait3A_283 = arith.constant 0 : i32
        %dma_wait3A_284 = tpu.memref_slice %arg17[%add3A_177, %dma_wait3A_283] : memref<10000x128xf32, #tpu.memory_space<vmem_shared>> -> memref<40x128xf32, #tpu.memory_space<vmem_shared>>
        %dma_wait3A_285 = arith.constant 0 : i32
        %dma_wait3A_286 = tpu.memref_slice %arg17[%add3A_177, %dma_wait3A_285] : memref<10000x128xf32, #tpu.memory_space<vmem_shared>> -> memref<40x128xf32, #tpu.memory_space<vmem_shared>>
        %dma_wait3A_287 = arith.constant 0 : i32
        %dma_wait3A_288 = arith.constant 0 : i32
        %dma_wait3A_289 = tpu.memref_slice %arg14[%dma_wait3A_287, %dma_wait3A_288] : memref<80x128xf32, #tpu.memory_space<vmem>> -> memref<40x128xf32, #tpu.memory_space<vmem>>
        tpu.wait_dma2 semaphore(%run_scoped3A : memref<!tpu.dma_semaphore, #tpu.memory_space<semaphore_mem>>) src(%dma_wait3A_289 : memref<40x128xf32, #tpu.memory_space<vmem>>) dst(%dma_wait3A_286 : memref<40x128xf32, #tpu.memory_space<vmem_shared>>)
        tpu.yield
      }) : () -> ()
      %mul3A_178 = arith.constant 1000 : i32
      %mul3A_179 = arith.muli %arg1, %mul3A_178 : i32
      %add3A_180 = arith.constant 80 : i32
      %add3A_181 = arith.addi %mul3A_179, %add3A_180 : i32
      "tpu.region"() ({
        %run_scoped3A = tpu.sem_alloc : memref<!tpu.dma_semaphore, #tpu.memory_space<semaphore_mem>>
        %dma_start3A_270 = arith.constant 0 : i32
        %dma_start3A_271 = arith.constant 0 : i32
        %dma_start3A_272 = tpu.memref_slice %arg14[%dma_start3A_270, %dma_start3A_271] : memref<80x128xf32, #tpu.memory_space<vmem>> -> memref<40x128xf32, #tpu.memory_space<vmem>>
        %dma_start3A_273 = arith.constant 0 : i32
        %dma_start3A_274 = tpu.memref_slice %arg17[%add3A_181, %dma_start3A_273] : memref<10000x128xf32, #tpu.memory_space<vmem_shared>> -> memref<40x128xf32, #tpu.memory_space<vmem_shared>>
        %dma_start3A_275 = arith.constant 0 : i32
        %dma_start3A_276 = tpu.memref_slice %arg17[%add3A_181, %dma_start3A_275] : memref<10000x128xf32, #tpu.memory_space<vmem_shared>> -> memref<40x128xf32, #tpu.memory_space<vmem_shared>>
        %dma_start3A_277 = arith.constant 0 : i32
        %dma_start3A_278 = arith.constant 0 : i32
        %dma_start3A_279 = tpu.memref_slice %arg14[%dma_start3A_277, %dma_start3A_278] : memref<80x128xf32, #tpu.memory_space<vmem>> -> memref<40x128xf32, #tpu.memory_space<vmem>>
        tpu.enqueue_dma source(%dma_start3A_279 : memref<40x128xf32, #tpu.memory_space<vmem>>) target(%dma_start3A_276 : memref<40x128xf32, #tpu.memory_space<vmem_shared>>) target_semaphore(%run_scoped3A : memref<!tpu.dma_semaphore, #tpu.memory_space<semaphore_mem>>)
        %dma_wait3A_280 = arith.constant 0 : i32
        %dma_wait3A_281 = arith.constant 0 : i32
        %dma_wait3A_282 = tpu.memref_slice %arg14[%dma_wait3A_280, %dma_wait3A_281] : memref<80x128xf32, #tpu.memory_space<vmem>> -> memref<40x128xf32, #tpu.memory_space<vmem>>
        %dma_wait3A_283 = arith.constant 0 : i32
        %dma_wait3A_284 = tpu.memref_slice %arg17[%add3A_181, %dma_wait3A_283] : memref<10000x128xf32, #tpu.memory_space<vmem_shared>> -> memref<40x128xf32, #tpu.memory_space<vmem_shared>>
        %dma_wait3A_285 = arith.constant 0 : i32
        %dma_wait3A_286 = tpu.memref_slice %arg17[%add3A_181, %dma_wait3A_285] : memref<10000x128xf32, #tpu.memory_space<vmem_shared>> -> memref<40x128xf32, #tpu.memory_space<vmem_shared>>
        %dma_wait3A_287 = arith.constant 0 : i32
        %dma_wait3A_288 = arith.constant 0 : i32
        %dma_wait3A_289 = tpu.memref_slice %arg14[%dma_wait3A_287, %dma_wait3A_288] : memref<80x128xf32, #tpu.memory_space<vmem>> -> memref<40x128xf32, #tpu.memory_space<vmem>>
        tpu.wait_dma2 semaphore(%run_scoped3A : memref<!tpu.dma_semaphore, #tpu.memory_space<semaphore_mem>>) src(%dma_wait3A_289 : memref<40x128xf32, #tpu.memory_space<vmem>>) dst(%dma_wait3A_286 : memref<40x128xf32, #tpu.memory_space<vmem_shared>>)
        tpu.yield
      }) : () -> ()
      %mul3A_182 = arith.constant 1000 : i32
      %mul3A_183 = arith.muli %arg1, %mul3A_182 : i32
      %add3A_184 = arith.constant 120 : i32
      %add3A_185 = arith.addi %mul3A_183, %add3A_184 : i32
      "tpu.region"() ({
        %run_scoped3A = tpu.sem_alloc : memref<!tpu.dma_semaphore, #tpu.memory_space<semaphore_mem>>
        %dma_start3A_270 = arith.constant 0 : i32
        %dma_start3A_271 = arith.constant 0 : i32
        %dma_start3A_272 = tpu.memref_slice %arg14[%dma_start3A_270, %dma_start3A_271] : memref<80x128xf32, #tpu.memory_space<vmem>> -> memref<40x128xf32, #tpu.memory_space<vmem>>
        %dma_start3A_273 = arith.constant 0 : i32
        %dma_start3A_274 = tpu.memref_slice %arg17[%add3A_185, %dma_start3A_273] : memref<10000x128xf32, #tpu.memory_space<vmem_shared>> -> memref<40x128xf32, #tpu.memory_space<vmem_shared>>
        %dma_start3A_275 = arith.constant 0 : i32
        %dma_start3A_276 = tpu.memref_slice %arg17[%add3A_185, %dma_start3A_275] : memref<10000x128xf32, #tpu.memory_space<vmem_shared>> -> memref<40x128xf32, #tpu.memory_space<vmem_shared>>
        %dma_start3A_277 = arith.constant 0 : i32
        %dma_start3A_278 = arith.constant 0 : i32
        %dma_start3A_279 = tpu.memref_slice %arg14[%dma_start3A_277, %dma_start3A_278] : memref<80x128xf32, #tpu.memory_space<vmem>> -> memref<40x128xf32, #tpu.memory_space<vmem>>
        tpu.enqueue_dma source(%dma_start3A_279 : memref<40x128xf32, #tpu.memory_space<vmem>>) target(%dma_start3A_276 : memref<40x128xf32, #tpu.memory_space<vmem_shared>>) target_semaphore(%run_scoped3A : memref<!tpu.dma_semaphore, #tpu.memory_space<semaphore_mem>>)
        %dma_wait3A_280 = arith.constant 0 : i32
        %dma_wait3A_281 = arith.constant 0 : i32
        %dma_wait3A_282 = tpu.memref_slice %arg14[%dma_wait3A_280, %dma_wait3A_281] : memref<80x128xf32, #tpu.memory_space<vmem>> -> memref<40x128xf32, #tpu.memory_space<vmem>>
        %dma_wait3A_283 = arith.constant 0 : i32
        %dma_wait3A_284 = tpu.memref_slice %arg17[%add3A_185, %dma_wait3A_283] : memref<10000x128xf32, #tpu.memory_space<vmem_shared>> -> memref<40x128xf32, #tpu.memory_space<vmem_shared>>
        %dma_wait3A_285 = arith.constant 0 : i32
        %dma_wait3A_286 = tpu.memref_slice %arg17[%add3A_185, %dma_wait3A_285] : memref<10000x128xf32, #tpu.memory_space<vmem_shared>> -> memref<40x128xf32, #tpu.memory_space<vmem_shared>>
        %dma_wait3A_287 = arith.constant 0 : i32
        %dma_wait3A_288 = arith.constant 0 : i32
        %dma_wait3A_289 = tpu.memref_slice %arg14[%dma_wait3A_287, %dma_wait3A_288] : memref<80x128xf32, #tpu.memory_space<vmem>> -> memref<40x128xf32, #tpu.memory_space<vmem>>
        tpu.wait_dma2 semaphore(%run_scoped3A : memref<!tpu.dma_semaphore, #tpu.memory_space<semaphore_mem>>) src(%dma_wait3A_289 : memref<40x128xf32, #tpu.memory_space<vmem>>) dst(%dma_wait3A_286 : memref<40x128xf32, #tpu.memory_space<vmem_shared>>)
        tpu.yield
      }) : () -> ()
      %mul3A_186 = arith.constant 1000 : i32
      %mul3A_187 = arith.muli %arg1, %mul3A_186 : i32
      %add3A_188 = arith.constant 160 : i32
      %add3A_189 = arith.addi %mul3A_187, %add3A_188 : i32
      "tpu.region"() ({
        %run_scoped3A = tpu.sem_alloc : memref<!tpu.dma_semaphore, #tpu.memory_space<semaphore_mem>>
        %dma_start3A_270 = arith.constant 0 : i32
        %dma_start3A_271 = arith.constant 0 : i32
        %dma_start3A_272 = tpu.memref_slice %arg14[%dma_start3A_270, %dma_start3A_271] : memref<80x128xf32, #tpu.memory_space<vmem>> -> memref<40x128xf32, #tpu.memory_space<vmem>>
        %dma_start3A_273 = arith.constant 0 : i32
        %dma_start3A_274 = tpu.memref_slice %arg17[%add3A_189, %dma_start3A_273] : memref<10000x128xf32, #tpu.memory_space<vmem_shared>> -> memref<40x128xf32, #tpu.memory_space<vmem_shared>>
        %dma_start3A_275 = arith.constant 0 : i32
        %dma_start3A_276 = tpu.memref_slice %arg17[%add3A_189, %dma_start3A_275] : memref<10000x128xf32, #tpu.memory_space<vmem_shared>> -> memref<40x128xf32, #tpu.memory_space<vmem_shared>>
        %dma_start3A_277 = arith.constant 0 : i32
        %dma_start3A_278 = arith.constant 0 : i32
        %dma_start3A_279 = tpu.memref_slice %arg14[%dma_start3A_277, %dma_start3A_278] : memref<80x128xf32, #tpu.memory_space<vmem>> -> memref<40x128xf32, #tpu.memory_space<vmem>>
        tpu.enqueue_dma source(%dma_start3A_279 : memref<40x128xf32, #tpu.memory_space<vmem>>) target(%dma_start3A_276 : memref<40x128xf32, #tpu.memory_space<vmem_shared>>) target_semaphore(%run_scoped3A : memref<!tpu.dma_semaphore, #tpu.memory_space<semaphore_mem>>)
        %dma_wait3A_280 = arith.constant 0 : i32
        %dma_wait3A_281 = arith.constant 0 : i32
        %dma_wait3A_282 = tpu.memref_slice %arg14[%dma_wait3A_280, %dma_wait3A_281] : memref<80x128xf32, #tpu.memory_space<vmem>> -> memref<40x128xf32, #tpu.memory_space<vmem>>
        %dma_wait3A_283 = arith.constant 0 : i32
        %dma_wait3A_284 = tpu.memref_slice %arg17[%add3A_189, %dma_wait3A_283] : memref<10000x128xf32, #tpu.memory_space<vmem_shared>> -> memref<40x128xf32, #tpu.memory_space<vmem_shared>>
        %dma_wait3A_285 = arith.constant 0 : i32
        %dma_wait3A_286 = tpu.memref_slice %arg17[%add3A_189, %dma_wait3A_285] : memref<10000x128xf32, #tpu.memory_space<vmem_shared>> -> memref<40x128xf32, #tpu.memory_space<vmem_shared>>
        %dma_wait3A_287 = arith.constant 0 : i32
        %dma_wait3A_288 = arith.constant 0 : i32
        %dma_wait3A_289 = tpu.memref_slice %arg14[%dma_wait3A_287, %dma_wait3A_288] : memref<80x128xf32, #tpu.memory_space<vmem>> -> memref<40x128xf32, #tpu.memory_space<vmem>>
        tpu.wait_dma2 semaphore(%run_scoped3A : memref<!tpu.dma_semaphore, #tpu.memory_space<semaphore_mem>>) src(%dma_wait3A_289 : memref<40x128xf32, #tpu.memory_space<vmem>>) dst(%dma_wait3A_286 : memref<40x128xf32, #tpu.memory_space<vmem_shared>>)
        tpu.yield
      }) : () -> ()
      %mul3A_190 = arith.constant 1000 : i32
      %mul3A_191 = arith.muli %arg1, %mul3A_190 : i32
      %add3A_192 = arith.constant 200 : i32
      %add3A_193 = arith.addi %mul3A_191, %add3A_192 : i32
      "tpu.region"() ({
        %run_scoped3A = tpu.sem_alloc : memref<!tpu.dma_semaphore, #tpu.memory_space<semaphore_mem>>
        %dma_start3A_270 = arith.constant 0 : i32
        %dma_start3A_271 = arith.constant 0 : i32
        %dma_start3A_272 = tpu.memref_slice %arg14[%dma_start3A_270, %dma_start3A_271] : memref<80x128xf32, #tpu.memory_space<vmem>> -> memref<40x128xf32, #tpu.memory_space<vmem>>
        %dma_start3A_273 = arith.constant 0 : i32
        %dma_start3A_274 = tpu.memref_slice %arg17[%add3A_193, %dma_start3A_273] : memref<10000x128xf32, #tpu.memory_space<vmem_shared>> -> memref<40x128xf32, #tpu.memory_space<vmem_shared>>
        %dma_start3A_275 = arith.constant 0 : i32
        %dma_start3A_276 = tpu.memref_slice %arg17[%add3A_193, %dma_start3A_275] : memref<10000x128xf32, #tpu.memory_space<vmem_shared>> -> memref<40x128xf32, #tpu.memory_space<vmem_shared>>
        %dma_start3A_277 = arith.constant 0 : i32
        %dma_start3A_278 = arith.constant 0 : i32
        %dma_start3A_279 = tpu.memref_slice %arg14[%dma_start3A_277, %dma_start3A_278] : memref<80x128xf32, #tpu.memory_space<vmem>> -> memref<40x128xf32, #tpu.memory_space<vmem>>
        tpu.enqueue_dma source(%dma_start3A_279 : memref<40x128xf32, #tpu.memory_space<vmem>>) target(%dma_start3A_276 : memref<40x128xf32, #tpu.memory_space<vmem_shared>>) target_semaphore(%run_scoped3A : memref<!tpu.dma_semaphore, #tpu.memory_space<semaphore_mem>>)
        %dma_wait3A_280 = arith.constant 0 : i32
        %dma_wait3A_281 = arith.constant 0 : i32
        %dma_wait3A_282 = tpu.memref_slice %arg14[%dma_wait3A_280, %dma_wait3A_281] : memref<80x128xf32, #tpu.memory_space<vmem>> -> memref<40x128xf32, #tpu.memory_space<vmem>>
        %dma_wait3A_283 = arith.constant 0 : i32
        %dma_wait3A_284 = tpu.memref_slice %arg17[%add3A_193, %dma_wait3A_283] : memref<10000x128xf32, #tpu.memory_space<vmem_shared>> -> memref<40x128xf32, #tpu.memory_space<vmem_shared>>
        %dma_wait3A_285 = arith.constant 0 : i32
        %dma_wait3A_286 = tpu.memref_slice %arg17[%add3A_193, %dma_wait3A_285] : memref<10000x128xf32, #tpu.memory_space<vmem_shared>> -> memref<40x128xf32, #tpu.memory_space<vmem_shared>>
        %dma_wait3A_287 = arith.constant 0 : i32
        %dma_wait3A_288 = arith.constant 0 : i32
        %dma_wait3A_289 = tpu.memref_slice %arg14[%dma_wait3A_287, %dma_wait3A_288] : memref<80x128xf32, #tpu.memory_space<vmem>> -> memref<40x128xf32, #tpu.memory_space<vmem>>
        tpu.wait_dma2 semaphore(%run_scoped3A : memref<!tpu.dma_semaphore, #tpu.memory_space<semaphore_mem>>) src(%dma_wait3A_289 : memref<40x128xf32, #tpu.memory_space<vmem>>) dst(%dma_wait3A_286 : memref<40x128xf32, #tpu.memory_space<vmem_shared>>)
        tpu.yield
      }) : () -> ()
      %mul3A_194 = arith.constant 1000 : i32
      %mul3A_195 = arith.muli %arg1, %mul3A_194 : i32
      %add3A_196 = arith.constant 240 : i32
      %add3A_197 = arith.addi %mul3A_195, %add3A_196 : i32
      "tpu.region"() ({
        %run_scoped3A = tpu.sem_alloc : memref<!tpu.dma_semaphore, #tpu.memory_space<semaphore_mem>>
        %dma_start3A_270 = arith.constant 0 : i32
        %dma_start3A_271 = arith.constant 0 : i32
        %dma_start3A_272 = tpu.memref_slice %arg14[%dma_start3A_270, %dma_start3A_271] : memref<80x128xf32, #tpu.memory_space<vmem>> -> memref<40x128xf32, #tpu.memory_space<vmem>>
        %dma_start3A_273 = arith.constant 0 : i32
        %dma_start3A_274 = tpu.memref_slice %arg17[%add3A_197, %dma_start3A_273] : memref<10000x128xf32, #tpu.memory_space<vmem_shared>> -> memref<40x128xf32, #tpu.memory_space<vmem_shared>>
        %dma_start3A_275 = arith.constant 0 : i32
        %dma_start3A_276 = tpu.memref_slice %arg17[%add3A_197, %dma_start3A_275] : memref<10000x128xf32, #tpu.memory_space<vmem_shared>> -> memref<40x128xf32, #tpu.memory_space<vmem_shared>>
        %dma_start3A_277 = arith.constant 0 : i32
        %dma_start3A_278 = arith.constant 0 : i32
        %dma_start3A_279 = tpu.memref_slice %arg14[%dma_start3A_277, %dma_start3A_278] : memref<80x128xf32, #tpu.memory_space<vmem>> -> memref<40x128xf32, #tpu.memory_space<vmem>>
        tpu.enqueue_dma source(%dma_start3A_279 : memref<40x128xf32, #tpu.memory_space<vmem>>) target(%dma_start3A_276 : memref<40x128xf32, #tpu.memory_space<vmem_shared>>) target_semaphore(%run_scoped3A : memref<!tpu.dma_semaphore, #tpu.memory_space<semaphore_mem>>)
        %dma_wait3A_280 = arith.constant 0 : i32
        %dma_wait3A_281 = arith.constant 0 : i32
        %dma_wait3A_282 = tpu.memref_slice %arg14[%dma_wait3A_280, %dma_wait3A_281] : memref<80x128xf32, #tpu.memory_space<vmem>> -> memref<40x128xf32, #tpu.memory_space<vmem>>
        %dma_wait3A_283 = arith.constant 0 : i32
        %dma_wait3A_284 = tpu.memref_slice %arg17[%add3A_197, %dma_wait3A_283] : memref<10000x128xf32, #tpu.memory_space<vmem_shared>> -> memref<40x128xf32, #tpu.memory_space<vmem_shared>>
        %dma_wait3A_285 = arith.constant 0 : i32
        %dma_wait3A_286 = tpu.memref_slice %arg17[%add3A_197, %dma_wait3A_285] : memref<10000x128xf32, #tpu.memory_space<vmem_shared>> -> memref<40x128xf32, #tpu.memory_space<vmem_shared>>
        %dma_wait3A_287 = arith.constant 0 : i32
        %dma_wait3A_288 = arith.constant 0 : i32
        %dma_wait3A_289 = tpu.memref_slice %arg14[%dma_wait3A_287, %dma_wait3A_288] : memref<80x128xf32, #tpu.memory_space<vmem>> -> memref<40x128xf32, #tpu.memory_space<vmem>>
        tpu.wait_dma2 semaphore(%run_scoped3A : memref<!tpu.dma_semaphore, #tpu.memory_space<semaphore_mem>>) src(%dma_wait3A_289 : memref<40x128xf32, #tpu.memory_space<vmem>>) dst(%dma_wait3A_286 : memref<40x128xf32, #tpu.memory_space<vmem_shared>>)
        tpu.yield
      }) : () -> ()
      %mul3A_198 = arith.constant 1000 : i32
      %mul3A_199 = arith.muli %arg1, %mul3A_198 : i32
      %add3A_200 = arith.constant 280 : i32
      %add3A_201 = arith.addi %mul3A_199, %add3A_200 : i32
      "tpu.region"() ({
        %run_scoped3A = tpu.sem_alloc : memref<!tpu.dma_semaphore, #tpu.memory_space<semaphore_mem>>
        %dma_start3A_270 = arith.constant 0 : i32
        %dma_start3A_271 = arith.constant 0 : i32
        %dma_start3A_272 = tpu.memref_slice %arg14[%dma_start3A_270, %dma_start3A_271] : memref<80x128xf32, #tpu.memory_space<vmem>> -> memref<40x128xf32, #tpu.memory_space<vmem>>
        %dma_start3A_273 = arith.constant 0 : i32
        %dma_start3A_274 = tpu.memref_slice %arg17[%add3A_201, %dma_start3A_273] : memref<10000x128xf32, #tpu.memory_space<vmem_shared>> -> memref<40x128xf32, #tpu.memory_space<vmem_shared>>
        %dma_start3A_275 = arith.constant 0 : i32
        %dma_start3A_276 = tpu.memref_slice %arg17[%add3A_201, %dma_start3A_275] : memref<10000x128xf32, #tpu.memory_space<vmem_shared>> -> memref<40x128xf32, #tpu.memory_space<vmem_shared>>
        %dma_start3A_277 = arith.constant 0 : i32
        %dma_start3A_278 = arith.constant 0 : i32
        %dma_start3A_279 = tpu.memref_slice %arg14[%dma_start3A_277, %dma_start3A_278] : memref<80x128xf32, #tpu.memory_space<vmem>> -> memref<40x128xf32, #tpu.memory_space<vmem>>
        tpu.enqueue_dma source(%dma_start3A_279 : memref<40x128xf32, #tpu.memory_space<vmem>>) target(%dma_start3A_276 : memref<40x128xf32, #tpu.memory_space<vmem_shared>>) target_semaphore(%run_scoped3A : memref<!tpu.dma_semaphore, #tpu.memory_space<semaphore_mem>>)
        %dma_wait3A_280 = arith.constant 0 : i32
        %dma_wait3A_281 = arith.constant 0 : i32
        %dma_wait3A_282 = tpu.memref_slice %arg14[%dma_wait3A_280, %dma_wait3A_281] : memref<80x128xf32, #tpu.memory_space<vmem>> -> memref<40x128xf32, #tpu.memory_space<vmem>>
        %dma_wait3A_283 = arith.constant 0 : i32
        %dma_wait3A_284 = tpu.memref_slice %arg17[%add3A_201, %dma_wait3A_283] : memref<10000x128xf32, #tpu.memory_space<vmem_shared>> -> memref<40x128xf32, #tpu.memory_space<vmem_shared>>
        %dma_wait3A_285 = arith.constant 0 : i32
        %dma_wait3A_286 = tpu.memref_slice %arg17[%add3A_201, %dma_wait3A_285] : memref<10000x128xf32, #tpu.memory_space<vmem_shared>> -> memref<40x128xf32, #tpu.memory_space<vmem_shared>>
        %dma_wait3A_287 = arith.constant 0 : i32
        %dma_wait3A_288 = arith.constant 0 : i32
        %dma_wait3A_289 = tpu.memref_slice %arg14[%dma_wait3A_287, %dma_wait3A_288] : memref<80x128xf32, #tpu.memory_space<vmem>> -> memref<40x128xf32, #tpu.memory_space<vmem>>
        tpu.wait_dma2 semaphore(%run_scoped3A : memref<!tpu.dma_semaphore, #tpu.memory_space<semaphore_mem>>) src(%dma_wait3A_289 : memref<40x128xf32, #tpu.memory_space<vmem>>) dst(%dma_wait3A_286 : memref<40x128xf32, #tpu.memory_space<vmem_shared>>)
        tpu.yield
      }) : () -> ()
      %mul3A_202 = arith.constant 1000 : i32
      %mul3A_203 = arith.muli %arg1, %mul3A_202 : i32
      %add3A_204 = arith.constant 320 : i32
      %add3A_205 = arith.addi %mul3A_203, %add3A_204 : i32
      "tpu.region"() ({
        %run_scoped3A = tpu.sem_alloc : memref<!tpu.dma_semaphore, #tpu.memory_space<semaphore_mem>>
        %dma_start3A_270 = arith.constant 0 : i32
        %dma_start3A_271 = arith.constant 0 : i32
        %dma_start3A_272 = tpu.memref_slice %arg14[%dma_start3A_270, %dma_start3A_271] : memref<80x128xf32, #tpu.memory_space<vmem>> -> memref<40x128xf32, #tpu.memory_space<vmem>>
        %dma_start3A_273 = arith.constant 0 : i32
        %dma_start3A_274 = tpu.memref_slice %arg17[%add3A_205, %dma_start3A_273] : memref<10000x128xf32, #tpu.memory_space<vmem_shared>> -> memref<40x128xf32, #tpu.memory_space<vmem_shared>>
        %dma_start3A_275 = arith.constant 0 : i32
        %dma_start3A_276 = tpu.memref_slice %arg17[%add3A_205, %dma_start3A_275] : memref<10000x128xf32, #tpu.memory_space<vmem_shared>> -> memref<40x128xf32, #tpu.memory_space<vmem_shared>>
        %dma_start3A_277 = arith.constant 0 : i32
        %dma_start3A_278 = arith.constant 0 : i32
        %dma_start3A_279 = tpu.memref_slice %arg14[%dma_start3A_277, %dma_start3A_278] : memref<80x128xf32, #tpu.memory_space<vmem>> -> memref<40x128xf32, #tpu.memory_space<vmem>>
        tpu.enqueue_dma source(%dma_start3A_279 : memref<40x128xf32, #tpu.memory_space<vmem>>) target(%dma_start3A_276 : memref<40x128xf32, #tpu.memory_space<vmem_shared>>) target_semaphore(%run_scoped3A : memref<!tpu.dma_semaphore, #tpu.memory_space<semaphore_mem>>)
        %dma_wait3A_280 = arith.constant 0 : i32
        %dma_wait3A_281 = arith.constant 0 : i32
        %dma_wait3A_282 = tpu.memref_slice %arg14[%dma_wait3A_280, %dma_wait3A_281] : memref<80x128xf32, #tpu.memory_space<vmem>> -> memref<40x128xf32, #tpu.memory_space<vmem>>
        %dma_wait3A_283 = arith.constant 0 : i32
        %dma_wait3A_284 = tpu.memref_slice %arg17[%add3A_205, %dma_wait3A_283] : memref<10000x128xf32, #tpu.memory_space<vmem_shared>> -> memref<40x128xf32, #tpu.memory_space<vmem_shared>>
        %dma_wait3A_285 = arith.constant 0 : i32
        %dma_wait3A_286 = tpu.memref_slice %arg17[%add3A_205, %dma_wait3A_285] : memref<10000x128xf32, #tpu.memory_space<vmem_shared>> -> memref<40x128xf32, #tpu.memory_space<vmem_shared>>
        %dma_wait3A_287 = arith.constant 0 : i32
        %dma_wait3A_288 = arith.constant 0 : i32
        %dma_wait3A_289 = tpu.memref_slice %arg14[%dma_wait3A_287, %dma_wait3A_288] : memref<80x128xf32, #tpu.memory_space<vmem>> -> memref<40x128xf32, #tpu.memory_space<vmem>>
        tpu.wait_dma2 semaphore(%run_scoped3A : memref<!tpu.dma_semaphore, #tpu.memory_space<semaphore_mem>>) src(%dma_wait3A_289 : memref<40x128xf32, #tpu.memory_space<vmem>>) dst(%dma_wait3A_286 : memref<40x128xf32, #tpu.memory_space<vmem_shared>>)
        tpu.yield
      }) : () -> ()
      %mul3A_206 = arith.constant 1000 : i32
      %mul3A_207 = arith.muli %arg1, %mul3A_206 : i32
      %add3A_208 = arith.constant 360 : i32
      %add3A_209 = arith.addi %mul3A_207, %add3A_208 : i32
      "tpu.region"() ({
        %run_scoped3A = tpu.sem_alloc : memref<!tpu.dma_semaphore, #tpu.memory_space<semaphore_mem>>
        %dma_start3A_270 = arith.constant 0 : i32
        %dma_start3A_271 = arith.constant 0 : i32
        %dma_start3A_272 = tpu.memref_slice %arg14[%dma_start3A_270, %dma_start3A_271] : memref<80x128xf32, #tpu.memory_space<vmem>> -> memref<40x128xf32, #tpu.memory_space<vmem>>
        %dma_start3A_273 = arith.constant 0 : i32
        %dma_start3A_274 = tpu.memref_slice %arg17[%add3A_209, %dma_start3A_273] : memref<10000x128xf32, #tpu.memory_space<vmem_shared>> -> memref<40x128xf32, #tpu.memory_space<vmem_shared>>
        %dma_start3A_275 = arith.constant 0 : i32
        %dma_start3A_276 = tpu.memref_slice %arg17[%add3A_209, %dma_start3A_275] : memref<10000x128xf32, #tpu.memory_space<vmem_shared>> -> memref<40x128xf32, #tpu.memory_space<vmem_shared>>
        %dma_start3A_277 = arith.constant 0 : i32
        %dma_start3A_278 = arith.constant 0 : i32
        %dma_start3A_279 = tpu.memref_slice %arg14[%dma_start3A_277, %dma_start3A_278] : memref<80x128xf32, #tpu.memory_space<vmem>> -> memref<40x128xf32, #tpu.memory_space<vmem>>
        tpu.enqueue_dma source(%dma_start3A_279 : memref<40x128xf32, #tpu.memory_space<vmem>>) target(%dma_start3A_276 : memref<40x128xf32, #tpu.memory_space<vmem_shared>>) target_semaphore(%run_scoped3A : memref<!tpu.dma_semaphore, #tpu.memory_space<semaphore_mem>>)
        %dma_wait3A_280 = arith.constant 0 : i32
        %dma_wait3A_281 = arith.constant 0 : i32
        %dma_wait3A_282 = tpu.memref_slice %arg14[%dma_wait3A_280, %dma_wait3A_281] : memref<80x128xf32, #tpu.memory_space<vmem>> -> memref<40x128xf32, #tpu.memory_space<vmem>>
        %dma_wait3A_283 = arith.constant 0 : i32
        %dma_wait3A_284 = tpu.memref_slice %arg17[%add3A_209, %dma_wait3A_283] : memref<10000x128xf32, #tpu.memory_space<vmem_shared>> -> memref<40x128xf32, #tpu.memory_space<vmem_shared>>
        %dma_wait3A_285 = arith.constant 0 : i32
        %dma_wait3A_286 = tpu.memref_slice %arg17[%add3A_209, %dma_wait3A_285] : memref<10000x128xf32, #tpu.memory_space<vmem_shared>> -> memref<40x128xf32, #tpu.memory_space<vmem_shared>>
        %dma_wait3A_287 = arith.constant 0 : i32
        %dma_wait3A_288 = arith.constant 0 : i32
        %dma_wait3A_289 = tpu.memref_slice %arg14[%dma_wait3A_287, %dma_wait3A_288] : memref<80x128xf32, #tpu.memory_space<vmem>> -> memref<40x128xf32, #tpu.memory_space<vmem>>
        tpu.wait_dma2 semaphore(%run_scoped3A : memref<!tpu.dma_semaphore, #tpu.memory_space<semaphore_mem>>) src(%dma_wait3A_289 : memref<40x128xf32, #tpu.memory_space<vmem>>) dst(%dma_wait3A_286 : memref<40x128xf32, #tpu.memory_space<vmem_shared>>)
        tpu.yield
      }) : () -> ()
      %mul3A_210 = arith.constant 1000 : i32
      %mul3A_211 = arith.muli %arg1, %mul3A_210 : i32
      %add3A_212 = arith.constant 400 : i32
      %add3A_213 = arith.addi %mul3A_211, %add3A_212 : i32
      "tpu.region"() ({
        %run_scoped3A = tpu.sem_alloc : memref<!tpu.dma_semaphore, #tpu.memory_space<semaphore_mem>>
        %dma_start3A_270 = arith.constant 0 : i32
        %dma_start3A_271 = arith.constant 0 : i32
        %dma_start3A_272 = tpu.memref_slice %arg14[%dma_start3A_270, %dma_start3A_271] : memref<80x128xf32, #tpu.memory_space<vmem>> -> memref<40x128xf32, #tpu.memory_space<vmem>>
        %dma_start3A_273 = arith.constant 0 : i32
        %dma_start3A_274 = tpu.memref_slice %arg17[%add3A_213, %dma_start3A_273] : memref<10000x128xf32, #tpu.memory_space<vmem_shared>> -> memref<40x128xf32, #tpu.memory_space<vmem_shared>>
        %dma_start3A_275 = arith.constant 0 : i32
        %dma_start3A_276 = tpu.memref_slice %arg17[%add3A_213, %dma_start3A_275] : memref<10000x128xf32, #tpu.memory_space<vmem_shared>> -> memref<40x128xf32, #tpu.memory_space<vmem_shared>>
        %dma_start3A_277 = arith.constant 0 : i32
        %dma_start3A_278 = arith.constant 0 : i32
        %dma_start3A_279 = tpu.memref_slice %arg14[%dma_start3A_277, %dma_start3A_278] : memref<80x128xf32, #tpu.memory_space<vmem>> -> memref<40x128xf32, #tpu.memory_space<vmem>>
        tpu.enqueue_dma source(%dma_start3A_279 : memref<40x128xf32, #tpu.memory_space<vmem>>) target(%dma_start3A_276 : memref<40x128xf32, #tpu.memory_space<vmem_shared>>) target_semaphore(%run_scoped3A : memref<!tpu.dma_semaphore, #tpu.memory_space<semaphore_mem>>)
        %dma_wait3A_280 = arith.constant 0 : i32
        %dma_wait3A_281 = arith.constant 0 : i32
        %dma_wait3A_282 = tpu.memref_slice %arg14[%dma_wait3A_280, %dma_wait3A_281] : memref<80x128xf32, #tpu.memory_space<vmem>> -> memref<40x128xf32, #tpu.memory_space<vmem>>
        %dma_wait3A_283 = arith.constant 0 : i32
        %dma_wait3A_284 = tpu.memref_slice %arg17[%add3A_213, %dma_wait3A_283] : memref<10000x128xf32, #tpu.memory_space<vmem_shared>> -> memref<40x128xf32, #tpu.memory_space<vmem_shared>>
        %dma_wait3A_285 = arith.constant 0 : i32
        %dma_wait3A_286 = tpu.memref_slice %arg17[%add3A_213, %dma_wait3A_285] : memref<10000x128xf32, #tpu.memory_space<vmem_shared>> -> memref<40x128xf32, #tpu.memory_space<vmem_shared>>
        %dma_wait3A_287 = arith.constant 0 : i32
        %dma_wait3A_288 = arith.constant 0 : i32
        %dma_wait3A_289 = tpu.memref_slice %arg14[%dma_wait3A_287, %dma_wait3A_288] : memref<80x128xf32, #tpu.memory_space<vmem>> -> memref<40x128xf32, #tpu.memory_space<vmem>>
        tpu.wait_dma2 semaphore(%run_scoped3A : memref<!tpu.dma_semaphore, #tpu.memory_space<semaphore_mem>>) src(%dma_wait3A_289 : memref<40x128xf32, #tpu.memory_space<vmem>>) dst(%dma_wait3A_286 : memref<40x128xf32, #tpu.memory_space<vmem_shared>>)
        tpu.yield
      }) : () -> ()
      %mul3A_214 = arith.constant 1000 : i32
      %mul3A_215 = arith.muli %arg1, %mul3A_214 : i32
      %add3A_216 = arith.constant 440 : i32
      %add3A_217 = arith.addi %mul3A_215, %add3A_216 : i32
      "tpu.region"() ({
        %run_scoped3A = tpu.sem_alloc : memref<!tpu.dma_semaphore, #tpu.memory_space<semaphore_mem>>
        %dma_start3A_270 = arith.constant 0 : i32
        %dma_start3A_271 = arith.constant 0 : i32
        %dma_start3A_272 = tpu.memref_slice %arg14[%dma_start3A_270, %dma_start3A_271] : memref<80x128xf32, #tpu.memory_space<vmem>> -> memref<40x128xf32, #tpu.memory_space<vmem>>
        %dma_start3A_273 = arith.constant 0 : i32
        %dma_start3A_274 = tpu.memref_slice %arg17[%add3A_217, %dma_start3A_273] : memref<10000x128xf32, #tpu.memory_space<vmem_shared>> -> memref<40x128xf32, #tpu.memory_space<vmem_shared>>
        %dma_start3A_275 = arith.constant 0 : i32
        %dma_start3A_276 = tpu.memref_slice %arg17[%add3A_217, %dma_start3A_275] : memref<10000x128xf32, #tpu.memory_space<vmem_shared>> -> memref<40x128xf32, #tpu.memory_space<vmem_shared>>
        %dma_start3A_277 = arith.constant 0 : i32
        %dma_start3A_278 = arith.constant 0 : i32
        %dma_start3A_279 = tpu.memref_slice %arg14[%dma_start3A_277, %dma_start3A_278] : memref<80x128xf32, #tpu.memory_space<vmem>> -> memref<40x128xf32, #tpu.memory_space<vmem>>
        tpu.enqueue_dma source(%dma_start3A_279 : memref<40x128xf32, #tpu.memory_space<vmem>>) target(%dma_start3A_276 : memref<40x128xf32, #tpu.memory_space<vmem_shared>>) target_semaphore(%run_scoped3A : memref<!tpu.dma_semaphore, #tpu.memory_space<semaphore_mem>>)
        %dma_wait3A_280 = arith.constant 0 : i32
        %dma_wait3A_281 = arith.constant 0 : i32
        %dma_wait3A_282 = tpu.memref_slice %arg14[%dma_wait3A_280, %dma_wait3A_281] : memref<80x128xf32, #tpu.memory_space<vmem>> -> memref<40x128xf32, #tpu.memory_space<vmem>>
        %dma_wait3A_283 = arith.constant 0 : i32
        %dma_wait3A_284 = tpu.memref_slice %arg17[%add3A_217, %dma_wait3A_283] : memref<10000x128xf32, #tpu.memory_space<vmem_shared>> -> memref<40x128xf32, #tpu.memory_space<vmem_shared>>
        %dma_wait3A_285 = arith.constant 0 : i32
        %dma_wait3A_286 = tpu.memref_slice %arg17[%add3A_217, %dma_wait3A_285] : memref<10000x128xf32, #tpu.memory_space<vmem_shared>> -> memref<40x128xf32, #tpu.memory_space<vmem_shared>>
        %dma_wait3A_287 = arith.constant 0 : i32
        %dma_wait3A_288 = arith.constant 0 : i32
        %dma_wait3A_289 = tpu.memref_slice %arg14[%dma_wait3A_287, %dma_wait3A_288] : memref<80x128xf32, #tpu.memory_space<vmem>> -> memref<40x128xf32, #tpu.memory_space<vmem>>
        tpu.wait_dma2 semaphore(%run_scoped3A : memref<!tpu.dma_semaphore, #tpu.memory_space<semaphore_mem>>) src(%dma_wait3A_289 : memref<40x128xf32, #tpu.memory_space<vmem>>) dst(%dma_wait3A_286 : memref<40x128xf32, #tpu.memory_space<vmem_shared>>)
        tpu.yield
      }) : () -> ()
      %mul3A_218 = arith.constant 1000 : i32
      %mul3A_219 = arith.muli %arg1, %mul3A_218 : i32
      %add3A_220 = arith.constant 480 : i32
      %add3A_221 = arith.addi %mul3A_219, %add3A_220 : i32
      "tpu.region"() ({
        %run_scoped3A = tpu.sem_alloc : memref<!tpu.dma_semaphore, #tpu.memory_space<semaphore_mem>>
        %dma_start3A_270 = arith.constant 0 : i32
        %dma_start3A_271 = arith.constant 0 : i32
        %dma_start3A_272 = tpu.memref_slice %arg14[%dma_start3A_270, %dma_start3A_271] : memref<80x128xf32, #tpu.memory_space<vmem>> -> memref<40x128xf32, #tpu.memory_space<vmem>>
        %dma_start3A_273 = arith.constant 0 : i32
        %dma_start3A_274 = tpu.memref_slice %arg17[%add3A_221, %dma_start3A_273] : memref<10000x128xf32, #tpu.memory_space<vmem_shared>> -> memref<40x128xf32, #tpu.memory_space<vmem_shared>>
        %dma_start3A_275 = arith.constant 0 : i32
        %dma_start3A_276 = tpu.memref_slice %arg17[%add3A_221, %dma_start3A_275] : memref<10000x128xf32, #tpu.memory_space<vmem_shared>> -> memref<40x128xf32, #tpu.memory_space<vmem_shared>>
        %dma_start3A_277 = arith.constant 0 : i32
        %dma_start3A_278 = arith.constant 0 : i32
        %dma_start3A_279 = tpu.memref_slice %arg14[%dma_start3A_277, %dma_start3A_278] : memref<80x128xf32, #tpu.memory_space<vmem>> -> memref<40x128xf32, #tpu.memory_space<vmem>>
        tpu.enqueue_dma source(%dma_start3A_279 : memref<40x128xf32, #tpu.memory_space<vmem>>) target(%dma_start3A_276 : memref<40x128xf32, #tpu.memory_space<vmem_shared>>) target_semaphore(%run_scoped3A : memref<!tpu.dma_semaphore, #tpu.memory_space<semaphore_mem>>)
        %dma_wait3A_280 = arith.constant 0 : i32
        %dma_wait3A_281 = arith.constant 0 : i32
        %dma_wait3A_282 = tpu.memref_slice %arg14[%dma_wait3A_280, %dma_wait3A_281] : memref<80x128xf32, #tpu.memory_space<vmem>> -> memref<40x128xf32, #tpu.memory_space<vmem>>
        %dma_wait3A_283 = arith.constant 0 : i32
        %dma_wait3A_284 = tpu.memref_slice %arg17[%add3A_221, %dma_wait3A_283] : memref<10000x128xf32, #tpu.memory_space<vmem_shared>> -> memref<40x128xf32, #tpu.memory_space<vmem_shared>>
        %dma_wait3A_285 = arith.constant 0 : i32
        %dma_wait3A_286 = tpu.memref_slice %arg17[%add3A_221, %dma_wait3A_285] : memref<10000x128xf32, #tpu.memory_space<vmem_shared>> -> memref<40x128xf32, #tpu.memory_space<vmem_shared>>
        %dma_wait3A_287 = arith.constant 0 : i32
        %dma_wait3A_288 = arith.constant 0 : i32
        %dma_wait3A_289 = tpu.memref_slice %arg14[%dma_wait3A_287, %dma_wait3A_288] : memref<80x128xf32, #tpu.memory_space<vmem>> -> memref<40x128xf32, #tpu.memory_space<vmem>>
        tpu.wait_dma2 semaphore(%run_scoped3A : memref<!tpu.dma_semaphore, #tpu.memory_space<semaphore_mem>>) src(%dma_wait3A_289 : memref<40x128xf32, #tpu.memory_space<vmem>>) dst(%dma_wait3A_286 : memref<40x128xf32, #tpu.memory_space<vmem_shared>>)
        tpu.yield
      }) : () -> ()
      %mul3A_222 = arith.constant 1000 : i32
      %mul3A_223 = arith.muli %arg1, %mul3A_222 : i32
      %add3A_224 = arith.constant 520 : i32
      %add3A_225 = arith.addi %mul3A_223, %add3A_224 : i32
      "tpu.region"() ({
        %run_scoped3A = tpu.sem_alloc : memref<!tpu.dma_semaphore, #tpu.memory_space<semaphore_mem>>
        %dma_start3A_270 = arith.constant 0 : i32
        %dma_start3A_271 = arith.constant 0 : i32
        %dma_start3A_272 = tpu.memref_slice %arg14[%dma_start3A_270, %dma_start3A_271] : memref<80x128xf32, #tpu.memory_space<vmem>> -> memref<40x128xf32, #tpu.memory_space<vmem>>
        %dma_start3A_273 = arith.constant 0 : i32
        %dma_start3A_274 = tpu.memref_slice %arg17[%add3A_225, %dma_start3A_273] : memref<10000x128xf32, #tpu.memory_space<vmem_shared>> -> memref<40x128xf32, #tpu.memory_space<vmem_shared>>
        %dma_start3A_275 = arith.constant 0 : i32
        %dma_start3A_276 = tpu.memref_slice %arg17[%add3A_225, %dma_start3A_275] : memref<10000x128xf32, #tpu.memory_space<vmem_shared>> -> memref<40x128xf32, #tpu.memory_space<vmem_shared>>
        %dma_start3A_277 = arith.constant 0 : i32
        %dma_start3A_278 = arith.constant 0 : i32
        %dma_start3A_279 = tpu.memref_slice %arg14[%dma_start3A_277, %dma_start3A_278] : memref<80x128xf32, #tpu.memory_space<vmem>> -> memref<40x128xf32, #tpu.memory_space<vmem>>
        tpu.enqueue_dma source(%dma_start3A_279 : memref<40x128xf32, #tpu.memory_space<vmem>>) target(%dma_start3A_276 : memref<40x128xf32, #tpu.memory_space<vmem_shared>>) target_semaphore(%run_scoped3A : memref<!tpu.dma_semaphore, #tpu.memory_space<semaphore_mem>>)
        %dma_wait3A_280 = arith.constant 0 : i32
        %dma_wait3A_281 = arith.constant 0 : i32
        %dma_wait3A_282 = tpu.memref_slice %arg14[%dma_wait3A_280, %dma_wait3A_281] : memref<80x128xf32, #tpu.memory_space<vmem>> -> memref<40x128xf32, #tpu.memory_space<vmem>>
        %dma_wait3A_283 = arith.constant 0 : i32
        %dma_wait3A_284 = tpu.memref_slice %arg17[%add3A_225, %dma_wait3A_283] : memref<10000x128xf32, #tpu.memory_space<vmem_shared>> -> memref<40x128xf32, #tpu.memory_space<vmem_shared>>
        %dma_wait3A_285 = arith.constant 0 : i32
        %dma_wait3A_286 = tpu.memref_slice %arg17[%add3A_225, %dma_wait3A_285] : memref<10000x128xf32, #tpu.memory_space<vmem_shared>> -> memref<40x128xf32, #tpu.memory_space<vmem_shared>>
        %dma_wait3A_287 = arith.constant 0 : i32
        %dma_wait3A_288 = arith.constant 0 : i32
        %dma_wait3A_289 = tpu.memref_slice %arg14[%dma_wait3A_287, %dma_wait3A_288] : memref<80x128xf32, #tpu.memory_space<vmem>> -> memref<40x128xf32, #tpu.memory_space<vmem>>
        tpu.wait_dma2 semaphore(%run_scoped3A : memref<!tpu.dma_semaphore, #tpu.memory_space<semaphore_mem>>) src(%dma_wait3A_289 : memref<40x128xf32, #tpu.memory_space<vmem>>) dst(%dma_wait3A_286 : memref<40x128xf32, #tpu.memory_space<vmem_shared>>)
        tpu.yield
      }) : () -> ()
      %mul3A_226 = arith.constant 1000 : i32
      %mul3A_227 = arith.muli %arg1, %mul3A_226 : i32
      %add3A_228 = arith.constant 560 : i32
      %add3A_229 = arith.addi %mul3A_227, %add3A_228 : i32
      "tpu.region"() ({
        %run_scoped3A = tpu.sem_alloc : memref<!tpu.dma_semaphore, #tpu.memory_space<semaphore_mem>>
        %dma_start3A_270 = arith.constant 0 : i32
        %dma_start3A_271 = arith.constant 0 : i32
        %dma_start3A_272 = tpu.memref_slice %arg14[%dma_start3A_270, %dma_start3A_271] : memref<80x128xf32, #tpu.memory_space<vmem>> -> memref<40x128xf32, #tpu.memory_space<vmem>>
        %dma_start3A_273 = arith.constant 0 : i32
        %dma_start3A_274 = tpu.memref_slice %arg17[%add3A_229, %dma_start3A_273] : memref<10000x128xf32, #tpu.memory_space<vmem_shared>> -> memref<40x128xf32, #tpu.memory_space<vmem_shared>>
        %dma_start3A_275 = arith.constant 0 : i32
        %dma_start3A_276 = tpu.memref_slice %arg17[%add3A_229, %dma_start3A_275] : memref<10000x128xf32, #tpu.memory_space<vmem_shared>> -> memref<40x128xf32, #tpu.memory_space<vmem_shared>>
        %dma_start3A_277 = arith.constant 0 : i32
        %dma_start3A_278 = arith.constant 0 : i32
        %dma_start3A_279 = tpu.memref_slice %arg14[%dma_start3A_277, %dma_start3A_278] : memref<80x128xf32, #tpu.memory_space<vmem>> -> memref<40x128xf32, #tpu.memory_space<vmem>>
        tpu.enqueue_dma source(%dma_start3A_279 : memref<40x128xf32, #tpu.memory_space<vmem>>) target(%dma_start3A_276 : memref<40x128xf32, #tpu.memory_space<vmem_shared>>) target_semaphore(%run_scoped3A : memref<!tpu.dma_semaphore, #tpu.memory_space<semaphore_mem>>)
        %dma_wait3A_280 = arith.constant 0 : i32
        %dma_wait3A_281 = arith.constant 0 : i32
        %dma_wait3A_282 = tpu.memref_slice %arg14[%dma_wait3A_280, %dma_wait3A_281] : memref<80x128xf32, #tpu.memory_space<vmem>> -> memref<40x128xf32, #tpu.memory_space<vmem>>
        %dma_wait3A_283 = arith.constant 0 : i32
        %dma_wait3A_284 = tpu.memref_slice %arg17[%add3A_229, %dma_wait3A_283] : memref<10000x128xf32, #tpu.memory_space<vmem_shared>> -> memref<40x128xf32, #tpu.memory_space<vmem_shared>>
        %dma_wait3A_285 = arith.constant 0 : i32
        %dma_wait3A_286 = tpu.memref_slice %arg17[%add3A_229, %dma_wait3A_285] : memref<10000x128xf32, #tpu.memory_space<vmem_shared>> -> memref<40x128xf32, #tpu.memory_space<vmem_shared>>
        %dma_wait3A_287 = arith.constant 0 : i32
        %dma_wait3A_288 = arith.constant 0 : i32
        %dma_wait3A_289 = tpu.memref_slice %arg14[%dma_wait3A_287, %dma_wait3A_288] : memref<80x128xf32, #tpu.memory_space<vmem>> -> memref<40x128xf32, #tpu.memory_space<vmem>>
        tpu.wait_dma2 semaphore(%run_scoped3A : memref<!tpu.dma_semaphore, #tpu.memory_space<semaphore_mem>>) src(%dma_wait3A_289 : memref<40x128xf32, #tpu.memory_space<vmem>>) dst(%dma_wait3A_286 : memref<40x128xf32, #tpu.memory_space<vmem_shared>>)
        tpu.yield
      }) : () -> ()
      %mul3A_230 = arith.constant 1000 : i32
      %mul3A_231 = arith.muli %arg1, %mul3A_230 : i32
      %add3A_232 = arith.constant 600 : i32
      %add3A_233 = arith.addi %mul3A_231, %add3A_232 : i32
      "tpu.region"() ({
        %run_scoped3A = tpu.sem_alloc : memref<!tpu.dma_semaphore, #tpu.memory_space<semaphore_mem>>
        %dma_start3A_270 = arith.constant 0 : i32
        %dma_start3A_271 = arith.constant 0 : i32
        %dma_start3A_272 = tpu.memref_slice %arg14[%dma_start3A_270, %dma_start3A_271] : memref<80x128xf32, #tpu.memory_space<vmem>> -> memref<40x128xf32, #tpu.memory_space<vmem>>
        %dma_start3A_273 = arith.constant 0 : i32
        %dma_start3A_274 = tpu.memref_slice %arg17[%add3A_233, %dma_start3A_273] : memref<10000x128xf32, #tpu.memory_space<vmem_shared>> -> memref<40x128xf32, #tpu.memory_space<vmem_shared>>
        %dma_start3A_275 = arith.constant 0 : i32
        %dma_start3A_276 = tpu.memref_slice %arg17[%add3A_233, %dma_start3A_275] : memref<10000x128xf32, #tpu.memory_space<vmem_shared>> -> memref<40x128xf32, #tpu.memory_space<vmem_shared>>
        %dma_start3A_277 = arith.constant 0 : i32
        %dma_start3A_278 = arith.constant 0 : i32
        %dma_start3A_279 = tpu.memref_slice %arg14[%dma_start3A_277, %dma_start3A_278] : memref<80x128xf32, #tpu.memory_space<vmem>> -> memref<40x128xf32, #tpu.memory_space<vmem>>
        tpu.enqueue_dma source(%dma_start3A_279 : memref<40x128xf32, #tpu.memory_space<vmem>>) target(%dma_start3A_276 : memref<40x128xf32, #tpu.memory_space<vmem_shared>>) target_semaphore(%run_scoped3A : memref<!tpu.dma_semaphore, #tpu.memory_space<semaphore_mem>>)
        %dma_wait3A_280 = arith.constant 0 : i32
        %dma_wait3A_281 = arith.constant 0 : i32
        %dma_wait3A_282 = tpu.memref_slice %arg14[%dma_wait3A_280, %dma_wait3A_281] : memref<80x128xf32, #tpu.memory_space<vmem>> -> memref<40x128xf32, #tpu.memory_space<vmem>>
        %dma_wait3A_283 = arith.constant 0 : i32
        %dma_wait3A_284 = tpu.memref_slice %arg17[%add3A_233, %dma_wait3A_283] : memref<10000x128xf32, #tpu.memory_space<vmem_shared>> -> memref<40x128xf32, #tpu.memory_space<vmem_shared>>
        %dma_wait3A_285 = arith.constant 0 : i32
        %dma_wait3A_286 = tpu.memref_slice %arg17[%add3A_233, %dma_wait3A_285] : memref<10000x128xf32, #tpu.memory_space<vmem_shared>> -> memref<40x128xf32, #tpu.memory_space<vmem_shared>>
        %dma_wait3A_287 = arith.constant 0 : i32
        %dma_wait3A_288 = arith.constant 0 : i32
        %dma_wait3A_289 = tpu.memref_slice %arg14[%dma_wait3A_287, %dma_wait3A_288] : memref<80x128xf32, #tpu.memory_space<vmem>> -> memref<40x128xf32, #tpu.memory_space<vmem>>
        tpu.wait_dma2 semaphore(%run_scoped3A : memref<!tpu.dma_semaphore, #tpu.memory_space<semaphore_mem>>) src(%dma_wait3A_289 : memref<40x128xf32, #tpu.memory_space<vmem>>) dst(%dma_wait3A_286 : memref<40x128xf32, #tpu.memory_space<vmem_shared>>)
        tpu.yield
      }) : () -> ()
      %mul3A_234 = arith.constant 1000 : i32
      %mul3A_235 = arith.muli %arg1, %mul3A_234 : i32
      %add3A_236 = arith.constant 640 : i32
      %add3A_237 = arith.addi %mul3A_235, %add3A_236 : i32
      "tpu.region"() ({
        %run_scoped3A = tpu.sem_alloc : memref<!tpu.dma_semaphore, #tpu.memory_space<semaphore_mem>>
        %dma_start3A_270 = arith.constant 0 : i32
        %dma_start3A_271 = arith.constant 0 : i32
        %dma_start3A_272 = tpu.memref_slice %arg14[%dma_start3A_270, %dma_start3A_271] : memref<80x128xf32, #tpu.memory_space<vmem>> -> memref<40x128xf32, #tpu.memory_space<vmem>>
        %dma_start3A_273 = arith.constant 0 : i32
        %dma_start3A_274 = tpu.memref_slice %arg17[%add3A_237, %dma_start3A_273] : memref<10000x128xf32, #tpu.memory_space<vmem_shared>> -> memref<40x128xf32, #tpu.memory_space<vmem_shared>>
        %dma_start3A_275 = arith.constant 0 : i32
        %dma_start3A_276 = tpu.memref_slice %arg17[%add3A_237, %dma_start3A_275] : memref<10000x128xf32, #tpu.memory_space<vmem_shared>> -> memref<40x128xf32, #tpu.memory_space<vmem_shared>>
        %dma_start3A_277 = arith.constant 0 : i32
        %dma_start3A_278 = arith.constant 0 : i32
        %dma_start3A_279 = tpu.memref_slice %arg14[%dma_start3A_277, %dma_start3A_278] : memref<80x128xf32, #tpu.memory_space<vmem>> -> memref<40x128xf32, #tpu.memory_space<vmem>>
        tpu.enqueue_dma source(%dma_start3A_279 : memref<40x128xf32, #tpu.memory_space<vmem>>) target(%dma_start3A_276 : memref<40x128xf32, #tpu.memory_space<vmem_shared>>) target_semaphore(%run_scoped3A : memref<!tpu.dma_semaphore, #tpu.memory_space<semaphore_mem>>)
        %dma_wait3A_280 = arith.constant 0 : i32
        %dma_wait3A_281 = arith.constant 0 : i32
        %dma_wait3A_282 = tpu.memref_slice %arg14[%dma_wait3A_280, %dma_wait3A_281] : memref<80x128xf32, #tpu.memory_space<vmem>> -> memref<40x128xf32, #tpu.memory_space<vmem>>
        %dma_wait3A_283 = arith.constant 0 : i32
        %dma_wait3A_284 = tpu.memref_slice %arg17[%add3A_237, %dma_wait3A_283] : memref<10000x128xf32, #tpu.memory_space<vmem_shared>> -> memref<40x128xf32, #tpu.memory_space<vmem_shared>>
        %dma_wait3A_285 = arith.constant 0 : i32
        %dma_wait3A_286 = tpu.memref_slice %arg17[%add3A_237, %dma_wait3A_285] : memref<10000x128xf32, #tpu.memory_space<vmem_shared>> -> memref<40x128xf32, #tpu.memory_space<vmem_shared>>
        %dma_wait3A_287 = arith.constant 0 : i32
        %dma_wait3A_288 = arith.constant 0 : i32
        %dma_wait3A_289 = tpu.memref_slice %arg14[%dma_wait3A_287, %dma_wait3A_288] : memref<80x128xf32, #tpu.memory_space<vmem>> -> memref<40x128xf32, #tpu.memory_space<vmem>>
        tpu.wait_dma2 semaphore(%run_scoped3A : memref<!tpu.dma_semaphore, #tpu.memory_space<semaphore_mem>>) src(%dma_wait3A_289 : memref<40x128xf32, #tpu.memory_space<vmem>>) dst(%dma_wait3A_286 : memref<40x128xf32, #tpu.memory_space<vmem_shared>>)
        tpu.yield
      }) : () -> ()
      %mul3A_238 = arith.constant 1000 : i32
      %mul3A_239 = arith.muli %arg1, %mul3A_238 : i32
      %add3A_240 = arith.constant 680 : i32
      %add3A_241 = arith.addi %mul3A_239, %add3A_240 : i32
      "tpu.region"() ({
        %run_scoped3A = tpu.sem_alloc : memref<!tpu.dma_semaphore, #tpu.memory_space<semaphore_mem>>
        %dma_start3A_270 = arith.constant 0 : i32
        %dma_start3A_271 = arith.constant 0 : i32
        %dma_start3A_272 = tpu.memref_slice %arg14[%dma_start3A_270, %dma_start3A_271] : memref<80x128xf32, #tpu.memory_space<vmem>> -> memref<40x128xf32, #tpu.memory_space<vmem>>
        %dma_start3A_273 = arith.constant 0 : i32
        %dma_start3A_274 = tpu.memref_slice %arg17[%add3A_241, %dma_start3A_273] : memref<10000x128xf32, #tpu.memory_space<vmem_shared>> -> memref<40x128xf32, #tpu.memory_space<vmem_shared>>
        %dma_start3A_275 = arith.constant 0 : i32
        %dma_start3A_276 = tpu.memref_slice %arg17[%add3A_241, %dma_start3A_275] : memref<10000x128xf32, #tpu.memory_space<vmem_shared>> -> memref<40x128xf32, #tpu.memory_space<vmem_shared>>
        %dma_start3A_277 = arith.constant 0 : i32
        %dma_start3A_278 = arith.constant 0 : i32
        %dma_start3A_279 = tpu.memref_slice %arg14[%dma_start3A_277, %dma_start3A_278] : memref<80x128xf32, #tpu.memory_space<vmem>> -> memref<40x128xf32, #tpu.memory_space<vmem>>
        tpu.enqueue_dma source(%dma_start3A_279 : memref<40x128xf32, #tpu.memory_space<vmem>>) target(%dma_start3A_276 : memref<40x128xf32, #tpu.memory_space<vmem_shared>>) target_semaphore(%run_scoped3A : memref<!tpu.dma_semaphore, #tpu.memory_space<semaphore_mem>>)
        %dma_wait3A_280 = arith.constant 0 : i32
        %dma_wait3A_281 = arith.constant 0 : i32
        %dma_wait3A_282 = tpu.memref_slice %arg14[%dma_wait3A_280, %dma_wait3A_281] : memref<80x128xf32, #tpu.memory_space<vmem>> -> memref<40x128xf32, #tpu.memory_space<vmem>>
        %dma_wait3A_283 = arith.constant 0 : i32
        %dma_wait3A_284 = tpu.memref_slice %arg17[%add3A_241, %dma_wait3A_283] : memref<10000x128xf32, #tpu.memory_space<vmem_shared>> -> memref<40x128xf32, #tpu.memory_space<vmem_shared>>
        %dma_wait3A_285 = arith.constant 0 : i32
        %dma_wait3A_286 = tpu.memref_slice %arg17[%add3A_241, %dma_wait3A_285] : memref<10000x128xf32, #tpu.memory_space<vmem_shared>> -> memref<40x128xf32, #tpu.memory_space<vmem_shared>>
        %dma_wait3A_287 = arith.constant 0 : i32
        %dma_wait3A_288 = arith.constant 0 : i32
        %dma_wait3A_289 = tpu.memref_slice %arg14[%dma_wait3A_287, %dma_wait3A_288] : memref<80x128xf32, #tpu.memory_space<vmem>> -> memref<40x128xf32, #tpu.memory_space<vmem>>
        tpu.wait_dma2 semaphore(%run_scoped3A : memref<!tpu.dma_semaphore, #tpu.memory_space<semaphore_mem>>) src(%dma_wait3A_289 : memref<40x128xf32, #tpu.memory_space<vmem>>) dst(%dma_wait3A_286 : memref<40x128xf32, #tpu.memory_space<vmem_shared>>)
        tpu.yield
      }) : () -> ()
      %mul3A_242 = arith.constant 1000 : i32
      %mul3A_243 = arith.muli %arg1, %mul3A_242 : i32
      %add3A_244 = arith.constant 720 : i32
      %add3A_245 = arith.addi %mul3A_243, %add3A_244 : i32
      "tpu.region"() ({
        %run_scoped3A = tpu.sem_alloc : memref<!tpu.dma_semaphore, #tpu.memory_space<semaphore_mem>>
        %dma_start3A_270 = arith.constant 0 : i32
        %dma_start3A_271 = arith.constant 0 : i32
        %dma_start3A_272 = tpu.memref_slice %arg14[%dma_start3A_270, %dma_start3A_271] : memref<80x128xf32, #tpu.memory_space<vmem>> -> memref<40x128xf32, #tpu.memory_space<vmem>>
        %dma_start3A_273 = arith.constant 0 : i32
        %dma_start3A_274 = tpu.memref_slice %arg17[%add3A_245, %dma_start3A_273] : memref<10000x128xf32, #tpu.memory_space<vmem_shared>> -> memref<40x128xf32, #tpu.memory_space<vmem_shared>>
        %dma_start3A_275 = arith.constant 0 : i32
        %dma_start3A_276 = tpu.memref_slice %arg17[%add3A_245, %dma_start3A_275] : memref<10000x128xf32, #tpu.memory_space<vmem_shared>> -> memref<40x128xf32, #tpu.memory_space<vmem_shared>>
        %dma_start3A_277 = arith.constant 0 : i32
        %dma_start3A_278 = arith.constant 0 : i32
        %dma_start3A_279 = tpu.memref_slice %arg14[%dma_start3A_277, %dma_start3A_278] : memref<80x128xf32, #tpu.memory_space<vmem>> -> memref<40x128xf32, #tpu.memory_space<vmem>>
        tpu.enqueue_dma source(%dma_start3A_279 : memref<40x128xf32, #tpu.memory_space<vmem>>) target(%dma_start3A_276 : memref<40x128xf32, #tpu.memory_space<vmem_shared>>) target_semaphore(%run_scoped3A : memref<!tpu.dma_semaphore, #tpu.memory_space<semaphore_mem>>)
        %dma_wait3A_280 = arith.constant 0 : i32
        %dma_wait3A_281 = arith.constant 0 : i32
        %dma_wait3A_282 = tpu.memref_slice %arg14[%dma_wait3A_280, %dma_wait3A_281] : memref<80x128xf32, #tpu.memory_space<vmem>> -> memref<40x128xf32, #tpu.memory_space<vmem>>
        %dma_wait3A_283 = arith.constant 0 : i32
        %dma_wait3A_284 = tpu.memref_slice %arg17[%add3A_245, %dma_wait3A_283] : memref<10000x128xf32, #tpu.memory_space<vmem_shared>> -> memref<40x128xf32, #tpu.memory_space<vmem_shared>>
        %dma_wait3A_285 = arith.constant 0 : i32
        %dma_wait3A_286 = tpu.memref_slice %arg17[%add3A_245, %dma_wait3A_285] : memref<10000x128xf32, #tpu.memory_space<vmem_shared>> -> memref<40x128xf32, #tpu.memory_space<vmem_shared>>
        %dma_wait3A_287 = arith.constant 0 : i32
        %dma_wait3A_288 = arith.constant 0 : i32
        %dma_wait3A_289 = tpu.memref_slice %arg14[%dma_wait3A_287, %dma_wait3A_288] : memref<80x128xf32, #tpu.memory_space<vmem>> -> memref<40x128xf32, #tpu.memory_space<vmem>>
        tpu.wait_dma2 semaphore(%run_scoped3A : memref<!tpu.dma_semaphore, #tpu.memory_space<semaphore_mem>>) src(%dma_wait3A_289 : memref<40x128xf32, #tpu.memory_space<vmem>>) dst(%dma_wait3A_286 : memref<40x128xf32, #tpu.memory_space<vmem_shared>>)
        tpu.yield
      }) : () -> ()
      %mul3A_246 = arith.constant 1000 : i32
      %mul3A_247 = arith.muli %arg1, %mul3A_246 : i32
      %add3A_248 = arith.constant 760 : i32
      %add3A_249 = arith.addi %mul3A_247, %add3A_248 : i32
      "tpu.region"() ({
        %run_scoped3A = tpu.sem_alloc : memref<!tpu.dma_semaphore, #tpu.memory_space<semaphore_mem>>
        %dma_start3A_270 = arith.constant 0 : i32
        %dma_start3A_271 = arith.constant 0 : i32
        %dma_start3A_272 = tpu.memref_slice %arg14[%dma_start3A_270, %dma_start3A_271] : memref<80x128xf32, #tpu.memory_space<vmem>> -> memref<40x128xf32, #tpu.memory_space<vmem>>
        %dma_start3A_273 = arith.constant 0 : i32
        %dma_start3A_274 = tpu.memref_slice %arg17[%add3A_249, %dma_start3A_273] : memref<10000x128xf32, #tpu.memory_space<vmem_shared>> -> memref<40x128xf32, #tpu.memory_space<vmem_shared>>
        %dma_start3A_275 = arith.constant 0 : i32
        %dma_start3A_276 = tpu.memref_slice %arg17[%add3A_249, %dma_start3A_275] : memref<10000x128xf32, #tpu.memory_space<vmem_shared>> -> memref<40x128xf32, #tpu.memory_space<vmem_shared>>
        %dma_start3A_277 = arith.constant 0 : i32
        %dma_start3A_278 = arith.constant 0 : i32
        %dma_start3A_279 = tpu.memref_slice %arg14[%dma_start3A_277, %dma_start3A_278] : memref<80x128xf32, #tpu.memory_space<vmem>> -> memref<40x128xf32, #tpu.memory_space<vmem>>
        tpu.enqueue_dma source(%dma_start3A_279 : memref<40x128xf32, #tpu.memory_space<vmem>>) target(%dma_start3A_276 : memref<40x128xf32, #tpu.memory_space<vmem_shared>>) target_semaphore(%run_scoped3A : memref<!tpu.dma_semaphore, #tpu.memory_space<semaphore_mem>>)
        %dma_wait3A_280 = arith.constant 0 : i32
        %dma_wait3A_281 = arith.constant 0 : i32
        %dma_wait3A_282 = tpu.memref_slice %arg14[%dma_wait3A_280, %dma_wait3A_281] : memref<80x128xf32, #tpu.memory_space<vmem>> -> memref<40x128xf32, #tpu.memory_space<vmem>>
        %dma_wait3A_283 = arith.constant 0 : i32
        %dma_wait3A_284 = tpu.memref_slice %arg17[%add3A_249, %dma_wait3A_283] : memref<10000x128xf32, #tpu.memory_space<vmem_shared>> -> memref<40x128xf32, #tpu.memory_space<vmem_shared>>
        %dma_wait3A_285 = arith.constant 0 : i32
        %dma_wait3A_286 = tpu.memref_slice %arg17[%add3A_249, %dma_wait3A_285] : memref<10000x128xf32, #tpu.memory_space<vmem_shared>> -> memref<40x128xf32, #tpu.memory_space<vmem_shared>>
        %dma_wait3A_287 = arith.constant 0 : i32
        %dma_wait3A_288 = arith.constant 0 : i32
        %dma_wait3A_289 = tpu.memref_slice %arg14[%dma_wait3A_287, %dma_wait3A_288] : memref<80x128xf32, #tpu.memory_space<vmem>> -> memref<40x128xf32, #tpu.memory_space<vmem>>
        tpu.wait_dma2 semaphore(%run_scoped3A : memref<!tpu.dma_semaphore, #tpu.memory_space<semaphore_mem>>) src(%dma_wait3A_289 : memref<40x128xf32, #tpu.memory_space<vmem>>) dst(%dma_wait3A_286 : memref<40x128xf32, #tpu.memory_space<vmem_shared>>)
        tpu.yield
      }) : () -> ()
      %mul3A_250 = arith.constant 1000 : i32
      %mul3A_251 = arith.muli %arg1, %mul3A_250 : i32
      %add3A_252 = arith.constant 800 : i32
      %add3A_253 = arith.addi %mul3A_251, %add3A_252 : i32
      "tpu.region"() ({
        %run_scoped3A = tpu.sem_alloc : memref<!tpu.dma_semaphore, #tpu.memory_space<semaphore_mem>>
        %dma_start3A_270 = arith.constant 0 : i32
        %dma_start3A_271 = arith.constant 0 : i32
        %dma_start3A_272 = tpu.memref_slice %arg14[%dma_start3A_270, %dma_start3A_271] : memref<80x128xf32, #tpu.memory_space<vmem>> -> memref<40x128xf32, #tpu.memory_space<vmem>>
        %dma_start3A_273 = arith.constant 0 : i32
        %dma_start3A_274 = tpu.memref_slice %arg17[%add3A_253, %dma_start3A_273] : memref<10000x128xf32, #tpu.memory_space<vmem_shared>> -> memref<40x128xf32, #tpu.memory_space<vmem_shared>>
        %dma_start3A_275 = arith.constant 0 : i32
        %dma_start3A_276 = tpu.memref_slice %arg17[%add3A_253, %dma_start3A_275] : memref<10000x128xf32, #tpu.memory_space<vmem_shared>> -> memref<40x128xf32, #tpu.memory_space<vmem_shared>>
        %dma_start3A_277 = arith.constant 0 : i32
        %dma_start3A_278 = arith.constant 0 : i32
        %dma_start3A_279 = tpu.memref_slice %arg14[%dma_start3A_277, %dma_start3A_278] : memref<80x128xf32, #tpu.memory_space<vmem>> -> memref<40x128xf32, #tpu.memory_space<vmem>>
        tpu.enqueue_dma source(%dma_start3A_279 : memref<40x128xf32, #tpu.memory_space<vmem>>) target(%dma_start3A_276 : memref<40x128xf32, #tpu.memory_space<vmem_shared>>) target_semaphore(%run_scoped3A : memref<!tpu.dma_semaphore, #tpu.memory_space<semaphore_mem>>)
        %dma_wait3A_280 = arith.constant 0 : i32
        %dma_wait3A_281 = arith.constant 0 : i32
        %dma_wait3A_282 = tpu.memref_slice %arg14[%dma_wait3A_280, %dma_wait3A_281] : memref<80x128xf32, #tpu.memory_space<vmem>> -> memref<40x128xf32, #tpu.memory_space<vmem>>
        %dma_wait3A_283 = arith.constant 0 : i32
        %dma_wait3A_284 = tpu.memref_slice %arg17[%add3A_253, %dma_wait3A_283] : memref<10000x128xf32, #tpu.memory_space<vmem_shared>> -> memref<40x128xf32, #tpu.memory_space<vmem_shared>>
        %dma_wait3A_285 = arith.constant 0 : i32
        %dma_wait3A_286 = tpu.memref_slice %arg17[%add3A_253, %dma_wait3A_285] : memref<10000x128xf32, #tpu.memory_space<vmem_shared>> -> memref<40x128xf32, #tpu.memory_space<vmem_shared>>
        %dma_wait3A_287 = arith.constant 0 : i32
        %dma_wait3A_288 = arith.constant 0 : i32
        %dma_wait3A_289 = tpu.memref_slice %arg14[%dma_wait3A_287, %dma_wait3A_288] : memref<80x128xf32, #tpu.memory_space<vmem>> -> memref<40x128xf32, #tpu.memory_space<vmem>>
        tpu.wait_dma2 semaphore(%run_scoped3A : memref<!tpu.dma_semaphore, #tpu.memory_space<semaphore_mem>>) src(%dma_wait3A_289 : memref<40x128xf32, #tpu.memory_space<vmem>>) dst(%dma_wait3A_286 : memref<40x128xf32, #tpu.memory_space<vmem_shared>>)
        tpu.yield
      }) : () -> ()
      %mul3A_254 = arith.constant 1000 : i32
      %mul3A_255 = arith.muli %arg1, %mul3A_254 : i32
      %add3A_256 = arith.constant 840 : i32
      %add3A_257 = arith.addi %mul3A_255, %add3A_256 : i32
      "tpu.region"() ({
        %run_scoped3A = tpu.sem_alloc : memref<!tpu.dma_semaphore, #tpu.memory_space<semaphore_mem>>
        %dma_start3A_270 = arith.constant 0 : i32
        %dma_start3A_271 = arith.constant 0 : i32
        %dma_start3A_272 = tpu.memref_slice %arg14[%dma_start3A_270, %dma_start3A_271] : memref<80x128xf32, #tpu.memory_space<vmem>> -> memref<40x128xf32, #tpu.memory_space<vmem>>
        %dma_start3A_273 = arith.constant 0 : i32
        %dma_start3A_274 = tpu.memref_slice %arg17[%add3A_257, %dma_start3A_273] : memref<10000x128xf32, #tpu.memory_space<vmem_shared>> -> memref<40x128xf32, #tpu.memory_space<vmem_shared>>
        %dma_start3A_275 = arith.constant 0 : i32
        %dma_start3A_276 = tpu.memref_slice %arg17[%add3A_257, %dma_start3A_275] : memref<10000x128xf32, #tpu.memory_space<vmem_shared>> -> memref<40x128xf32, #tpu.memory_space<vmem_shared>>
        %dma_start3A_277 = arith.constant 0 : i32
        %dma_start3A_278 = arith.constant 0 : i32
        %dma_start3A_279 = tpu.memref_slice %arg14[%dma_start3A_277, %dma_start3A_278] : memref<80x128xf32, #tpu.memory_space<vmem>> -> memref<40x128xf32, #tpu.memory_space<vmem>>
        tpu.enqueue_dma source(%dma_start3A_279 : memref<40x128xf32, #tpu.memory_space<vmem>>) target(%dma_start3A_276 : memref<40x128xf32, #tpu.memory_space<vmem_shared>>) target_semaphore(%run_scoped3A : memref<!tpu.dma_semaphore, #tpu.memory_space<semaphore_mem>>)
        %dma_wait3A_280 = arith.constant 0 : i32
        %dma_wait3A_281 = arith.constant 0 : i32
        %dma_wait3A_282 = tpu.memref_slice %arg14[%dma_wait3A_280, %dma_wait3A_281] : memref<80x128xf32, #tpu.memory_space<vmem>> -> memref<40x128xf32, #tpu.memory_space<vmem>>
        %dma_wait3A_283 = arith.constant 0 : i32
        %dma_wait3A_284 = tpu.memref_slice %arg17[%add3A_257, %dma_wait3A_283] : memref<10000x128xf32, #tpu.memory_space<vmem_shared>> -> memref<40x128xf32, #tpu.memory_space<vmem_shared>>
        %dma_wait3A_285 = arith.constant 0 : i32
        %dma_wait3A_286 = tpu.memref_slice %arg17[%add3A_257, %dma_wait3A_285] : memref<10000x128xf32, #tpu.memory_space<vmem_shared>> -> memref<40x128xf32, #tpu.memory_space<vmem_shared>>
        %dma_wait3A_287 = arith.constant 0 : i32
        %dma_wait3A_288 = arith.constant 0 : i32
        %dma_wait3A_289 = tpu.memref_slice %arg14[%dma_wait3A_287, %dma_wait3A_288] : memref<80x128xf32, #tpu.memory_space<vmem>> -> memref<40x128xf32, #tpu.memory_space<vmem>>
        tpu.wait_dma2 semaphore(%run_scoped3A : memref<!tpu.dma_semaphore, #tpu.memory_space<semaphore_mem>>) src(%dma_wait3A_289 : memref<40x128xf32, #tpu.memory_space<vmem>>) dst(%dma_wait3A_286 : memref<40x128xf32, #tpu.memory_space<vmem_shared>>)
        tpu.yield
      }) : () -> ()
      %mul3A_258 = arith.constant 1000 : i32
      %mul3A_259 = arith.muli %arg1, %mul3A_258 : i32
      %add3A_260 = arith.constant 880 : i32
      %add3A_261 = arith.addi %mul3A_259, %add3A_260 : i32
      "tpu.region"() ({
        %run_scoped3A = tpu.sem_alloc : memref<!tpu.dma_semaphore, #tpu.memory_space<semaphore_mem>>
        %dma_start3A_270 = arith.constant 0 : i32
        %dma_start3A_271 = arith.constant 0 : i32
        %dma_start3A_272 = tpu.memref_slice %arg14[%dma_start3A_270, %dma_start3A_271] : memref<80x128xf32, #tpu.memory_space<vmem>> -> memref<40x128xf32, #tpu.memory_space<vmem>>
        %dma_start3A_273 = arith.constant 0 : i32
        %dma_start3A_274 = tpu.memref_slice %arg17[%add3A_261, %dma_start3A_273] : memref<10000x128xf32, #tpu.memory_space<vmem_shared>> -> memref<40x128xf32, #tpu.memory_space<vmem_shared>>
        %dma_start3A_275 = arith.constant 0 : i32
        %dma_start3A_276 = tpu.memref_slice %arg17[%add3A_261, %dma_start3A_275] : memref<10000x128xf32, #tpu.memory_space<vmem_shared>> -> memref<40x128xf32, #tpu.memory_space<vmem_shared>>
        %dma_start3A_277 = arith.constant 0 : i32
        %dma_start3A_278 = arith.constant 0 : i32
        %dma_start3A_279 = tpu.memref_slice %arg14[%dma_start3A_277, %dma_start3A_278] : memref<80x128xf32, #tpu.memory_space<vmem>> -> memref<40x128xf32, #tpu.memory_space<vmem>>
        tpu.enqueue_dma source(%dma_start3A_279 : memref<40x128xf32, #tpu.memory_space<vmem>>) target(%dma_start3A_276 : memref<40x128xf32, #tpu.memory_space<vmem_shared>>) target_semaphore(%run_scoped3A : memref<!tpu.dma_semaphore, #tpu.memory_space<semaphore_mem>>)
        %dma_wait3A_280 = arith.constant 0 : i32
        %dma_wait3A_281 = arith.constant 0 : i32
        %dma_wait3A_282 = tpu.memref_slice %arg14[%dma_wait3A_280, %dma_wait3A_281] : memref<80x128xf32, #tpu.memory_space<vmem>> -> memref<40x128xf32, #tpu.memory_space<vmem>>
        %dma_wait3A_283 = arith.constant 0 : i32
        %dma_wait3A_284 = tpu.memref_slice %arg17[%add3A_261, %dma_wait3A_283] : memref<10000x128xf32, #tpu.memory_space<vmem_shared>> -> memref<40x128xf32, #tpu.memory_space<vmem_shared>>
        %dma_wait3A_285 = arith.constant 0 : i32
        %dma_wait3A_286 = tpu.memref_slice %arg17[%add3A_261, %dma_wait3A_285] : memref<10000x128xf32, #tpu.memory_space<vmem_shared>> -> memref<40x128xf32, #tpu.memory_space<vmem_shared>>
        %dma_wait3A_287 = arith.constant 0 : i32
        %dma_wait3A_288 = arith.constant 0 : i32
        %dma_wait3A_289 = tpu.memref_slice %arg14[%dma_wait3A_287, %dma_wait3A_288] : memref<80x128xf32, #tpu.memory_space<vmem>> -> memref<40x128xf32, #tpu.memory_space<vmem>>
        tpu.wait_dma2 semaphore(%run_scoped3A : memref<!tpu.dma_semaphore, #tpu.memory_space<semaphore_mem>>) src(%dma_wait3A_289 : memref<40x128xf32, #tpu.memory_space<vmem>>) dst(%dma_wait3A_286 : memref<40x128xf32, #tpu.memory_space<vmem_shared>>)
        tpu.yield
      }) : () -> ()
      %mul3A_262 = arith.constant 1000 : i32
      %mul3A_263 = arith.muli %arg1, %mul3A_262 : i32
      %add3A_264 = arith.constant 920 : i32
      %add3A_265 = arith.addi %mul3A_263, %add3A_264 : i32
      "tpu.region"() ({
        %run_scoped3A = tpu.sem_alloc : memref<!tpu.dma_semaphore, #tpu.memory_space<semaphore_mem>>
        %dma_start3A_270 = arith.constant 0 : i32
        %dma_start3A_271 = arith.constant 0 : i32
        %dma_start3A_272 = tpu.memref_slice %arg14[%dma_start3A_270, %dma_start3A_271] : memref<80x128xf32, #tpu.memory_space<vmem>> -> memref<40x128xf32, #tpu.memory_space<vmem>>
        %dma_start3A_273 = arith.constant 0 : i32
        %dma_start3A_274 = tpu.memref_slice %arg17[%add3A_265, %dma_start3A_273] : memref<10000x128xf32, #tpu.memory_space<vmem_shared>> -> memref<40x128xf32, #tpu.memory_space<vmem_shared>>
        %dma_start3A_275 = arith.constant 0 : i32
        %dma_start3A_276 = tpu.memref_slice %arg17[%add3A_265, %dma_start3A_275] : memref<10000x128xf32, #tpu.memory_space<vmem_shared>> -> memref<40x128xf32, #tpu.memory_space<vmem_shared>>
        %dma_start3A_277 = arith.constant 0 : i32
        %dma_start3A_278 = arith.constant 0 : i32
        %dma_start3A_279 = tpu.memref_slice %arg14[%dma_start3A_277, %dma_start3A_278] : memref<80x128xf32, #tpu.memory_space<vmem>> -> memref<40x128xf32, #tpu.memory_space<vmem>>
        tpu.enqueue_dma source(%dma_start3A_279 : memref<40x128xf32, #tpu.memory_space<vmem>>) target(%dma_start3A_276 : memref<40x128xf32, #tpu.memory_space<vmem_shared>>) target_semaphore(%run_scoped3A : memref<!tpu.dma_semaphore, #tpu.memory_space<semaphore_mem>>)
        %dma_wait3A_280 = arith.constant 0 : i32
        %dma_wait3A_281 = arith.constant 0 : i32
        %dma_wait3A_282 = tpu.memref_slice %arg14[%dma_wait3A_280, %dma_wait3A_281] : memref<80x128xf32, #tpu.memory_space<vmem>> -> memref<40x128xf32, #tpu.memory_space<vmem>>
        %dma_wait3A_283 = arith.constant 0 : i32
        %dma_wait3A_284 = tpu.memref_slice %arg17[%add3A_265, %dma_wait3A_283] : memref<10000x128xf32, #tpu.memory_space<vmem_shared>> -> memref<40x128xf32, #tpu.memory_space<vmem_shared>>
        %dma_wait3A_285 = arith.constant 0 : i32
        %dma_wait3A_286 = tpu.memref_slice %arg17[%add3A_265, %dma_wait3A_285] : memref<10000x128xf32, #tpu.memory_space<vmem_shared>> -> memref<40x128xf32, #tpu.memory_space<vmem_shared>>
        %dma_wait3A_287 = arith.constant 0 : i32
        %dma_wait3A_288 = arith.constant 0 : i32
        %dma_wait3A_289 = tpu.memref_slice %arg14[%dma_wait3A_287, %dma_wait3A_288] : memref<80x128xf32, #tpu.memory_space<vmem>> -> memref<40x128xf32, #tpu.memory_space<vmem>>
        tpu.wait_dma2 semaphore(%run_scoped3A : memref<!tpu.dma_semaphore, #tpu.memory_space<semaphore_mem>>) src(%dma_wait3A_289 : memref<40x128xf32, #tpu.memory_space<vmem>>) dst(%dma_wait3A_286 : memref<40x128xf32, #tpu.memory_space<vmem_shared>>)
        tpu.yield
      }) : () -> ()
      %mul3A_266 = arith.constant 1000 : i32
      %mul3A_267 = arith.muli %arg1, %mul3A_266 : i32
      %add3A_268 = arith.constant 960 : i32
      %add3A_269 = arith.addi %mul3A_267, %add3A_268 : i32
      "tpu.region"() ({
        %run_scoped3A = tpu.sem_alloc : memref<!tpu.dma_semaphore, #tpu.memory_space<semaphore_mem>>
        %dma_start3A_270 = arith.constant 0 : i32
        %dma_start3A_271 = arith.constant 0 : i32
        %dma_start3A_272 = tpu.memref_slice %arg14[%dma_start3A_270, %dma_start3A_271] : memref<80x128xf32, #tpu.memory_space<vmem>> -> memref<40x128xf32, #tpu.memory_space<vmem>>
        %dma_start3A_273 = arith.constant 0 : i32
        %dma_start3A_274 = tpu.memref_slice %arg17[%add3A_269, %dma_start3A_273] : memref<10000x128xf32, #tpu.memory_space<vmem_shared>> -> memref<40x128xf32, #tpu.memory_space<vmem_shared>>
        %dma_start3A_275 = arith.constant 0 : i32
        %dma_start3A_276 = tpu.memref_slice %arg17[%add3A_269, %dma_start3A_275] : memref<10000x128xf32, #tpu.memory_space<vmem_shared>> -> memref<40x128xf32, #tpu.memory_space<vmem_shared>>
        %dma_start3A_277 = arith.constant 0 : i32
        %dma_start3A_278 = arith.constant 0 : i32
        %dma_start3A_279 = tpu.memref_slice %arg14[%dma_start3A_277, %dma_start3A_278] : memref<80x128xf32, #tpu.memory_space<vmem>> -> memref<40x128xf32, #tpu.memory_space<vmem>>
        tpu.enqueue_dma source(%dma_start3A_279 : memref<40x128xf32, #tpu.memory_space<vmem>>) target(%dma_start3A_276 : memref<40x128xf32, #tpu.memory_space<vmem_shared>>) target_semaphore(%run_scoped3A : memref<!tpu.dma_semaphore, #tpu.memory_space<semaphore_mem>>)
        %dma_wait3A_280 = arith.constant 0 : i32
        %dma_wait3A_281 = arith.constant 0 : i32
        %dma_wait3A_282 = tpu.memref_slice %arg14[%dma_wait3A_280, %dma_wait3A_281] : memref<80x128xf32, #tpu.memory_space<vmem>> -> memref<40x128xf32, #tpu.memory_space<vmem>>
        %dma_wait3A_283 = arith.constant 0 : i32
        %dma_wait3A_284 = tpu.memref_slice %arg17[%add3A_269, %dma_wait3A_283] : memref<10000x128xf32, #tpu.memory_space<vmem_shared>> -> memref<40x128xf32, #tpu.memory_space<vmem_shared>>
        %dma_wait3A_285 = arith.constant 0 : i32
        %dma_wait3A_286 = tpu.memref_slice %arg17[%add3A_269, %dma_wait3A_285] : memref<10000x128xf32, #tpu.memory_space<vmem_shared>> -> memref<40x128xf32, #tpu.memory_space<vmem_shared>>
        %dma_wait3A_287 = arith.constant 0 : i32
        %dma_wait3A_288 = arith.constant 0 : i32
        %dma_wait3A_289 = tpu.memref_slice %arg14[%dma_wait3A_287, %dma_wait3A_288] : memref<80x128xf32, #tpu.memory_space<vmem>> -> memref<40x128xf32, #tpu.memory_space<vmem>>
        tpu.wait_dma2 semaphore(%run_scoped3A : memref<!tpu.dma_semaphore, #tpu.memory_space<semaphore_mem>>) src(%dma_wait3A_289 : memref<40x128xf32, #tpu.memory_space<vmem>>) dst(%dma_wait3A_286 : memref<40x128xf32, #tpu.memory_space<vmem_shared>>)
        tpu.yield
      }) : () -> ()
    } else {
    }
    %barrier3A = arith.constant 0 : index
    tpu.barrier barrier_id(%barrier3A)
    "tpu.region"() ({
      %run_scoped3A = tpu.sem_alloc : memref<!tpu.dma_semaphore, #tpu.memory_space<semaphore_mem>>
      %dma_start3A_170 = arith.constant 0 : i32
      %dma_start3A_171 = arith.constant 0 : i32
      %dma_start3A_172 = tpu.memref_slice %arg3[%add3A, %dma_start3A_170, %dma_start3A_171] : memref<32x125x80xi32, #tpu.memory_space<hbm>> -> memref<1x125x80xi32, #tpu.memory_space<hbm>>
      %dma_start3A_173 = tpu.memref_squeeze %dma_start3A_172 : memref<1x125x80xi32, #tpu.memory_space<hbm>> -> memref<125x80xi32, #tpu.memory_space<hbm>>
      %dma_start3A_174 = arith.constant 0 : i32
      %dma_start3A_175 = arith.constant 0 : i32
      %dma_start3A_176 = tpu.memref_slice %arg3[%add3A, %dma_start3A_174, %dma_start3A_175] : memref<32x125x80xi32, #tpu.memory_space<hbm>> -> memref<1x125x80xi32, #tpu.memory_space<hbm>>
      %dma_start3A_177 = tpu.memref_squeeze %dma_start3A_176 : memref<1x125x80xi32, #tpu.memory_space<hbm>> -> memref<125x80xi32, #tpu.memory_space<hbm>>
      tpu.enqueue_dma source(%dma_start3A_177 : memref<125x80xi32, #tpu.memory_space<hbm>>) target(%arg7 : memref<125x80xi32, #tpu.memory_space<vmem>>) target_semaphore(%run_scoped3A : memref<!tpu.dma_semaphore, #tpu.memory_space<semaphore_mem>>)
      %dma_wait3A_178 = arith.constant 0 : i32
      %dma_wait3A_179 = arith.constant 0 : i32
      %dma_wait3A_180 = tpu.memref_slice %arg3[%add3A, %dma_wait3A_178, %dma_wait3A_179] : memref<32x125x80xi32, #tpu.memory_space<hbm>> -> memref<1x125x80xi32, #tpu.memory_space<hbm>>
      %dma_wait3A_181 = tpu.memref_squeeze %dma_wait3A_180 : memref<1x125x80xi32, #tpu.memory_space<hbm>> -> memref<125x80xi32, #tpu.memory_space<hbm>>
      %dma_wait3A_182 = arith.constant 0 : i32
      %dma_wait3A_183 = arith.constant 0 : i32
      %dma_wait3A_184 = tpu.memref_slice %arg3[%add3A, %dma_wait3A_182, %dma_wait3A_183] : memref<32x125x80xi32, #tpu.memory_space<hbm>> -> memref<1x125x80xi32, #tpu.memory_space<hbm>>
      %dma_wait3A_185 = tpu.memref_squeeze %dma_wait3A_184 : memref<1x125x80xi32, #tpu.memory_space<hbm>> -> memref<125x80xi32, #tpu.memory_space<hbm>>
      tpu.wait_dma2 semaphore(%run_scoped3A : memref<!tpu.dma_semaphore, #tpu.memory_space<semaphore_mem>>) src(%dma_wait3A_185 : memref<125x80xi32, #tpu.memory_space<hbm>>) dst(%arg7 : memref<125x80xi32, #tpu.memory_space<vmem>>)
      tpu.yield
    }) : () -> ()
    %dma_start3A = arith.constant 0 : i32
    %dma_start3A_8 = arith.constant 0 : i32
    %dma_start3A_9 = arith.constant 0 : i32
    %dma_start3A_10 = tpu.memref_slice %arg4[%add3A, %dma_start3A, %dma_start3A_8, %dma_start3A_9] : memref<32x125x1x80xi32, #tpu.memory_space<hbm>> -> memref<1x1x1x80xi32, #tpu.memory_space<hbm>>
    %dma_start3A_11 = tpu.memref_squeeze %dma_start3A_10 : memref<1x1x1x80xi32, #tpu.memory_space<hbm>> -> memref<1x80xi32, #tpu.memory_space<hbm>>
    %dma_start3A_12 = arith.constant 0 : i32
    %dma_start3A_13 = arith.constant 0 : i32
    %dma_start3A_14 = tpu.memref_slice %arg4[%add3A, %dma_start3A, %dma_start3A_12, %dma_start3A_13] : memref<32x125x1x80xi32, #tpu.memory_space<hbm>> -> memref<1x1x1x80xi32, #tpu.memory_space<hbm>>
    %dma_start3A_15 = tpu.memref_squeeze %dma_start3A_14 : memref<1x1x1x80xi32, #tpu.memory_space<hbm>> -> memref<1x80xi32, #tpu.memory_space<hbm>>
    tpu.enqueue_dma source(%dma_start3A_15 : memref<1x80xi32, #tpu.memory_space<hbm>>) target(%arg11 : memref<1x80xi32, #tpu.memory_space<vmem>>) target_semaphore(%arg21 : memref<!tpu.dma_semaphore, #tpu.memory_space<semaphore_mem>>)
    %get3A = arith.constant 0 : i32
    %get3A_16 = arith.index_cast %get3A : i32 to index
    %get3A_17 = arith.constant 0 : index
    %get3A_18 = tpu.vector_load %arg7[%get3A_16, %get3A_17] {strides = array<i32>} : memref<125x80xi32, #tpu.memory_space<vmem>>, vector<16xi32>,
    %swap3A = arith.constant 0 : index
    %swap3A_19 = tpu.vector_load %arg8[%swap3A] {strides = array<i32>} : memref<80xi32, #tpu.memory_space<vmem>>, vector<16xi32>,
    tpu.vector_store %arg8[%swap3A], %get3A_18 {strides = array<i32>} : memref<80xi32, #tpu.memory_space<vmem>>, vector<16xi32>,
    %get3A_20 = arith.constant 0 : i32
    %get3A_21 = arith.index_cast %get3A_20 : i32 to index
    %get3A_22 = arith.constant 16 : index
    %get3A_23 = tpu.vector_load %arg7[%get3A_21, %get3A_22] {strides = array<i32>} : memref<125x80xi32, #tpu.memory_space<vmem>>, vector<16xi32>,
    %swap3A_24 = arith.constant 16 : index
    %swap3A_25 = tpu.vector_load %arg8[%swap3A_24] {strides = array<i32>} : memref<80xi32, #tpu.memory_space<vmem>>, vector<16xi32>,
    tpu.vector_store %arg8[%swap3A_24], %get3A_23 {strides = array<i32>} : memref<80xi32, #tpu.memory_space<vmem>>, vector<16xi32>,
    %get3A_26 = arith.constant 0 : i32
    %get3A_27 = arith.index_cast %get3A_26 : i32 to index
    %get3A_28 = arith.constant 32 : index
    %get3A_29 = tpu.vector_load %arg7[%get3A_27, %get3A_28] {strides = array<i32>} : memref<125x80xi32, #tpu.memory_space<vmem>>, vector<16xi32>,
    %swap3A_30 = arith.constant 32 : index
    %swap3A_31 = tpu.vector_load %arg8[%swap3A_30] {strides = array<i32>} : memref<80xi32, #tpu.memory_space<vmem>>, vector<16xi32>,
    tpu.vector_store %arg8[%swap3A_30], %get3A_29 {strides = array<i32>} : memref<80xi32, #tpu.memory_space<vmem>>, vector<16xi32>,
    %get3A_32 = arith.constant 0 : i32
    %get3A_33 = arith.index_cast %get3A_32 : i32 to index
    %get3A_34 = arith.constant 48 : index
    %get3A_35 = tpu.vector_load %arg7[%get3A_33, %get3A_34] {strides = array<i32>} : memref<125x80xi32, #tpu.memory_space<vmem>>, vector<16xi32>,
    %swap3A_36 = arith.constant 48 : index
    %swap3A_37 = tpu.vector_load %arg8[%swap3A_36] {strides = array<i32>} : memref<80xi32, #tpu.memory_space<vmem>>, vector<16xi32>,
    tpu.vector_store %arg8[%swap3A_36], %get3A_35 {strides = array<i32>} : memref<80xi32, #tpu.memory_space<vmem>>, vector<16xi32>,
    %get3A_38 = arith.constant 0 : i32
    %get3A_39 = arith.index_cast %get3A_38 : i32 to index
    %get3A_40 = arith.constant 64 : index
    %get3A_41 = tpu.vector_load %arg7[%get3A_39, %get3A_40] {strides = array<i32>} : memref<125x80xi32, #tpu.memory_space<vmem>>, vector<16xi32>,
    %swap3A_42 = arith.constant 64 : index
    %swap3A_43 = tpu.vector_load %arg8[%swap3A_42] {strides = array<i32>} : memref<80xi32, #tpu.memory_space<vmem>>, vector<16xi32>,
    tpu.vector_store %arg8[%swap3A_42], %get3A_41 {strides = array<i32>} : memref<80xi32, #tpu.memory_space<vmem>>, vector<16xi32>,
    %dma_start3A_44 = arith.constant 0 : i32
    %dma_start3A_45 = arith.constant 0 : i32
    %dma_start3A_46 = tpu.memref_slice %arg2[%dma_start3A_44, %dma_start3A_45] : memref<10000x128xf32, #tpu.memory_space<hbm>> -> memref<10000x128xf32, #tpu.memory_space<hbm>>
    tpu.enqueue_indirect_dma source(%dma_start3A_46 : memref<10000x128xf32, #tpu.memory_space<hbm>>) target(%arg14 : memref<80x128xf32, #tpu.memory_space<vmem>>) offsets(%arg8 : memref<80xi32, #tpu.memory_space<vmem>>) semaphore(%arg18 : memref<!tpu.dma_semaphore, #tpu.memory_space<semaphore_mem>>)
    %dma_start3A_47 = arith.constant 1 : i32
    %dma_start3A_48 = arith.constant 0 : i32
    %dma_start3A_49 = arith.constant 0 : i32
    %dma_start3A_50 = tpu.memref_slice %arg4[%add3A, %dma_start3A_47, %dma_start3A_48, %dma_start3A_49] : memref<32x125x1x80xi32, #tpu.memory_space<hbm>> -> memref<1x1x1x80xi32, #tpu.memory_space<hbm>>
    %dma_start3A_51 = tpu.memref_squeeze %dma_start3A_50 : memref<1x1x1x80xi32, #tpu.memory_space<hbm>> -> memref<1x80xi32, #tpu.memory_space<hbm>>
    %dma_start3A_52 = arith.constant 0 : i32
    %dma_start3A_53 = arith.constant 0 : i32
    %dma_start3A_54 = tpu.memref_slice %arg4[%add3A, %dma_start3A_47, %dma_start3A_52, %dma_start3A_53] : memref<32x125x1x80xi32, #tpu.memory_space<hbm>> -> memref<1x1x1x80xi32, #tpu.memory_space<hbm>>
    %dma_start3A_55 = tpu.memref_squeeze %dma_start3A_54 : memref<1x1x1x80xi32, #tpu.memory_space<hbm>> -> memref<1x80xi32, #tpu.memory_space<hbm>>
    tpu.enqueue_dma source(%dma_start3A_55 : memref<1x80xi32, #tpu.memory_space<hbm>>) target(%arg12 : memref<1x80xi32, #tpu.memory_space<vmem>>) target_semaphore(%arg22 : memref<!tpu.dma_semaphore, #tpu.memory_space<semaphore_mem>>)
    %get3A_56 = arith.constant 1 : i32
    %get3A_57 = arith.index_cast %get3A_56 : i32 to index
    %get3A_58 = arith.constant 0 : index
    %get3A_59 = tpu.vector_load %arg7[%get3A_57, %get3A_58] {strides = array<i32>} : memref<125x80xi32, #tpu.memory_space<vmem>>, vector<16xi32>,
    %swap3A_60 = arith.constant 0 : index
    %swap3A_61 = tpu.vector_load %arg9[%swap3A_60] {strides = array<i32>} : memref<80xi32, #tpu.memory_space<vmem>>, vector<16xi32>,
    tpu.vector_store %arg9[%swap3A_60], %get3A_59 {strides = array<i32>} : memref<80xi32, #tpu.memory_space<vmem>>, vector<16xi32>,
    %get3A_62 = arith.constant 1 : i32
    %get3A_63 = arith.index_cast %get3A_62 : i32 to index
    %get3A_64 = arith.constant 16 : index
    %get3A_65 = tpu.vector_load %arg7[%get3A_63, %get3A_64] {strides = array<i32>} : memref<125x80xi32, #tpu.memory_space<vmem>>, vector<16xi32>,
    %swap3A_66 = arith.constant 16 : index
    %swap3A_67 = tpu.vector_load %arg9[%swap3A_66] {strides = array<i32>} : memref<80xi32, #tpu.memory_space<vmem>>, vector<16xi32>,
    tpu.vector_store %arg9[%swap3A_66], %get3A_65 {strides = array<i32>} : memref<80xi32, #tpu.memory_space<vmem>>, vector<16xi32>,
    %get3A_68 = arith.constant 1 : i32
    %get3A_69 = arith.index_cast %get3A_68 : i32 to index
    %get3A_70 = arith.constant 32 : index
    %get3A_71 = tpu.vector_load %arg7[%get3A_69, %get3A_70] {strides = array<i32>} : memref<125x80xi32, #tpu.memory_space<vmem>>, vector<16xi32>,
    %swap3A_72 = arith.constant 32 : index
    %swap3A_73 = tpu.vector_load %arg9[%swap3A_72] {strides = array<i32>} : memref<80xi32, #tpu.memory_space<vmem>>, vector<16xi32>,
    tpu.vector_store %arg9[%swap3A_72], %get3A_71 {strides = array<i32>} : memref<80xi32, #tpu.memory_space<vmem>>, vector<16xi32>,
    %get3A_74 = arith.constant 1 : i32
    %get3A_75 = arith.index_cast %get3A_74 : i32 to index
    %get3A_76 = arith.constant 48 : index
    %get3A_77 = tpu.vector_load %arg7[%get3A_75, %get3A_76] {strides = array<i32>} : memref<125x80xi32, #tpu.memory_space<vmem>>, vector<16xi32>,
    %swap3A_78 = arith.constant 48 : index
    %swap3A_79 = tpu.vector_load %arg9[%swap3A_78] {strides = array<i32>} : memref<80xi32, #tpu.memory_space<vmem>>, vector<16xi32>,
    tpu.vector_store %arg9[%swap3A_78], %get3A_77 {strides = array<i32>} : memref<80xi32, #tpu.memory_space<vmem>>, vector<16xi32>,
    %get3A_80 = arith.constant 1 : i32
    %get3A_81 = arith.index_cast %get3A_80 : i32 to index
    %get3A_82 = arith.constant 64 : index
    %get3A_83 = tpu.vector_load %arg7[%get3A_81, %get3A_82] {strides = array<i32>} : memref<125x80xi32, #tpu.memory_space<vmem>>, vector<16xi32>,
    %swap3A_84 = arith.constant 64 : index
    %swap3A_85 = tpu.vector_load %arg9[%swap3A_84] {strides = array<i32>} : memref<80xi32, #tpu.memory_space<vmem>>, vector<16xi32>,
    tpu.vector_store %arg9[%swap3A_84], %get3A_83 {strides = array<i32>} : memref<80xi32, #tpu.memory_space<vmem>>, vector<16xi32>,
    %dma_start3A_86 = arith.constant 0 : i32
    %dma_start3A_87 = arith.constant 0 : i32
    %dma_start3A_88 = tpu.memref_slice %arg2[%dma_start3A_86, %dma_start3A_87] : memref<10000x128xf32, #tpu.memory_space<hbm>> -> memref<10000x128xf32, #tpu.memory_space<hbm>>
    tpu.enqueue_indirect_dma source(%dma_start3A_88 : memref<10000x128xf32, #tpu.memory_space<hbm>>) target(%arg15 : memref<80x128xf32, #tpu.memory_space<vmem>>) offsets(%arg9 : memref<80xi32, #tpu.memory_space<vmem>>) semaphore(%arg19 : memref<!tpu.dma_semaphore, #tpu.memory_space<semaphore_mem>>)
    %dma_wait3A = arith.constant 0 : i32
    %dma_wait3A_89 = arith.constant 0 : i32
    %dma_wait3A_90 = tpu.memref_slice %arg2[%dma_wait3A, %dma_wait3A_89] : memref<10000x128xf32, #tpu.memory_space<hbm>> -> memref<10000x128xf32, #tpu.memory_space<hbm>>
    tpu.wait_indirect_dma semaphore(%arg18 : memref<!tpu.dma_semaphore, #tpu.memory_space<semaphore_mem>>) src(%dma_wait3A_90 : memref<10000x128xf32, #tpu.memory_space<hbm>>) dst(%arg14 : memref<80x128xf32, #tpu.memory_space<vmem>>)
    %dma_wait3A_91 = arith.constant 0 : i32
    %dma_wait3A_92 = arith.constant 0 : i32
    %dma_wait3A_93 = arith.constant 0 : i32
    %dma_wait3A_94 = tpu.memref_slice %arg4[%add3A, %dma_wait3A_91, %dma_wait3A_92, %dma_wait3A_93] : memref<32x125x1x80xi32, #tpu.memory_space<hbm>> -> memref<1x1x1x80xi32, #tpu.memory_space<hbm>>
    %dma_wait3A_95 = tpu.memref_squeeze %dma_wait3A_94 : memref<1x1x1x80xi32, #tpu.memory_space<hbm>> -> memref<1x80xi32, #tpu.memory_space<hbm>>
    %dma_wait3A_96 = arith.constant 0 : i32
    %dma_wait3A_97 = arith.constant 0 : i32
    %dma_wait3A_98 = tpu.memref_slice %arg4[%add3A, %dma_wait3A_91, %dma_wait3A_96, %dma_wait3A_97] : memref<32x125x1x80xi32, #tpu.memory_space<hbm>> -> memref<1x1x1x80xi32, #tpu.memory_space<hbm>>
    %dma_wait3A_99 = tpu.memref_squeeze %dma_wait3A_98 : memref<1x1x1x80xi32, #tpu.memory_space<hbm>> -> memref<1x80xi32, #tpu.memory_space<hbm>>
    tpu.wait_dma2 semaphore(%arg21 : memref<!tpu.dma_semaphore, #tpu.memory_space<semaphore_mem>>) src(%dma_wait3A_99 : memref<1x80xi32, #tpu.memory_space<hbm>>) dst(%arg11 : memref<1x80xi32, #tpu.memory_space<vmem>>)
    %dma_start3A_100 = arith.constant 0 : i32
    %dma_start3A_101 = arith.constant 0 : i32
    %dma_start3A_102 = tpu.memref_slice %arg11[%dma_start3A_100, %dma_start3A_101] : memref<1x80xi32, #tpu.memory_space<vmem>> -> memref<1x80xi32, #tpu.memory_space<vmem>>
    %dma_start3A_103 = tpu.memref_squeeze %dma_start3A_102 : memref<1x80xi32, #tpu.memory_space<vmem>> -> memref<80xi32, #tpu.memory_space<vmem>>
    %dma_start3A_104 = arith.constant 0 : i32
    %dma_start3A_105 = arith.constant 0 : i32
    %dma_start3A_106 = tpu.memref_slice %arg17[%dma_start3A_104, %dma_start3A_105] : memref<10000x128xf32, #tpu.memory_space<vmem_shared>> -> memref<10000x128xf32, #tpu.memory_space<vmem_shared>>
    tpu.enqueue_indirect_dma source(%arg14 : memref<80x128xf32, #tpu.memory_space<vmem>>) target(%dma_start3A_106 : memref<10000x128xf32, #tpu.memory_space<vmem_shared>>) offsets(%dma_start3A_103 : memref<80xi32, #tpu.memory_space<vmem>>) semaphore(%arg24 : memref<!tpu.dma_semaphore, #tpu.memory_space<semaphore_mem>>) {add = true}
    %scan3A_107 = arith.constant 0 : i32
    %scan3A_108 = arith.constant 0 : i32
    %scan3A_109 = arith.constant 41 : i32
    %scan3A_110 = arith.addi %scan3A_108, %scan3A_109 : i32
    %scan3A_111 = arith.constant 1 : i32
    scf.for %scan3A_170 = %scan3A_108 to %scan3A_110 step %scan3A_111  : i32 {
      %gt3A = arith.constant 0 : i32
      %gt3A_171 = arith.cmpi sgt, %scan3A_170, %gt3A : i32
      %convert_element_type3A_172 = arith.extui %gt3A_171 : i1 to i32
      %cond3A_173 = arith.constant 0 : i32
      %cond3A_174 = arith.cmpi ne, %convert_element_type3A_172, %cond3A_173 : i32
      scf.if %cond3A_174 {
        %dma_wait3A_375 = arith.constant 0 : i32
        %dma_wait3A_376 = arith.constant 0 : i32
        %dma_wait3A_377 = tpu.memref_slice %arg13[%dma_wait3A_375, %dma_wait3A_376] : memref<1x80xi32, #tpu.memory_space<vmem>> -> memref<1x80xi32, #tpu.memory_space<vmem>>
        %dma_wait3A_378 = tpu.memref_squeeze %dma_wait3A_377 : memref<1x80xi32, #tpu.memory_space<vmem>> -> memref<80xi32, #tpu.memory_space<vmem>>
        %dma_wait3A_379 = arith.constant 0 : i32
        %dma_wait3A_380 = arith.constant 0 : i32
        %dma_wait3A_381 = tpu.memref_slice %arg17[%dma_wait3A_379, %dma_wait3A_380] : memref<10000x128xf32, #tpu.memory_space<vmem_shared>> -> memref<10000x128xf32, #tpu.memory_space<vmem_shared>>
        tpu.wait_indirect_dma semaphore(%arg26 : memref<!tpu.dma_semaphore, #tpu.memory_space<semaphore_mem>>) src(%arg16 : memref<80x128xf32, #tpu.memory_space<vmem>>) dst(%dma_wait3A_381 : memref<10000x128xf32, #tpu.memory_space<vmem_shared>>)
      } else {
      }
      %mul3A_175 = arith.constant 3 : i32
      %mul3A_176 = arith.muli %mul3A_175, %scan3A_170 : i32
      %add3A_177 = arith.constant 2 : i32
      %add3A_178 = arith.addi %mul3A_176, %add3A_177 : i32
      %dma_start3A_179 = arith.constant 0 : i32
      %dma_start3A_180 = arith.constant 0 : i32
      %dma_start3A_181 = tpu.memref_slice %arg4[%add3A, %add3A_178, %dma_start3A_179, %dma_start3A_180] : memref<32x125x1x80xi32, #tpu.memory_space<hbm>> -> memref<1x1x1x80xi32, #tpu.memory_space<hbm>>
      %dma_start3A_182 = tpu.memref_squeeze %dma_start3A_181 : memref<1x1x1x80xi32, #tpu.memory_space<hbm>> -> memref<1x80xi32, #tpu.memory_space<hbm>>
      %dma_start3A_183 = arith.constant 0 : i32
      %dma_start3A_184 = arith.constant 0 : i32
      %dma_start3A_185 = tpu.memref_slice %arg4[%add3A, %add3A_178, %dma_start3A_183, %dma_start3A_184] : memref<32x125x1x80xi32, #tpu.memory_space<hbm>> -> memref<1x1x1x80xi32, #tpu.memory_space<hbm>>
      %dma_start3A_186 = tpu.memref_squeeze %dma_start3A_185 : memref<1x1x1x80xi32, #tpu.memory_space<hbm>> -> memref<1x80xi32, #tpu.memory_space<hbm>>
      tpu.enqueue_dma source(%dma_start3A_186 : memref<1x80xi32, #tpu.memory_space<hbm>>) target(%arg13 : memref<1x80xi32, #tpu.memory_space<vmem>>) target_semaphore(%arg23 : memref<!tpu.dma_semaphore, #tpu.memory_space<semaphore_mem>>)
      %get3A_187 = arith.index_cast %add3A_178 : i32 to index
      %get3A_188 = arith.constant 0 : index
      %get3A_189 = tpu.vector_load %arg7[%get3A_187, %get3A_188] {strides = array<i32>} : memref<125x80xi32, #tpu.memory_space<vmem>>, vector<16xi32>,
      %swap3A_190 = arith.constant 0 : index
      %swap3A_191 = tpu.vector_load %arg10[%swap3A_190] {strides = array<i32>} : memref<80xi32, #tpu.memory_space<vmem>>, vector<16xi32>,
      tpu.vector_store %arg10[%swap3A_190], %get3A_189 {strides = array<i32>} : memref<80xi32, #tpu.memory_space<vmem>>, vector<16xi32>,
      %get3A_192 = arith.index_cast %add3A_178 : i32 to index
      %get3A_193 = arith.constant 16 : index
      %get3A_194 = tpu.vector_load %arg7[%get3A_192, %get3A_193] {strides = array<i32>} : memref<125x80xi32, #tpu.memory_space<vmem>>, vector<16xi32>,
      %swap3A_195 = arith.constant 16 : index
      %swap3A_196 = tpu.vector_load %arg10[%swap3A_195] {strides = array<i32>} : memref<80xi32, #tpu.memory_space<vmem>>, vector<16xi32>,
      tpu.vector_store %arg10[%swap3A_195], %get3A_194 {strides = array<i32>} : memref<80xi32, #tpu.memory_space<vmem>>, vector<16xi32>,
      %get3A_197 = arith.index_cast %add3A_178 : i32 to index
      %get3A_198 = arith.constant 32 : index
      %get3A_199 = tpu.vector_load %arg7[%get3A_197, %get3A_198] {strides = array<i32>} : memref<125x80xi32, #tpu.memory_space<vmem>>, vector<16xi32>,
      %swap3A_200 = arith.constant 32 : index
      %swap3A_201 = tpu.vector_load %arg10[%swap3A_200] {strides = array<i32>} : memref<80xi32, #tpu.memory_space<vmem>>, vector<16xi32>,
      tpu.vector_store %arg10[%swap3A_200], %get3A_199 {strides = array<i32>} : memref<80xi32, #tpu.memory_space<vmem>>, vector<16xi32>,
      %get3A_202 = arith.index_cast %add3A_178 : i32 to index
      %get3A_203 = arith.constant 48 : index
      %get3A_204 = tpu.vector_load %arg7[%get3A_202, %get3A_203] {strides = array<i32>} : memref<125x80xi32, #tpu.memory_space<vmem>>, vector<16xi32>,
      %swap3A_205 = arith.constant 48 : index
      %swap3A_206 = tpu.vector_load %arg10[%swap3A_205] {strides = array<i32>} : memref<80xi32, #tpu.memory_space<vmem>>, vector<16xi32>,
      tpu.vector_store %arg10[%swap3A_205], %get3A_204 {strides = array<i32>} : memref<80xi32, #tpu.memory_space<vmem>>, vector<16xi32>,
      %get3A_207 = arith.index_cast %add3A_178 : i32 to index
      %get3A_208 = arith.constant 64 : index
      %get3A_209 = tpu.vector_load %arg7[%get3A_207, %get3A_208] {strides = array<i32>} : memref<125x80xi32, #tpu.memory_space<vmem>>, vector<16xi32>,
      %swap3A_210 = arith.constant 64 : index
      %swap3A_211 = tpu.vector_load %arg10[%swap3A_210] {strides = array<i32>} : memref<80xi32, #tpu.memory_space<vmem>>, vector<16xi32>,
      tpu.vector_store %arg10[%swap3A_210], %get3A_209 {strides = array<i32>} : memref<80xi32, #tpu.memory_space<vmem>>, vector<16xi32>,
      %dma_start3A_212 = arith.constant 0 : i32
      %dma_start3A_213 = arith.constant 0 : i32
      %dma_start3A_214 = tpu.memref_slice %arg2[%dma_start3A_212, %dma_start3A_213] : memref<10000x128xf32, #tpu.memory_space<hbm>> -> memref<10000x128xf32, #tpu.memory_space<hbm>>
      tpu.enqueue_indirect_dma source(%dma_start3A_214 : memref<10000x128xf32, #tpu.memory_space<hbm>>) target(%arg16 : memref<80x128xf32, #tpu.memory_space<vmem>>) offsets(%arg10 : memref<80xi32, #tpu.memory_space<vmem>>) semaphore(%arg20 : memref<!tpu.dma_semaphore, #tpu.memory_space<semaphore_mem>>)
      %mul3A_215 = arith.constant 3 : i32
      %mul3A_216 = arith.muli %mul3A_215, %scan3A_170 : i32
      %add3A_217 = arith.constant 1 : i32
      %add3A_218 = arith.addi %mul3A_216, %add3A_217 : i32
      %dma_wait3A_219 = arith.constant 0 : i32
      %dma_wait3A_220 = arith.constant 0 : i32
      %dma_wait3A_221 = tpu.memref_slice %arg2[%dma_wait3A_219, %dma_wait3A_220] : memref<10000x128xf32, #tpu.memory_space<hbm>> -> memref<10000x128xf32, #tpu.memory_space<hbm>>
      tpu.wait_indirect_dma semaphore(%arg19 : memref<!tpu.dma_semaphore, #tpu.memory_space<semaphore_mem>>) src(%dma_wait3A_221 : memref<10000x128xf32, #tpu.memory_space<hbm>>) dst(%arg15 : memref<80x128xf32, #tpu.memory_space<vmem>>)
      %dma_wait3A_222 = arith.constant 0 : i32
      %dma_wait3A_223 = arith.constant 0 : i32
      %dma_wait3A_224 = tpu.memref_slice %arg4[%add3A, %add3A_218, %dma_wait3A_222, %dma_wait3A_223] : memref<32x125x1x80xi32, #tpu.memory_space<hbm>> -> memref<1x1x1x80xi32, #tpu.memory_space<hbm>>
      %dma_wait3A_225 = tpu.memref_squeeze %dma_wait3A_224 : memref<1x1x1x80xi32, #tpu.memory_space<hbm>> -> memref<1x80xi32, #tpu.memory_space<hbm>>
      %dma_wait3A_226 = arith.constant 0 : i32
      %dma_wait3A_227 = arith.constant 0 : i32
      %dma_wait3A_228 = tpu.memref_slice %arg4[%add3A, %add3A_218, %dma_wait3A_226, %dma_wait3A_227] : memref<32x125x1x80xi32, #tpu.memory_space<hbm>> -> memref<1x1x1x80xi32, #tpu.memory_space<hbm>>
      %dma_wait3A_229 = tpu.memref_squeeze %dma_wait3A_228 : memref<1x1x1x80xi32, #tpu.memory_space<hbm>> -> memref<1x80xi32, #tpu.memory_space<hbm>>
      tpu.wait_dma2 semaphore(%arg22 : memref<!tpu.dma_semaphore, #tpu.memory_space<semaphore_mem>>) src(%dma_wait3A_229 : memref<1x80xi32, #tpu.memory_space<hbm>>) dst(%arg12 : memref<1x80xi32, #tpu.memory_space<vmem>>)
      %dma_start3A_230 = arith.constant 0 : i32
      %dma_start3A_231 = arith.constant 0 : i32
      %dma_start3A_232 = tpu.memref_slice %arg12[%dma_start3A_230, %dma_start3A_231] : memref<1x80xi32, #tpu.memory_space<vmem>> -> memref<1x80xi32, #tpu.memory_space<vmem>>
      %dma_start3A_233 = tpu.memref_squeeze %dma_start3A_232 : memref<1x80xi32, #tpu.memory_space<vmem>> -> memref<80xi32, #tpu.memory_space<vmem>>
      %dma_start3A_234 = arith.constant 0 : i32
      %dma_start3A_235 = arith.constant 0 : i32
      %dma_start3A_236 = tpu.memref_slice %arg17[%dma_start3A_234, %dma_start3A_235] : memref<10000x128xf32, #tpu.memory_space<vmem_shared>> -> memref<10000x128xf32, #tpu.memory_space<vmem_shared>>
      tpu.enqueue_indirect_dma source(%arg15 : memref<80x128xf32, #tpu.memory_space<vmem>>) target(%dma_start3A_236 : memref<10000x128xf32, #tpu.memory_space<vmem_shared>>) offsets(%dma_start3A_233 : memref<80xi32, #tpu.memory_space<vmem>>) semaphore(%arg25 : memref<!tpu.dma_semaphore, #tpu.memory_space<semaphore_mem>>) {add = true}
      %dma_wait3A_237 = arith.constant 0 : i32
      %dma_wait3A_238 = arith.constant 0 : i32
      %dma_wait3A_239 = tpu.memref_slice %arg11[%dma_wait3A_237, %dma_wait3A_238] : memref<1x80xi32, #tpu.memory_space<vmem>> -> memref<1x80xi32, #tpu.memory_space<vmem>>
      %dma_wait3A_240 = tpu.memref_squeeze %dma_wait3A_239 : memref<1x80xi32, #tpu.memory_space<vmem>> -> memref<80xi32, #tpu.memory_space<vmem>>
      %dma_wait3A_241 = arith.constant 0 : i32
      %dma_wait3A_242 = arith.constant 0 : i32
      %dma_wait3A_243 = tpu.memref_slice %arg17[%dma_wait3A_241, %dma_wait3A_242] : memref<10000x128xf32, #tpu.memory_space<vmem_shared>> -> memref<10000x128xf32, #tpu.memory_space<vmem_shared>>
      tpu.wait_indirect_dma semaphore(%arg24 : memref<!tpu.dma_semaphore, #tpu.memory_space<semaphore_mem>>) src(%arg14 : memref<80x128xf32, #tpu.memory_space<vmem>>) dst(%dma_wait3A_243 : memref<10000x128xf32, #tpu.memory_space<vmem_shared>>)
      %mul3A_244 = arith.constant 3 : i32
      %mul3A_245 = arith.muli %mul3A_244, %scan3A_170 : i32
      %add3A_246 = arith.constant 3 : i32
      %add3A_247 = arith.addi %mul3A_245, %add3A_246 : i32
      %dma_start3A_248 = arith.constant 0 : i32
      %dma_start3A_249 = arith.constant 0 : i32
      %dma_start3A_250 = tpu.memref_slice %arg4[%add3A, %add3A_247, %dma_start3A_248, %dma_start3A_249] : memref<32x125x1x80xi32, #tpu.memory_space<hbm>> -> memref<1x1x1x80xi32, #tpu.memory_space<hbm>>
      %dma_start3A_251 = tpu.memref_squeeze %dma_start3A_250 : memref<1x1x1x80xi32, #tpu.memory_space<hbm>> -> memref<1x80xi32, #tpu.memory_space<hbm>>
      %dma_start3A_252 = arith.constant 0 : i32
      %dma_start3A_253 = arith.constant 0 : i32
      %dma_start3A_254 = tpu.memref_slice %arg4[%add3A, %add3A_247, %dma_start3A_252, %dma_start3A_253] : memref<32x125x1x80xi32, #tpu.memory_space<hbm>> -> memref<1x1x1x80xi32, #tpu.memory_space<hbm>>
      %dma_start3A_255 = tpu.memref_squeeze %dma_start3A_254 : memref<1x1x1x80xi32, #tpu.memory_space<hbm>> -> memref<1x80xi32, #tpu.memory_space<hbm>>
      tpu.enqueue_dma source(%dma_start3A_255 : memref<1x80xi32, #tpu.memory_space<hbm>>) target(%arg11 : memref<1x80xi32, #tpu.memory_space<vmem>>) target_semaphore(%arg21 : memref<!tpu.dma_semaphore, #tpu.memory_space<semaphore_mem>>)
      %get3A_256 = arith.index_cast %add3A_247 : i32 to index
      %get3A_257 = arith.constant 0 : index
      %get3A_258 = tpu.vector_load %arg7[%get3A_256, %get3A_257] {strides = array<i32>} : memref<125x80xi32, #tpu.memory_space<vmem>>, vector<16xi32>,
      %swap3A_259 = arith.constant 0 : index
      %swap3A_260 = tpu.vector_load %arg8[%swap3A_259] {strides = array<i32>} : memref<80xi32, #tpu.memory_space<vmem>>, vector<16xi32>,
      tpu.vector_store %arg8[%swap3A_259], %get3A_258 {strides = array<i32>} : memref<80xi32, #tpu.memory_space<vmem>>, vector<16xi32>,
      %get3A_261 = arith.index_cast %add3A_247 : i32 to index
      %get3A_262 = arith.constant 16 : index
      %get3A_263 = tpu.vector_load %arg7[%get3A_261, %get3A_262] {strides = array<i32>} : memref<125x80xi32, #tpu.memory_space<vmem>>, vector<16xi32>,
      %swap3A_264 = arith.constant 16 : index
      %swap3A_265 = tpu.vector_load %arg8[%swap3A_264] {strides = array<i32>} : memref<80xi32, #tpu.memory_space<vmem>>, vector<16xi32>,
      tpu.vector_store %arg8[%swap3A_264], %get3A_263 {strides = array<i32>} : memref<80xi32, #tpu.memory_space<vmem>>, vector<16xi32>,
      %get3A_266 = arith.index_cast %add3A_247 : i32 to index
      %get3A_267 = arith.constant 32 : index
      %get3A_268 = tpu.vector_load %arg7[%get3A_266, %get3A_267] {strides = array<i32>} : memref<125x80xi32, #tpu.memory_space<vmem>>, vector<16xi32>,
      %swap3A_269 = arith.constant 32 : index
      %swap3A_270 = tpu.vector_load %arg8[%swap3A_269] {strides = array<i32>} : memref<80xi32, #tpu.memory_space<vmem>>, vector<16xi32>,
      tpu.vector_store %arg8[%swap3A_269], %get3A_268 {strides = array<i32>} : memref<80xi32, #tpu.memory_space<vmem>>, vector<16xi32>,
      %get3A_271 = arith.index_cast %add3A_247 : i32 to index
      %get3A_272 = arith.constant 48 : index
      %get3A_273 = tpu.vector_load %arg7[%get3A_271, %get3A_272] {strides = array<i32>} : memref<125x80xi32, #tpu.memory_space<vmem>>, vector<16xi32>,
      %swap3A_274 = arith.constant 48 : index
      %swap3A_275 = tpu.vector_load %arg8[%swap3A_274] {strides = array<i32>} : memref<80xi32, #tpu.memory_space<vmem>>, vector<16xi32>,
      tpu.vector_store %arg8[%swap3A_274], %get3A_273 {strides = array<i32>} : memref<80xi32, #tpu.memory_space<vmem>>, vector<16xi32>,
      %get3A_276 = arith.index_cast %add3A_247 : i32 to index
      %get3A_277 = arith.constant 64 : index
      %get3A_278 = tpu.vector_load %arg7[%get3A_276, %get3A_277] {strides = array<i32>} : memref<125x80xi32, #tpu.memory_space<vmem>>, vector<16xi32>,
      %swap3A_279 = arith.constant 64 : index
      %swap3A_280 = tpu.vector_load %arg8[%swap3A_279] {strides = array<i32>} : memref<80xi32, #tpu.memory_space<vmem>>, vector<16xi32>,
      tpu.vector_store %arg8[%swap3A_279], %get3A_278 {strides = array<i32>} : memref<80xi32, #tpu.memory_space<vmem>>, vector<16xi32>,
      %dma_start3A_281 = arith.constant 0 : i32
      %dma_start3A_282 = arith.constant 0 : i32
      %dma_start3A_283 = tpu.memref_slice %arg2[%dma_start3A_281, %dma_start3A_282] : memref<10000x128xf32, #tpu.memory_space<hbm>> -> memref<10000x128xf32, #tpu.memory_space<hbm>>
      tpu.enqueue_indirect_dma source(%dma_start3A_283 : memref<10000x128xf32, #tpu.memory_space<hbm>>) target(%arg14 : memref<80x128xf32, #tpu.memory_space<vmem>>) offsets(%arg8 : memref<80xi32, #tpu.memory_space<vmem>>) semaphore(%arg18 : memref<!tpu.dma_semaphore, #tpu.memory_space<semaphore_mem>>)
      %mul3A_284 = arith.constant 3 : i32
      %mul3A_285 = arith.muli %mul3A_284, %scan3A_170 : i32
      %add3A_286 = arith.constant 2 : i32
      %add3A_287 = arith.addi %mul3A_285, %add3A_286 : i32
      %dma_wait3A_288 = arith.constant 0 : i32
      %dma_wait3A_289 = arith.constant 0 : i32
      %dma_wait3A_290 = tpu.memref_slice %arg2[%dma_wait3A_288, %dma_wait3A_289] : memref<10000x128xf32, #tpu.memory_space<hbm>> -> memref<10000x128xf32, #tpu.memory_space<hbm>>
      tpu.wait_indirect_dma semaphore(%arg20 : memref<!tpu.dma_semaphore, #tpu.memory_space<semaphore_mem>>) src(%dma_wait3A_290 : memref<10000x128xf32, #tpu.memory_space<hbm>>) dst(%arg16 : memref<80x128xf32, #tpu.memory_space<vmem>>)
      %dma_wait3A_291 = arith.constant 0 : i32
      %dma_wait3A_292 = arith.constant 0 : i32
      %dma_wait3A_293 = tpu.memref_slice %arg4[%add3A, %add3A_287, %dma_wait3A_291, %dma_wait3A_292] : memref<32x125x1x80xi32, #tpu.memory_space<hbm>> -> memref<1x1x1x80xi32, #tpu.memory_space<hbm>>
      %dma_wait3A_294 = tpu.memref_squeeze %dma_wait3A_293 : memref<1x1x1x80xi32, #tpu.memory_space<hbm>> -> memref<1x80xi32, #tpu.memory_space<hbm>>
      %dma_wait3A_295 = arith.constant 0 : i32
      %dma_wait3A_296 = arith.constant 0 : i32
      %dma_wait3A_297 = tpu.memref_slice %arg4[%add3A, %add3A_287, %dma_wait3A_295, %dma_wait3A_296] : memref<32x125x1x80xi32, #tpu.memory_space<hbm>> -> memref<1x1x1x80xi32, #tpu.memory_space<hbm>>
      %dma_wait3A_298 = tpu.memref_squeeze %dma_wait3A_297 : memref<1x1x1x80xi32, #tpu.memory_space<hbm>> -> memref<1x80xi32, #tpu.memory_space<hbm>>
      tpu.wait_dma2 semaphore(%arg23 : memref<!tpu.dma_semaphore, #tpu.memory_space<semaphore_mem>>) src(%dma_wait3A_298 : memref<1x80xi32, #tpu.memory_space<hbm>>) dst(%arg13 : memref<1x80xi32, #tpu.memory_space<vmem>>)
      %dma_start3A_299 = arith.constant 0 : i32
      %dma_start3A_300 = arith.constant 0 : i32
      %dma_start3A_301 = tpu.memref_slice %arg13[%dma_start3A_299, %dma_start3A_300] : memref<1x80xi32, #tpu.memory_space<vmem>> -> memref<1x80xi32, #tpu.memory_space<vmem>>
      %dma_start3A_302 = tpu.memref_squeeze %dma_start3A_301 : memref<1x80xi32, #tpu.memory_space<vmem>> -> memref<80xi32, #tpu.memory_space<vmem>>
      %dma_start3A_303 = arith.constant 0 : i32
      %dma_start3A_304 = arith.constant 0 : i32
      %dma_start3A_305 = tpu.memref_slice %arg17[%dma_start3A_303, %dma_start3A_304] : memref<10000x128xf32, #tpu.memory_space<vmem_shared>> -> memref<10000x128xf32, #tpu.memory_space<vmem_shared>>
      tpu.enqueue_indirect_dma source(%arg16 : memref<80x128xf32, #tpu.memory_space<vmem>>) target(%dma_start3A_305 : memref<10000x128xf32, #tpu.memory_space<vmem_shared>>) offsets(%dma_start3A_302 : memref<80xi32, #tpu.memory_space<vmem>>) semaphore(%arg26 : memref<!tpu.dma_semaphore, #tpu.memory_space<semaphore_mem>>) {add = true}
      %dma_wait3A_306 = arith.constant 0 : i32
      %dma_wait3A_307 = arith.constant 0 : i32
      %dma_wait3A_308 = tpu.memref_slice %arg12[%dma_wait3A_306, %dma_wait3A_307] : memref<1x80xi32, #tpu.memory_space<vmem>> -> memref<1x80xi32, #tpu.memory_space<vmem>>
      %dma_wait3A_309 = tpu.memref_squeeze %dma_wait3A_308 : memref<1x80xi32, #tpu.memory_space<vmem>> -> memref<80xi32, #tpu.memory_space<vmem>>
      %dma_wait3A_310 = arith.constant 0 : i32
      %dma_wait3A_311 = arith.constant 0 : i32
      %dma_wait3A_312 = tpu.memref_slice %arg17[%dma_wait3A_310, %dma_wait3A_311] : memref<10000x128xf32, #tpu.memory_space<vmem_shared>> -> memref<10000x128xf32, #tpu.memory_space<vmem_shared>>
      tpu.wait_indirect_dma semaphore(%arg25 : memref<!tpu.dma_semaphore, #tpu.memory_space<semaphore_mem>>) src(%arg15 : memref<80x128xf32, #tpu.memory_space<vmem>>) dst(%dma_wait3A_312 : memref<10000x128xf32, #tpu.memory_space<vmem_shared>>)
      %mul3A_313 = arith.constant 3 : i32
      %mul3A_314 = arith.muli %mul3A_313, %scan3A_170 : i32
      %add3A_315 = arith.constant 4 : i32
      %add3A_316 = arith.addi %mul3A_314, %add3A_315 : i32
      %dma_start3A_317 = arith.constant 0 : i32
      %dma_start3A_318 = arith.constant 0 : i32
      %dma_start3A_319 = tpu.memref_slice %arg4[%add3A, %add3A_316, %dma_start3A_317, %dma_start3A_318] : memref<32x125x1x80xi32, #tpu.memory_space<hbm>> -> memref<1x1x1x80xi32, #tpu.memory_space<hbm>>
      %dma_start3A_320 = tpu.memref_squeeze %dma_start3A_319 : memref<1x1x1x80xi32, #tpu.memory_space<hbm>> -> memref<1x80xi32, #tpu.memory_space<hbm>>
      %dma_start3A_321 = arith.constant 0 : i32
      %dma_start3A_322 = arith.constant 0 : i32
      %dma_start3A_323 = tpu.memref_slice %arg4[%add3A, %add3A_316, %dma_start3A_321, %dma_start3A_322] : memref<32x125x1x80xi32, #tpu.memory_space<hbm>> -> memref<1x1x1x80xi32, #tpu.memory_space<hbm>>
      %dma_start3A_324 = tpu.memref_squeeze %dma_start3A_323 : memref<1x1x1x80xi32, #tpu.memory_space<hbm>> -> memref<1x80xi32, #tpu.memory_space<hbm>>
      tpu.enqueue_dma source(%dma_start3A_324 : memref<1x80xi32, #tpu.memory_space<hbm>>) target(%arg12 : memref<1x80xi32, #tpu.memory_space<vmem>>) target_semaphore(%arg22 : memref<!tpu.dma_semaphore, #tpu.memory_space<semaphore_mem>>)
      %get3A_325 = arith.index_cast %add3A_316 : i32 to index
      %get3A_326 = arith.constant 0 : index
      %get3A_327 = tpu.vector_load %arg7[%get3A_325, %get3A_326] {strides = array<i32>} : memref<125x80xi32, #tpu.memory_space<vmem>>, vector<16xi32>,
      %swap3A_328 = arith.constant 0 : index
      %swap3A_329 = tpu.vector_load %arg9[%swap3A_328] {strides = array<i32>} : memref<80xi32, #tpu.memory_space<vmem>>, vector<16xi32>,
      tpu.vector_store %arg9[%swap3A_328], %get3A_327 {strides = array<i32>} : memref<80xi32, #tpu.memory_space<vmem>>, vector<16xi32>,
      %get3A_330 = arith.index_cast %add3A_316 : i32 to index
      %get3A_331 = arith.constant 16 : index
      %get3A_332 = tpu.vector_load %arg7[%get3A_330, %get3A_331] {strides = array<i32>} : memref<125x80xi32, #tpu.memory_space<vmem>>, vector<16xi32>,
      %swap3A_333 = arith.constant 16 : index
      %swap3A_334 = tpu.vector_load %arg9[%swap3A_333] {strides = array<i32>} : memref<80xi32, #tpu.memory_space<vmem>>, vector<16xi32>,
      tpu.vector_store %arg9[%swap3A_333], %get3A_332 {strides = array<i32>} : memref<80xi32, #tpu.memory_space<vmem>>, vector<16xi32>,
      %get3A_335 = arith.index_cast %add3A_316 : i32 to index
      %get3A_336 = arith.constant 32 : index
      %get3A_337 = tpu.vector_load %arg7[%get3A_335, %get3A_336] {strides = array<i32>} : memref<125x80xi32, #tpu.memory_space<vmem>>, vector<16xi32>,
      %swap3A_338 = arith.constant 32 : index
      %swap3A_339 = tpu.vector_load %arg9[%swap3A_338] {strides = array<i32>} : memref<80xi32, #tpu.memory_space<vmem>>, vector<16xi32>,
      tpu.vector_store %arg9[%swap3A_338], %get3A_337 {strides = array<i32>} : memref<80xi32, #tpu.memory_space<vmem>>, vector<16xi32>,
      %get3A_340 = arith.index_cast %add3A_316 : i32 to index
      %get3A_341 = arith.constant 48 : index
      %get3A_342 = tpu.vector_load %arg7[%get3A_340, %get3A_341] {strides = array<i32>} : memref<125x80xi32, #tpu.memory_space<vmem>>, vector<16xi32>,
      %swap3A_343 = arith.constant 48 : index
      %swap3A_344 = tpu.vector_load %arg9[%swap3A_343] {strides = array<i32>} : memref<80xi32, #tpu.memory_space<vmem>>, vector<16xi32>,
      tpu.vector_store %arg9[%swap3A_343], %get3A_342 {strides = array<i32>} : memref<80xi32, #tpu.memory_space<vmem>>, vector<16xi32>,
      %get3A_345 = arith.index_cast %add3A_316 : i32 to index
      %get3A_346 = arith.constant 64 : index
      %get3A_347 = tpu.vector_load %arg7[%get3A_345, %get3A_346] {strides = array<i32>} : memref<125x80xi32, #tpu.memory_space<vmem>>, vector<16xi32>,
      %swap3A_348 = arith.constant 64 : index
      %swap3A_349 = tpu.vector_load %arg9[%swap3A_348] {strides = array<i32>} : memref<80xi32, #tpu.memory_space<vmem>>, vector<16xi32>,
      tpu.vector_store %arg9[%swap3A_348], %get3A_347 {strides = array<i32>} : memref<80xi32, #tpu.memory_space<vmem>>, vector<16xi32>,
      %dma_start3A_350 = arith.constant 0 : i32
      %dma_start3A_351 = arith.constant 0 : i32
      %dma_start3A_352 = tpu.memref_slice %arg2[%dma_start3A_350, %dma_start3A_351] : memref<10000x128xf32, #tpu.memory_space<hbm>> -> memref<10000x128xf32, #tpu.memory_space<hbm>>
      tpu.enqueue_indirect_dma source(%dma_start3A_352 : memref<10000x128xf32, #tpu.memory_space<hbm>>) target(%arg15 : memref<80x128xf32, #tpu.memory_space<vmem>>) offsets(%arg9 : memref<80xi32, #tpu.memory_space<vmem>>) semaphore(%arg19 : memref<!tpu.dma_semaphore, #tpu.memory_space<semaphore_mem>>)
      %mul3A_353 = arith.constant 3 : i32
      %mul3A_354 = arith.muli %mul3A_353, %scan3A_170 : i32
      %add3A_355 = arith.constant 3 : i32
      %add3A_356 = arith.addi %mul3A_354, %add3A_355 : i32
      %dma_wait3A_357 = arith.constant 0 : i32
      %dma_wait3A_358 = arith.constant 0 : i32
      %dma_wait3A_359 = tpu.memref_slice %arg2[%dma_wait3A_357, %dma_wait3A_358] : memref<10000x128xf32, #tpu.memory_space<hbm>> -> memref<10000x128xf32, #tpu.memory_space<hbm>>
      tpu.wait_indirect_dma semaphore(%arg18 : memref<!tpu.dma_semaphore, #tpu.memory_space<semaphore_mem>>) src(%dma_wait3A_359 : memref<10000x128xf32, #tpu.memory_space<hbm>>) dst(%arg14 : memref<80x128xf32, #tpu.memory_space<vmem>>)
      %dma_wait3A_360 = arith.constant 0 : i32
      %dma_wait3A_361 = arith.constant 0 : i32
      %dma_wait3A_362 = tpu.memref_slice %arg4[%add3A, %add3A_356, %dma_wait3A_360, %dma_wait3A_361] : memref<32x125x1x80xi32, #tpu.memory_space<hbm>> -> memref<1x1x1x80xi32, #tpu.memory_space<hbm>>
      %dma_wait3A_363 = tpu.memref_squeeze %dma_wait3A_362 : memref<1x1x1x80xi32, #tpu.memory_space<hbm>> -> memref<1x80xi32, #tpu.memory_space<hbm>>
      %dma_wait3A_364 = arith.constant 0 : i32
      %dma_wait3A_365 = arith.constant 0 : i32
      %dma_wait3A_366 = tpu.memref_slice %arg4[%add3A, %add3A_356, %dma_wait3A_364, %dma_wait3A_365] : memref<32x125x1x80xi32, #tpu.memory_space<hbm>> -> memref<1x1x1x80xi32, #tpu.memory_space<hbm>>
      %dma_wait3A_367 = tpu.memref_squeeze %dma_wait3A_366 : memref<1x1x1x80xi32, #tpu.memory_space<hbm>> -> memref<1x80xi32, #tpu.memory_space<hbm>>
      tpu.wait_dma2 semaphore(%arg21 : memref<!tpu.dma_semaphore, #tpu.memory_space<semaphore_mem>>) src(%dma_wait3A_367 : memref<1x80xi32, #tpu.memory_space<hbm>>) dst(%arg11 : memref<1x80xi32, #tpu.memory_space<vmem>>)
      %dma_start3A_368 = arith.constant 0 : i32
      %dma_start3A_369 = arith.constant 0 : i32
      %dma_start3A_370 = tpu.memref_slice %arg11[%dma_start3A_368, %dma_start3A_369] : memref<1x80xi32, #tpu.memory_space<vmem>> -> memref<1x80xi32, #tpu.memory_space<vmem>>
      %dma_start3A_371 = tpu.memref_squeeze %dma_start3A_370 : memref<1x80xi32, #tpu.memory_space<vmem>> -> memref<80xi32, #tpu.memory_space<vmem>>
      %dma_start3A_372 = arith.constant 0 : i32
      %dma_start3A_373 = arith.constant 0 : i32
      %dma_start3A_374 = tpu.memref_slice %arg17[%dma_start3A_372, %dma_start3A_373] : memref<10000x128xf32, #tpu.memory_space<vmem_shared>> -> memref<10000x128xf32, #tpu.memory_space<vmem_shared>>
      tpu.enqueue_indirect_dma source(%arg14 : memref<80x128xf32, #tpu.memory_space<vmem>>) target(%dma_start3A_374 : memref<10000x128xf32, #tpu.memory_space<vmem_shared>>) offsets(%dma_start3A_371 : memref<80xi32, #tpu.memory_space<vmem>>) semaphore(%arg24 : memref<!tpu.dma_semaphore, #tpu.memory_space<semaphore_mem>>) {add = true}
    }
    %scan3A_112 = arith.constant 41 : i32
    %dma_wait3A_113 = arith.constant 0 : i32
    %dma_wait3A_114 = arith.constant 0 : i32
    %dma_wait3A_115 = tpu.memref_slice %arg2[%dma_wait3A_113, %dma_wait3A_114] : memref<10000x128xf32, #tpu.memory_space<hbm>> -> memref<10000x128xf32, #tpu.memory_space<hbm>>
    tpu.wait_indirect_dma semaphore(%arg19 : memref<!tpu.dma_semaphore, #tpu.memory_space<semaphore_mem>>) src(%dma_wait3A_115 : memref<10000x128xf32, #tpu.memory_space<hbm>>) dst(%arg15 : memref<80x128xf32, #tpu.memory_space<vmem>>)
    %dma_wait3A_116 = arith.constant 124 : i32
    %dma_wait3A_117 = arith.constant 0 : i32
    %dma_wait3A_118 = arith.constant 0 : i32
    %dma_wait3A_119 = tpu.memref_slice %arg4[%add3A, %dma_wait3A_116, %dma_wait3A_117, %dma_wait3A_118] : memref<32x125x1x80xi32, #tpu.memory_space<hbm>> -> memref<1x1x1x80xi32, #tpu.memory_space<hbm>>
    %dma_wait3A_120 = tpu.memref_squeeze %dma_wait3A_119 : memref<1x1x1x80xi32, #tpu.memory_space<hbm>> -> memref<1x80xi32, #tpu.memory_space<hbm>>
    %dma_wait3A_121 = arith.constant 0 : i32
    %dma_wait3A_122 = arith.constant 0 : i32
    %dma_wait3A_123 = tpu.memref_slice %arg4[%add3A, %dma_wait3A_116, %dma_wait3A_121, %dma_wait3A_122] : memref<32x125x1x80xi32, #tpu.memory_space<hbm>> -> memref<1x1x1x80xi32, #tpu.memory_space<hbm>>
    %dma_wait3A_124 = tpu.memref_squeeze %dma_wait3A_123 : memref<1x1x1x80xi32, #tpu.memory_space<hbm>> -> memref<1x80xi32, #tpu.memory_space<hbm>>
    tpu.wait_dma2 semaphore(%arg22 : memref<!tpu.dma_semaphore, #tpu.memory_space<semaphore_mem>>) src(%dma_wait3A_124 : memref<1x80xi32, #tpu.memory_space<hbm>>) dst(%arg12 : memref<1x80xi32, #tpu.memory_space<vmem>>)
    %dma_start3A_125 = arith.constant 0 : i32
    %dma_start3A_126 = arith.constant 0 : i32
    %dma_start3A_127 = tpu.memref_slice %arg12[%dma_start3A_125, %dma_start3A_126] : memref<1x80xi32, #tpu.memory_space<vmem>> -> memref<1x80xi32, #tpu.memory_space<vmem>>
    %dma_start3A_128 = tpu.memref_squeeze %dma_start3A_127 : memref<1x80xi32, #tpu.memory_space<vmem>> -> memref<80xi32, #tpu.memory_space<vmem>>
    %dma_start3A_129 = arith.constant 0 : i32
    %dma_start3A_130 = arith.constant 0 : i32
    %dma_start3A_131 = tpu.memref_slice %arg17[%dma_start3A_129, %dma_start3A_130] : memref<10000x128xf32, #tpu.memory_space<vmem_shared>> -> memref<10000x128xf32, #tpu.memory_space<vmem_shared>>
    tpu.enqueue_indirect_dma source(%arg15 : memref<80x128xf32, #tpu.memory_space<vmem>>) target(%dma_start3A_131 : memref<10000x128xf32, #tpu.memory_space<vmem_shared>>) offsets(%dma_start3A_128 : memref<80xi32, #tpu.memory_space<vmem>>) semaphore(%arg25 : memref<!tpu.dma_semaphore, #tpu.memory_space<semaphore_mem>>) {add = true}
    %dma_wait3A_132 = arith.constant 0 : i32
    %dma_wait3A_133 = arith.constant 0 : i32
    %dma_wait3A_134 = tpu.memref_slice %arg13[%dma_wait3A_132, %dma_wait3A_133] : memref<1x80xi32, #tpu.memory_space<vmem>> -> memref<1x80xi32, #tpu.memory_space<vmem>>
    %dma_wait3A_135 = tpu.memref_squeeze %dma_wait3A_134 : memref<1x80xi32, #tpu.memory_space<vmem>> -> memref<80xi32, #tpu.memory_space<vmem>>
    %dma_wait3A_136 = arith.constant 0 : i32
    %dma_wait3A_137 = arith.constant 0 : i32
    %dma_wait3A_138 = tpu.memref_slice %arg17[%dma_wait3A_136, %dma_wait3A_137] : memref<10000x128xf32, #tpu.memory_space<vmem_shared>> -> memref<10000x128xf32, #tpu.memory_space<vmem_shared>>
    tpu.wait_indirect_dma semaphore(%arg26 : memref<!tpu.dma_semaphore, #tpu.memory_space<semaphore_mem>>) src(%arg16 : memref<80x128xf32, #tpu.memory_space<vmem>>) dst(%dma_wait3A_138 : memref<10000x128xf32, #tpu.memory_space<vmem_shared>>)
    %dma_wait3A_139 = arith.constant 0 : i32
    %dma_wait3A_140 = arith.constant 0 : i32
    %dma_wait3A_141 = tpu.memref_slice %arg11[%dma_wait3A_139, %dma_wait3A_140] : memref<1x80xi32, #tpu.memory_space<vmem>> -> memref<1x80xi32, #tpu.memory_space<vmem>>
    %dma_wait3A_142 = tpu.memref_squeeze %dma_wait3A_141 : memref<1x80xi32, #tpu.memory_space<vmem>> -> memref<80xi32, #tpu.memory_space<vmem>>
    %dma_wait3A_143 = arith.constant 0 : i32
    %dma_wait3A_144 = arith.constant 0 : i32
    %dma_wait3A_145 = tpu.memref_slice %arg17[%dma_wait3A_143, %dma_wait3A_144] : memref<10000x128xf32, #tpu.memory_space<vmem_shared>> -> memref<10000x128xf32, #tpu.memory_space<vmem_shared>>
    tpu.wait_indirect_dma semaphore(%arg24 : memref<!tpu.dma_semaphore, #tpu.memory_space<semaphore_mem>>) src(%arg14 : memref<80x128xf32, #tpu.memory_space<vmem>>) dst(%dma_wait3A_145 : memref<10000x128xf32, #tpu.memory_space<vmem_shared>>)
    %dma_wait3A_146 = arith.constant 0 : i32
    %dma_wait3A_147 = arith.constant 0 : i32
    %dma_wait3A_148 = tpu.memref_slice %arg12[%dma_wait3A_146, %dma_wait3A_147] : memref<1x80xi32, #tpu.memory_space<vmem>> -> memref<1x80xi32, #tpu.memory_space<vmem>>
    %dma_wait3A_149 = tpu.memref_squeeze %dma_wait3A_148 : memref<1x80xi32, #tpu.memory_space<vmem>> -> memref<80xi32, #tpu.memory_space<vmem>>
    %dma_wait3A_150 = arith.constant 0 : i32
    %dma_wait3A_151 = arith.constant 0 : i32
    %dma_wait3A_152 = tpu.memref_slice %arg17[%dma_wait3A_150, %dma_wait3A_151] : memref<10000x128xf32, #tpu.memory_space<vmem_shared>> -> memref<10000x128xf32, #tpu.memory_space<vmem_shared>>
    tpu.wait_indirect_dma semaphore(%arg25 : memref<!tpu.dma_semaphore, #tpu.memory_space<semaphore_mem>>) src(%arg15 : memref<80x128xf32, #tpu.memory_space<vmem>>) dst(%dma_wait3A_152 : memref<10000x128xf32, #tpu.memory_space<vmem_shared>>)
    %barrier3A_153 = arith.constant 0 : index
    tpu.barrier barrier_id(%barrier3A_153)
    %mul3A_154 = arith.constant 1000 : i32
    %mul3A_155 = arith.muli %arg1, %mul3A_154 : i32
    %lt3A_156 = arith.constant 10 : i32
    %lt3A_157 = arith.cmpi slt, %arg1, %lt3A_156 : i32
    %eq3A = arith.constant 0 : i32
    %eq3A_158 = arith.cmpi eq, %arg0, %eq3A : i32
    %and3A = arith.andi %lt3A_157, %eq3A_158 : i1
    %convert_element_type3A_159 = arith.extui %and3A : i1 to i32
    %cond3A_160 = arith.constant 0 : i32
    %cond3A_161 = arith.cmpi ne, %convert_element_type3A_159, %cond3A_160 : i32
    scf.if %cond3A_161 {
      "tpu.region"() ({
        %run_scoped3A = tpu.sem_alloc : memref<!tpu.dma_semaphore, #tpu.memory_space<semaphore_mem>>
        %dma_start3A_170 = arith.constant 0 : i32
        %dma_start3A_171 = tpu.memref_slice %arg5[%mul3A_155, %dma_start3A_170] : memref<10000x128xf32, #tpu.memory_space<hbm>> -> memref<1000x128xf32, #tpu.memory_space<hbm>>
        %dma_start3A_172 = arith.constant 0 : i32
        %dma_start3A_173 = tpu.memref_slice %arg17[%mul3A_155, %dma_start3A_172] : memref<10000x128xf32, #tpu.memory_space<vmem_shared>> -> memref<1000x128xf32, #tpu.memory_space<vmem_shared>>
        tpu.enqueue_dma source(%dma_start3A_173 : memref<1000x128xf32, #tpu.memory_space<vmem_shared>>) target(%dma_start3A_171 : memref<1000x128xf32, #tpu.memory_space<hbm>>) target_semaphore(%run_scoped3A : memref<!tpu.dma_semaphore, #tpu.memory_space<semaphore_mem>>)
        %dma_wait3A_174 = arith.constant 0 : i32
        %dma_wait3A_175 = tpu.memref_slice %arg5[%mul3A_155, %dma_wait3A_174] : memref<10000x128xf32, #tpu.memory_space<hbm>> -> memref<1000x128xf32, #tpu.memory_space<hbm>>
        %dma_wait3A_176 = arith.constant 0 : i32
        %dma_wait3A_177 = tpu.memref_slice %arg17[%mul3A_155, %dma_wait3A_176] : memref<10000x128xf32, #tpu.memory_space<vmem_shared>> -> memref<1000x128xf32, #tpu.memory_space<vmem_shared>>
        tpu.wait_dma2 semaphore(%run_scoped3A : memref<!tpu.dma_semaphore, #tpu.memory_space<semaphore_mem>>) src(%dma_wait3A_177 : memref<1000x128xf32, #tpu.memory_space<vmem_shared>>) dst(%dma_wait3A_175 : memref<1000x128xf32, #tpu.memory_space<hbm>>)
        tpu.yield
      }) : () -> ()
    } else {
    }
    %lt3A_162 = arith.constant 10 : i32
    %lt3A_163 = arith.cmpi slt, %arg1, %lt3A_162 : i32
    %eq3A_164 = arith.constant 1 : i32
    %eq3A_165 = arith.cmpi eq, %arg0, %eq3A_164 : i32
    %and3A_166 = arith.andi %lt3A_163, %eq3A_165 : i1
    %convert_element_type3A_167 = arith.extui %and3A_166 : i1 to i32
    %cond3A_168 = arith.constant 0 : i32
    %cond3A_169 = arith.cmpi ne, %convert_element_type3A_167, %cond3A_168 : i32
    scf.if %cond3A_169 {
      "tpu.region"() ({
        %run_scoped3A = tpu.sem_alloc : memref<!tpu.dma_semaphore, #tpu.memory_space<semaphore_mem>>
        %dma_start3A_170 = arith.constant 0 : i32
        %dma_start3A_171 = tpu.memref_slice %arg6[%mul3A_155, %dma_start3A_170] : memref<10000x128xf32, #tpu.memory_space<hbm>> -> memref<1000x128xf32, #tpu.memory_space<hbm>>
        %dma_start3A_172 = arith.constant 0 : i32
        %dma_start3A_173 = tpu.memref_slice %arg17[%mul3A_155, %dma_start3A_172] : memref<10000x128xf32, #tpu.memory_space<vmem_shared>> -> memref<1000x128xf32, #tpu.memory_space<vmem_shared>>
        tpu.enqueue_dma source(%dma_start3A_173 : memref<1000x128xf32, #tpu.memory_space<vmem_shared>>) target(%dma_start3A_171 : memref<1000x128xf32, #tpu.memory_space<hbm>>) target_semaphore(%run_scoped3A : memref<!tpu.dma_semaphore, #tpu.memory_space<semaphore_mem>>)
        %dma_wait3A_174 = arith.constant 0 : i32
        %dma_wait3A_175 = tpu.memref_slice %arg6[%mul3A_155, %dma_wait3A_174] : memref<10000x128xf32, #tpu.memory_space<hbm>> -> memref<1000x128xf32, #tpu.memory_space<hbm>>
        %dma_wait3A_176 = arith.constant 0 : i32
        %dma_wait3A_177 = tpu.memref_slice %arg17[%mul3A_155, %dma_wait3A_176] : memref<10000x128xf32, #tpu.memory_space<vmem_shared>> -> memref<1000x128xf32, #tpu.memory_space<vmem_shared>>
        tpu.wait_dma2 semaphore(%run_scoped3A : memref<!tpu.dma_semaphore, #tpu.memory_space<semaphore_mem>>) src(%dma_wait3A_177 : memref<1000x128xf32, #tpu.memory_space<vmem_shared>>) dst(%dma_wait3A_175 : memref<1000x128xf32, #tpu.memory_space<hbm>>)
        tpu.yield
      }) : () -> ()
    } else {
    }
    return
  }
}

#map = affine_map<(d0, d1) -> (0, 0)>
#map1 = affine_map<(d0, d1) -> (0, 0, 0)>
#map2 = affine_map<(d0, d1) -> (0, 0, 0, 0)>
module attributes {stable_mosaic.version = 14 : i64} {
  func.func @agg_kernel(%arg0: i32, %arg1: i32, %arg2: memref<10000x128xf32, #tpu.memory_space<hbm>>, %arg3: memref<32x125x80xi32, #tpu.memory_space<hbm>>, %arg4: memref<32x125x1x80xi32, #tpu.memory_space<hbm>>, %arg5: memref<10000x128xf32, #tpu.memory_space<hbm>>, %arg6: memref<10000x128xf32, #tpu.memory_space<hbm>>, %arg7: memref<125x80xi32, #tpu.memory_space<vmem>>, %arg8: memref<80xi32, #tpu.memory_space<vmem>>, %arg9: memref<80xi32, #tpu.memory_space<vmem>>, %arg10: memref<80xi32, #tpu.memory_space<vmem>>, %arg11: memref<1x80xi32, #tpu.memory_space<vmem>>, %arg12: memref<1x80xi32, #tpu.memory_space<vmem>>, %arg13: memref<1x80xi32, #tpu.memory_space<vmem>>, %arg14: memref<80x128xf32, #tpu.memory_space<vmem>>, %arg15: memref<80x128xf32, #tpu.memory_space<vmem>>, %arg16: memref<80x128xf32, #tpu.memory_space<vmem>>, %arg17: memref<10000x128xf32, #tpu.memory_space<vmem_shared>>, %arg18: memref<!tpu.dma_semaphore, #tpu.memory_space<semaphore_mem>>, %arg19: memref<!tpu.dma_semaphore, #tpu.memory_space<semaphore_mem>>, %arg20: memref<!tpu.dma_semaphore, #tpu.memory_space<semaphore_mem>>, %arg21: memref<!tpu.dma_semaphore, #tpu.memory_space<semaphore_mem>>, %arg22: memref<!tpu.dma_semaphore, #tpu.memory_space<semaphore_mem>>, %arg23: memref<!tpu.dma_semaphore, #tpu.memory_space<semaphore_mem>>, %arg24: memref<!tpu.dma_semaphore, #tpu.memory_space<semaphore_mem>>, %arg25: memref<!tpu.dma_semaphore, #tpu.memory_space<semaphore_mem>>, %arg26: memref<!tpu.dma_semaphore, #tpu.memory_space<semaphore_mem>>) attributes {dimension_semantics = [#tpu.dimension_semantics<core_parallel>, #tpu.dimension_semantics<subcore_parallel>], iteration_bounds = array<i64: 2, 16>, scalar_prefetch = 0 : i64, scratch_operands = 20 : i64, tpu.core_type = #tpu.core_type<sc_vector_subcore>, window_params = [{transform_indices = #map}, {transform_indices = #map1}, {transform_indices = #map2}, {transform_indices = #map}, {transform_indices = #map}]} {
    %mul3A = arith.constant 16 : i32
    %mul3A_0 = arith.muli %arg0, %mul3A : i32
    %add3A = arith.addi %mul3A_0, %arg1 : i32
    %scan3A = arith.constant 0 : i32
    %scan3A_1 = arith.constant 0 : i32
    %scan3A_2 = arith.constant 40 : i32
    %scan3A_3 = arith.addi %scan3A_1, %scan3A_2 : i32
    %scan3A_4 = arith.constant 1 : i32
    scf.for %scan3A_170 = %scan3A_1 to %scan3A_3 step %scan3A_4  : i32 {
      %broadcast_in_dim3A = arith.constant 0.000000e+00 : f32
      %broadcast_in_dim3A_171 = vector.broadcast %broadcast_in_dim3A : f32 to vector<16xf32>
      %swap3A_172 = arith.index_cast %scan3A_170 : i32 to index
      %swap3A_173 = arith.constant 0 : index
      %swap3A_174 = tpu.vector_load %arg14[%swap3A_172, %swap3A_173] {strides = array<i32>} : memref<80x128xf32, #tpu.memory_space<vmem>>, vector<16xf32>,
      tpu.vector_store %arg14[%swap3A_172, %swap3A_173], %broadcast_in_dim3A_171 {strides = array<i32>} : memref<80x128xf32, #tpu.memory_space<vmem>>, vector<16xf32>,
      %broadcast_in_dim3A_175 = arith.constant 0.000000e+00 : f32
      %broadcast_in_dim3A_176 = vector.broadcast %broadcast_in_dim3A_175 : f32 to vector<16xf32>
      %swap3A_177 = arith.index_cast %scan3A_170 : i32 to index
      %swap3A_178 = arith.constant 16 : index
      %swap3A_179 = tpu.vector_load %arg14[%swap3A_177, %swap3A_178] {strides = array<i32>} : memref<80x128xf32, #tpu.memory_space<vmem>>, vector<16xf32>,
      tpu.vector_store %arg14[%swap3A_177, %swap3A_178], %broadcast_in_dim3A_176 {strides = array<i32>} : memref<80x128xf32, #tpu.memory_space<vmem>>, vector<16xf32>,
      %broadcast_in_dim3A_180 = arith.constant 0.000000e+00 : f32
      %broadcast_in_dim3A_181 = vector.broadcast %broadcast_in_dim3A_180 : f32 to vector<16xf32>
      %swap3A_182 = arith.index_cast %scan3A_170 : i32 to index
      %swap3A_183 = arith.constant 32 : index
      %swap3A_184 = tpu.vector_load %arg14[%swap3A_182, %swap3A_183] {strides = array<i32>} : memref<80x128xf32, #tpu.memory_space<vmem>>, vector<16xf32>,
      tpu.vector_store %arg14[%swap3A_182, %swap3A_183], %broadcast_in_dim3A_181 {strides = array<i32>} : memref<80x128xf32, #tpu.memory_space<vmem>>, vector<16xf32>,
      %broadcast_in_dim3A_185 = arith.constant 0.000000e+00 : f32
      %broadcast_in_dim3A_186 = vector.broadcast %broadcast_in_dim3A_185 : f32 to vector<16xf32>
      %swap3A_187 = arith.index_cast %scan3A_170 : i32 to index
      %swap3A_188 = arith.constant 48 : index
      %swap3A_189 = tpu.vector_load %arg14[%swap3A_187, %swap3A_188] {strides = array<i32>} : memref<80x128xf32, #tpu.memory_space<vmem>>, vector<16xf32>,
      tpu.vector_store %arg14[%swap3A_187, %swap3A_188], %broadcast_in_dim3A_186 {strides = array<i32>} : memref<80x128xf32, #tpu.memory_space<vmem>>, vector<16xf32>,
      %broadcast_in_dim3A_190 = arith.constant 0.000000e+00 : f32
      %broadcast_in_dim3A_191 = vector.broadcast %broadcast_in_dim3A_190 : f32 to vector<16xf32>
      %swap3A_192 = arith.index_cast %scan3A_170 : i32 to index
      %swap3A_193 = arith.constant 64 : index
      %swap3A_194 = tpu.vector_load %arg14[%swap3A_192, %swap3A_193] {strides = array<i32>} : memref<80x128xf32, #tpu.memory_space<vmem>>, vector<16xf32>,
      tpu.vector_store %arg14[%swap3A_192, %swap3A_193], %broadcast_in_dim3A_191 {strides = array<i32>} : memref<80x128xf32, #tpu.memory_space<vmem>>, vector<16xf32>,
      %broadcast_in_dim3A_195 = arith.constant 0.000000e+00 : f32
      %broadcast_in_dim3A_196 = vector.broadcast %broadcast_in_dim3A_195 : f32 to vector<16xf32>
      %swap3A_197 = arith.index_cast %scan3A_170 : i32 to index
      %swap3A_198 = arith.constant 80 : index
      %swap3A_199 = tpu.vector_load %arg14[%swap3A_197, %swap3A_198] {strides = array<i32>} : memref<80x128xf32, #tpu.memory_space<vmem>>, vector<16xf32>,
      tpu.vector_store %arg14[%swap3A_197, %swap3A_198], %broadcast_in_dim3A_196 {strides = array<i32>} : memref<80x128xf32, #tpu.memory_space<vmem>>, vector<16xf32>,
      %broadcast_in_dim3A_200 = arith.constant 0.000000e+00 : f32
      %broadcast_in_dim3A_201 = vector.broadcast %broadcast_in_dim3A_200 : f32 to vector<16xf32>
      %swap3A_202 = arith.index_cast %scan3A_170 : i32 to index
      %swap3A_203 = arith.constant 96 : index
      %swap3A_204 = tpu.vector_load %arg14[%swap3A_202, %swap3A_203] {strides = array<i32>} : memref<80x128xf32, #tpu.memory_space<vmem>>, vector<16xf32>,
      tpu.vector_store %arg14[%swap3A_202, %swap3A_203], %broadcast_in_dim3A_201 {strides = array<i32>} : memref<80x128xf32, #tpu.memory_space<vmem>>, vector<16xf32>,
      %broadcast_in_dim3A_205 = arith.constant 0.000000e+00 : f32
      %broadcast_in_dim3A_206 = vector.broadcast %broadcast_in_dim3A_205 : f32 to vector<16xf32>
      %swap3A_207 = arith.index_cast %scan3A_170 : i32 to index
      %swap3A_208 = arith.constant 112 : index
      %swap3A_209 = tpu.vector_load %arg14[%swap3A_207, %swap3A_208] {strides = array<i32>} : memref<80x128xf32, #tpu.memory_space<vmem>>, vector<16xf32>,
      tpu.vector_store %arg14[%swap3A_207, %swap3A_208], %broadcast_in_dim3A_206 {strides = array<i32>} : memref<80x128xf32, #tpu.memory_space<vmem>>, vector<16xf32>,
    }
    %scan3A_5 = arith.constant 40 : i32
    %lt3A = arith.constant 10 : i32
    %lt3A_6 = arith.cmpi slt, %arg1, %lt3A : i32
    %convert_element_type3A = arith.extui %lt3A_6 : i1 to i32
    %cond3A = arith.constant 0 : i32
    %cond3A_7 = arith.cmpi ne, %convert_element_type3A, %cond3A : i32
    scf.if %cond3A_7 {
      %mul3A_170 = arith.constant 1000 : i32
      %mul3A_171 = arith.muli %arg1, %mul3A_170 : i32
      %add3A_172 = arith.constant 0 : i32
      %add3A_173 = arith.addi %mul3A_171, %add3A_172 : i32
      "tpu.region"() ({
        %run_scoped3A = tpu.sem_alloc : memref<!tpu.dma_semaphore, #tpu.memory_space<semaphore_mem>>
        %dma_start3A_270 = arith.constant 0 : i32
        %dma_start3A_271 = arith.constant 0 : i32
        %dma_start3A_272 = tpu.memref_slice %arg14[%dma_start3A_270, %dma_start3A_271] : memref<80x128xf32, #tpu.memory_space<vmem>> -> memref<40x128xf32, #tpu.memory_space<vmem>>
        %dma_start3A_273 = arith.constant 0 : i32
        %dma_start3A_274 = tpu.memref_slice %arg17[%add3A_173, %dma_start3A_273] : memref<10000x128xf32, #tpu.memory_space<vmem_shared>> -> memref<40x128xf32, #tpu.memory_space<vmem_shared>>
        %dma_start3A_275 = arith.constant 0 : i32
        %dma_start3A_276 = tpu.memref_slice %arg17[%add3A_173, %dma_start3A_275] : memref<10000x128xf32, #tpu.memory_space<vmem_shared>> -> memref<40x128xf32, #tpu.memory_space<vmem_shared>>
        %dma_start3A_277 = arith.constant 0 : i32
        %dma_start3A_278 = arith.constant 0 : i32
        %dma_start3A_279 = tpu.memref_slice %arg14[%dma_start3A_277, %dma_start3A_278] : memref<80x128xf32, #tpu.memory_space<vmem>> -> memref<40x128xf32, #tpu.memory_space<vmem>>
        tpu.enqueue_dma source(%dma_start3A_279 : memref<40x128xf32, #tpu.memory_space<vmem>>) target(%dma_start3A_276 : memref<40x128xf32, #tpu.memory_space<vmem_shared>>) target_semaphore(%run_scoped3A : memref<!tpu.dma_semaphore, #tpu.memory_space<semaphore_mem>>)
        %dma_wait3A_280 = arith.constant 0 : i32
        %dma_wait3A_281 = arith.constant 0 : i32
        %dma_wait3A_282 = tpu.memref_slice %arg14[%dma_wait3A_280, %dma_wait3A_281] : memref<80x128xf32, #tpu.memory_space<vmem>> -> memref<40x128xf32, #tpu.memory_space<vmem>>
        %dma_wait3A_283 = arith.constant 0 : i32
        %dma_wait3A_284 = tpu.memref_slice %arg17[%add3A_173, %dma_wait3A_283] : memref<10000x128xf32, #tpu.memory_space<vmem_shared>> -> memref<40x128xf32, #tpu.memory_space<vmem_shared>>
        %dma_wait3A_285 = arith.constant 0 : i32
        %dma_wait3A_286 = tpu.memref_slice %arg17[%add3A_173, %dma_wait3A_285] : memref<10000x128xf32, #tpu.memory_space<vmem_shared>> -> memref<40x128xf32, #tpu.memory_space<vmem_shared>>
        %dma_wait3A_287 = arith.constant 0 : i32
        %dma_wait3A_288 = arith.constant 0 : i32
        %dma_wait3A_289 = tpu.memref_slice %arg14[%dma_wait3A_287, %dma_wait3A_288] : memref<80x128xf32, #tpu.memory_space<vmem>> -> memref<40x128xf32, #tpu.memory_space<vmem>>
        tpu.wait_dma2 semaphore(%run_scoped3A : memref<!tpu.dma_semaphore, #tpu.memory_space<semaphore_mem>>) src(%dma_wait3A_289 : memref<40x128xf32, #tpu.memory_space<vmem>>) dst(%dma_wait3A_286 : memref<40x128xf32, #tpu.memory_space<vmem_shared>>)
        tpu.yield
      }) : () -> ()
      %mul3A_174 = arith.constant 1000 : i32
      %mul3A_175 = arith.muli %arg1, %mul3A_174 : i32
      %add3A_176 = arith.constant 40 : i32
      %add3A_177 = arith.addi %mul3A_175, %add3A_176 : i32
      "tpu.region"() ({
        %run_scoped3A = tpu.sem_alloc : memref<!tpu.dma_semaphore, #tpu.memory_space<semaphore_mem>>
        %dma_start3A_270 = arith.constant 0 : i32
        %dma_start3A_271 = arith.constant 0 : i32
        %dma_start3A_272 = tpu.memref_slice %arg14[%dma_start3A_270, %dma_start3A_271] : memref<80x128xf32, #tpu.memory_space<vmem>> -> memref<40x128xf32, #tpu.memory_space<vmem>>
        %dma_start3A_273 = arith.constant 0 : i32
        %dma_start3A_274 = tpu.memref_slice %arg17[%add3A_177, %dma_start3A_273] : memref<10000x128xf32, #tpu.memory_space<vmem_shared>> -> memref<40x128xf32, #tpu.memory_space<vmem_shared>>
        %dma_start3A_275 = arith.constant 0 : i32
        %dma_start3A_276 = tpu.memref_slice %arg17[%add3A_177, %dma_start3A_275] : memref<10000x128xf32, #tpu.memory_space<vmem_shared>> -> memref<40x128xf32, #tpu.memory_space<vmem_shared>>
        %dma_start3A_277 = arith.constant 0 : i32
        %dma_start3A_278 = arith.constant 0 : i32
        %dma_start3A_279 = tpu.memref_slice %arg14[%dma_start3A_277, %dma_start3A_278] : memref<80x128xf32, #tpu.memory_space<vmem>> -> memref<40x128xf32, #tpu.memory_space<vmem>>
        tpu.enqueue_dma source(%dma_start3A_279 : memref<40x128xf32, #tpu.memory_space<vmem>>) target(%dma_start3A_276 : memref<40x128xf32, #tpu.memory_space<vmem_shared>>) target_semaphore(%run_scoped3A : memref<!tpu.dma_semaphore, #tpu.memory_space<semaphore_mem>>)
        %dma_wait3A_280 = arith.constant 0 : i32
        %dma_wait3A_281 = arith.constant 0 : i32
        %dma_wait3A_282 = tpu.memref_slice %arg14[%dma_wait3A_280, %dma_wait3A_281] : memref<80x128xf32, #tpu.memory_space<vmem>> -> memref<40x128xf32, #tpu.memory_space<vmem>>
        %dma_wait3A_283 = arith.constant 0 : i32
        %dma_wait3A_284 = tpu.memref_slice %arg17[%add3A_177, %dma_wait3A_283] : memref<10000x128xf32, #tpu.memory_space<vmem_shared>> -> memref<40x128xf32, #tpu.memory_space<vmem_shared>>
        %dma_wait3A_285 = arith.constant 0 : i32
        %dma_wait3A_286 = tpu.memref_slice %arg17[%add3A_177, %dma_wait3A_285] : memref<10000x128xf32, #tpu.memory_space<vmem_shared>> -> memref<40x128xf32, #tpu.memory_space<vmem_shared>>
        %dma_wait3A_287 = arith.constant 0 : i32
        %dma_wait3A_288 = arith.constant 0 : i32
        %dma_wait3A_289 = tpu.memref_slice %arg14[%dma_wait3A_287, %dma_wait3A_288] : memref<80x128xf32, #tpu.memory_space<vmem>> -> memref<40x128xf32, #tpu.memory_space<vmem>>
        tpu.wait_dma2 semaphore(%run_scoped3A : memref<!tpu.dma_semaphore, #tpu.memory_space<semaphore_mem>>) src(%dma_wait3A_289 : memref<40x128xf32, #tpu.memory_space<vmem>>) dst(%dma_wait3A_286 : memref<40x128xf32, #tpu.memory_space<vmem_shared>>)
        tpu.yield
      }) : () -> ()
      %mul3A_178 = arith.constant 1000 : i32
      %mul3A_179 = arith.muli %arg1, %mul3A_178 : i32
      %add3A_180 = arith.constant 80 : i32
      %add3A_181 = arith.addi %mul3A_179, %add3A_180 : i32
      "tpu.region"() ({
        %run_scoped3A = tpu.sem_alloc : memref<!tpu.dma_semaphore, #tpu.memory_space<semaphore_mem>>
        %dma_start3A_270 = arith.constant 0 : i32
        %dma_start3A_271 = arith.constant 0 : i32
        %dma_start3A_272 = tpu.memref_slice %arg14[%dma_start3A_270, %dma_start3A_271] : memref<80x128xf32, #tpu.memory_space<vmem>> -> memref<40x128xf32, #tpu.memory_space<vmem>>
        %dma_start3A_273 = arith.constant 0 : i32
        %dma_start3A_274 = tpu.memref_slice %arg17[%add3A_181, %dma_start3A_273] : memref<10000x128xf32, #tpu.memory_space<vmem_shared>> -> memref<40x128xf32, #tpu.memory_space<vmem_shared>>
        %dma_start3A_275 = arith.constant 0 : i32
        %dma_start3A_276 = tpu.memref_slice %arg17[%add3A_181, %dma_start3A_275] : memref<10000x128xf32, #tpu.memory_space<vmem_shared>> -> memref<40x128xf32, #tpu.memory_space<vmem_shared>>
        %dma_start3A_277 = arith.constant 0 : i32
        %dma_start3A_278 = arith.constant 0 : i32
        %dma_start3A_279 = tpu.memref_slice %arg14[%dma_start3A_277, %dma_start3A_278] : memref<80x128xf32, #tpu.memory_space<vmem>> -> memref<40x128xf32, #tpu.memory_space<vmem>>
        tpu.enqueue_dma source(%dma_start3A_279 : memref<40x128xf32, #tpu.memory_space<vmem>>) target(%dma_start3A_276 : memref<40x128xf32, #tpu.memory_space<vmem_shared>>) target_semaphore(%run_scoped3A : memref<!tpu.dma_semaphore, #tpu.memory_space<semaphore_mem>>)
        %dma_wait3A_280 = arith.constant 0 : i32
        %dma_wait3A_281 = arith.constant 0 : i32
        %dma_wait3A_282 = tpu.memref_slice %arg14[%dma_wait3A_280, %dma_wait3A_281] : memref<80x128xf32, #tpu.memory_space<vmem>> -> memref<40x128xf32, #tpu.memory_space<vmem>>
        %dma_wait3A_283 = arith.constant 0 : i32
        %dma_wait3A_284 = tpu.memref_slice %arg17[%add3A_181, %dma_wait3A_283] : memref<10000x128xf32, #tpu.memory_space<vmem_shared>> -> memref<40x128xf32, #tpu.memory_space<vmem_shared>>
        %dma_wait3A_285 = arith.constant 0 : i32
        %dma_wait3A_286 = tpu.memref_slice %arg17[%add3A_181, %dma_wait3A_285] : memref<10000x128xf32, #tpu.memory_space<vmem_shared>> -> memref<40x128xf32, #tpu.memory_space<vmem_shared>>
        %dma_wait3A_287 = arith.constant 0 : i32
        %dma_wait3A_288 = arith.constant 0 : i32
        %dma_wait3A_289 = tpu.memref_slice %arg14[%dma_wait3A_287, %dma_wait3A_288] : memref<80x128xf32, #tpu.memory_space<vmem>> -> memref<40x128xf32, #tpu.memory_space<vmem>>
        tpu.wait_dma2 semaphore(%run_scoped3A : memref<!tpu.dma_semaphore, #tpu.memory_space<semaphore_mem>>) src(%dma_wait3A_289 : memref<40x128xf32, #tpu.memory_space<vmem>>) dst(%dma_wait3A_286 : memref<40x128xf32, #tpu.memory_space<vmem_shared>>)
        tpu.yield
      }) : () -> ()
      %mul3A_182 = arith.constant 1000 : i32
      %mul3A_183 = arith.muli %arg1, %mul3A_182 : i32
      %add3A_184 = arith.constant 120 : i32
      %add3A_185 = arith.addi %mul3A_183, %add3A_184 : i32
      "tpu.region"() ({
        %run_scoped3A = tpu.sem_alloc : memref<!tpu.dma_semaphore, #tpu.memory_space<semaphore_mem>>
        %dma_start3A_270 = arith.constant 0 : i32
        %dma_start3A_271 = arith.constant 0 : i32
        %dma_start3A_272 = tpu.memref_slice %arg14[%dma_start3A_270, %dma_start3A_271] : memref<80x128xf32, #tpu.memory_space<vmem>> -> memref<40x128xf32, #tpu.memory_space<vmem>>
        %dma_start3A_273 = arith.constant 0 : i32
        %dma_start3A_274 = tpu.memref_slice %arg17[%add3A_185, %dma_start3A_273] : memref<10000x128xf32, #tpu.memory_space<vmem_shared>> -> memref<40x128xf32, #tpu.memory_space<vmem_shared>>
        %dma_start3A_275 = arith.constant 0 : i32
        %dma_start3A_276 = tpu.memref_slice %arg17[%add3A_185, %dma_start3A_275] : memref<10000x128xf32, #tpu.memory_space<vmem_shared>> -> memref<40x128xf32, #tpu.memory_space<vmem_shared>>
        %dma_start3A_277 = arith.constant 0 : i32
        %dma_start3A_278 = arith.constant 0 : i32
        %dma_start3A_279 = tpu.memref_slice %arg14[%dma_start3A_277, %dma_start3A_278] : memref<80x128xf32, #tpu.memory_space<vmem>> -> memref<40x128xf32, #tpu.memory_space<vmem>>
        tpu.enqueue_dma source(%dma_start3A_279 : memref<40x128xf32, #tpu.memory_space<vmem>>) target(%dma_start3A_276 : memref<40x128xf32, #tpu.memory_space<vmem_shared>>) target_semaphore(%run_scoped3A : memref<!tpu.dma_semaphore, #tpu.memory_space<semaphore_mem>>)
        %dma_wait3A_280 = arith.constant 0 : i32
        %dma_wait3A_281 = arith.constant 0 : i32
        %dma_wait3A_282 = tpu.memref_slice %arg14[%dma_wait3A_280, %dma_wait3A_281] : memref<80x128xf32, #tpu.memory_space<vmem>> -> memref<40x128xf32, #tpu.memory_space<vmem>>
        %dma_wait3A_283 = arith.constant 0 : i32
        %dma_wait3A_284 = tpu.memref_slice %arg17[%add3A_185, %dma_wait3A_283] : memref<10000x128xf32, #tpu.memory_space<vmem_shared>> -> memref<40x128xf32, #tpu.memory_space<vmem_shared>>
        %dma_wait3A_285 = arith.constant 0 : i32
        %dma_wait3A_286 = tpu.memref_slice %arg17[%add3A_185, %dma_wait3A_285] : memref<10000x128xf32, #tpu.memory_space<vmem_shared>> -> memref<40x128xf32, #tpu.memory_space<vmem_shared>>
        %dma_wait3A_287 = arith.constant 0 : i32
        %dma_wait3A_288 = arith.constant 0 : i32
        %dma_wait3A_289 = tpu.memref_slice %arg14[%dma_wait3A_287, %dma_wait3A_288] : memref<80x128xf32, #tpu.memory_space<vmem>> -> memref<40x128xf32, #tpu.memory_space<vmem>>
        tpu.wait_dma2 semaphore(%run_scoped3A : memref<!tpu.dma_semaphore, #tpu.memory_space<semaphore_mem>>) src(%dma_wait3A_289 : memref<40x128xf32, #tpu.memory_space<vmem>>) dst(%dma_wait3A_286 : memref<40x128xf32, #tpu.memory_space<vmem_shared>>)
        tpu.yield
      }) : () -> ()
      %mul3A_186 = arith.constant 1000 : i32
      %mul3A_187 = arith.muli %arg1, %mul3A_186 : i32
      %add3A_188 = arith.constant 160 : i32
      %add3A_189 = arith.addi %mul3A_187, %add3A_188 : i32
      "tpu.region"() ({
        %run_scoped3A = tpu.sem_alloc : memref<!tpu.dma_semaphore, #tpu.memory_space<semaphore_mem>>
        %dma_start3A_270 = arith.constant 0 : i32
        %dma_start3A_271 = arith.constant 0 : i32
        %dma_start3A_272 = tpu.memref_slice %arg14[%dma_start3A_270, %dma_start3A_271] : memref<80x128xf32, #tpu.memory_space<vmem>> -> memref<40x128xf32, #tpu.memory_space<vmem>>
        %dma_start3A_273 = arith.constant 0 : i32
        %dma_start3A_274 = tpu.memref_slice %arg17[%add3A_189, %dma_start3A_273] : memref<10000x128xf32, #tpu.memory_space<vmem_shared>> -> memref<40x128xf32, #tpu.memory_space<vmem_shared>>
        %dma_start3A_275 = arith.constant 0 : i32
        %dma_start3A_276 = tpu.memref_slice %arg17[%add3A_189, %dma_start3A_275] : memref<10000x128xf32, #tpu.memory_space<vmem_shared>> -> memref<40x128xf32, #tpu.memory_space<vmem_shared>>
        %dma_start3A_277 = arith.constant 0 : i32
        %dma_start3A_278 = arith.constant 0 : i32
        %dma_start3A_279 = tpu.memref_slice %arg14[%dma_start3A_277, %dma_start3A_278] : memref<80x128xf32, #tpu.memory_space<vmem>> -> memref<40x128xf32, #tpu.memory_space<vmem>>
        tpu.enqueue_dma source(%dma_start3A_279 : memref<40x128xf32, #tpu.memory_space<vmem>>) target(%dma_start3A_276 : memref<40x128xf32, #tpu.memory_space<vmem_shared>>) target_semaphore(%run_scoped3A : memref<!tpu.dma_semaphore, #tpu.memory_space<semaphore_mem>>)
        %dma_wait3A_280 = arith.constant 0 : i32
        %dma_wait3A_281 = arith.constant 0 : i32
        %dma_wait3A_282 = tpu.memref_slice %arg14[%dma_wait3A_280, %dma_wait3A_281] : memref<80x128xf32, #tpu.memory_space<vmem>> -> memref<40x128xf32, #tpu.memory_space<vmem>>
        %dma_wait3A_283 = arith.constant 0 : i32
        %dma_wait3A_284 = tpu.memref_slice %arg17[%add3A_189, %dma_wait3A_283] : memref<10000x128xf32, #tpu.memory_space<vmem_shared>> -> memref<40x128xf32, #tpu.memory_space<vmem_shared>>
        %dma_wait3A_285 = arith.constant 0 : i32
        %dma_wait3A_286 = tpu.memref_slice %arg17[%add3A_189, %dma_wait3A_285] : memref<10000x128xf32, #tpu.memory_space<vmem_shared>> -> memref<40x128xf32, #tpu.memory_space<vmem_shared>>
        %dma_wait3A_287 = arith.constant 0 : i32
        %dma_wait3A_288 = arith.constant 0 : i32
        %dma_wait3A_289 = tpu.memref_slice %arg14[%dma_wait3A_287, %dma_wait3A_288] : memref<80x128xf32, #tpu.memory_space<vmem>> -> memref<40x128xf32, #tpu.memory_space<vmem>>
        tpu.wait_dma2 semaphore(%run_scoped3A : memref<!tpu.dma_semaphore, #tpu.memory_space<semaphore_mem>>) src(%dma_wait3A_289 : memref<40x128xf32, #tpu.memory_space<vmem>>) dst(%dma_wait3A_286 : memref<40x128xf32, #tpu.memory_space<vmem_shared>>)
        tpu.yield
      }) : () -> ()
      %mul3A_190 = arith.constant 1000 : i32
      %mul3A_191 = arith.muli %arg1, %mul3A_190 : i32
      %add3A_192 = arith.constant 200 : i32
      %add3A_193 = arith.addi %mul3A_191, %add3A_192 : i32
      "tpu.region"() ({
        %run_scoped3A = tpu.sem_alloc : memref<!tpu.dma_semaphore, #tpu.memory_space<semaphore_mem>>
        %dma_start3A_270 = arith.constant 0 : i32
        %dma_start3A_271 = arith.constant 0 : i32
        %dma_start3A_272 = tpu.memref_slice %arg14[%dma_start3A_270, %dma_start3A_271] : memref<80x128xf32, #tpu.memory_space<vmem>> -> memref<40x128xf32, #tpu.memory_space<vmem>>
        %dma_start3A_273 = arith.constant 0 : i32
        %dma_start3A_274 = tpu.memref_slice %arg17[%add3A_193, %dma_start3A_273] : memref<10000x128xf32, #tpu.memory_space<vmem_shared>> -> memref<40x128xf32, #tpu.memory_space<vmem_shared>>
        %dma_start3A_275 = arith.constant 0 : i32
        %dma_start3A_276 = tpu.memref_slice %arg17[%add3A_193, %dma_start3A_275] : memref<10000x128xf32, #tpu.memory_space<vmem_shared>> -> memref<40x128xf32, #tpu.memory_space<vmem_shared>>
        %dma_start3A_277 = arith.constant 0 : i32
        %dma_start3A_278 = arith.constant 0 : i32
        %dma_start3A_279 = tpu.memref_slice %arg14[%dma_start3A_277, %dma_start3A_278] : memref<80x128xf32, #tpu.memory_space<vmem>> -> memref<40x128xf32, #tpu.memory_space<vmem>>
        tpu.enqueue_dma source(%dma_start3A_279 : memref<40x128xf32, #tpu.memory_space<vmem>>) target(%dma_start3A_276 : memref<40x128xf32, #tpu.memory_space<vmem_shared>>) target_semaphore(%run_scoped3A : memref<!tpu.dma_semaphore, #tpu.memory_space<semaphore_mem>>)
        %dma_wait3A_280 = arith.constant 0 : i32
        %dma_wait3A_281 = arith.constant 0 : i32
        %dma_wait3A_282 = tpu.memref_slice %arg14[%dma_wait3A_280, %dma_wait3A_281] : memref<80x128xf32, #tpu.memory_space<vmem>> -> memref<40x128xf32, #tpu.memory_space<vmem>>
        %dma_wait3A_283 = arith.constant 0 : i32
        %dma_wait3A_284 = tpu.memref_slice %arg17[%add3A_193, %dma_wait3A_283] : memref<10000x128xf32, #tpu.memory_space<vmem_shared>> -> memref<40x128xf32, #tpu.memory_space<vmem_shared>>
        %dma_wait3A_285 = arith.constant 0 : i32
        %dma_wait3A_286 = tpu.memref_slice %arg17[%add3A_193, %dma_wait3A_285] : memref<10000x128xf32, #tpu.memory_space<vmem_shared>> -> memref<40x128xf32, #tpu.memory_space<vmem_shared>>
        %dma_wait3A_287 = arith.constant 0 : i32
        %dma_wait3A_288 = arith.constant 0 : i32
        %dma_wait3A_289 = tpu.memref_slice %arg14[%dma_wait3A_287, %dma_wait3A_288] : memref<80x128xf32, #tpu.memory_space<vmem>> -> memref<40x128xf32, #tpu.memory_space<vmem>>
        tpu.wait_dma2 semaphore(%run_scoped3A : memref<!tpu.dma_semaphore, #tpu.memory_space<semaphore_mem>>) src(%dma_wait3A_289 : memref<40x128xf32, #tpu.memory_space<vmem>>) dst(%dma_wait3A_286 : memref<40x128xf32, #tpu.memory_space<vmem_shared>>)
        tpu.yield
      }) : () -> ()
      %mul3A_194 = arith.constant 1000 : i32
      %mul3A_195 = arith.muli %arg1, %mul3A_194 : i32
      %add3A_196 = arith.constant 240 : i32
      %add3A_197 = arith.addi %mul3A_195, %add3A_196 : i32
      "tpu.region"() ({
        %run_scoped3A = tpu.sem_alloc : memref<!tpu.dma_semaphore, #tpu.memory_space<semaphore_mem>>
        %dma_start3A_270 = arith.constant 0 : i32
        %dma_start3A_271 = arith.constant 0 : i32
        %dma_start3A_272 = tpu.memref_slice %arg14[%dma_start3A_270, %dma_start3A_271] : memref<80x128xf32, #tpu.memory_space<vmem>> -> memref<40x128xf32, #tpu.memory_space<vmem>>
        %dma_start3A_273 = arith.constant 0 : i32
        %dma_start3A_274 = tpu.memref_slice %arg17[%add3A_197, %dma_start3A_273] : memref<10000x128xf32, #tpu.memory_space<vmem_shared>> -> memref<40x128xf32, #tpu.memory_space<vmem_shared>>
        %dma_start3A_275 = arith.constant 0 : i32
        %dma_start3A_276 = tpu.memref_slice %arg17[%add3A_197, %dma_start3A_275] : memref<10000x128xf32, #tpu.memory_space<vmem_shared>> -> memref<40x128xf32, #tpu.memory_space<vmem_shared>>
        %dma_start3A_277 = arith.constant 0 : i32
        %dma_start3A_278 = arith.constant 0 : i32
        %dma_start3A_279 = tpu.memref_slice %arg14[%dma_start3A_277, %dma_start3A_278] : memref<80x128xf32, #tpu.memory_space<vmem>> -> memref<40x128xf32, #tpu.memory_space<vmem>>
        tpu.enqueue_dma source(%dma_start3A_279 : memref<40x128xf32, #tpu.memory_space<vmem>>) target(%dma_start3A_276 : memref<40x128xf32, #tpu.memory_space<vmem_shared>>) target_semaphore(%run_scoped3A : memref<!tpu.dma_semaphore, #tpu.memory_space<semaphore_mem>>)
        %dma_wait3A_280 = arith.constant 0 : i32
        %dma_wait3A_281 = arith.constant 0 : i32
        %dma_wait3A_282 = tpu.memref_slice %arg14[%dma_wait3A_280, %dma_wait3A_281] : memref<80x128xf32, #tpu.memory_space<vmem>> -> memref<40x128xf32, #tpu.memory_space<vmem>>
        %dma_wait3A_283 = arith.constant 0 : i32
        %dma_wait3A_284 = tpu.memref_slice %arg17[%add3A_197, %dma_wait3A_283] : memref<10000x128xf32, #tpu.memory_space<vmem_shared>> -> memref<40x128xf32, #tpu.memory_space<vmem_shared>>
        %dma_wait3A_285 = arith.constant 0 : i32
        %dma_wait3A_286 = tpu.memref_slice %arg17[%add3A_197, %dma_wait3A_285] : memref<10000x128xf32, #tpu.memory_space<vmem_shared>> -> memref<40x128xf32, #tpu.memory_space<vmem_shared>>
        %dma_wait3A_287 = arith.constant 0 : i32
        %dma_wait3A_288 = arith.constant 0 : i32
        %dma_wait3A_289 = tpu.memref_slice %arg14[%dma_wait3A_287, %dma_wait3A_288] : memref<80x128xf32, #tpu.memory_space<vmem>> -> memref<40x128xf32, #tpu.memory_space<vmem>>
        tpu.wait_dma2 semaphore(%run_scoped3A : memref<!tpu.dma_semaphore, #tpu.memory_space<semaphore_mem>>) src(%dma_wait3A_289 : memref<40x128xf32, #tpu.memory_space<vmem>>) dst(%dma_wait3A_286 : memref<40x128xf32, #tpu.memory_space<vmem_shared>>)
        tpu.yield
      }) : () -> ()
      %mul3A_198 = arith.constant 1000 : i32
      %mul3A_199 = arith.muli %arg1, %mul3A_198 : i32
      %add3A_200 = arith.constant 280 : i32
      %add3A_201 = arith.addi %mul3A_199, %add3A_200 : i32
      "tpu.region"() ({
        %run_scoped3A = tpu.sem_alloc : memref<!tpu.dma_semaphore, #tpu.memory_space<semaphore_mem>>
        %dma_start3A_270 = arith.constant 0 : i32
        %dma_start3A_271 = arith.constant 0 : i32
        %dma_start3A_272 = tpu.memref_slice %arg14[%dma_start3A_270, %dma_start3A_271] : memref<80x128xf32, #tpu.memory_space<vmem>> -> memref<40x128xf32, #tpu.memory_space<vmem>>
        %dma_start3A_273 = arith.constant 0 : i32
        %dma_start3A_274 = tpu.memref_slice %arg17[%add3A_201, %dma_start3A_273] : memref<10000x128xf32, #tpu.memory_space<vmem_shared>> -> memref<40x128xf32, #tpu.memory_space<vmem_shared>>
        %dma_start3A_275 = arith.constant 0 : i32
        %dma_start3A_276 = tpu.memref_slice %arg17[%add3A_201, %dma_start3A_275] : memref<10000x128xf32, #tpu.memory_space<vmem_shared>> -> memref<40x128xf32, #tpu.memory_space<vmem_shared>>
        %dma_start3A_277 = arith.constant 0 : i32
        %dma_start3A_278 = arith.constant 0 : i32
        %dma_start3A_279 = tpu.memref_slice %arg14[%dma_start3A_277, %dma_start3A_278] : memref<80x128xf32, #tpu.memory_space<vmem>> -> memref<40x128xf32, #tpu.memory_space<vmem>>
        tpu.enqueue_dma source(%dma_start3A_279 : memref<40x128xf32, #tpu.memory_space<vmem>>) target(%dma_start3A_276 : memref<40x128xf32, #tpu.memory_space<vmem_shared>>) target_semaphore(%run_scoped3A : memref<!tpu.dma_semaphore, #tpu.memory_space<semaphore_mem>>)
        %dma_wait3A_280 = arith.constant 0 : i32
        %dma_wait3A_281 = arith.constant 0 : i32
        %dma_wait3A_282 = tpu.memref_slice %arg14[%dma_wait3A_280, %dma_wait3A_281] : memref<80x128xf32, #tpu.memory_space<vmem>> -> memref<40x128xf32, #tpu.memory_space<vmem>>
        %dma_wait3A_283 = arith.constant 0 : i32
        %dma_wait3A_284 = tpu.memref_slice %arg17[%add3A_201, %dma_wait3A_283] : memref<10000x128xf32, #tpu.memory_space<vmem_shared>> -> memref<40x128xf32, #tpu.memory_space<vmem_shared>>
        %dma_wait3A_285 = arith.constant 0 : i32
        %dma_wait3A_286 = tpu.memref_slice %arg17[%add3A_201, %dma_wait3A_285] : memref<10000x128xf32, #tpu.memory_space<vmem_shared>> -> memref<40x128xf32, #tpu.memory_space<vmem_shared>>
        %dma_wait3A_287 = arith.constant 0 : i32
        %dma_wait3A_288 = arith.constant 0 : i32
        %dma_wait3A_289 = tpu.memref_slice %arg14[%dma_wait3A_287, %dma_wait3A_288] : memref<80x128xf32, #tpu.memory_space<vmem>> -> memref<40x128xf32, #tpu.memory_space<vmem>>
        tpu.wait_dma2 semaphore(%run_scoped3A : memref<!tpu.dma_semaphore, #tpu.memory_space<semaphore_mem>>) src(%dma_wait3A_289 : memref<40x128xf32, #tpu.memory_space<vmem>>) dst(%dma_wait3A_286 : memref<40x128xf32, #tpu.memory_space<vmem_shared>>)
        tpu.yield
      }) : () -> ()
      %mul3A_202 = arith.constant 1000 : i32
      %mul3A_203 = arith.muli %arg1, %mul3A_202 : i32
      %add3A_204 = arith.constant 320 : i32
      %add3A_205 = arith.addi %mul3A_203, %add3A_204 : i32
      "tpu.region"() ({
        %run_scoped3A = tpu.sem_alloc : memref<!tpu.dma_semaphore, #tpu.memory_space<semaphore_mem>>
        %dma_start3A_270 = arith.constant 0 : i32
        %dma_start3A_271 = arith.constant 0 : i32
        %dma_start3A_272 = tpu.memref_slice %arg14[%dma_start3A_270, %dma_start3A_271] : memref<80x128xf32, #tpu.memory_space<vmem>> -> memref<40x128xf32, #tpu.memory_space<vmem>>
        %dma_start3A_273 = arith.constant 0 : i32
        %dma_start3A_274 = tpu.memref_slice %arg17[%add3A_205, %dma_start3A_273] : memref<10000x128xf32, #tpu.memory_space<vmem_shared>> -> memref<40x128xf32, #tpu.memory_space<vmem_shared>>
        %dma_start3A_275 = arith.constant 0 : i32
        %dma_start3A_276 = tpu.memref_slice %arg17[%add3A_205, %dma_start3A_275] : memref<10000x128xf32, #tpu.memory_space<vmem_shared>> -> memref<40x128xf32, #tpu.memory_space<vmem_shared>>
        %dma_start3A_277 = arith.constant 0 : i32
        %dma_start3A_278 = arith.constant 0 : i32
        %dma_start3A_279 = tpu.memref_slice %arg14[%dma_start3A_277, %dma_start3A_278] : memref<80x128xf32, #tpu.memory_space<vmem>> -> memref<40x128xf32, #tpu.memory_space<vmem>>
        tpu.enqueue_dma source(%dma_start3A_279 : memref<40x128xf32, #tpu.memory_space<vmem>>) target(%dma_start3A_276 : memref<40x128xf32, #tpu.memory_space<vmem_shared>>) target_semaphore(%run_scoped3A : memref<!tpu.dma_semaphore, #tpu.memory_space<semaphore_mem>>)
        %dma_wait3A_280 = arith.constant 0 : i32
        %dma_wait3A_281 = arith.constant 0 : i32
        %dma_wait3A_282 = tpu.memref_slice %arg14[%dma_wait3A_280, %dma_wait3A_281] : memref<80x128xf32, #tpu.memory_space<vmem>> -> memref<40x128xf32, #tpu.memory_space<vmem>>
        %dma_wait3A_283 = arith.constant 0 : i32
        %dma_wait3A_284 = tpu.memref_slice %arg17[%add3A_205, %dma_wait3A_283] : memref<10000x128xf32, #tpu.memory_space<vmem_shared>> -> memref<40x128xf32, #tpu.memory_space<vmem_shared>>
        %dma_wait3A_285 = arith.constant 0 : i32
        %dma_wait3A_286 = tpu.memref_slice %arg17[%add3A_205, %dma_wait3A_285] : memref<10000x128xf32, #tpu.memory_space<vmem_shared>> -> memref<40x128xf32, #tpu.memory_space<vmem_shared>>
        %dma_wait3A_287 = arith.constant 0 : i32
        %dma_wait3A_288 = arith.constant 0 : i32
        %dma_wait3A_289 = tpu.memref_slice %arg14[%dma_wait3A_287, %dma_wait3A_288] : memref<80x128xf32, #tpu.memory_space<vmem>> -> memref<40x128xf32, #tpu.memory_space<vmem>>
        tpu.wait_dma2 semaphore(%run_scoped3A : memref<!tpu.dma_semaphore, #tpu.memory_space<semaphore_mem>>) src(%dma_wait3A_289 : memref<40x128xf32, #tpu.memory_space<vmem>>) dst(%dma_wait3A_286 : memref<40x128xf32, #tpu.memory_space<vmem_shared>>)
        tpu.yield
      }) : () -> ()
      %mul3A_206 = arith.constant 1000 : i32
      %mul3A_207 = arith.muli %arg1, %mul3A_206 : i32
      %add3A_208 = arith.constant 360 : i32
      %add3A_209 = arith.addi %mul3A_207, %add3A_208 : i32
      "tpu.region"() ({
        %run_scoped3A = tpu.sem_alloc : memref<!tpu.dma_semaphore, #tpu.memory_space<semaphore_mem>>
        %dma_start3A_270 = arith.constant 0 : i32
        %dma_start3A_271 = arith.constant 0 : i32
        %dma_start3A_272 = tpu.memref_slice %arg14[%dma_start3A_270, %dma_start3A_271] : memref<80x128xf32, #tpu.memory_space<vmem>> -> memref<40x128xf32, #tpu.memory_space<vmem>>
        %dma_start3A_273 = arith.constant 0 : i32
        %dma_start3A_274 = tpu.memref_slice %arg17[%add3A_209, %dma_start3A_273] : memref<10000x128xf32, #tpu.memory_space<vmem_shared>> -> memref<40x128xf32, #tpu.memory_space<vmem_shared>>
        %dma_start3A_275 = arith.constant 0 : i32
        %dma_start3A_276 = tpu.memref_slice %arg17[%add3A_209, %dma_start3A_275] : memref<10000x128xf32, #tpu.memory_space<vmem_shared>> -> memref<40x128xf32, #tpu.memory_space<vmem_shared>>
        %dma_start3A_277 = arith.constant 0 : i32
        %dma_start3A_278 = arith.constant 0 : i32
        %dma_start3A_279 = tpu.memref_slice %arg14[%dma_start3A_277, %dma_start3A_278] : memref<80x128xf32, #tpu.memory_space<vmem>> -> memref<40x128xf32, #tpu.memory_space<vmem>>
        tpu.enqueue_dma source(%dma_start3A_279 : memref<40x128xf32, #tpu.memory_space<vmem>>) target(%dma_start3A_276 : memref<40x128xf32, #tpu.memory_space<vmem_shared>>) target_semaphore(%run_scoped3A : memref<!tpu.dma_semaphore, #tpu.memory_space<semaphore_mem>>)
        %dma_wait3A_280 = arith.constant 0 : i32
        %dma_wait3A_281 = arith.constant 0 : i32
        %dma_wait3A_282 = tpu.memref_slice %arg14[%dma_wait3A_280, %dma_wait3A_281] : memref<80x128xf32, #tpu.memory_space<vmem>> -> memref<40x128xf32, #tpu.memory_space<vmem>>
        %dma_wait3A_283 = arith.constant 0 : i32
        %dma_wait3A_284 = tpu.memref_slice %arg17[%add3A_209, %dma_wait3A_283] : memref<10000x128xf32, #tpu.memory_space<vmem_shared>> -> memref<40x128xf32, #tpu.memory_space<vmem_shared>>
        %dma_wait3A_285 = arith.constant 0 : i32
        %dma_wait3A_286 = tpu.memref_slice %arg17[%add3A_209, %dma_wait3A_285] : memref<10000x128xf32, #tpu.memory_space<vmem_shared>> -> memref<40x128xf32, #tpu.memory_space<vmem_shared>>
        %dma_wait3A_287 = arith.constant 0 : i32
        %dma_wait3A_288 = arith.constant 0 : i32
        %dma_wait3A_289 = tpu.memref_slice %arg14[%dma_wait3A_287, %dma_wait3A_288] : memref<80x128xf32, #tpu.memory_space<vmem>> -> memref<40x128xf32, #tpu.memory_space<vmem>>
        tpu.wait_dma2 semaphore(%run_scoped3A : memref<!tpu.dma_semaphore, #tpu.memory_space<semaphore_mem>>) src(%dma_wait3A_289 : memref<40x128xf32, #tpu.memory_space<vmem>>) dst(%dma_wait3A_286 : memref<40x128xf32, #tpu.memory_space<vmem_shared>>)
        tpu.yield
      }) : () -> ()
      %mul3A_210 = arith.constant 1000 : i32
      %mul3A_211 = arith.muli %arg1, %mul3A_210 : i32
      %add3A_212 = arith.constant 400 : i32
      %add3A_213 = arith.addi %mul3A_211, %add3A_212 : i32
      "tpu.region"() ({
        %run_scoped3A = tpu.sem_alloc : memref<!tpu.dma_semaphore, #tpu.memory_space<semaphore_mem>>
        %dma_start3A_270 = arith.constant 0 : i32
        %dma_start3A_271 = arith.constant 0 : i32
        %dma_start3A_272 = tpu.memref_slice %arg14[%dma_start3A_270, %dma_start3A_271] : memref<80x128xf32, #tpu.memory_space<vmem>> -> memref<40x128xf32, #tpu.memory_space<vmem>>
        %dma_start3A_273 = arith.constant 0 : i32
        %dma_start3A_274 = tpu.memref_slice %arg17[%add3A_213, %dma_start3A_273] : memref<10000x128xf32, #tpu.memory_space<vmem_shared>> -> memref<40x128xf32, #tpu.memory_space<vmem_shared>>
        %dma_start3A_275 = arith.constant 0 : i32
        %dma_start3A_276 = tpu.memref_slice %arg17[%add3A_213, %dma_start3A_275] : memref<10000x128xf32, #tpu.memory_space<vmem_shared>> -> memref<40x128xf32, #tpu.memory_space<vmem_shared>>
        %dma_start3A_277 = arith.constant 0 : i32
        %dma_start3A_278 = arith.constant 0 : i32
        %dma_start3A_279 = tpu.memref_slice %arg14[%dma_start3A_277, %dma_start3A_278] : memref<80x128xf32, #tpu.memory_space<vmem>> -> memref<40x128xf32, #tpu.memory_space<vmem>>
        tpu.enqueue_dma source(%dma_start3A_279 : memref<40x128xf32, #tpu.memory_space<vmem>>) target(%dma_start3A_276 : memref<40x128xf32, #tpu.memory_space<vmem_shared>>) target_semaphore(%run_scoped3A : memref<!tpu.dma_semaphore, #tpu.memory_space<semaphore_mem>>)
        %dma_wait3A_280 = arith.constant 0 : i32
        %dma_wait3A_281 = arith.constant 0 : i32
        %dma_wait3A_282 = tpu.memref_slice %arg14[%dma_wait3A_280, %dma_wait3A_281] : memref<80x128xf32, #tpu.memory_space<vmem>> -> memref<40x128xf32, #tpu.memory_space<vmem>>
        %dma_wait3A_283 = arith.constant 0 : i32
        %dma_wait3A_284 = tpu.memref_slice %arg17[%add3A_213, %dma_wait3A_283] : memref<10000x128xf32, #tpu.memory_space<vmem_shared>> -> memref<40x128xf32, #tpu.memory_space<vmem_shared>>
        %dma_wait3A_285 = arith.constant 0 : i32
        %dma_wait3A_286 = tpu.memref_slice %arg17[%add3A_213, %dma_wait3A_285] : memref<10000x128xf32, #tpu.memory_space<vmem_shared>> -> memref<40x128xf32, #tpu.memory_space<vmem_shared>>
        %dma_wait3A_287 = arith.constant 0 : i32
        %dma_wait3A_288 = arith.constant 0 : i32
        %dma_wait3A_289 = tpu.memref_slice %arg14[%dma_wait3A_287, %dma_wait3A_288] : memref<80x128xf32, #tpu.memory_space<vmem>> -> memref<40x128xf32, #tpu.memory_space<vmem>>
        tpu.wait_dma2 semaphore(%run_scoped3A : memref<!tpu.dma_semaphore, #tpu.memory_space<semaphore_mem>>) src(%dma_wait3A_289 : memref<40x128xf32, #tpu.memory_space<vmem>>) dst(%dma_wait3A_286 : memref<40x128xf32, #tpu.memory_space<vmem_shared>>)
        tpu.yield
      }) : () -> ()
      %mul3A_214 = arith.constant 1000 : i32
      %mul3A_215 = arith.muli %arg1, %mul3A_214 : i32
      %add3A_216 = arith.constant 440 : i32
      %add3A_217 = arith.addi %mul3A_215, %add3A_216 : i32
      "tpu.region"() ({
        %run_scoped3A = tpu.sem_alloc : memref<!tpu.dma_semaphore, #tpu.memory_space<semaphore_mem>>
        %dma_start3A_270 = arith.constant 0 : i32
        %dma_start3A_271 = arith.constant 0 : i32
        %dma_start3A_272 = tpu.memref_slice %arg14[%dma_start3A_270, %dma_start3A_271] : memref<80x128xf32, #tpu.memory_space<vmem>> -> memref<40x128xf32, #tpu.memory_space<vmem>>
        %dma_start3A_273 = arith.constant 0 : i32
        %dma_start3A_274 = tpu.memref_slice %arg17[%add3A_217, %dma_start3A_273] : memref<10000x128xf32, #tpu.memory_space<vmem_shared>> -> memref<40x128xf32, #tpu.memory_space<vmem_shared>>
        %dma_start3A_275 = arith.constant 0 : i32
        %dma_start3A_276 = tpu.memref_slice %arg17[%add3A_217, %dma_start3A_275] : memref<10000x128xf32, #tpu.memory_space<vmem_shared>> -> memref<40x128xf32, #tpu.memory_space<vmem_shared>>
        %dma_start3A_277 = arith.constant 0 : i32
        %dma_start3A_278 = arith.constant 0 : i32
        %dma_start3A_279 = tpu.memref_slice %arg14[%dma_start3A_277, %dma_start3A_278] : memref<80x128xf32, #tpu.memory_space<vmem>> -> memref<40x128xf32, #tpu.memory_space<vmem>>
        tpu.enqueue_dma source(%dma_start3A_279 : memref<40x128xf32, #tpu.memory_space<vmem>>) target(%dma_start3A_276 : memref<40x128xf32, #tpu.memory_space<vmem_shared>>) target_semaphore(%run_scoped3A : memref<!tpu.dma_semaphore, #tpu.memory_space<semaphore_mem>>)
        %dma_wait3A_280 = arith.constant 0 : i32
        %dma_wait3A_281 = arith.constant 0 : i32
        %dma_wait3A_282 = tpu.memref_slice %arg14[%dma_wait3A_280, %dma_wait3A_281] : memref<80x128xf32, #tpu.memory_space<vmem>> -> memref<40x128xf32, #tpu.memory_space<vmem>>
        %dma_wait3A_283 = arith.constant 0 : i32
        %dma_wait3A_284 = tpu.memref_slice %arg17[%add3A_217, %dma_wait3A_283] : memref<10000x128xf32, #tpu.memory_space<vmem_shared>> -> memref<40x128xf32, #tpu.memory_space<vmem_shared>>
        %dma_wait3A_285 = arith.constant 0 : i32
        %dma_wait3A_286 = tpu.memref_slice %arg17[%add3A_217, %dma_wait3A_285] : memref<10000x128xf32, #tpu.memory_space<vmem_shared>> -> memref<40x128xf32, #tpu.memory_space<vmem_shared>>
        %dma_wait3A_287 = arith.constant 0 : i32
        %dma_wait3A_288 = arith.constant 0 : i32
        %dma_wait3A_289 = tpu.memref_slice %arg14[%dma_wait3A_287, %dma_wait3A_288] : memref<80x128xf32, #tpu.memory_space<vmem>> -> memref<40x128xf32, #tpu.memory_space<vmem>>
        tpu.wait_dma2 semaphore(%run_scoped3A : memref<!tpu.dma_semaphore, #tpu.memory_space<semaphore_mem>>) src(%dma_wait3A_289 : memref<40x128xf32, #tpu.memory_space<vmem>>) dst(%dma_wait3A_286 : memref<40x128xf32, #tpu.memory_space<vmem_shared>>)
        tpu.yield
      }) : () -> ()
      %mul3A_218 = arith.constant 1000 : i32
      %mul3A_219 = arith.muli %arg1, %mul3A_218 : i32
      %add3A_220 = arith.constant 480 : i32
      %add3A_221 = arith.addi %mul3A_219, %add3A_220 : i32
      "tpu.region"() ({
        %run_scoped3A = tpu.sem_alloc : memref<!tpu.dma_semaphore, #tpu.memory_space<semaphore_mem>>
        %dma_start3A_270 = arith.constant 0 : i32
        %dma_start3A_271 = arith.constant 0 : i32
        %dma_start3A_272 = tpu.memref_slice %arg14[%dma_start3A_270, %dma_start3A_271] : memref<80x128xf32, #tpu.memory_space<vmem>> -> memref<40x128xf32, #tpu.memory_space<vmem>>
        %dma_start3A_273 = arith.constant 0 : i32
        %dma_start3A_274 = tpu.memref_slice %arg17[%add3A_221, %dma_start3A_273] : memref<10000x128xf32, #tpu.memory_space<vmem_shared>> -> memref<40x128xf32, #tpu.memory_space<vmem_shared>>
        %dma_start3A_275 = arith.constant 0 : i32
        %dma_start3A_276 = tpu.memref_slice %arg17[%add3A_221, %dma_start3A_275] : memref<10000x128xf32, #tpu.memory_space<vmem_shared>> -> memref<40x128xf32, #tpu.memory_space<vmem_shared>>
        %dma_start3A_277 = arith.constant 0 : i32
        %dma_start3A_278 = arith.constant 0 : i32
        %dma_start3A_279 = tpu.memref_slice %arg14[%dma_start3A_277, %dma_start3A_278] : memref<80x128xf32, #tpu.memory_space<vmem>> -> memref<40x128xf32, #tpu.memory_space<vmem>>
        tpu.enqueue_dma source(%dma_start3A_279 : memref<40x128xf32, #tpu.memory_space<vmem>>) target(%dma_start3A_276 : memref<40x128xf32, #tpu.memory_space<vmem_shared>>) target_semaphore(%run_scoped3A : memref<!tpu.dma_semaphore, #tpu.memory_space<semaphore_mem>>)
        %dma_wait3A_280 = arith.constant 0 : i32
        %dma_wait3A_281 = arith.constant 0 : i32
        %dma_wait3A_282 = tpu.memref_slice %arg14[%dma_wait3A_280, %dma_wait3A_281] : memref<80x128xf32, #tpu.memory_space<vmem>> -> memref<40x128xf32, #tpu.memory_space<vmem>>
        %dma_wait3A_283 = arith.constant 0 : i32
        %dma_wait3A_284 = tpu.memref_slice %arg17[%add3A_221, %dma_wait3A_283] : memref<10000x128xf32, #tpu.memory_space<vmem_shared>> -> memref<40x128xf32, #tpu.memory_space<vmem_shared>>
        %dma_wait3A_285 = arith.constant 0 : i32
        %dma_wait3A_286 = tpu.memref_slice %arg17[%add3A_221, %dma_wait3A_285] : memref<10000x128xf32, #tpu.memory_space<vmem_shared>> -> memref<40x128xf32, #tpu.memory_space<vmem_shared>>
        %dma_wait3A_287 = arith.constant 0 : i32
        %dma_wait3A_288 = arith.constant 0 : i32
        %dma_wait3A_289 = tpu.memref_slice %arg14[%dma_wait3A_287, %dma_wait3A_288] : memref<80x128xf32, #tpu.memory_space<vmem>> -> memref<40x128xf32, #tpu.memory_space<vmem>>
        tpu.wait_dma2 semaphore(%run_scoped3A : memref<!tpu.dma_semaphore, #tpu.memory_space<semaphore_mem>>) src(%dma_wait3A_289 : memref<40x128xf32, #tpu.memory_space<vmem>>) dst(%dma_wait3A_286 : memref<40x128xf32, #tpu.memory_space<vmem_shared>>)
        tpu.yield
      }) : () -> ()
      %mul3A_222 = arith.constant 1000 : i32
      %mul3A_223 = arith.muli %arg1, %mul3A_222 : i32
      %add3A_224 = arith.constant 520 : i32
      %add3A_225 = arith.addi %mul3A_223, %add3A_224 : i32
      "tpu.region"() ({
        %run_scoped3A = tpu.sem_alloc : memref<!tpu.dma_semaphore, #tpu.memory_space<semaphore_mem>>
        %dma_start3A_270 = arith.constant 0 : i32
        %dma_start3A_271 = arith.constant 0 : i32
        %dma_start3A_272 = tpu.memref_slice %arg14[%dma_start3A_270, %dma_start3A_271] : memref<80x128xf32, #tpu.memory_space<vmem>> -> memref<40x128xf32, #tpu.memory_space<vmem>>
        %dma_start3A_273 = arith.constant 0 : i32
        %dma_start3A_274 = tpu.memref_slice %arg17[%add3A_225, %dma_start3A_273] : memref<10000x128xf32, #tpu.memory_space<vmem_shared>> -> memref<40x128xf32, #tpu.memory_space<vmem_shared>>
        %dma_start3A_275 = arith.constant 0 : i32
        %dma_start3A_276 = tpu.memref_slice %arg17[%add3A_225, %dma_start3A_275] : memref<10000x128xf32, #tpu.memory_space<vmem_shared>> -> memref<40x128xf32, #tpu.memory_space<vmem_shared>>
        %dma_start3A_277 = arith.constant 0 : i32
        %dma_start3A_278 = arith.constant 0 : i32
        %dma_start3A_279 = tpu.memref_slice %arg14[%dma_start3A_277, %dma_start3A_278] : memref<80x128xf32, #tpu.memory_space<vmem>> -> memref<40x128xf32, #tpu.memory_space<vmem>>
        tpu.enqueue_dma source(%dma_start3A_279 : memref<40x128xf32, #tpu.memory_space<vmem>>) target(%dma_start3A_276 : memref<40x128xf32, #tpu.memory_space<vmem_shared>>) target_semaphore(%run_scoped3A : memref<!tpu.dma_semaphore, #tpu.memory_space<semaphore_mem>>)
        %dma_wait3A_280 = arith.constant 0 : i32
        %dma_wait3A_281 = arith.constant 0 : i32
        %dma_wait3A_282 = tpu.memref_slice %arg14[%dma_wait3A_280, %dma_wait3A_281] : memref<80x128xf32, #tpu.memory_space<vmem>> -> memref<40x128xf32, #tpu.memory_space<vmem>>
        %dma_wait3A_283 = arith.constant 0 : i32
        %dma_wait3A_284 = tpu.memref_slice %arg17[%add3A_225, %dma_wait3A_283] : memref<10000x128xf32, #tpu.memory_space<vmem_shared>> -> memref<40x128xf32, #tpu.memory_space<vmem_shared>>
        %dma_wait3A_285 = arith.constant 0 : i32
        %dma_wait3A_286 = tpu.memref_slice %arg17[%add3A_225, %dma_wait3A_285] : memref<10000x128xf32, #tpu.memory_space<vmem_shared>> -> memref<40x128xf32, #tpu.memory_space<vmem_shared>>
        %dma_wait3A_287 = arith.constant 0 : i32
        %dma_wait3A_288 = arith.constant 0 : i32
        %dma_wait3A_289 = tpu.memref_slice %arg14[%dma_wait3A_287, %dma_wait3A_288] : memref<80x128xf32, #tpu.memory_space<vmem>> -> memref<40x128xf32, #tpu.memory_space<vmem>>
        tpu.wait_dma2 semaphore(%run_scoped3A : memref<!tpu.dma_semaphore, #tpu.memory_space<semaphore_mem>>) src(%dma_wait3A_289 : memref<40x128xf32, #tpu.memory_space<vmem>>) dst(%dma_wait3A_286 : memref<40x128xf32, #tpu.memory_space<vmem_shared>>)
        tpu.yield
      }) : () -> ()
      %mul3A_226 = arith.constant 1000 : i32
      %mul3A_227 = arith.muli %arg1, %mul3A_226 : i32
      %add3A_228 = arith.constant 560 : i32
      %add3A_229 = arith.addi %mul3A_227, %add3A_228 : i32
      "tpu.region"() ({
        %run_scoped3A = tpu.sem_alloc : memref<!tpu.dma_semaphore, #tpu.memory_space<semaphore_mem>>
        %dma_start3A_270 = arith.constant 0 : i32
        %dma_start3A_271 = arith.constant 0 : i32
        %dma_start3A_272 = tpu.memref_slice %arg14[%dma_start3A_270, %dma_start3A_271] : memref<80x128xf32, #tpu.memory_space<vmem>> -> memref<40x128xf32, #tpu.memory_space<vmem>>
        %dma_start3A_273 = arith.constant 0 : i32
        %dma_start3A_274 = tpu.memref_slice %arg17[%add3A_229, %dma_start3A_273] : memref<10000x128xf32, #tpu.memory_space<vmem_shared>> -> memref<40x128xf32, #tpu.memory_space<vmem_shared>>
        %dma_start3A_275 = arith.constant 0 : i32
        %dma_start3A_276 = tpu.memref_slice %arg17[%add3A_229, %dma_start3A_275] : memref<10000x128xf32, #tpu.memory_space<vmem_shared>> -> memref<40x128xf32, #tpu.memory_space<vmem_shared>>
        %dma_start3A_277 = arith.constant 0 : i32
        %dma_start3A_278 = arith.constant 0 : i32
        %dma_start3A_279 = tpu.memref_slice %arg14[%dma_start3A_277, %dma_start3A_278] : memref<80x128xf32, #tpu.memory_space<vmem>> -> memref<40x128xf32, #tpu.memory_space<vmem>>
        tpu.enqueue_dma source(%dma_start3A_279 : memref<40x128xf32, #tpu.memory_space<vmem>>) target(%dma_start3A_276 : memref<40x128xf32, #tpu.memory_space<vmem_shared>>) target_semaphore(%run_scoped3A : memref<!tpu.dma_semaphore, #tpu.memory_space<semaphore_mem>>)
        %dma_wait3A_280 = arith.constant 0 : i32
        %dma_wait3A_281 = arith.constant 0 : i32
        %dma_wait3A_282 = tpu.memref_slice %arg14[%dma_wait3A_280, %dma_wait3A_281] : memref<80x128xf32, #tpu.memory_space<vmem>> -> memref<40x128xf32, #tpu.memory_space<vmem>>
        %dma_wait3A_283 = arith.constant 0 : i32
        %dma_wait3A_284 = tpu.memref_slice %arg17[%add3A_229, %dma_wait3A_283] : memref<10000x128xf32, #tpu.memory_space<vmem_shared>> -> memref<40x128xf32, #tpu.memory_space<vmem_shared>>
        %dma_wait3A_285 = arith.constant 0 : i32
        %dma_wait3A_286 = tpu.memref_slice %arg17[%add3A_229, %dma_wait3A_285] : memref<10000x128xf32, #tpu.memory_space<vmem_shared>> -> memref<40x128xf32, #tpu.memory_space<vmem_shared>>
        %dma_wait3A_287 = arith.constant 0 : i32
        %dma_wait3A_288 = arith.constant 0 : i32
        %dma_wait3A_289 = tpu.memref_slice %arg14[%dma_wait3A_287, %dma_wait3A_288] : memref<80x128xf32, #tpu.memory_space<vmem>> -> memref<40x128xf32, #tpu.memory_space<vmem>>
        tpu.wait_dma2 semaphore(%run_scoped3A : memref<!tpu.dma_semaphore, #tpu.memory_space<semaphore_mem>>) src(%dma_wait3A_289 : memref<40x128xf32, #tpu.memory_space<vmem>>) dst(%dma_wait3A_286 : memref<40x128xf32, #tpu.memory_space<vmem_shared>>)
        tpu.yield
      }) : () -> ()
      %mul3A_230 = arith.constant 1000 : i32
      %mul3A_231 = arith.muli %arg1, %mul3A_230 : i32
      %add3A_232 = arith.constant 600 : i32
      %add3A_233 = arith.addi %mul3A_231, %add3A_232 : i32
      "tpu.region"() ({
        %run_scoped3A = tpu.sem_alloc : memref<!tpu.dma_semaphore, #tpu.memory_space<semaphore_mem>>
        %dma_start3A_270 = arith.constant 0 : i32
        %dma_start3A_271 = arith.constant 0 : i32
        %dma_start3A_272 = tpu.memref_slice %arg14[%dma_start3A_270, %dma_start3A_271] : memref<80x128xf32, #tpu.memory_space<vmem>> -> memref<40x128xf32, #tpu.memory_space<vmem>>
        %dma_start3A_273 = arith.constant 0 : i32
        %dma_start3A_274 = tpu.memref_slice %arg17[%add3A_233, %dma_start3A_273] : memref<10000x128xf32, #tpu.memory_space<vmem_shared>> -> memref<40x128xf32, #tpu.memory_space<vmem_shared>>
        %dma_start3A_275 = arith.constant 0 : i32
        %dma_start3A_276 = tpu.memref_slice %arg17[%add3A_233, %dma_start3A_275] : memref<10000x128xf32, #tpu.memory_space<vmem_shared>> -> memref<40x128xf32, #tpu.memory_space<vmem_shared>>
        %dma_start3A_277 = arith.constant 0 : i32
        %dma_start3A_278 = arith.constant 0 : i32
        %dma_start3A_279 = tpu.memref_slice %arg14[%dma_start3A_277, %dma_start3A_278] : memref<80x128xf32, #tpu.memory_space<vmem>> -> memref<40x128xf32, #tpu.memory_space<vmem>>
        tpu.enqueue_dma source(%dma_start3A_279 : memref<40x128xf32, #tpu.memory_space<vmem>>) target(%dma_start3A_276 : memref<40x128xf32, #tpu.memory_space<vmem_shared>>) target_semaphore(%run_scoped3A : memref<!tpu.dma_semaphore, #tpu.memory_space<semaphore_mem>>)
        %dma_wait3A_280 = arith.constant 0 : i32
        %dma_wait3A_281 = arith.constant 0 : i32
        %dma_wait3A_282 = tpu.memref_slice %arg14[%dma_wait3A_280, %dma_wait3A_281] : memref<80x128xf32, #tpu.memory_space<vmem>> -> memref<40x128xf32, #tpu.memory_space<vmem>>
        %dma_wait3A_283 = arith.constant 0 : i32
        %dma_wait3A_284 = tpu.memref_slice %arg17[%add3A_233, %dma_wait3A_283] : memref<10000x128xf32, #tpu.memory_space<vmem_shared>> -> memref<40x128xf32, #tpu.memory_space<vmem_shared>>
        %dma_wait3A_285 = arith.constant 0 : i32
        %dma_wait3A_286 = tpu.memref_slice %arg17[%add3A_233, %dma_wait3A_285] : memref<10000x128xf32, #tpu.memory_space<vmem_shared>> -> memref<40x128xf32, #tpu.memory_space<vmem_shared>>
        %dma_wait3A_287 = arith.constant 0 : i32
        %dma_wait3A_288 = arith.constant 0 : i32
        %dma_wait3A_289 = tpu.memref_slice %arg14[%dma_wait3A_287, %dma_wait3A_288] : memref<80x128xf32, #tpu.memory_space<vmem>> -> memref<40x128xf32, #tpu.memory_space<vmem>>
        tpu.wait_dma2 semaphore(%run_scoped3A : memref<!tpu.dma_semaphore, #tpu.memory_space<semaphore_mem>>) src(%dma_wait3A_289 : memref<40x128xf32, #tpu.memory_space<vmem>>) dst(%dma_wait3A_286 : memref<40x128xf32, #tpu.memory_space<vmem_shared>>)
        tpu.yield
      }) : () -> ()
      %mul3A_234 = arith.constant 1000 : i32
      %mul3A_235 = arith.muli %arg1, %mul3A_234 : i32
      %add3A_236 = arith.constant 640 : i32
      %add3A_237 = arith.addi %mul3A_235, %add3A_236 : i32
      "tpu.region"() ({
        %run_scoped3A = tpu.sem_alloc : memref<!tpu.dma_semaphore, #tpu.memory_space<semaphore_mem>>
        %dma_start3A_270 = arith.constant 0 : i32
        %dma_start3A_271 = arith.constant 0 : i32
        %dma_start3A_272 = tpu.memref_slice %arg14[%dma_start3A_270, %dma_start3A_271] : memref<80x128xf32, #tpu.memory_space<vmem>> -> memref<40x128xf32, #tpu.memory_space<vmem>>
        %dma_start3A_273 = arith.constant 0 : i32
        %dma_start3A_274 = tpu.memref_slice %arg17[%add3A_237, %dma_start3A_273] : memref<10000x128xf32, #tpu.memory_space<vmem_shared>> -> memref<40x128xf32, #tpu.memory_space<vmem_shared>>
        %dma_start3A_275 = arith.constant 0 : i32
        %dma_start3A_276 = tpu.memref_slice %arg17[%add3A_237, %dma_start3A_275] : memref<10000x128xf32, #tpu.memory_space<vmem_shared>> -> memref<40x128xf32, #tpu.memory_space<vmem_shared>>
        %dma_start3A_277 = arith.constant 0 : i32
        %dma_start3A_278 = arith.constant 0 : i32
        %dma_start3A_279 = tpu.memref_slice %arg14[%dma_start3A_277, %dma_start3A_278] : memref<80x128xf32, #tpu.memory_space<vmem>> -> memref<40x128xf32, #tpu.memory_space<vmem>>
        tpu.enqueue_dma source(%dma_start3A_279 : memref<40x128xf32, #tpu.memory_space<vmem>>) target(%dma_start3A_276 : memref<40x128xf32, #tpu.memory_space<vmem_shared>>) target_semaphore(%run_scoped3A : memref<!tpu.dma_semaphore, #tpu.memory_space<semaphore_mem>>)
        %dma_wait3A_280 = arith.constant 0 : i32
        %dma_wait3A_281 = arith.constant 0 : i32
        %dma_wait3A_282 = tpu.memref_slice %arg14[%dma_wait3A_280, %dma_wait3A_281] : memref<80x128xf32, #tpu.memory_space<vmem>> -> memref<40x128xf32, #tpu.memory_space<vmem>>
        %dma_wait3A_283 = arith.constant 0 : i32
        %dma_wait3A_284 = tpu.memref_slice %arg17[%add3A_237, %dma_wait3A_283] : memref<10000x128xf32, #tpu.memory_space<vmem_shared>> -> memref<40x128xf32, #tpu.memory_space<vmem_shared>>
        %dma_wait3A_285 = arith.constant 0 : i32
        %dma_wait3A_286 = tpu.memref_slice %arg17[%add3A_237, %dma_wait3A_285] : memref<10000x128xf32, #tpu.memory_space<vmem_shared>> -> memref<40x128xf32, #tpu.memory_space<vmem_shared>>
        %dma_wait3A_287 = arith.constant 0 : i32
        %dma_wait3A_288 = arith.constant 0 : i32
        %dma_wait3A_289 = tpu.memref_slice %arg14[%dma_wait3A_287, %dma_wait3A_288] : memref<80x128xf32, #tpu.memory_space<vmem>> -> memref<40x128xf32, #tpu.memory_space<vmem>>
        tpu.wait_dma2 semaphore(%run_scoped3A : memref<!tpu.dma_semaphore, #tpu.memory_space<semaphore_mem>>) src(%dma_wait3A_289 : memref<40x128xf32, #tpu.memory_space<vmem>>) dst(%dma_wait3A_286 : memref<40x128xf32, #tpu.memory_space<vmem_shared>>)
        tpu.yield
      }) : () -> ()
      %mul3A_238 = arith.constant 1000 : i32
      %mul3A_239 = arith.muli %arg1, %mul3A_238 : i32
      %add3A_240 = arith.constant 680 : i32
      %add3A_241 = arith.addi %mul3A_239, %add3A_240 : i32
      "tpu.region"() ({
        %run_scoped3A = tpu.sem_alloc : memref<!tpu.dma_semaphore, #tpu.memory_space<semaphore_mem>>
        %dma_start3A_270 = arith.constant 0 : i32
        %dma_start3A_271 = arith.constant 0 : i32
        %dma_start3A_272 = tpu.memref_slice %arg14[%dma_start3A_270, %dma_start3A_271] : memref<80x128xf32, #tpu.memory_space<vmem>> -> memref<40x128xf32, #tpu.memory_space<vmem>>
        %dma_start3A_273 = arith.constant 0 : i32
        %dma_start3A_274 = tpu.memref_slice %arg17[%add3A_241, %dma_start3A_273] : memref<10000x128xf32, #tpu.memory_space<vmem_shared>> -> memref<40x128xf32, #tpu.memory_space<vmem_shared>>
        %dma_start3A_275 = arith.constant 0 : i32
        %dma_start3A_276 = tpu.memref_slice %arg17[%add3A_241, %dma_start3A_275] : memref<10000x128xf32, #tpu.memory_space<vmem_shared>> -> memref<40x128xf32, #tpu.memory_space<vmem_shared>>
        %dma_start3A_277 = arith.constant 0 : i32
        %dma_start3A_278 = arith.constant 0 : i32
        %dma_start3A_279 = tpu.memref_slice %arg14[%dma_start3A_277, %dma_start3A_278] : memref<80x128xf32, #tpu.memory_space<vmem>> -> memref<40x128xf32, #tpu.memory_space<vmem>>
        tpu.enqueue_dma source(%dma_start3A_279 : memref<40x128xf32, #tpu.memory_space<vmem>>) target(%dma_start3A_276 : memref<40x128xf32, #tpu.memory_space<vmem_shared>>) target_semaphore(%run_scoped3A : memref<!tpu.dma_semaphore, #tpu.memory_space<semaphore_mem>>)
        %dma_wait3A_280 = arith.constant 0 : i32
        %dma_wait3A_281 = arith.constant 0 : i32
        %dma_wait3A_282 = tpu.memref_slice %arg14[%dma_wait3A_280, %dma_wait3A_281] : memref<80x128xf32, #tpu.memory_space<vmem>> -> memref<40x128xf32, #tpu.memory_space<vmem>>
        %dma_wait3A_283 = arith.constant 0 : i32
        %dma_wait3A_284 = tpu.memref_slice %arg17[%add3A_241, %dma_wait3A_283] : memref<10000x128xf32, #tpu.memory_space<vmem_shared>> -> memref<40x128xf32, #tpu.memory_space<vmem_shared>>
        %dma_wait3A_285 = arith.constant 0 : i32
        %dma_wait3A_286 = tpu.memref_slice %arg17[%add3A_241, %dma_wait3A_285] : memref<10000x128xf32, #tpu.memory_space<vmem_shared>> -> memref<40x128xf32, #tpu.memory_space<vmem_shared>>
        %dma_wait3A_287 = arith.constant 0 : i32
        %dma_wait3A_288 = arith.constant 0 : i32
        %dma_wait3A_289 = tpu.memref_slice %arg14[%dma_wait3A_287, %dma_wait3A_288] : memref<80x128xf32, #tpu.memory_space<vmem>> -> memref<40x128xf32, #tpu.memory_space<vmem>>
        tpu.wait_dma2 semaphore(%run_scoped3A : memref<!tpu.dma_semaphore, #tpu.memory_space<semaphore_mem>>) src(%dma_wait3A_289 : memref<40x128xf32, #tpu.memory_space<vmem>>) dst(%dma_wait3A_286 : memref<40x128xf32, #tpu.memory_space<vmem_shared>>)
        tpu.yield
      }) : () -> ()
      %mul3A_242 = arith.constant 1000 : i32
      %mul3A_243 = arith.muli %arg1, %mul3A_242 : i32
      %add3A_244 = arith.constant 720 : i32
      %add3A_245 = arith.addi %mul3A_243, %add3A_244 : i32
      "tpu.region"() ({
        %run_scoped3A = tpu.sem_alloc : memref<!tpu.dma_semaphore, #tpu.memory_space<semaphore_mem>>
        %dma_start3A_270 = arith.constant 0 : i32
        %dma_start3A_271 = arith.constant 0 : i32
        %dma_start3A_272 = tpu.memref_slice %arg14[%dma_start3A_270, %dma_start3A_271] : memref<80x128xf32, #tpu.memory_space<vmem>> -> memref<40x128xf32, #tpu.memory_space<vmem>>
        %dma_start3A_273 = arith.constant 0 : i32
        %dma_start3A_274 = tpu.memref_slice %arg17[%add3A_245, %dma_start3A_273] : memref<10000x128xf32, #tpu.memory_space<vmem_shared>> -> memref<40x128xf32, #tpu.memory_space<vmem_shared>>
        %dma_start3A_275 = arith.constant 0 : i32
        %dma_start3A_276 = tpu.memref_slice %arg17[%add3A_245, %dma_start3A_275] : memref<10000x128xf32, #tpu.memory_space<vmem_shared>> -> memref<40x128xf32, #tpu.memory_space<vmem_shared>>
        %dma_start3A_277 = arith.constant 0 : i32
        %dma_start3A_278 = arith.constant 0 : i32
        %dma_start3A_279 = tpu.memref_slice %arg14[%dma_start3A_277, %dma_start3A_278] : memref<80x128xf32, #tpu.memory_space<vmem>> -> memref<40x128xf32, #tpu.memory_space<vmem>>
        tpu.enqueue_dma source(%dma_start3A_279 : memref<40x128xf32, #tpu.memory_space<vmem>>) target(%dma_start3A_276 : memref<40x128xf32, #tpu.memory_space<vmem_shared>>) target_semaphore(%run_scoped3A : memref<!tpu.dma_semaphore, #tpu.memory_space<semaphore_mem>>)
        %dma_wait3A_280 = arith.constant 0 : i32
        %dma_wait3A_281 = arith.constant 0 : i32
        %dma_wait3A_282 = tpu.memref_slice %arg14[%dma_wait3A_280, %dma_wait3A_281] : memref<80x128xf32, #tpu.memory_space<vmem>> -> memref<40x128xf32, #tpu.memory_space<vmem>>
        %dma_wait3A_283 = arith.constant 0 : i32
        %dma_wait3A_284 = tpu.memref_slice %arg17[%add3A_245, %dma_wait3A_283] : memref<10000x128xf32, #tpu.memory_space<vmem_shared>> -> memref<40x128xf32, #tpu.memory_space<vmem_shared>>
        %dma_wait3A_285 = arith.constant 0 : i32
        %dma_wait3A_286 = tpu.memref_slice %arg17[%add3A_245, %dma_wait3A_285] : memref<10000x128xf32, #tpu.memory_space<vmem_shared>> -> memref<40x128xf32, #tpu.memory_space<vmem_shared>>
        %dma_wait3A_287 = arith.constant 0 : i32
        %dma_wait3A_288 = arith.constant 0 : i32
        %dma_wait3A_289 = tpu.memref_slice %arg14[%dma_wait3A_287, %dma_wait3A_288] : memref<80x128xf32, #tpu.memory_space<vmem>> -> memref<40x128xf32, #tpu.memory_space<vmem>>
        tpu.wait_dma2 semaphore(%run_scoped3A : memref<!tpu.dma_semaphore, #tpu.memory_space<semaphore_mem>>) src(%dma_wait3A_289 : memref<40x128xf32, #tpu.memory_space<vmem>>) dst(%dma_wait3A_286 : memref<40x128xf32, #tpu.memory_space<vmem_shared>>)
        tpu.yield
      }) : () -> ()
      %mul3A_246 = arith.constant 1000 : i32
      %mul3A_247 = arith.muli %arg1, %mul3A_246 : i32
      %add3A_248 = arith.constant 760 : i32
      %add3A_249 = arith.addi %mul3A_247, %add3A_248 : i32
      "tpu.region"() ({
        %run_scoped3A = tpu.sem_alloc : memref<!tpu.dma_semaphore, #tpu.memory_space<semaphore_mem>>
        %dma_start3A_270 = arith.constant 0 : i32
        %dma_start3A_271 = arith.constant 0 : i32
        %dma_start3A_272 = tpu.memref_slice %arg14[%dma_start3A_270, %dma_start3A_271] : memref<80x128xf32, #tpu.memory_space<vmem>> -> memref<40x128xf32, #tpu.memory_space<vmem>>
        %dma_start3A_273 = arith.constant 0 : i32
        %dma_start3A_274 = tpu.memref_slice %arg17[%add3A_249, %dma_start3A_273] : memref<10000x128xf32, #tpu.memory_space<vmem_shared>> -> memref<40x128xf32, #tpu.memory_space<vmem_shared>>
        %dma_start3A_275 = arith.constant 0 : i32
        %dma_start3A_276 = tpu.memref_slice %arg17[%add3A_249, %dma_start3A_275] : memref<10000x128xf32, #tpu.memory_space<vmem_shared>> -> memref<40x128xf32, #tpu.memory_space<vmem_shared>>
        %dma_start3A_277 = arith.constant 0 : i32
        %dma_start3A_278 = arith.constant 0 : i32
        %dma_start3A_279 = tpu.memref_slice %arg14[%dma_start3A_277, %dma_start3A_278] : memref<80x128xf32, #tpu.memory_space<vmem>> -> memref<40x128xf32, #tpu.memory_space<vmem>>
        tpu.enqueue_dma source(%dma_start3A_279 : memref<40x128xf32, #tpu.memory_space<vmem>>) target(%dma_start3A_276 : memref<40x128xf32, #tpu.memory_space<vmem_shared>>) target_semaphore(%run_scoped3A : memref<!tpu.dma_semaphore, #tpu.memory_space<semaphore_mem>>)
        %dma_wait3A_280 = arith.constant 0 : i32
        %dma_wait3A_281 = arith.constant 0 : i32
        %dma_wait3A_282 = tpu.memref_slice %arg14[%dma_wait3A_280, %dma_wait3A_281] : memref<80x128xf32, #tpu.memory_space<vmem>> -> memref<40x128xf32, #tpu.memory_space<vmem>>
        %dma_wait3A_283 = arith.constant 0 : i32
        %dma_wait3A_284 = tpu.memref_slice %arg17[%add3A_249, %dma_wait3A_283] : memref<10000x128xf32, #tpu.memory_space<vmem_shared>> -> memref<40x128xf32, #tpu.memory_space<vmem_shared>>
        %dma_wait3A_285 = arith.constant 0 : i32
        %dma_wait3A_286 = tpu.memref_slice %arg17[%add3A_249, %dma_wait3A_285] : memref<10000x128xf32, #tpu.memory_space<vmem_shared>> -> memref<40x128xf32, #tpu.memory_space<vmem_shared>>
        %dma_wait3A_287 = arith.constant 0 : i32
        %dma_wait3A_288 = arith.constant 0 : i32
        %dma_wait3A_289 = tpu.memref_slice %arg14[%dma_wait3A_287, %dma_wait3A_288] : memref<80x128xf32, #tpu.memory_space<vmem>> -> memref<40x128xf32, #tpu.memory_space<vmem>>
        tpu.wait_dma2 semaphore(%run_scoped3A : memref<!tpu.dma_semaphore, #tpu.memory_space<semaphore_mem>>) src(%dma_wait3A_289 : memref<40x128xf32, #tpu.memory_space<vmem>>) dst(%dma_wait3A_286 : memref<40x128xf32, #tpu.memory_space<vmem_shared>>)
        tpu.yield
      }) : () -> ()
      %mul3A_250 = arith.constant 1000 : i32
      %mul3A_251 = arith.muli %arg1, %mul3A_250 : i32
      %add3A_252 = arith.constant 800 : i32
      %add3A_253 = arith.addi %mul3A_251, %add3A_252 : i32
      "tpu.region"() ({
        %run_scoped3A = tpu.sem_alloc : memref<!tpu.dma_semaphore, #tpu.memory_space<semaphore_mem>>
        %dma_start3A_270 = arith.constant 0 : i32
        %dma_start3A_271 = arith.constant 0 : i32
        %dma_start3A_272 = tpu.memref_slice %arg14[%dma_start3A_270, %dma_start3A_271] : memref<80x128xf32, #tpu.memory_space<vmem>> -> memref<40x128xf32, #tpu.memory_space<vmem>>
        %dma_start3A_273 = arith.constant 0 : i32
        %dma_start3A_274 = tpu.memref_slice %arg17[%add3A_253, %dma_start3A_273] : memref<10000x128xf32, #tpu.memory_space<vmem_shared>> -> memref<40x128xf32, #tpu.memory_space<vmem_shared>>
        %dma_start3A_275 = arith.constant 0 : i32
        %dma_start3A_276 = tpu.memref_slice %arg17[%add3A_253, %dma_start3A_275] : memref<10000x128xf32, #tpu.memory_space<vmem_shared>> -> memref<40x128xf32, #tpu.memory_space<vmem_shared>>
        %dma_start3A_277 = arith.constant 0 : i32
        %dma_start3A_278 = arith.constant 0 : i32
        %dma_start3A_279 = tpu.memref_slice %arg14[%dma_start3A_277, %dma_start3A_278] : memref<80x128xf32, #tpu.memory_space<vmem>> -> memref<40x128xf32, #tpu.memory_space<vmem>>
        tpu.enqueue_dma source(%dma_start3A_279 : memref<40x128xf32, #tpu.memory_space<vmem>>) target(%dma_start3A_276 : memref<40x128xf32, #tpu.memory_space<vmem_shared>>) target_semaphore(%run_scoped3A : memref<!tpu.dma_semaphore, #tpu.memory_space<semaphore_mem>>)
        %dma_wait3A_280 = arith.constant 0 : i32
        %dma_wait3A_281 = arith.constant 0 : i32
        %dma_wait3A_282 = tpu.memref_slice %arg14[%dma_wait3A_280, %dma_wait3A_281] : memref<80x128xf32, #tpu.memory_space<vmem>> -> memref<40x128xf32, #tpu.memory_space<vmem>>
        %dma_wait3A_283 = arith.constant 0 : i32
        %dma_wait3A_284 = tpu.memref_slice %arg17[%add3A_253, %dma_wait3A_283] : memref<10000x128xf32, #tpu.memory_space<vmem_shared>> -> memref<40x128xf32, #tpu.memory_space<vmem_shared>>
        %dma_wait3A_285 = arith.constant 0 : i32
        %dma_wait3A_286 = tpu.memref_slice %arg17[%add3A_253, %dma_wait3A_285] : memref<10000x128xf32, #tpu.memory_space<vmem_shared>> -> memref<40x128xf32, #tpu.memory_space<vmem_shared>>
        %dma_wait3A_287 = arith.constant 0 : i32
        %dma_wait3A_288 = arith.constant 0 : i32
        %dma_wait3A_289 = tpu.memref_slice %arg14[%dma_wait3A_287, %dma_wait3A_288] : memref<80x128xf32, #tpu.memory_space<vmem>> -> memref<40x128xf32, #tpu.memory_space<vmem>>
        tpu.wait_dma2 semaphore(%run_scoped3A : memref<!tpu.dma_semaphore, #tpu.memory_space<semaphore_mem>>) src(%dma_wait3A_289 : memref<40x128xf32, #tpu.memory_space<vmem>>) dst(%dma_wait3A_286 : memref<40x128xf32, #tpu.memory_space<vmem_shared>>)
        tpu.yield
      }) : () -> ()
      %mul3A_254 = arith.constant 1000 : i32
      %mul3A_255 = arith.muli %arg1, %mul3A_254 : i32
      %add3A_256 = arith.constant 840 : i32
      %add3A_257 = arith.addi %mul3A_255, %add3A_256 : i32
      "tpu.region"() ({
        %run_scoped3A = tpu.sem_alloc : memref<!tpu.dma_semaphore, #tpu.memory_space<semaphore_mem>>
        %dma_start3A_270 = arith.constant 0 : i32
        %dma_start3A_271 = arith.constant 0 : i32
        %dma_start3A_272 = tpu.memref_slice %arg14[%dma_start3A_270, %dma_start3A_271] : memref<80x128xf32, #tpu.memory_space<vmem>> -> memref<40x128xf32, #tpu.memory_space<vmem>>
        %dma_start3A_273 = arith.constant 0 : i32
        %dma_start3A_274 = tpu.memref_slice %arg17[%add3A_257, %dma_start3A_273] : memref<10000x128xf32, #tpu.memory_space<vmem_shared>> -> memref<40x128xf32, #tpu.memory_space<vmem_shared>>
        %dma_start3A_275 = arith.constant 0 : i32
        %dma_start3A_276 = tpu.memref_slice %arg17[%add3A_257, %dma_start3A_275] : memref<10000x128xf32, #tpu.memory_space<vmem_shared>> -> memref<40x128xf32, #tpu.memory_space<vmem_shared>>
        %dma_start3A_277 = arith.constant 0 : i32
        %dma_start3A_278 = arith.constant 0 : i32
        %dma_start3A_279 = tpu.memref_slice %arg14[%dma_start3A_277, %dma_start3A_278] : memref<80x128xf32, #tpu.memory_space<vmem>> -> memref<40x128xf32, #tpu.memory_space<vmem>>
        tpu.enqueue_dma source(%dma_start3A_279 : memref<40x128xf32, #tpu.memory_space<vmem>>) target(%dma_start3A_276 : memref<40x128xf32, #tpu.memory_space<vmem_shared>>) target_semaphore(%run_scoped3A : memref<!tpu.dma_semaphore, #tpu.memory_space<semaphore_mem>>)
        %dma_wait3A_280 = arith.constant 0 : i32
        %dma_wait3A_281 = arith.constant 0 : i32
        %dma_wait3A_282 = tpu.memref_slice %arg14[%dma_wait3A_280, %dma_wait3A_281] : memref<80x128xf32, #tpu.memory_space<vmem>> -> memref<40x128xf32, #tpu.memory_space<vmem>>
        %dma_wait3A_283 = arith.constant 0 : i32
        %dma_wait3A_284 = tpu.memref_slice %arg17[%add3A_257, %dma_wait3A_283] : memref<10000x128xf32, #tpu.memory_space<vmem_shared>> -> memref<40x128xf32, #tpu.memory_space<vmem_shared>>
        %dma_wait3A_285 = arith.constant 0 : i32
        %dma_wait3A_286 = tpu.memref_slice %arg17[%add3A_257, %dma_wait3A_285] : memref<10000x128xf32, #tpu.memory_space<vmem_shared>> -> memref<40x128xf32, #tpu.memory_space<vmem_shared>>
        %dma_wait3A_287 = arith.constant 0 : i32
        %dma_wait3A_288 = arith.constant 0 : i32
        %dma_wait3A_289 = tpu.memref_slice %arg14[%dma_wait3A_287, %dma_wait3A_288] : memref<80x128xf32, #tpu.memory_space<vmem>> -> memref<40x128xf32, #tpu.memory_space<vmem>>
        tpu.wait_dma2 semaphore(%run_scoped3A : memref<!tpu.dma_semaphore, #tpu.memory_space<semaphore_mem>>) src(%dma_wait3A_289 : memref<40x128xf32, #tpu.memory_space<vmem>>) dst(%dma_wait3A_286 : memref<40x128xf32, #tpu.memory_space<vmem_shared>>)
        tpu.yield
      }) : () -> ()
      %mul3A_258 = arith.constant 1000 : i32
      %mul3A_259 = arith.muli %arg1, %mul3A_258 : i32
      %add3A_260 = arith.constant 880 : i32
      %add3A_261 = arith.addi %mul3A_259, %add3A_260 : i32
      "tpu.region"() ({
        %run_scoped3A = tpu.sem_alloc : memref<!tpu.dma_semaphore, #tpu.memory_space<semaphore_mem>>
        %dma_start3A_270 = arith.constant 0 : i32
        %dma_start3A_271 = arith.constant 0 : i32
        %dma_start3A_272 = tpu.memref_slice %arg14[%dma_start3A_270, %dma_start3A_271] : memref<80x128xf32, #tpu.memory_space<vmem>> -> memref<40x128xf32, #tpu.memory_space<vmem>>
        %dma_start3A_273 = arith.constant 0 : i32
        %dma_start3A_274 = tpu.memref_slice %arg17[%add3A_261, %dma_start3A_273] : memref<10000x128xf32, #tpu.memory_space<vmem_shared>> -> memref<40x128xf32, #tpu.memory_space<vmem_shared>>
        %dma_start3A_275 = arith.constant 0 : i32
        %dma_start3A_276 = tpu.memref_slice %arg17[%add3A_261, %dma_start3A_275] : memref<10000x128xf32, #tpu.memory_space<vmem_shared>> -> memref<40x128xf32, #tpu.memory_space<vmem_shared>>
        %dma_start3A_277 = arith.constant 0 : i32
        %dma_start3A_278 = arith.constant 0 : i32
        %dma_start3A_279 = tpu.memref_slice %arg14[%dma_start3A_277, %dma_start3A_278] : memref<80x128xf32, #tpu.memory_space<vmem>> -> memref<40x128xf32, #tpu.memory_space<vmem>>
        tpu.enqueue_dma source(%dma_start3A_279 : memref<40x128xf32, #tpu.memory_space<vmem>>) target(%dma_start3A_276 : memref<40x128xf32, #tpu.memory_space<vmem_shared>>) target_semaphore(%run_scoped3A : memref<!tpu.dma_semaphore, #tpu.memory_space<semaphore_mem>>)
        %dma_wait3A_280 = arith.constant 0 : i32
        %dma_wait3A_281 = arith.constant 0 : i32
        %dma_wait3A_282 = tpu.memref_slice %arg14[%dma_wait3A_280, %dma_wait3A_281] : memref<80x128xf32, #tpu.memory_space<vmem>> -> memref<40x128xf32, #tpu.memory_space<vmem>>
        %dma_wait3A_283 = arith.constant 0 : i32
        %dma_wait3A_284 = tpu.memref_slice %arg17[%add3A_261, %dma_wait3A_283] : memref<10000x128xf32, #tpu.memory_space<vmem_shared>> -> memref<40x128xf32, #tpu.memory_space<vmem_shared>>
        %dma_wait3A_285 = arith.constant 0 : i32
        %dma_wait3A_286 = tpu.memref_slice %arg17[%add3A_261, %dma_wait3A_285] : memref<10000x128xf32, #tpu.memory_space<vmem_shared>> -> memref<40x128xf32, #tpu.memory_space<vmem_shared>>
        %dma_wait3A_287 = arith.constant 0 : i32
        %dma_wait3A_288 = arith.constant 0 : i32
        %dma_wait3A_289 = tpu.memref_slice %arg14[%dma_wait3A_287, %dma_wait3A_288] : memref<80x128xf32, #tpu.memory_space<vmem>> -> memref<40x128xf32, #tpu.memory_space<vmem>>
        tpu.wait_dma2 semaphore(%run_scoped3A : memref<!tpu.dma_semaphore, #tpu.memory_space<semaphore_mem>>) src(%dma_wait3A_289 : memref<40x128xf32, #tpu.memory_space<vmem>>) dst(%dma_wait3A_286 : memref<40x128xf32, #tpu.memory_space<vmem_shared>>)
        tpu.yield
      }) : () -> ()
      %mul3A_262 = arith.constant 1000 : i32
      %mul3A_263 = arith.muli %arg1, %mul3A_262 : i32
      %add3A_264 = arith.constant 920 : i32
      %add3A_265 = arith.addi %mul3A_263, %add3A_264 : i32
      "tpu.region"() ({
        %run_scoped3A = tpu.sem_alloc : memref<!tpu.dma_semaphore, #tpu.memory_space<semaphore_mem>>
        %dma_start3A_270 = arith.constant 0 : i32
        %dma_start3A_271 = arith.constant 0 : i32
        %dma_start3A_272 = tpu.memref_slice %arg14[%dma_start3A_270, %dma_start3A_271] : memref<80x128xf32, #tpu.memory_space<vmem>> -> memref<40x128xf32, #tpu.memory_space<vmem>>
        %dma_start3A_273 = arith.constant 0 : i32
        %dma_start3A_274 = tpu.memref_slice %arg17[%add3A_265, %dma_start3A_273] : memref<10000x128xf32, #tpu.memory_space<vmem_shared>> -> memref<40x128xf32, #tpu.memory_space<vmem_shared>>
        %dma_start3A_275 = arith.constant 0 : i32
        %dma_start3A_276 = tpu.memref_slice %arg17[%add3A_265, %dma_start3A_275] : memref<10000x128xf32, #tpu.memory_space<vmem_shared>> -> memref<40x128xf32, #tpu.memory_space<vmem_shared>>
        %dma_start3A_277 = arith.constant 0 : i32
        %dma_start3A_278 = arith.constant 0 : i32
        %dma_start3A_279 = tpu.memref_slice %arg14[%dma_start3A_277, %dma_start3A_278] : memref<80x128xf32, #tpu.memory_space<vmem>> -> memref<40x128xf32, #tpu.memory_space<vmem>>
        tpu.enqueue_dma source(%dma_start3A_279 : memref<40x128xf32, #tpu.memory_space<vmem>>) target(%dma_start3A_276 : memref<40x128xf32, #tpu.memory_space<vmem_shared>>) target_semaphore(%run_scoped3A : memref<!tpu.dma_semaphore, #tpu.memory_space<semaphore_mem>>)
        %dma_wait3A_280 = arith.constant 0 : i32
        %dma_wait3A_281 = arith.constant 0 : i32
        %dma_wait3A_282 = tpu.memref_slice %arg14[%dma_wait3A_280, %dma_wait3A_281] : memref<80x128xf32, #tpu.memory_space<vmem>> -> memref<40x128xf32, #tpu.memory_space<vmem>>
        %dma_wait3A_283 = arith.constant 0 : i32
        %dma_wait3A_284 = tpu.memref_slice %arg17[%add3A_265, %dma_wait3A_283] : memref<10000x128xf32, #tpu.memory_space<vmem_shared>> -> memref<40x128xf32, #tpu.memory_space<vmem_shared>>
        %dma_wait3A_285 = arith.constant 0 : i32
        %dma_wait3A_286 = tpu.memref_slice %arg17[%add3A_265, %dma_wait3A_285] : memref<10000x128xf32, #tpu.memory_space<vmem_shared>> -> memref<40x128xf32, #tpu.memory_space<vmem_shared>>
        %dma_wait3A_287 = arith.constant 0 : i32
        %dma_wait3A_288 = arith.constant 0 : i32
        %dma_wait3A_289 = tpu.memref_slice %arg14[%dma_wait3A_287, %dma_wait3A_288] : memref<80x128xf32, #tpu.memory_space<vmem>> -> memref<40x128xf32, #tpu.memory_space<vmem>>
        tpu.wait_dma2 semaphore(%run_scoped3A : memref<!tpu.dma_semaphore, #tpu.memory_space<semaphore_mem>>) src(%dma_wait3A_289 : memref<40x128xf32, #tpu.memory_space<vmem>>) dst(%dma_wait3A_286 : memref<40x128xf32, #tpu.memory_space<vmem_shared>>)
        tpu.yield
      }) : () -> ()
      %mul3A_266 = arith.constant 1000 : i32
      %mul3A_267 = arith.muli %arg1, %mul3A_266 : i32
      %add3A_268 = arith.constant 960 : i32
      %add3A_269 = arith.addi %mul3A_267, %add3A_268 : i32
      "tpu.region"() ({
        %run_scoped3A = tpu.sem_alloc : memref<!tpu.dma_semaphore, #tpu.memory_space<semaphore_mem>>
        %dma_start3A_270 = arith.constant 0 : i32
        %dma_start3A_271 = arith.constant 0 : i32
        %dma_start3A_272 = tpu.memref_slice %arg14[%dma_start3A_270, %dma_start3A_271] : memref<80x128xf32, #tpu.memory_space<vmem>> -> memref<40x128xf32, #tpu.memory_space<vmem>>
        %dma_start3A_273 = arith.constant 0 : i32
        %dma_start3A_274 = tpu.memref_slice %arg17[%add3A_269, %dma_start3A_273] : memref<10000x128xf32, #tpu.memory_space<vmem_shared>> -> memref<40x128xf32, #tpu.memory_space<vmem_shared>>
        %dma_start3A_275 = arith.constant 0 : i32
        %dma_start3A_276 = tpu.memref_slice %arg17[%add3A_269, %dma_start3A_275] : memref<10000x128xf32, #tpu.memory_space<vmem_shared>> -> memref<40x128xf32, #tpu.memory_space<vmem_shared>>
        %dma_start3A_277 = arith.constant 0 : i32
        %dma_start3A_278 = arith.constant 0 : i32
        %dma_start3A_279 = tpu.memref_slice %arg14[%dma_start3A_277, %dma_start3A_278] : memref<80x128xf32, #tpu.memory_space<vmem>> -> memref<40x128xf32, #tpu.memory_space<vmem>>
        tpu.enqueue_dma source(%dma_start3A_279 : memref<40x128xf32, #tpu.memory_space<vmem>>) target(%dma_start3A_276 : memref<40x128xf32, #tpu.memory_space<vmem_shared>>) target_semaphore(%run_scoped3A : memref<!tpu.dma_semaphore, #tpu.memory_space<semaphore_mem>>)
        %dma_wait3A_280 = arith.constant 0 : i32
        %dma_wait3A_281 = arith.constant 0 : i32
        %dma_wait3A_282 = tpu.memref_slice %arg14[%dma_wait3A_280, %dma_wait3A_281] : memref<80x128xf32, #tpu.memory_space<vmem>> -> memref<40x128xf32, #tpu.memory_space<vmem>>
        %dma_wait3A_283 = arith.constant 0 : i32
        %dma_wait3A_284 = tpu.memref_slice %arg17[%add3A_269, %dma_wait3A_283] : memref<10000x128xf32, #tpu.memory_space<vmem_shared>> -> memref<40x128xf32, #tpu.memory_space<vmem_shared>>
        %dma_wait3A_285 = arith.constant 0 : i32
        %dma_wait3A_286 = tpu.memref_slice %arg17[%add3A_269, %dma_wait3A_285] : memref<10000x128xf32, #tpu.memory_space<vmem_shared>> -> memref<40x128xf32, #tpu.memory_space<vmem_shared>>
        %dma_wait3A_287 = arith.constant 0 : i32
        %dma_wait3A_288 = arith.constant 0 : i32
        %dma_wait3A_289 = tpu.memref_slice %arg14[%dma_wait3A_287, %dma_wait3A_288] : memref<80x128xf32, #tpu.memory_space<vmem>> -> memref<40x128xf32, #tpu.memory_space<vmem>>
        tpu.wait_dma2 semaphore(%run_scoped3A : memref<!tpu.dma_semaphore, #tpu.memory_space<semaphore_mem>>) src(%dma_wait3A_289 : memref<40x128xf32, #tpu.memory_space<vmem>>) dst(%dma_wait3A_286 : memref<40x128xf32, #tpu.memory_space<vmem_shared>>)
        tpu.yield
      }) : () -> ()
    } else {
    }
    %barrier3A = arith.constant 0 : index
    tpu.barrier barrier_id(%barrier3A)
    "tpu.region"() ({
      %run_scoped3A = tpu.sem_alloc : memref<!tpu.dma_semaphore, #tpu.memory_space<semaphore_mem>>
      %dma_start3A_170 = arith.constant 0 : i32
      %dma_start3A_171 = arith.constant 0 : i32
      %dma_start3A_172 = tpu.memref_slice %arg3[%add3A, %dma_start3A_170, %dma_start3A_171] : memref<32x125x80xi32, #tpu.memory_space<hbm>> -> memref<1x125x80xi32, #tpu.memory_space<hbm>>
      %dma_start3A_173 = tpu.memref_squeeze %dma_start3A_172 : memref<1x125x80xi32, #tpu.memory_space<hbm>> -> memref<125x80xi32, #tpu.memory_space<hbm>>
      %dma_start3A_174 = arith.constant 0 : i32
      %dma_start3A_175 = arith.constant 0 : i32
      %dma_start3A_176 = tpu.memref_slice %arg3[%add3A, %dma_start3A_174, %dma_start3A_175] : memref<32x125x80xi32, #tpu.memory_space<hbm>> -> memref<1x125x80xi32, #tpu.memory_space<hbm>>
      %dma_start3A_177 = tpu.memref_squeeze %dma_start3A_176 : memref<1x125x80xi32, #tpu.memory_space<hbm>> -> memref<125x80xi32, #tpu.memory_space<hbm>>
      tpu.enqueue_dma source(%dma_start3A_177 : memref<125x80xi32, #tpu.memory_space<hbm>>) target(%arg7 : memref<125x80xi32, #tpu.memory_space<vmem>>) target_semaphore(%run_scoped3A : memref<!tpu.dma_semaphore, #tpu.memory_space<semaphore_mem>>)
      %dma_wait3A_178 = arith.constant 0 : i32
      %dma_wait3A_179 = arith.constant 0 : i32
      %dma_wait3A_180 = tpu.memref_slice %arg3[%add3A, %dma_wait3A_178, %dma_wait3A_179] : memref<32x125x80xi32, #tpu.memory_space<hbm>> -> memref<1x125x80xi32, #tpu.memory_space<hbm>>
      %dma_wait3A_181 = tpu.memref_squeeze %dma_wait3A_180 : memref<1x125x80xi32, #tpu.memory_space<hbm>> -> memref<125x80xi32, #tpu.memory_space<hbm>>
      %dma_wait3A_182 = arith.constant 0 : i32
      %dma_wait3A_183 = arith.constant 0 : i32
      %dma_wait3A_184 = tpu.memref_slice %arg3[%add3A, %dma_wait3A_182, %dma_wait3A_183] : memref<32x125x80xi32, #tpu.memory_space<hbm>> -> memref<1x125x80xi32, #tpu.memory_space<hbm>>
      %dma_wait3A_185 = tpu.memref_squeeze %dma_wait3A_184 : memref<1x125x80xi32, #tpu.memory_space<hbm>> -> memref<125x80xi32, #tpu.memory_space<hbm>>
      tpu.wait_dma2 semaphore(%run_scoped3A : memref<!tpu.dma_semaphore, #tpu.memory_space<semaphore_mem>>) src(%dma_wait3A_185 : memref<125x80xi32, #tpu.memory_space<hbm>>) dst(%arg7 : memref<125x80xi32, #tpu.memory_space<vmem>>)
      tpu.yield
    }) : () -> ()
    %dma_start3A = arith.constant 0 : i32
    %dma_start3A_8 = arith.constant 0 : i32
    %dma_start3A_9 = arith.constant 0 : i32
    %dma_start3A_10 = tpu.memref_slice %arg4[%add3A, %dma_start3A, %dma_start3A_8, %dma_start3A_9] : memref<32x125x1x80xi32, #tpu.memory_space<hbm>> -> memref<1x1x1x80xi32, #tpu.memory_space<hbm>>
    %dma_start3A_11 = tpu.memref_squeeze %dma_start3A_10 : memref<1x1x1x80xi32, #tpu.memory_space<hbm>> -> memref<1x80xi32, #tpu.memory_space<hbm>>
    %dma_start3A_12 = arith.constant 0 : i32
    %dma_start3A_13 = arith.constant 0 : i32
    %dma_start3A_14 = tpu.memref_slice %arg4[%add3A, %dma_start3A, %dma_start3A_12, %dma_start3A_13] : memref<32x125x1x80xi32, #tpu.memory_space<hbm>> -> memref<1x1x1x80xi32, #tpu.memory_space<hbm>>
    %dma_start3A_15 = tpu.memref_squeeze %dma_start3A_14 : memref<1x1x1x80xi32, #tpu.memory_space<hbm>> -> memref<1x80xi32, #tpu.memory_space<hbm>>
    tpu.enqueue_dma source(%dma_start3A_15 : memref<1x80xi32, #tpu.memory_space<hbm>>) target(%arg11 : memref<1x80xi32, #tpu.memory_space<vmem>>) target_semaphore(%arg21 : memref<!tpu.dma_semaphore, #tpu.memory_space<semaphore_mem>>)
    %get3A = arith.constant 0 : i32
    %get3A_16 = arith.index_cast %get3A : i32 to index
    %get3A_17 = arith.constant 0 : index
    %get3A_18 = tpu.vector_load %arg7[%get3A_16, %get3A_17] {strides = array<i32>} : memref<125x80xi32, #tpu.memory_space<vmem>>, vector<16xi32>,
    %swap3A = arith.constant 0 : index
    %swap3A_19 = tpu.vector_load %arg8[%swap3A] {strides = array<i32>} : memref<80xi32, #tpu.memory_space<vmem>>, vector<16xi32>,
    tpu.vector_store %arg8[%swap3A], %get3A_18 {strides = array<i32>} : memref<80xi32, #tpu.memory_space<vmem>>, vector<16xi32>,
    %get3A_20 = arith.constant 0 : i32
    %get3A_21 = arith.index_cast %get3A_20 : i32 to index
    %get3A_22 = arith.constant 16 : index
    %get3A_23 = tpu.vector_load %arg7[%get3A_21, %get3A_22] {strides = array<i32>} : memref<125x80xi32, #tpu.memory_space<vmem>>, vector<16xi32>,
    %swap3A_24 = arith.constant 16 : index
    %swap3A_25 = tpu.vector_load %arg8[%swap3A_24] {strides = array<i32>} : memref<80xi32, #tpu.memory_space<vmem>>, vector<16xi32>,
    tpu.vector_store %arg8[%swap3A_24], %get3A_23 {strides = array<i32>} : memref<80xi32, #tpu.memory_space<vmem>>, vector<16xi32>,
    %get3A_26 = arith.constant 0 : i32
    %get3A_27 = arith.index_cast %get3A_26 : i32 to index
    %get3A_28 = arith.constant 32 : index
    %get3A_29 = tpu.vector_load %arg7[%get3A_27, %get3A_28] {strides = array<i32>} : memref<125x80xi32, #tpu.memory_space<vmem>>, vector<16xi32>,
    %swap3A_30 = arith.constant 32 : index
    %swap3A_31 = tpu.vector_load %arg8[%swap3A_30] {strides = array<i32>} : memref<80xi32, #tpu.memory_space<vmem>>, vector<16xi32>,
    tpu.vector_store %arg8[%swap3A_30], %get3A_29 {strides = array<i32>} : memref<80xi32, #tpu.memory_space<vmem>>, vector<16xi32>,
    %get3A_32 = arith.constant 0 : i32
    %get3A_33 = arith.index_cast %get3A_32 : i32 to index
    %get3A_34 = arith.constant 48 : index
    %get3A_35 = tpu.vector_load %arg7[%get3A_33, %get3A_34] {strides = array<i32>} : memref<125x80xi32, #tpu.memory_space<vmem>>, vector<16xi32>,
    %swap3A_36 = arith.constant 48 : index
    %swap3A_37 = tpu.vector_load %arg8[%swap3A_36] {strides = array<i32>} : memref<80xi32, #tpu.memory_space<vmem>>, vector<16xi32>,
    tpu.vector_store %arg8[%swap3A_36], %get3A_35 {strides = array<i32>} : memref<80xi32, #tpu.memory_space<vmem>>, vector<16xi32>,
    %get3A_38 = arith.constant 0 : i32
    %get3A_39 = arith.index_cast %get3A_38 : i32 to index
    %get3A_40 = arith.constant 64 : index
    %get3A_41 = tpu.vector_load %arg7[%get3A_39, %get3A_40] {strides = array<i32>} : memref<125x80xi32, #tpu.memory_space<vmem>>, vector<16xi32>,
    %swap3A_42 = arith.constant 64 : index
    %swap3A_43 = tpu.vector_load %arg8[%swap3A_42] {strides = array<i32>} : memref<80xi32, #tpu.memory_space<vmem>>, vector<16xi32>,
    tpu.vector_store %arg8[%swap3A_42], %get3A_41 {strides = array<i32>} : memref<80xi32, #tpu.memory_space<vmem>>, vector<16xi32>,
    %dma_start3A_44 = arith.constant 0 : i32
    %dma_start3A_45 = arith.constant 0 : i32
    %dma_start3A_46 = tpu.memref_slice %arg2[%dma_start3A_44, %dma_start3A_45] : memref<10000x128xf32, #tpu.memory_space<hbm>> -> memref<10000x128xf32, #tpu.memory_space<hbm>>
    tpu.enqueue_indirect_dma source(%dma_start3A_46 : memref<10000x128xf32, #tpu.memory_space<hbm>>) target(%arg14 : memref<80x128xf32, #tpu.memory_space<vmem>>) offsets(%arg8 : memref<80xi32, #tpu.memory_space<vmem>>) semaphore(%arg18 : memref<!tpu.dma_semaphore, #tpu.memory_space<semaphore_mem>>)
    %dma_start3A_47 = arith.constant 1 : i32
    %dma_start3A_48 = arith.constant 0 : i32
    %dma_start3A_49 = arith.constant 0 : i32
    %dma_start3A_50 = tpu.memref_slice %arg4[%add3A, %dma_start3A_47, %dma_start3A_48, %dma_start3A_49] : memref<32x125x1x80xi32, #tpu.memory_space<hbm>> -> memref<1x1x1x80xi32, #tpu.memory_space<hbm>>
    %dma_start3A_51 = tpu.memref_squeeze %dma_start3A_50 : memref<1x1x1x80xi32, #tpu.memory_space<hbm>> -> memref<1x80xi32, #tpu.memory_space<hbm>>
    %dma_start3A_52 = arith.constant 0 : i32
    %dma_start3A_53 = arith.constant 0 : i32
    %dma_start3A_54 = tpu.memref_slice %arg4[%add3A, %dma_start3A_47, %dma_start3A_52, %dma_start3A_53] : memref<32x125x1x80xi32, #tpu.memory_space<hbm>> -> memref<1x1x1x80xi32, #tpu.memory_space<hbm>>
    %dma_start3A_55 = tpu.memref_squeeze %dma_start3A_54 : memref<1x1x1x80xi32, #tpu.memory_space<hbm>> -> memref<1x80xi32, #tpu.memory_space<hbm>>
    tpu.enqueue_dma source(%dma_start3A_55 : memref<1x80xi32, #tpu.memory_space<hbm>>) target(%arg12 : memref<1x80xi32, #tpu.memory_space<vmem>>) target_semaphore(%arg22 : memref<!tpu.dma_semaphore, #tpu.memory_space<semaphore_mem>>)
    %get3A_56 = arith.constant 1 : i32
    %get3A_57 = arith.index_cast %get3A_56 : i32 to index
    %get3A_58 = arith.constant 0 : index
    %get3A_59 = tpu.vector_load %arg7[%get3A_57, %get3A_58] {strides = array<i32>} : memref<125x80xi32, #tpu.memory_space<vmem>>, vector<16xi32>,
    %swap3A_60 = arith.constant 0 : index
    %swap3A_61 = tpu.vector_load %arg9[%swap3A_60] {strides = array<i32>} : memref<80xi32, #tpu.memory_space<vmem>>, vector<16xi32>,
    tpu.vector_store %arg9[%swap3A_60], %get3A_59 {strides = array<i32>} : memref<80xi32, #tpu.memory_space<vmem>>, vector<16xi32>,
    %get3A_62 = arith.constant 1 : i32
    %get3A_63 = arith.index_cast %get3A_62 : i32 to index
    %get3A_64 = arith.constant 16 : index
    %get3A_65 = tpu.vector_load %arg7[%get3A_63, %get3A_64] {strides = array<i32>} : memref<125x80xi32, #tpu.memory_space<vmem>>, vector<16xi32>,
    %swap3A_66 = arith.constant 16 : index
    %swap3A_67 = tpu.vector_load %arg9[%swap3A_66] {strides = array<i32>} : memref<80xi32, #tpu.memory_space<vmem>>, vector<16xi32>,
    tpu.vector_store %arg9[%swap3A_66], %get3A_65 {strides = array<i32>} : memref<80xi32, #tpu.memory_space<vmem>>, vector<16xi32>,
    %get3A_68 = arith.constant 1 : i32
    %get3A_69 = arith.index_cast %get3A_68 : i32 to index
    %get3A_70 = arith.constant 32 : index
    %get3A_71 = tpu.vector_load %arg7[%get3A_69, %get3A_70] {strides = array<i32>} : memref<125x80xi32, #tpu.memory_space<vmem>>, vector<16xi32>,
    %swap3A_72 = arith.constant 32 : index
    %swap3A_73 = tpu.vector_load %arg9[%swap3A_72] {strides = array<i32>} : memref<80xi32, #tpu.memory_space<vmem>>, vector<16xi32>,
    tpu.vector_store %arg9[%swap3A_72], %get3A_71 {strides = array<i32>} : memref<80xi32, #tpu.memory_space<vmem>>, vector<16xi32>,
    %get3A_74 = arith.constant 1 : i32
    %get3A_75 = arith.index_cast %get3A_74 : i32 to index
    %get3A_76 = arith.constant 48 : index
    %get3A_77 = tpu.vector_load %arg7[%get3A_75, %get3A_76] {strides = array<i32>} : memref<125x80xi32, #tpu.memory_space<vmem>>, vector<16xi32>,
    %swap3A_78 = arith.constant 48 : index
    %swap3A_79 = tpu.vector_load %arg9[%swap3A_78] {strides = array<i32>} : memref<80xi32, #tpu.memory_space<vmem>>, vector<16xi32>,
    tpu.vector_store %arg9[%swap3A_78], %get3A_77 {strides = array<i32>} : memref<80xi32, #tpu.memory_space<vmem>>, vector<16xi32>,
    %get3A_80 = arith.constant 1 : i32
    %get3A_81 = arith.index_cast %get3A_80 : i32 to index
    %get3A_82 = arith.constant 64 : index
    %get3A_83 = tpu.vector_load %arg7[%get3A_81, %get3A_82] {strides = array<i32>} : memref<125x80xi32, #tpu.memory_space<vmem>>, vector<16xi32>,
    %swap3A_84 = arith.constant 64 : index
    %swap3A_85 = tpu.vector_load %arg9[%swap3A_84] {strides = array<i32>} : memref<80xi32, #tpu.memory_space<vmem>>, vector<16xi32>,
    tpu.vector_store %arg9[%swap3A_84], %get3A_83 {strides = array<i32>} : memref<80xi32, #tpu.memory_space<vmem>>, vector<16xi32>,
    %dma_start3A_86 = arith.constant 0 : i32
    %dma_start3A_87 = arith.constant 0 : i32
    %dma_start3A_88 = tpu.memref_slice %arg2[%dma_start3A_86, %dma_start3A_87] : memref<10000x128xf32, #tpu.memory_space<hbm>> -> memref<10000x128xf32, #tpu.memory_space<hbm>>
    tpu.enqueue_indirect_dma source(%dma_start3A_88 : memref<10000x128xf32, #tpu.memory_space<hbm>>) target(%arg15 : memref<80x128xf32, #tpu.memory_space<vmem>>) offsets(%arg9 : memref<80xi32, #tpu.memory_space<vmem>>) semaphore(%arg19 : memref<!tpu.dma_semaphore, #tpu.memory_space<semaphore_mem>>)
    %dma_wait3A = arith.constant 0 : i32
    %dma_wait3A_89 = arith.constant 0 : i32
    %dma_wait3A_90 = tpu.memref_slice %arg2[%dma_wait3A, %dma_wait3A_89] : memref<10000x128xf32, #tpu.memory_space<hbm>> -> memref<10000x128xf32, #tpu.memory_space<hbm>>
    tpu.wait_indirect_dma semaphore(%arg18 : memref<!tpu.dma_semaphore, #tpu.memory_space<semaphore_mem>>) src(%dma_wait3A_90 : memref<10000x128xf32, #tpu.memory_space<hbm>>) dst(%arg14 : memref<80x128xf32, #tpu.memory_space<vmem>>)
    %dma_wait3A_91 = arith.constant 0 : i32
    %dma_wait3A_92 = arith.constant 0 : i32
    %dma_wait3A_93 = arith.constant 0 : i32
    %dma_wait3A_94 = tpu.memref_slice %arg4[%add3A, %dma_wait3A_91, %dma_wait3A_92, %dma_wait3A_93] : memref<32x125x1x80xi32, #tpu.memory_space<hbm>> -> memref<1x1x1x80xi32, #tpu.memory_space<hbm>>
    %dma_wait3A_95 = tpu.memref_squeeze %dma_wait3A_94 : memref<1x1x1x80xi32, #tpu.memory_space<hbm>> -> memref<1x80xi32, #tpu.memory_space<hbm>>
    %dma_wait3A_96 = arith.constant 0 : i32
    %dma_wait3A_97 = arith.constant 0 : i32
    %dma_wait3A_98 = tpu.memref_slice %arg4[%add3A, %dma_wait3A_91, %dma_wait3A_96, %dma_wait3A_97] : memref<32x125x1x80xi32, #tpu.memory_space<hbm>> -> memref<1x1x1x80xi32, #tpu.memory_space<hbm>>
    %dma_wait3A_99 = tpu.memref_squeeze %dma_wait3A_98 : memref<1x1x1x80xi32, #tpu.memory_space<hbm>> -> memref<1x80xi32, #tpu.memory_space<hbm>>
    tpu.wait_dma2 semaphore(%arg21 : memref<!tpu.dma_semaphore, #tpu.memory_space<semaphore_mem>>) src(%dma_wait3A_99 : memref<1x80xi32, #tpu.memory_space<hbm>>) dst(%arg11 : memref<1x80xi32, #tpu.memory_space<vmem>>)
    %dma_start3A_100 = arith.constant 0 : i32
    %dma_start3A_101 = arith.constant 0 : i32
    %dma_start3A_102 = tpu.memref_slice %arg11[%dma_start3A_100, %dma_start3A_101] : memref<1x80xi32, #tpu.memory_space<vmem>> -> memref<1x80xi32, #tpu.memory_space<vmem>>
    %dma_start3A_103 = tpu.memref_squeeze %dma_start3A_102 : memref<1x80xi32, #tpu.memory_space<vmem>> -> memref<80xi32, #tpu.memory_space<vmem>>
    %dma_start3A_104 = arith.constant 0 : i32
    %dma_start3A_105 = arith.constant 0 : i32
    %dma_start3A_106 = tpu.memref_slice %arg17[%dma_start3A_104, %dma_start3A_105] : memref<10000x128xf32, #tpu.memory_space<vmem_shared>> -> memref<10000x128xf32, #tpu.memory_space<vmem_shared>>
    tpu.enqueue_indirect_dma source(%arg14 : memref<80x128xf32, #tpu.memory_space<vmem>>) target(%dma_start3A_106 : memref<10000x128xf32, #tpu.memory_space<vmem_shared>>) offsets(%dma_start3A_103 : memref<80xi32, #tpu.memory_space<vmem>>) semaphore(%arg24 : memref<!tpu.dma_semaphore, #tpu.memory_space<semaphore_mem>>) {add = true}
    %scan3A_107 = arith.constant 0 : i32
    %scan3A_108 = arith.constant 0 : i32
    %scan3A_109 = arith.constant 41 : i32
    %scan3A_110 = arith.addi %scan3A_108, %scan3A_109 : i32
    %scan3A_111 = arith.constant 1 : i32
    scf.for %scan3A_170 = %scan3A_108 to %scan3A_110 step %scan3A_111  : i32 {
      %gt3A = arith.constant 0 : i32
      %gt3A_171 = arith.cmpi sgt, %scan3A_170, %gt3A : i32
      %convert_element_type3A_172 = arith.extui %gt3A_171 : i1 to i32
      %cond3A_173 = arith.constant 0 : i32
      %cond3A_174 = arith.cmpi ne, %convert_element_type3A_172, %cond3A_173 : i32
      scf.if %cond3A_174 {
        %dma_wait3A_375 = arith.constant 0 : i32
        %dma_wait3A_376 = arith.constant 0 : i32
        %dma_wait3A_377 = tpu.memref_slice %arg13[%dma_wait3A_375, %dma_wait3A_376] : memref<1x80xi32, #tpu.memory_space<vmem>> -> memref<1x80xi32, #tpu.memory_space<vmem>>
        %dma_wait3A_378 = tpu.memref_squeeze %dma_wait3A_377 : memref<1x80xi32, #tpu.memory_space<vmem>> -> memref<80xi32, #tpu.memory_space<vmem>>
        %dma_wait3A_379 = arith.constant 0 : i32
        %dma_wait3A_380 = arith.constant 0 : i32
        %dma_wait3A_381 = tpu.memref_slice %arg17[%dma_wait3A_379, %dma_wait3A_380] : memref<10000x128xf32, #tpu.memory_space<vmem_shared>> -> memref<10000x128xf32, #tpu.memory_space<vmem_shared>>
        tpu.wait_indirect_dma semaphore(%arg26 : memref<!tpu.dma_semaphore, #tpu.memory_space<semaphore_mem>>) src(%arg16 : memref<80x128xf32, #tpu.memory_space<vmem>>) dst(%dma_wait3A_381 : memref<10000x128xf32, #tpu.memory_space<vmem_shared>>)
      } else {
      }
      %mul3A_175 = arith.constant 3 : i32
      %mul3A_176 = arith.muli %mul3A_175, %scan3A_170 : i32
      %add3A_177 = arith.constant 2 : i32
      %add3A_178 = arith.addi %mul3A_176, %add3A_177 : i32
      %dma_start3A_179 = arith.constant 0 : i32
      %dma_start3A_180 = arith.constant 0 : i32
      %dma_start3A_181 = tpu.memref_slice %arg4[%add3A, %add3A_178, %dma_start3A_179, %dma_start3A_180] : memref<32x125x1x80xi32, #tpu.memory_space<hbm>> -> memref<1x1x1x80xi32, #tpu.memory_space<hbm>>
      %dma_start3A_182 = tpu.memref_squeeze %dma_start3A_181 : memref<1x1x1x80xi32, #tpu.memory_space<hbm>> -> memref<1x80xi32, #tpu.memory_space<hbm>>
      %dma_start3A_183 = arith.constant 0 : i32
      %dma_start3A_184 = arith.constant 0 : i32
      %dma_start3A_185 = tpu.memref_slice %arg4[%add3A, %add3A_178, %dma_start3A_183, %dma_start3A_184] : memref<32x125x1x80xi32, #tpu.memory_space<hbm>> -> memref<1x1x1x80xi32, #tpu.memory_space<hbm>>
      %dma_start3A_186 = tpu.memref_squeeze %dma_start3A_185 : memref<1x1x1x80xi32, #tpu.memory_space<hbm>> -> memref<1x80xi32, #tpu.memory_space<hbm>>
      tpu.enqueue_dma source(%dma_start3A_186 : memref<1x80xi32, #tpu.memory_space<hbm>>) target(%arg13 : memref<1x80xi32, #tpu.memory_space<vmem>>) target_semaphore(%arg23 : memref<!tpu.dma_semaphore, #tpu.memory_space<semaphore_mem>>)
      %get3A_187 = arith.index_cast %add3A_178 : i32 to index
      %get3A_188 = arith.constant 0 : index
      %get3A_189 = tpu.vector_load %arg7[%get3A_187, %get3A_188] {strides = array<i32>} : memref<125x80xi32, #tpu.memory_space<vmem>>, vector<16xi32>,
      %swap3A_190 = arith.constant 0 : index
      %swap3A_191 = tpu.vector_load %arg10[%swap3A_190] {strides = array<i32>} : memref<80xi32, #tpu.memory_space<vmem>>, vector<16xi32>,
      tpu.vector_store %arg10[%swap3A_190], %get3A_189 {strides = array<i32>} : memref<80xi32, #tpu.memory_space<vmem>>, vector<16xi32>,
      %get3A_192 = arith.index_cast %add3A_178 : i32 to index
      %get3A_193 = arith.constant 16 : index
      %get3A_194 = tpu.vector_load %arg7[%get3A_192, %get3A_193] {strides = array<i32>} : memref<125x80xi32, #tpu.memory_space<vmem>>, vector<16xi32>,
      %swap3A_195 = arith.constant 16 : index
      %swap3A_196 = tpu.vector_load %arg10[%swap3A_195] {strides = array<i32>} : memref<80xi32, #tpu.memory_space<vmem>>, vector<16xi32>,
      tpu.vector_store %arg10[%swap3A_195], %get3A_194 {strides = array<i32>} : memref<80xi32, #tpu.memory_space<vmem>>, vector<16xi32>,
      %get3A_197 = arith.index_cast %add3A_178 : i32 to index
      %get3A_198 = arith.constant 32 : index
      %get3A_199 = tpu.vector_load %arg7[%get3A_197, %get3A_198] {strides = array<i32>} : memref<125x80xi32, #tpu.memory_space<vmem>>, vector<16xi32>,
      %swap3A_200 = arith.constant 32 : index
      %swap3A_201 = tpu.vector_load %arg10[%swap3A_200] {strides = array<i32>} : memref<80xi32, #tpu.memory_space<vmem>>, vector<16xi32>,
      tpu.vector_store %arg10[%swap3A_200], %get3A_199 {strides = array<i32>} : memref<80xi32, #tpu.memory_space<vmem>>, vector<16xi32>,
      %get3A_202 = arith.index_cast %add3A_178 : i32 to index
      %get3A_203 = arith.constant 48 : index
      %get3A_204 = tpu.vector_load %arg7[%get3A_202, %get3A_203] {strides = array<i32>} : memref<125x80xi32, #tpu.memory_space<vmem>>, vector<16xi32>,
      %swap3A_205 = arith.constant 48 : index
      %swap3A_206 = tpu.vector_load %arg10[%swap3A_205] {strides = array<i32>} : memref<80xi32, #tpu.memory_space<vmem>>, vector<16xi32>,
      tpu.vector_store %arg10[%swap3A_205], %get3A_204 {strides = array<i32>} : memref<80xi32, #tpu.memory_space<vmem>>, vector<16xi32>,
      %get3A_207 = arith.index_cast %add3A_178 : i32 to index
      %get3A_208 = arith.constant 64 : index
      %get3A_209 = tpu.vector_load %arg7[%get3A_207, %get3A_208] {strides = array<i32>} : memref<125x80xi32, #tpu.memory_space<vmem>>, vector<16xi32>,
      %swap3A_210 = arith.constant 64 : index
      %swap3A_211 = tpu.vector_load %arg10[%swap3A_210] {strides = array<i32>} : memref<80xi32, #tpu.memory_space<vmem>>, vector<16xi32>,
      tpu.vector_store %arg10[%swap3A_210], %get3A_209 {strides = array<i32>} : memref<80xi32, #tpu.memory_space<vmem>>, vector<16xi32>,
      %dma_start3A_212 = arith.constant 0 : i32
      %dma_start3A_213 = arith.constant 0 : i32
      %dma_start3A_214 = tpu.memref_slice %arg2[%dma_start3A_212, %dma_start3A_213] : memref<10000x128xf32, #tpu.memory_space<hbm>> -> memref<10000x128xf32, #tpu.memory_space<hbm>>
      tpu.enqueue_indirect_dma source(%dma_start3A_214 : memref<10000x128xf32, #tpu.memory_space<hbm>>) target(%arg16 : memref<80x128xf32, #tpu.memory_space<vmem>>) offsets(%arg10 : memref<80xi32, #tpu.memory_space<vmem>>) semaphore(%arg20 : memref<!tpu.dma_semaphore, #tpu.memory_space<semaphore_mem>>)
      %mul3A_215 = arith.constant 3 : i32
      %mul3A_216 = arith.muli %mul3A_215, %scan3A_170 : i32
      %add3A_217 = arith.constant 1 : i32
      %add3A_218 = arith.addi %mul3A_216, %add3A_217 : i32
      %dma_wait3A_219 = arith.constant 0 : i32
      %dma_wait3A_220 = arith.constant 0 : i32
      %dma_wait3A_221 = tpu.memref_slice %arg2[%dma_wait3A_219, %dma_wait3A_220] : memref<10000x128xf32, #tpu.memory_space<hbm>> -> memref<10000x128xf32, #tpu.memory_space<hbm>>
      tpu.wait_indirect_dma semaphore(%arg19 : memref<!tpu.dma_semaphore, #tpu.memory_space<semaphore_mem>>) src(%dma_wait3A_221 : memref<10000x128xf32, #tpu.memory_space<hbm>>) dst(%arg15 : memref<80x128xf32, #tpu.memory_space<vmem>>)
      %dma_wait3A_222 = arith.constant 0 : i32
      %dma_wait3A_223 = arith.constant 0 : i32
      %dma_wait3A_224 = tpu.memref_slice %arg4[%add3A, %add3A_218, %dma_wait3A_222, %dma_wait3A_223] : memref<32x125x1x80xi32, #tpu.memory_space<hbm>> -> memref<1x1x1x80xi32, #tpu.memory_space<hbm>>
      %dma_wait3A_225 = tpu.memref_squeeze %dma_wait3A_224 : memref<1x1x1x80xi32, #tpu.memory_space<hbm>> -> memref<1x80xi32, #tpu.memory_space<hbm>>
      %dma_wait3A_226 = arith.constant 0 : i32
      %dma_wait3A_227 = arith.constant 0 : i32
      %dma_wait3A_228 = tpu.memref_slice %arg4[%add3A, %add3A_218, %dma_wait3A_226, %dma_wait3A_227] : memref<32x125x1x80xi32, #tpu.memory_space<hbm>> -> memref<1x1x1x80xi32, #tpu.memory_space<hbm>>
      %dma_wait3A_229 = tpu.memref_squeeze %dma_wait3A_228 : memref<1x1x1x80xi32, #tpu.memory_space<hbm>> -> memref<1x80xi32, #tpu.memory_space<hbm>>
      tpu.wait_dma2 semaphore(%arg22 : memref<!tpu.dma_semaphore, #tpu.memory_space<semaphore_mem>>) src(%dma_wait3A_229 : memref<1x80xi32, #tpu.memory_space<hbm>>) dst(%arg12 : memref<1x80xi32, #tpu.memory_space<vmem>>)
      %dma_start3A_230 = arith.constant 0 : i32
      %dma_start3A_231 = arith.constant 0 : i32
      %dma_start3A_232 = tpu.memref_slice %arg12[%dma_start3A_230, %dma_start3A_231] : memref<1x80xi32, #tpu.memory_space<vmem>> -> memref<1x80xi32, #tpu.memory_space<vmem>>
      %dma_start3A_233 = tpu.memref_squeeze %dma_start3A_232 : memref<1x80xi32, #tpu.memory_space<vmem>> -> memref<80xi32, #tpu.memory_space<vmem>>
      %dma_start3A_234 = arith.constant 0 : i32
      %dma_start3A_235 = arith.constant 0 : i32
      %dma_start3A_236 = tpu.memref_slice %arg17[%dma_start3A_234, %dma_start3A_235] : memref<10000x128xf32, #tpu.memory_space<vmem_shared>> -> memref<10000x128xf32, #tpu.memory_space<vmem_shared>>
      tpu.enqueue_indirect_dma source(%arg15 : memref<80x128xf32, #tpu.memory_space<vmem>>) target(%dma_start3A_236 : memref<10000x128xf32, #tpu.memory_space<vmem_shared>>) offsets(%dma_start3A_233 : memref<80xi32, #tpu.memory_space<vmem>>) semaphore(%arg25 : memref<!tpu.dma_semaphore, #tpu.memory_space<semaphore_mem>>) {add = true}
      %dma_wait3A_237 = arith.constant 0 : i32
      %dma_wait3A_238 = arith.constant 0 : i32
      %dma_wait3A_239 = tpu.memref_slice %arg11[%dma_wait3A_237, %dma_wait3A_238] : memref<1x80xi32, #tpu.memory_space<vmem>> -> memref<1x80xi32, #tpu.memory_space<vmem>>
      %dma_wait3A_240 = tpu.memref_squeeze %dma_wait3A_239 : memref<1x80xi32, #tpu.memory_space<vmem>> -> memref<80xi32, #tpu.memory_space<vmem>>
      %dma_wait3A_241 = arith.constant 0 : i32
      %dma_wait3A_242 = arith.constant 0 : i32
      %dma_wait3A_243 = tpu.memref_slice %arg17[%dma_wait3A_241, %dma_wait3A_242] : memref<10000x128xf32, #tpu.memory_space<vmem_shared>> -> memref<10000x128xf32, #tpu.memory_space<vmem_shared>>
      tpu.wait_indirect_dma semaphore(%arg24 : memref<!tpu.dma_semaphore, #tpu.memory_space<semaphore_mem>>) src(%arg14 : memref<80x128xf32, #tpu.memory_space<vmem>>) dst(%dma_wait3A_243 : memref<10000x128xf32, #tpu.memory_space<vmem_shared>>)
      %mul3A_244 = arith.constant 3 : i32
      %mul3A_245 = arith.muli %mul3A_244, %scan3A_170 : i32
      %add3A_246 = arith.constant 3 : i32
      %add3A_247 = arith.addi %mul3A_245, %add3A_246 : i32
      %dma_start3A_248 = arith.constant 0 : i32
      %dma_start3A_249 = arith.constant 0 : i32
      %dma_start3A_250 = tpu.memref_slice %arg4[%add3A, %add3A_247, %dma_start3A_248, %dma_start3A_249] : memref<32x125x1x80xi32, #tpu.memory_space<hbm>> -> memref<1x1x1x80xi32, #tpu.memory_space<hbm>>
      %dma_start3A_251 = tpu.memref_squeeze %dma_start3A_250 : memref<1x1x1x80xi32, #tpu.memory_space<hbm>> -> memref<1x80xi32, #tpu.memory_space<hbm>>
      %dma_start3A_252 = arith.constant 0 : i32
      %dma_start3A_253 = arith.constant 0 : i32
      %dma_start3A_254 = tpu.memref_slice %arg4[%add3A, %add3A_247, %dma_start3A_252, %dma_start3A_253] : memref<32x125x1x80xi32, #tpu.memory_space<hbm>> -> memref<1x1x1x80xi32, #tpu.memory_space<hbm>>
      %dma_start3A_255 = tpu.memref_squeeze %dma_start3A_254 : memref<1x1x1x80xi32, #tpu.memory_space<hbm>> -> memref<1x80xi32, #tpu.memory_space<hbm>>
      tpu.enqueue_dma source(%dma_start3A_255 : memref<1x80xi32, #tpu.memory_space<hbm>>) target(%arg11 : memref<1x80xi32, #tpu.memory_space<vmem>>) target_semaphore(%arg21 : memref<!tpu.dma_semaphore, #tpu.memory_space<semaphore_mem>>)
      %get3A_256 = arith.index_cast %add3A_247 : i32 to index
      %get3A_257 = arith.constant 0 : index
      %get3A_258 = tpu.vector_load %arg7[%get3A_256, %get3A_257] {strides = array<i32>} : memref<125x80xi32, #tpu.memory_space<vmem>>, vector<16xi32>,
      %swap3A_259 = arith.constant 0 : index
      %swap3A_260 = tpu.vector_load %arg8[%swap3A_259] {strides = array<i32>} : memref<80xi32, #tpu.memory_space<vmem>>, vector<16xi32>,
      tpu.vector_store %arg8[%swap3A_259], %get3A_258 {strides = array<i32>} : memref<80xi32, #tpu.memory_space<vmem>>, vector<16xi32>,
      %get3A_261 = arith.index_cast %add3A_247 : i32 to index
      %get3A_262 = arith.constant 16 : index
      %get3A_263 = tpu.vector_load %arg7[%get3A_261, %get3A_262] {strides = array<i32>} : memref<125x80xi32, #tpu.memory_space<vmem>>, vector<16xi32>,
      %swap3A_264 = arith.constant 16 : index
      %swap3A_265 = tpu.vector_load %arg8[%swap3A_264] {strides = array<i32>} : memref<80xi32, #tpu.memory_space<vmem>>, vector<16xi32>,
      tpu.vector_store %arg8[%swap3A_264], %get3A_263 {strides = array<i32>} : memref<80xi32, #tpu.memory_space<vmem>>, vector<16xi32>,
      %get3A_266 = arith.index_cast %add3A_247 : i32 to index
      %get3A_267 = arith.constant 32 : index
      %get3A_268 = tpu.vector_load %arg7[%get3A_266, %get3A_267] {strides = array<i32>} : memref<125x80xi32, #tpu.memory_space<vmem>>, vector<16xi32>,
      %swap3A_269 = arith.constant 32 : index
      %swap3A_270 = tpu.vector_load %arg8[%swap3A_269] {strides = array<i32>} : memref<80xi32, #tpu.memory_space<vmem>>, vector<16xi32>,
      tpu.vector_store %arg8[%swap3A_269], %get3A_268 {strides = array<i32>} : memref<80xi32, #tpu.memory_space<vmem>>, vector<16xi32>,
      %get3A_271 = arith.index_cast %add3A_247 : i32 to index
      %get3A_272 = arith.constant 48 : index
      %get3A_273 = tpu.vector_load %arg7[%get3A_271, %get3A_272] {strides = array<i32>} : memref<125x80xi32, #tpu.memory_space<vmem>>, vector<16xi32>,
      %swap3A_274 = arith.constant 48 : index
      %swap3A_275 = tpu.vector_load %arg8[%swap3A_274] {strides = array<i32>} : memref<80xi32, #tpu.memory_space<vmem>>, vector<16xi32>,
      tpu.vector_store %arg8[%swap3A_274], %get3A_273 {strides = array<i32>} : memref<80xi32, #tpu.memory_space<vmem>>, vector<16xi32>,
      %get3A_276 = arith.index_cast %add3A_247 : i32 to index
      %get3A_277 = arith.constant 64 : index
      %get3A_278 = tpu.vector_load %arg7[%get3A_276, %get3A_277] {strides = array<i32>} : memref<125x80xi32, #tpu.memory_space<vmem>>, vector<16xi32>,
      %swap3A_279 = arith.constant 64 : index
      %swap3A_280 = tpu.vector_load %arg8[%swap3A_279] {strides = array<i32>} : memref<80xi32, #tpu.memory_space<vmem>>, vector<16xi32>,
      tpu.vector_store %arg8[%swap3A_279], %get3A_278 {strides = array<i32>} : memref<80xi32, #tpu.memory_space<vmem>>, vector<16xi32>,
      %dma_start3A_281 = arith.constant 0 : i32
      %dma_start3A_282 = arith.constant 0 : i32
      %dma_start3A_283 = tpu.memref_slice %arg2[%dma_start3A_281, %dma_start3A_282] : memref<10000x128xf32, #tpu.memory_space<hbm>> -> memref<10000x128xf32, #tpu.memory_space<hbm>>
      tpu.enqueue_indirect_dma source(%dma_start3A_283 : memref<10000x128xf32, #tpu.memory_space<hbm>>) target(%arg14 : memref<80x128xf32, #tpu.memory_space<vmem>>) offsets(%arg8 : memref<80xi32, #tpu.memory_space<vmem>>) semaphore(%arg18 : memref<!tpu.dma_semaphore, #tpu.memory_space<semaphore_mem>>)
      %mul3A_284 = arith.constant 3 : i32
      %mul3A_285 = arith.muli %mul3A_284, %scan3A_170 : i32
      %add3A_286 = arith.constant 2 : i32
      %add3A_287 = arith.addi %mul3A_285, %add3A_286 : i32
      %dma_wait3A_288 = arith.constant 0 : i32
      %dma_wait3A_289 = arith.constant 0 : i32
      %dma_wait3A_290 = tpu.memref_slice %arg2[%dma_wait3A_288, %dma_wait3A_289] : memref<10000x128xf32, #tpu.memory_space<hbm>> -> memref<10000x128xf32, #tpu.memory_space<hbm>>
      tpu.wait_indirect_dma semaphore(%arg20 : memref<!tpu.dma_semaphore, #tpu.memory_space<semaphore_mem>>) src(%dma_wait3A_290 : memref<10000x128xf32, #tpu.memory_space<hbm>>) dst(%arg16 : memref<80x128xf32, #tpu.memory_space<vmem>>)
      %dma_wait3A_291 = arith.constant 0 : i32
      %dma_wait3A_292 = arith.constant 0 : i32
      %dma_wait3A_293 = tpu.memref_slice %arg4[%add3A, %add3A_287, %dma_wait3A_291, %dma_wait3A_292] : memref<32x125x1x80xi32, #tpu.memory_space<hbm>> -> memref<1x1x1x80xi32, #tpu.memory_space<hbm>>
      %dma_wait3A_294 = tpu.memref_squeeze %dma_wait3A_293 : memref<1x1x1x80xi32, #tpu.memory_space<hbm>> -> memref<1x80xi32, #tpu.memory_space<hbm>>
      %dma_wait3A_295 = arith.constant 0 : i32
      %dma_wait3A_296 = arith.constant 0 : i32
      %dma_wait3A_297 = tpu.memref_slice %arg4[%add3A, %add3A_287, %dma_wait3A_295, %dma_wait3A_296] : memref<32x125x1x80xi32, #tpu.memory_space<hbm>> -> memref<1x1x1x80xi32, #tpu.memory_space<hbm>>
      %dma_wait3A_298 = tpu.memref_squeeze %dma_wait3A_297 : memref<1x1x1x80xi32, #tpu.memory_space<hbm>> -> memref<1x80xi32, #tpu.memory_space<hbm>>
      tpu.wait_dma2 semaphore(%arg23 : memref<!tpu.dma_semaphore, #tpu.memory_space<semaphore_mem>>) src(%dma_wait3A_298 : memref<1x80xi32, #tpu.memory_space<hbm>>) dst(%arg13 : memref<1x80xi32, #tpu.memory_space<vmem>>)
      %dma_start3A_299 = arith.constant 0 : i32
      %dma_start3A_300 = arith.constant 0 : i32
      %dma_start3A_301 = tpu.memref_slice %arg13[%dma_start3A_299, %dma_start3A_300] : memref<1x80xi32, #tpu.memory_space<vmem>> -> memref<1x80xi32, #tpu.memory_space<vmem>>
      %dma_start3A_302 = tpu.memref_squeeze %dma_start3A_301 : memref<1x80xi32, #tpu.memory_space<vmem>> -> memref<80xi32, #tpu.memory_space<vmem>>
      %dma_start3A_303 = arith.constant 0 : i32
      %dma_start3A_304 = arith.constant 0 : i32
      %dma_start3A_305 = tpu.memref_slice %arg17[%dma_start3A_303, %dma_start3A_304] : memref<10000x128xf32, #tpu.memory_space<vmem_shared>> -> memref<10000x128xf32, #tpu.memory_space<vmem_shared>>
      tpu.enqueue_indirect_dma source(%arg16 : memref<80x128xf32, #tpu.memory_space<vmem>>) target(%dma_start3A_305 : memref<10000x128xf32, #tpu.memory_space<vmem_shared>>) offsets(%dma_start3A_302 : memref<80xi32, #tpu.memory_space<vmem>>) semaphore(%arg26 : memref<!tpu.dma_semaphore, #tpu.memory_space<semaphore_mem>>) {add = true}
      %dma_wait3A_306 = arith.constant 0 : i32
      %dma_wait3A_307 = arith.constant 0 : i32
      %dma_wait3A_308 = tpu.memref_slice %arg12[%dma_wait3A_306, %dma_wait3A_307] : memref<1x80xi32, #tpu.memory_space<vmem>> -> memref<1x80xi32, #tpu.memory_space<vmem>>
      %dma_wait3A_309 = tpu.memref_squeeze %dma_wait3A_308 : memref<1x80xi32, #tpu.memory_space<vmem>> -> memref<80xi32, #tpu.memory_space<vmem>>
      %dma_wait3A_310 = arith.constant 0 : i32
      %dma_wait3A_311 = arith.constant 0 : i32
      %dma_wait3A_312 = tpu.memref_slice %arg17[%dma_wait3A_310, %dma_wait3A_311] : memref<10000x128xf32, #tpu.memory_space<vmem_shared>> -> memref<10000x128xf32, #tpu.memory_space<vmem_shared>>
      tpu.wait_indirect_dma semaphore(%arg25 : memref<!tpu.dma_semaphore, #tpu.memory_space<semaphore_mem>>) src(%arg15 : memref<80x128xf32, #tpu.memory_space<vmem>>) dst(%dma_wait3A_312 : memref<10000x128xf32, #tpu.memory_space<vmem_shared>>)
      %mul3A_313 = arith.constant 3 : i32
      %mul3A_314 = arith.muli %mul3A_313, %scan3A_170 : i32
      %add3A_315 = arith.constant 4 : i32
      %add3A_316 = arith.addi %mul3A_314, %add3A_315 : i32
      %dma_start3A_317 = arith.constant 0 : i32
      %dma_start3A_318 = arith.constant 0 : i32
      %dma_start3A_319 = tpu.memref_slice %arg4[%add3A, %add3A_316, %dma_start3A_317, %dma_start3A_318] : memref<32x125x1x80xi32, #tpu.memory_space<hbm>> -> memref<1x1x1x80xi32, #tpu.memory_space<hbm>>
      %dma_start3A_320 = tpu.memref_squeeze %dma_start3A_319 : memref<1x1x1x80xi32, #tpu.memory_space<hbm>> -> memref<1x80xi32, #tpu.memory_space<hbm>>
      %dma_start3A_321 = arith.constant 0 : i32
      %dma_start3A_322 = arith.constant 0 : i32
      %dma_start3A_323 = tpu.memref_slice %arg4[%add3A, %add3A_316, %dma_start3A_321, %dma_start3A_322] : memref<32x125x1x80xi32, #tpu.memory_space<hbm>> -> memref<1x1x1x80xi32, #tpu.memory_space<hbm>>
      %dma_start3A_324 = tpu.memref_squeeze %dma_start3A_323 : memref<1x1x1x80xi32, #tpu.memory_space<hbm>> -> memref<1x80xi32, #tpu.memory_space<hbm>>
      tpu.enqueue_dma source(%dma_start3A_324 : memref<1x80xi32, #tpu.memory_space<hbm>>) target(%arg12 : memref<1x80xi32, #tpu.memory_space<vmem>>) target_semaphore(%arg22 : memref<!tpu.dma_semaphore, #tpu.memory_space<semaphore_mem>>)
      %get3A_325 = arith.index_cast %add3A_316 : i32 to index
      %get3A_326 = arith.constant 0 : index
      %get3A_327 = tpu.vector_load %arg7[%get3A_325, %get3A_326] {strides = array<i32>} : memref<125x80xi32, #tpu.memory_space<vmem>>, vector<16xi32>,
      %swap3A_328 = arith.constant 0 : index
      %swap3A_329 = tpu.vector_load %arg9[%swap3A_328] {strides = array<i32>} : memref<80xi32, #tpu.memory_space<vmem>>, vector<16xi32>,
      tpu.vector_store %arg9[%swap3A_328], %get3A_327 {strides = array<i32>} : memref<80xi32, #tpu.memory_space<vmem>>, vector<16xi32>,
      %get3A_330 = arith.index_cast %add3A_316 : i32 to index
      %get3A_331 = arith.constant 16 : index
      %get3A_332 = tpu.vector_load %arg7[%get3A_330, %get3A_331] {strides = array<i32>} : memref<125x80xi32, #tpu.memory_space<vmem>>, vector<16xi32>,
      %swap3A_333 = arith.constant 16 : index
      %swap3A_334 = tpu.vector_load %arg9[%swap3A_333] {strides = array<i32>} : memref<80xi32, #tpu.memory_space<vmem>>, vector<16xi32>,
      tpu.vector_store %arg9[%swap3A_333], %get3A_332 {strides = array<i32>} : memref<80xi32, #tpu.memory_space<vmem>>, vector<16xi32>,
      %get3A_335 = arith.index_cast %add3A_316 : i32 to index
      %get3A_336 = arith.constant 32 : index
      %get3A_337 = tpu.vector_load %arg7[%get3A_335, %get3A_336] {strides = array<i32>} : memref<125x80xi32, #tpu.memory_space<vmem>>, vector<16xi32>,
      %swap3A_338 = arith.constant 32 : index
      %swap3A_339 = tpu.vector_load %arg9[%swap3A_338] {strides = array<i32>} : memref<80xi32, #tpu.memory_space<vmem>>, vector<16xi32>,
      tpu.vector_store %arg9[%swap3A_338], %get3A_337 {strides = array<i32>} : memref<80xi32, #tpu.memory_space<vmem>>, vector<16xi32>,
      %get3A_340 = arith.index_cast %add3A_316 : i32 to index
      %get3A_341 = arith.constant 48 : index
      %get3A_342 = tpu.vector_load %arg7[%get3A_340, %get3A_341] {strides = array<i32>} : memref<125x80xi32, #tpu.memory_space<vmem>>, vector<16xi32>,
      %swap3A_343 = arith.constant 48 : index
      %swap3A_344 = tpu.vector_load %arg9[%swap3A_343] {strides = array<i32>} : memref<80xi32, #tpu.memory_space<vmem>>, vector<16xi32>,
      tpu.vector_store %arg9[%swap3A_343], %get3A_342 {strides = array<i32>} : memref<80xi32, #tpu.memory_space<vmem>>, vector<16xi32>,
      %get3A_345 = arith.index_cast %add3A_316 : i32 to index
      %get3A_346 = arith.constant 64 : index
      %get3A_347 = tpu.vector_load %arg7[%get3A_345, %get3A_346] {strides = array<i32>} : memref<125x80xi32, #tpu.memory_space<vmem>>, vector<16xi32>,
      %swap3A_348 = arith.constant 64 : index
      %swap3A_349 = tpu.vector_load %arg9[%swap3A_348] {strides = array<i32>} : memref<80xi32, #tpu.memory_space<vmem>>, vector<16xi32>,
      tpu.vector_store %arg9[%swap3A_348], %get3A_347 {strides = array<i32>} : memref<80xi32, #tpu.memory_space<vmem>>, vector<16xi32>,
      %dma_start3A_350 = arith.constant 0 : i32
      %dma_start3A_351 = arith.constant 0 : i32
      %dma_start3A_352 = tpu.memref_slice %arg2[%dma_start3A_350, %dma_start3A_351] : memref<10000x128xf32, #tpu.memory_space<hbm>> -> memref<10000x128xf32, #tpu.memory_space<hbm>>
      tpu.enqueue_indirect_dma source(%dma_start3A_352 : memref<10000x128xf32, #tpu.memory_space<hbm>>) target(%arg15 : memref<80x128xf32, #tpu.memory_space<vmem>>) offsets(%arg9 : memref<80xi32, #tpu.memory_space<vmem>>) semaphore(%arg19 : memref<!tpu.dma_semaphore, #tpu.memory_space<semaphore_mem>>)
      %mul3A_353 = arith.constant 3 : i32
      %mul3A_354 = arith.muli %mul3A_353, %scan3A_170 : i32
      %add3A_355 = arith.constant 3 : i32
      %add3A_356 = arith.addi %mul3A_354, %add3A_355 : i32
      %dma_wait3A_357 = arith.constant 0 : i32
      %dma_wait3A_358 = arith.constant 0 : i32
      %dma_wait3A_359 = tpu.memref_slice %arg2[%dma_wait3A_357, %dma_wait3A_358] : memref<10000x128xf32, #tpu.memory_space<hbm>> -> memref<10000x128xf32, #tpu.memory_space<hbm>>
      tpu.wait_indirect_dma semaphore(%arg18 : memref<!tpu.dma_semaphore, #tpu.memory_space<semaphore_mem>>) src(%dma_wait3A_359 : memref<10000x128xf32, #tpu.memory_space<hbm>>) dst(%arg14 : memref<80x128xf32, #tpu.memory_space<vmem>>)
      %dma_wait3A_360 = arith.constant 0 : i32
      %dma_wait3A_361 = arith.constant 0 : i32
      %dma_wait3A_362 = tpu.memref_slice %arg4[%add3A, %add3A_356, %dma_wait3A_360, %dma_wait3A_361] : memref<32x125x1x80xi32, #tpu.memory_space<hbm>> -> memref<1x1x1x80xi32, #tpu.memory_space<hbm>>
      %dma_wait3A_363 = tpu.memref_squeeze %dma_wait3A_362 : memref<1x1x1x80xi32, #tpu.memory_space<hbm>> -> memref<1x80xi32, #tpu.memory_space<hbm>>
      %dma_wait3A_364 = arith.constant 0 : i32
      %dma_wait3A_365 = arith.constant 0 : i32
      %dma_wait3A_366 = tpu.memref_slice %arg4[%add3A, %add3A_356, %dma_wait3A_364, %dma_wait3A_365] : memref<32x125x1x80xi32, #tpu.memory_space<hbm>> -> memref<1x1x1x80xi32, #tpu.memory_space<hbm>>
      %dma_wait3A_367 = tpu.memref_squeeze %dma_wait3A_366 : memref<1x1x1x80xi32, #tpu.memory_space<hbm>> -> memref<1x80xi32, #tpu.memory_space<hbm>>
      tpu.wait_dma2 semaphore(%arg21 : memref<!tpu.dma_semaphore, #tpu.memory_space<semaphore_mem>>) src(%dma_wait3A_367 : memref<1x80xi32, #tpu.memory_space<hbm>>) dst(%arg11 : memref<1x80xi32, #tpu.memory_space<vmem>>)
      %dma_start3A_368 = arith.constant 0 : i32
      %dma_start3A_369 = arith.constant 0 : i32
      %dma_start3A_370 = tpu.memref_slice %arg11[%dma_start3A_368, %dma_start3A_369] : memref<1x80xi32, #tpu.memory_space<vmem>> -> memref<1x80xi32, #tpu.memory_space<vmem>>
      %dma_start3A_371 = tpu.memref_squeeze %dma_start3A_370 : memref<1x80xi32, #tpu.memory_space<vmem>> -> memref<80xi32, #tpu.memory_space<vmem>>
      %dma_start3A_372 = arith.constant 0 : i32
      %dma_start3A_373 = arith.constant 0 : i32
      %dma_start3A_374 = tpu.memref_slice %arg17[%dma_start3A_372, %dma_start3A_373] : memref<10000x128xf32, #tpu.memory_space<vmem_shared>> -> memref<10000x128xf32, #tpu.memory_space<vmem_shared>>
      tpu.enqueue_indirect_dma source(%arg14 : memref<80x128xf32, #tpu.memory_space<vmem>>) target(%dma_start3A_374 : memref<10000x128xf32, #tpu.memory_space<vmem_shared>>) offsets(%dma_start3A_371 : memref<80xi32, #tpu.memory_space<vmem>>) semaphore(%arg24 : memref<!tpu.dma_semaphore, #tpu.memory_space<semaphore_mem>>) {add = true}
    }
    %scan3A_112 = arith.constant 41 : i32
    %dma_wait3A_113 = arith.constant 0 : i32
    %dma_wait3A_114 = arith.constant 0 : i32
    %dma_wait3A_115 = tpu.memref_slice %arg2[%dma_wait3A_113, %dma_wait3A_114] : memref<10000x128xf32, #tpu.memory_space<hbm>> -> memref<10000x128xf32, #tpu.memory_space<hbm>>
    tpu.wait_indirect_dma semaphore(%arg19 : memref<!tpu.dma_semaphore, #tpu.memory_space<semaphore_mem>>) src(%dma_wait3A_115 : memref<10000x128xf32, #tpu.memory_space<hbm>>) dst(%arg15 : memref<80x128xf32, #tpu.memory_space<vmem>>)
    %dma_wait3A_116 = arith.constant 124 : i32
    %dma_wait3A_117 = arith.constant 0 : i32
    %dma_wait3A_118 = arith.constant 0 : i32
    %dma_wait3A_119 = tpu.memref_slice %arg4[%add3A, %dma_wait3A_116, %dma_wait3A_117, %dma_wait3A_118] : memref<32x125x1x80xi32, #tpu.memory_space<hbm>> -> memref<1x1x1x80xi32, #tpu.memory_space<hbm>>
    %dma_wait3A_120 = tpu.memref_squeeze %dma_wait3A_119 : memref<1x1x1x80xi32, #tpu.memory_space<hbm>> -> memref<1x80xi32, #tpu.memory_space<hbm>>
    %dma_wait3A_121 = arith.constant 0 : i32
    %dma_wait3A_122 = arith.constant 0 : i32
    %dma_wait3A_123 = tpu.memref_slice %arg4[%add3A, %dma_wait3A_116, %dma_wait3A_121, %dma_wait3A_122] : memref<32x125x1x80xi32, #tpu.memory_space<hbm>> -> memref<1x1x1x80xi32, #tpu.memory_space<hbm>>
    %dma_wait3A_124 = tpu.memref_squeeze %dma_wait3A_123 : memref<1x1x1x80xi32, #tpu.memory_space<hbm>> -> memref<1x80xi32, #tpu.memory_space<hbm>>
    tpu.wait_dma2 semaphore(%arg22 : memref<!tpu.dma_semaphore, #tpu.memory_space<semaphore_mem>>) src(%dma_wait3A_124 : memref<1x80xi32, #tpu.memory_space<hbm>>) dst(%arg12 : memref<1x80xi32, #tpu.memory_space<vmem>>)
    %dma_start3A_125 = arith.constant 0 : i32
    %dma_start3A_126 = arith.constant 0 : i32
    %dma_start3A_127 = tpu.memref_slice %arg12[%dma_start3A_125, %dma_start3A_126] : memref<1x80xi32, #tpu.memory_space<vmem>> -> memref<1x80xi32, #tpu.memory_space<vmem>>
    %dma_start3A_128 = tpu.memref_squeeze %dma_start3A_127 : memref<1x80xi32, #tpu.memory_space<vmem>> -> memref<80xi32, #tpu.memory_space<vmem>>
    %dma_start3A_129 = arith.constant 0 : i32
    %dma_start3A_130 = arith.constant 0 : i32
    %dma_start3A_131 = tpu.memref_slice %arg17[%dma_start3A_129, %dma_start3A_130] : memref<10000x128xf32, #tpu.memory_space<vmem_shared>> -> memref<10000x128xf32, #tpu.memory_space<vmem_shared>>
    tpu.enqueue_indirect_dma source(%arg15 : memref<80x128xf32, #tpu.memory_space<vmem>>) target(%dma_start3A_131 : memref<10000x128xf32, #tpu.memory_space<vmem_shared>>) offsets(%dma_start3A_128 : memref<80xi32, #tpu.memory_space<vmem>>) semaphore(%arg25 : memref<!tpu.dma_semaphore, #tpu.memory_space<semaphore_mem>>) {add = true}
    %dma_wait3A_132 = arith.constant 0 : i32
    %dma_wait3A_133 = arith.constant 0 : i32
    %dma_wait3A_134 = tpu.memref_slice %arg13[%dma_wait3A_132, %dma_wait3A_133] : memref<1x80xi32, #tpu.memory_space<vmem>> -> memref<1x80xi32, #tpu.memory_space<vmem>>
    %dma_wait3A_135 = tpu.memref_squeeze %dma_wait3A_134 : memref<1x80xi32, #tpu.memory_space<vmem>> -> memref<80xi32, #tpu.memory_space<vmem>>
    %dma_wait3A_136 = arith.constant 0 : i32
    %dma_wait3A_137 = arith.constant 0 : i32
    %dma_wait3A_138 = tpu.memref_slice %arg17[%dma_wait3A_136, %dma_wait3A_137] : memref<10000x128xf32, #tpu.memory_space<vmem_shared>> -> memref<10000x128xf32, #tpu.memory_space<vmem_shared>>
    tpu.wait_indirect_dma semaphore(%arg26 : memref<!tpu.dma_semaphore, #tpu.memory_space<semaphore_mem>>) src(%arg16 : memref<80x128xf32, #tpu.memory_space<vmem>>) dst(%dma_wait3A_138 : memref<10000x128xf32, #tpu.memory_space<vmem_shared>>)
    %dma_wait3A_139 = arith.constant 0 : i32
    %dma_wait3A_140 = arith.constant 0 : i32
    %dma_wait3A_141 = tpu.memref_slice %arg11[%dma_wait3A_139, %dma_wait3A_140] : memref<1x80xi32, #tpu.memory_space<vmem>> -> memref<1x80xi32, #tpu.memory_space<vmem>>
    %dma_wait3A_142 = tpu.memref_squeeze %dma_wait3A_141 : memref<1x80xi32, #tpu.memory_space<vmem>> -> memref<80xi32, #tpu.memory_space<vmem>>
    %dma_wait3A_143 = arith.constant 0 : i32
    %dma_wait3A_144 = arith.constant 0 : i32
    %dma_wait3A_145 = tpu.memref_slice %arg17[%dma_wait3A_143, %dma_wait3A_144] : memref<10000x128xf32, #tpu.memory_space<vmem_shared>> -> memref<10000x128xf32, #tpu.memory_space<vmem_shared>>
    tpu.wait_indirect_dma semaphore(%arg24 : memref<!tpu.dma_semaphore, #tpu.memory_space<semaphore_mem>>) src(%arg14 : memref<80x128xf32, #tpu.memory_space<vmem>>) dst(%dma_wait3A_145 : memref<10000x128xf32, #tpu.memory_space<vmem_shared>>)
    %dma_wait3A_146 = arith.constant 0 : i32
    %dma_wait3A_147 = arith.constant 0 : i32
    %dma_wait3A_148 = tpu.memref_slice %arg12[%dma_wait3A_146, %dma_wait3A_147] : memref<1x80xi32, #tpu.memory_space<vmem>> -> memref<1x80xi32, #tpu.memory_space<vmem>>
    %dma_wait3A_149 = tpu.memref_squeeze %dma_wait3A_148 : memref<1x80xi32, #tpu.memory_space<vmem>> -> memref<80xi32, #tpu.memory_space<vmem>>
    %dma_wait3A_150 = arith.constant 0 : i32
    %dma_wait3A_151 = arith.constant 0 : i32
    %dma_wait3A_152 = tpu.memref_slice %arg17[%dma_wait3A_150, %dma_wait3A_151] : memref<10000x128xf32, #tpu.memory_space<vmem_shared>> -> memref<10000x128xf32, #tpu.memory_space<vmem_shared>>
    tpu.wait_indirect_dma semaphore(%arg25 : memref<!tpu.dma_semaphore, #tpu.memory_space<semaphore_mem>>) src(%arg15 : memref<80x128xf32, #tpu.memory_space<vmem>>) dst(%dma_wait3A_152 : memref<10000x128xf32, #tpu.memory_space<vmem_shared>>)
    %barrier3A_153 = arith.constant 0 : index
    tpu.barrier barrier_id(%barrier3A_153)
    %mul3A_154 = arith.constant 1000 : i32
    %mul3A_155 = arith.muli %arg1, %mul3A_154 : i32
    %lt3A_156 = arith.constant 10 : i32
    %lt3A_157 = arith.cmpi slt, %arg1, %lt3A_156 : i32
    %eq3A = arith.constant 0 : i32
    %eq3A_158 = arith.cmpi eq, %arg0, %eq3A : i32
    %and3A = arith.andi %lt3A_157, %eq3A_158 : i1
    %convert_element_type3A_159 = arith.extui %and3A : i1 to i32
    %cond3A_160 = arith.constant 0 : i32
    %cond3A_161 = arith.cmpi ne, %convert_element_type3A_159, %cond3A_160 : i32
    scf.if %cond3A_161 {
      "tpu.region"() ({
        %run_scoped3A = tpu.sem_alloc : memref<!tpu.dma_semaphore, #tpu.memory_space<semaphore_mem>>
        %dma_start3A_170 = arith.constant 0 : i32
        %dma_start3A_171 = tpu.memref_slice %arg5[%mul3A_155, %dma_start3A_170] : memref<10000x128xf32, #tpu.memory_space<hbm>> -> memref<1000x128xf32, #tpu.memory_space<hbm>>
        %dma_start3A_172 = arith.constant 0 : i32
        %dma_start3A_173 = tpu.memref_slice %arg17[%mul3A_155, %dma_start3A_172] : memref<10000x128xf32, #tpu.memory_space<vmem_shared>> -> memref<1000x128xf32, #tpu.memory_space<vmem_shared>>
        tpu.enqueue_dma source(%dma_start3A_173 : memref<1000x128xf32, #tpu.memory_space<vmem_shared>>) target(%dma_start3A_171 : memref<1000x128xf32, #tpu.memory_space<hbm>>) target_semaphore(%run_scoped3A : memref<!tpu.dma_semaphore, #tpu.memory_space<semaphore_mem>>)
        %dma_wait3A_174 = arith.constant 0 : i32
        %dma_wait3A_175 = tpu.memref_slice %arg5[%mul3A_155, %dma_wait3A_174] : memref<10000x128xf32, #tpu.memory_space<hbm>> -> memref<1000x128xf32, #tpu.memory_space<hbm>>
        %dma_wait3A_176 = arith.constant 0 : i32
        %dma_wait3A_177 = tpu.memref_slice %arg17[%mul3A_155, %dma_wait3A_176] : memref<10000x128xf32, #tpu.memory_space<vmem_shared>> -> memref<1000x128xf32, #tpu.memory_space<vmem_shared>>
        tpu.wait_dma2 semaphore(%run_scoped3A : memref<!tpu.dma_semaphore, #tpu.memory_space<semaphore_mem>>) src(%dma_wait3A_177 : memref<1000x128xf32, #tpu.memory_space<vmem_shared>>) dst(%dma_wait3A_175 : memref<1000x128xf32, #tpu.memory_space<hbm>>)
        tpu.yield
      }) : () -> ()
    } else {
    }
    %lt3A_162 = arith.constant 10 : i32
    %lt3A_163 = arith.cmpi slt, %arg1, %lt3A_162 : i32
    %eq3A_164 = arith.constant 1 : i32
    %eq3A_165 = arith.cmpi eq, %arg0, %eq3A_164 : i32
    %and3A_166 = arith.andi %lt3A_163, %eq3A_165 : i1
    %convert_element_type3A_167 = arith.extui %and3A_166 : i1 to i32
    %cond3A_168 = arith.constant 0 : i32
    %cond3A_169 = arith.cmpi ne, %convert_element_type3A_167, %cond3A_168 : i32
    scf.if %cond3A_169 {
      "tpu.region"() ({
        %run_scoped3A = tpu.sem_alloc : memref<!tpu.dma_semaphore, #tpu.memory_space<semaphore_mem>>
        %dma_start3A_170 = arith.constant 0 : i32
        %dma_start3A_171 = tpu.memref_slice %arg6[%mul3A_155, %dma_start3A_170] : memref<10000x128xf32, #tpu.memory_space<hbm>> -> memref<1000x128xf32, #tpu.memory_space<hbm>>
        %dma_start3A_172 = arith.constant 0 : i32
        %dma_start3A_173 = tpu.memref_slice %arg17[%mul3A_155, %dma_start3A_172] : memref<10000x128xf32, #tpu.memory_space<vmem_shared>> -> memref<1000x128xf32, #tpu.memory_space<vmem_shared>>
        tpu.enqueue_dma source(%dma_start3A_173 : memref<1000x128xf32, #tpu.memory_space<vmem_shared>>) target(%dma_start3A_171 : memref<1000x128xf32, #tpu.memory_space<hbm>>) target_semaphore(%run_scoped3A : memref<!tpu.dma_semaphore, #tpu.memory_space<semaphore_mem>>)
        %dma_wait3A_174 = arith.constant 0 : i32
        %dma_wait3A_175 = tpu.memref_slice %arg6[%mul3A_155, %dma_wait3A_174] : memref<10000x128xf32, #tpu.memory_space<hbm>> -> memref<1000x128xf32, #tpu.memory_space<hbm>>
        %dma_wait3A_176 = arith.constant 0 : i32
        %dma_wait3A_177 = tpu.memref_slice %arg17[%mul3A_155, %dma_wait3A_176] : memref<10000x128xf32, #tpu.memory_space<vmem_shared>> -> memref<1000x128xf32, #tpu.memory_space<vmem_shared>>
        tpu.wait_dma2 semaphore(%run_scoped3A : memref<!tpu.dma_semaphore, #tpu.memory_space<semaphore_mem>>) src(%dma_wait3A_177 : memref<1000x128xf32, #tpu.memory_space<vmem_shared>>) dst(%dma_wait3A_175 : memref<1000x128xf32, #tpu.memory_space<hbm>>)
        tpu.yield
      }) : () -> ()
    } else {
    }
    return
  }
}

module attributes {stable_mosaic.version = 14 : i64} {
  func.func @body(%arg0: i32, %arg1: memref<1000x128xf32, #tpu.memory_space<vmem>>, %arg2: memref<1000x128xf32, #tpu.memory_space<vmem>>, %arg3: memref<1000x32xf32, #tpu.memory_space<vmem>>, %arg4: memref<1000x128xf32, #tpu.memory_space<vmem>>, %arg5: memref<128x128xf32, #tpu.memory_space<vmem>>, %arg6: memref<1x128xf32, #tpu.memory_space<vmem>>, %arg7: memref<128x128xf32, #tpu.memory_space<vmem>>, %arg8: memref<1000x128xf32, #tpu.memory_space<vmem>>) attributes {dimension_semantics = [#tpu.dimension_semantics<arbitrary>], iteration_bounds = array<i64: 10>, scalar_prefetch = 0 : i64, scratch_operands = 0 : i64, tpu.core_type = #tpu.core_type<tc>, window_params = [{transform_indices = @transform_0, window_bounds = array<i64: 1000, 128>}, {transform_indices = @transform_1, window_bounds = array<i64: 1000, 128>}, {transform_indices = @transform_2, window_bounds = array<i64: 1000, 32>}, {transform_indices = @transform_3, window_bounds = array<i64: 1000, 128>}, {pipeline_mode = #tpu.pipeline_mode<synchronous>, transform_indices = @transform_4, window_bounds = array<i64: 128, 128>}, {pipeline_mode = #tpu.pipeline_mode<synchronous>, transform_indices = @transform_5, window_bounds = array<i64: 1, 128>}, {pipeline_mode = #tpu.pipeline_mode<synchronous>, transform_indices = @transform_6, window_bounds = array<i64: 128, 128>}, {transform_indices = @transform_7, window_bounds = array<i64: 1000, 128>}]} {
    %get3A = arith.constant 0 : index
    %get3A_0 = arith.constant 0 : index
    %get3A_1 = vector.load %arg3[%get3A, %get3A_0] : memref<1000x32xf32, #tpu.memory_space<vmem>>, vector<1000x32xf32>
    %reduce_sum3A = arith.constant dense<0.000000e+00> : vector<1000xf32>
    %reduce_sum3A_2 = vector.multi_reduction <add>, %get3A_1, %reduce_sum3A [1] : vector<1000x32xf32> to vector<1000xf32>
    %broadcast_in_dim3A = vector.shape_cast %reduce_sum3A_2 : vector<1000xf32> to vector<1000x1xf32>
    %max3A = arith.constant 1.000000e+00 : f32
    %max3A_3 = vector.broadcast %max3A : f32 to vector<1000x1xf32>
    %max3A_4 = arith.maximumf %broadcast_in_dim3A, %max3A_3 : vector<1000x1xf32>
    %div3A = arith.constant 1.000000e+00 : f32
    %div3A_5 = vector.broadcast %div3A : f32 to vector<1000x1xf32>
    %div3A_6 = arith.divf %div3A_5, %max3A_4 : vector<1000x1xf32>
    %get3A_7 = arith.constant 0 : index
    %get3A_8 = arith.constant 0 : index
    %get3A_9 = vector.load %arg1[%get3A_7, %get3A_8] : memref<1000x128xf32, #tpu.memory_space<vmem>>, vector<1000x128xf32>
    %get3A_10 = arith.constant 0 : index
    %get3A_11 = arith.constant 0 : index
    %get3A_12 = vector.load %arg2[%get3A_10, %get3A_11] : memref<1000x128xf32, #tpu.memory_space<vmem>>, vector<1000x128xf32>
    %add3A = arith.addf %get3A_9, %get3A_12 : vector<1000x128xf32>
    %mul3A = vector.broadcast %div3A_6 : vector<1000x1xf32> to vector<1000x128xf32>
    %mul3A_13 = arith.mulf %add3A, %mul3A : vector<1000x128xf32>
    %get3A_14 = arith.constant 0 : index
    %get3A_15 = arith.constant 0 : index
    %get3A_16 = vector.load %arg5[%get3A_14, %get3A_15] : memref<128x128xf32, #tpu.memory_space<vmem>>, vector<128x128xf32>
    %dot_general3A = arith.constant dense<0.000000e+00> : vector<1000x128xf32>
    %dot_general3A_17 = tpu.matmul %mul3A_13, %get3A_16, %dot_general3A {dimension_numbers = #tpu.dot_dimension_numbers<[1], [0], [0], [1], [0, 0, 1, 1], [], []>, transpose_lhs_hint = false} : vector<1000x128xf32>, vector<128x128xf32>, vector<1000x128xf32> -> vector<1000x128xf32>
    %get3A_18 = arith.constant 0 : index
    %get3A_19 = arith.constant 0 : index
    %get3A_20 = vector.load %arg6[%get3A_18, %get3A_19] : memref<1x128xf32, #tpu.memory_space<vmem>>, vector<1x128xf32>
    %add3A_21 = vector.broadcast %get3A_20 : vector<1x128xf32> to vector<1000x128xf32>
    %add3A_22 = arith.addf %dot_general3A_17, %add3A_21 : vector<1000x128xf32>
    %get3A_23 = arith.constant 0 : index
    %get3A_24 = arith.constant 0 : index
    %get3A_25 = vector.load %arg4[%get3A_23, %get3A_24] : memref<1000x128xf32, #tpu.memory_space<vmem>>, vector<1000x128xf32>
    %get3A_26 = arith.constant 0 : index
    %get3A_27 = arith.constant 0 : index
    %get3A_28 = vector.load %arg7[%get3A_26, %get3A_27] : memref<128x128xf32, #tpu.memory_space<vmem>>, vector<128x128xf32>
    %dot_general3A_29 = arith.constant dense<0.000000e+00> : vector<1000x128xf32>
    %dot_general3A_30 = tpu.matmul %get3A_25, %get3A_28, %dot_general3A_29 {dimension_numbers = #tpu.dot_dimension_numbers<[1], [0], [0], [1], [0, 0, 1, 1], [], []>, transpose_lhs_hint = false} : vector<1000x128xf32>, vector<128x128xf32>, vector<1000x128xf32> -> vector<1000x128xf32>
    %add3A_31 = arith.addf %add3A_22, %dot_general3A_30 : vector<1000x128xf32>
    %max3A_32 = arith.constant 0.000000e+00 : f32
    %max3A_33 = vector.broadcast %max3A_32 : f32 to vector<1000x128xf32>
    %max3A_34 = arith.maximumf %add3A_31, %max3A_33 : vector<1000x128xf32>
    %swap3A = arith.constant 0 : index
    %swap3A_35 = arith.constant 0 : index
    %swap3A_36 = vector.load %arg8[%swap3A, %swap3A_35] : memref<1000x128xf32, #tpu.memory_space<vmem>>, vector<1000x128xf32>
    tpu.vector_store %arg8[%swap3A, %swap3A_35], %max3A_34 {strides = array<i32>} : memref<1000x128xf32, #tpu.memory_space<vmem>>, vector<1000x128xf32>,
    return
  }
  func.func @transform_0(%arg0: i32) -> (i32, i32) {
    %c0_i32 = arith.constant 0 : i32
    %c0_i32_0 = arith.constant 0 : i32
    return %arg0, %c0_i32 : i32, i32
  }
  func.func @transform_1(%arg0: i32) -> (i32, i32) {
    %c0_i32 = arith.constant 0 : i32
    %c0_i32_0 = arith.constant 0 : i32
    return %arg0, %c0_i32 : i32, i32
  }
  func.func @transform_2(%arg0: i32) -> (i32, i32) {
    %c0_i32 = arith.constant 0 : i32
    %c0_i32_0 = arith.constant 0 : i32
    return %arg0, %c0_i32 : i32, i32
  }
  func.func @transform_3(%arg0: i32) -> (i32, i32) {
    %c0_i32 = arith.constant 0 : i32
    %c0_i32_0 = arith.constant 0 : i32
    return %arg0, %c0_i32 : i32, i32
  }
  func.func @transform_4(%arg0: i32) -> (i32, i32) {
    %c0_i32 = arith.constant 0 : i32
    %c0_i32_0 = arith.constant 0 : i32
    %c0_i32_1 = arith.constant 0 : i32
    return %c0_i32, %c0_i32_0 : i32, i32
  }
  func.func @transform_5(%arg0: i32) -> (i32, i32) {
    %c0_i32 = arith.constant 0 : i32
    %c0_i32_0 = arith.constant 0 : i32
    %c0_i32_1 = arith.constant 0 : i32
    return %c0_i32, %c0_i32_0 : i32, i32
  }
  func.func @transform_6(%arg0: i32) -> (i32, i32) {
    %c0_i32 = arith.constant 0 : i32
    %c0_i32_0 = arith.constant 0 : i32
    %c0_i32_1 = arith.constant 0 : i32
    return %c0_i32, %c0_i32_0 : i32, i32
  }
  func.func @transform_7(%arg0: i32) -> (i32, i32) {
    %c0_i32 = arith.constant 0 : i32
    %c0_i32_0 = arith.constant 0 : i32
    return %arg0, %c0_i32 : i32, i32
  }
}

module attributes {stable_mosaic.version = 14 : i64} {
  func.func @body(%arg0: i32, %arg1: memref<1000x128xf32, #tpu.memory_space<vmem>>, %arg2: memref<1000x128xf32, #tpu.memory_space<vmem>>, %arg3: memref<1000x32xf32, #tpu.memory_space<vmem>>, %arg4: memref<1000x128xf32, #tpu.memory_space<vmem>>, %arg5: memref<128x128xf32, #tpu.memory_space<vmem>>, %arg6: memref<1x128xf32, #tpu.memory_space<vmem>>, %arg7: memref<128x128xf32, #tpu.memory_space<vmem>>, %arg8: memref<128x128xf32, #tpu.memory_space<vmem>>, %arg9: memref<1x128xf32, #tpu.memory_space<vmem>>, %arg10: memref<128x128xf32, #tpu.memory_space<vmem>>, %arg11: memref<1x128xf32, #tpu.memory_space<vmem>>, %arg12: memref<1000x128xf32, #tpu.memory_space<vmem>>) attributes {dimension_semantics = [#tpu.dimension_semantics<arbitrary>], iteration_bounds = array<i64: 10>, scalar_prefetch = 0 : i64, scratch_operands = 0 : i64, tpu.core_type = #tpu.core_type<tc>, window_params = [{transform_indices = @transform_0, window_bounds = array<i64: 1000, 128>}, {transform_indices = @transform_1, window_bounds = array<i64: 1000, 128>}, {transform_indices = @transform_2, window_bounds = array<i64: 1000, 32>}, {transform_indices = @transform_3, window_bounds = array<i64: 1000, 128>}, {pipeline_mode = #tpu.pipeline_mode<synchronous>, transform_indices = @transform_4, window_bounds = array<i64: 128, 128>}, {pipeline_mode = #tpu.pipeline_mode<synchronous>, transform_indices = @transform_5, window_bounds = array<i64: 1, 128>}, {pipeline_mode = #tpu.pipeline_mode<synchronous>, transform_indices = @transform_6, window_bounds = array<i64: 128, 128>}, {pipeline_mode = #tpu.pipeline_mode<synchronous>, transform_indices = @transform_7, window_bounds = array<i64: 128, 128>}, {pipeline_mode = #tpu.pipeline_mode<synchronous>, transform_indices = @transform_8, window_bounds = array<i64: 1, 128>}, {pipeline_mode = #tpu.pipeline_mode<synchronous>, transform_indices = @transform_9, window_bounds = array<i64: 128, 128>}, {pipeline_mode = #tpu.pipeline_mode<synchronous>, transform_indices = @transform_10, window_bounds = array<i64: 1, 128>}, {transform_indices = @transform_11, window_bounds = array<i64: 1000, 128>}]} {
    %get3A = arith.constant 0 : index
    %get3A_0 = arith.constant 0 : index
    %get3A_1 = vector.load %arg3[%get3A, %get3A_0] : memref<1000x32xf32, #tpu.memory_space<vmem>>, vector<1000x32xf32>
    %reduce_sum3A = arith.constant dense<0.000000e+00> : vector<1000xf32>
    %reduce_sum3A_2 = vector.multi_reduction <add>, %get3A_1, %reduce_sum3A [1] : vector<1000x32xf32> to vector<1000xf32>
    %broadcast_in_dim3A = vector.shape_cast %reduce_sum3A_2 : vector<1000xf32> to vector<1000x1xf32>
    %max3A = arith.constant 1.000000e+00 : f32
    %max3A_3 = vector.broadcast %max3A : f32 to vector<1000x1xf32>
    %max3A_4 = arith.maximumf %broadcast_in_dim3A, %max3A_3 : vector<1000x1xf32>
    %div3A = arith.constant 1.000000e+00 : f32
    %div3A_5 = vector.broadcast %div3A : f32 to vector<1000x1xf32>
    %div3A_6 = arith.divf %div3A_5, %max3A_4 : vector<1000x1xf32>
    %get3A_7 = arith.constant 0 : index
    %get3A_8 = arith.constant 0 : index
    %get3A_9 = vector.load %arg1[%get3A_7, %get3A_8] : memref<1000x128xf32, #tpu.memory_space<vmem>>, vector<1000x128xf32>
    %get3A_10 = arith.constant 0 : index
    %get3A_11 = arith.constant 0 : index
    %get3A_12 = vector.load %arg2[%get3A_10, %get3A_11] : memref<1000x128xf32, #tpu.memory_space<vmem>>, vector<1000x128xf32>
    %add3A = arith.addf %get3A_9, %get3A_12 : vector<1000x128xf32>
    %mul3A = vector.broadcast %div3A_6 : vector<1000x1xf32> to vector<1000x128xf32>
    %mul3A_13 = arith.mulf %add3A, %mul3A : vector<1000x128xf32>
    %get3A_14 = arith.constant 0 : index
    %get3A_15 = arith.constant 0 : index
    %get3A_16 = vector.load %arg5[%get3A_14, %get3A_15] : memref<128x128xf32, #tpu.memory_space<vmem>>, vector<128x128xf32>
    %dot_general3A = arith.constant dense<0.000000e+00> : vector<1000x128xf32>
    %dot_general3A_17 = tpu.matmul %mul3A_13, %get3A_16, %dot_general3A {dimension_numbers = #tpu.dot_dimension_numbers<[1], [0], [0], [1], [0, 0, 1, 1], [], []>, transpose_lhs_hint = false} : vector<1000x128xf32>, vector<128x128xf32>, vector<1000x128xf32> -> vector<1000x128xf32>
    %get3A_18 = arith.constant 0 : index
    %get3A_19 = arith.constant 0 : index
    %get3A_20 = vector.load %arg6[%get3A_18, %get3A_19] : memref<1x128xf32, #tpu.memory_space<vmem>>, vector<1x128xf32>
    %add3A_21 = vector.broadcast %get3A_20 : vector<1x128xf32> to vector<1000x128xf32>
    %add3A_22 = arith.addf %dot_general3A_17, %add3A_21 : vector<1000x128xf32>
    %get3A_23 = arith.constant 0 : index
    %get3A_24 = arith.constant 0 : index
    %get3A_25 = vector.load %arg4[%get3A_23, %get3A_24] : memref<1000x128xf32, #tpu.memory_space<vmem>>, vector<1000x128xf32>
    %get3A_26 = arith.constant 0 : index
    %get3A_27 = arith.constant 0 : index
    %get3A_28 = vector.load %arg7[%get3A_26, %get3A_27] : memref<128x128xf32, #tpu.memory_space<vmem>>, vector<128x128xf32>
    %dot_general3A_29 = arith.constant dense<0.000000e+00> : vector<1000x128xf32>
    %dot_general3A_30 = tpu.matmul %get3A_25, %get3A_28, %dot_general3A_29 {dimension_numbers = #tpu.dot_dimension_numbers<[1], [0], [0], [1], [0, 0, 1, 1], [], []>, transpose_lhs_hint = false} : vector<1000x128xf32>, vector<128x128xf32>, vector<1000x128xf32> -> vector<1000x128xf32>
    %add3A_31 = arith.addf %add3A_22, %dot_general3A_30 : vector<1000x128xf32>
    %max3A_32 = arith.constant 0.000000e+00 : f32
    %max3A_33 = vector.broadcast %max3A_32 : f32 to vector<1000x128xf32>
    %max3A_34 = arith.maximumf %add3A_31, %max3A_33 : vector<1000x128xf32>
    %get3A_35 = arith.constant 0 : index
    %get3A_36 = arith.constant 0 : index
    %get3A_37 = vector.load %arg8[%get3A_35, %get3A_36] : memref<128x128xf32, #tpu.memory_space<vmem>>, vector<128x128xf32>
    %dot_general3A_38 = arith.constant dense<0.000000e+00> : vector<1000x128xf32>
    %dot_general3A_39 = tpu.matmul %max3A_34, %get3A_37, %dot_general3A_38 {dimension_numbers = #tpu.dot_dimension_numbers<[1], [0], [0], [1], [0, 0, 1, 1], [], []>, transpose_lhs_hint = false} : vector<1000x128xf32>, vector<128x128xf32>, vector<1000x128xf32> -> vector<1000x128xf32>
    %get3A_40 = arith.constant 0 : index
    %get3A_41 = arith.constant 0 : index
    %get3A_42 = vector.load %arg9[%get3A_40, %get3A_41] : memref<1x128xf32, #tpu.memory_space<vmem>>, vector<1x128xf32>
    %add3A_43 = vector.broadcast %get3A_42 : vector<1x128xf32> to vector<1000x128xf32>
    %add3A_44 = arith.addf %dot_general3A_39, %add3A_43 : vector<1000x128xf32>
    %get3A_45 = arith.constant 0 : index
    %get3A_46 = arith.constant 0 : index
    %get3A_47 = vector.load %arg10[%get3A_45, %get3A_46] : memref<128x128xf32, #tpu.memory_space<vmem>>, vector<128x128xf32>
    %dot_general3A_48 = arith.constant dense<0.000000e+00> : vector<1000x128xf32>
    %dot_general3A_49 = tpu.matmul %add3A_44, %get3A_47, %dot_general3A_48 {dimension_numbers = #tpu.dot_dimension_numbers<[1], [0], [0], [1], [0, 0, 1, 1], [], []>, transpose_lhs_hint = false} : vector<1000x128xf32>, vector<128x128xf32>, vector<1000x128xf32> -> vector<1000x128xf32>
    %get3A_50 = arith.constant 0 : index
    %get3A_51 = arith.constant 0 : index
    %get3A_52 = vector.load %arg11[%get3A_50, %get3A_51] : memref<1x128xf32, #tpu.memory_space<vmem>>, vector<1x128xf32>
    %add3A_53 = vector.broadcast %get3A_52 : vector<1x128xf32> to vector<1000x128xf32>
    %add3A_54 = arith.addf %dot_general3A_49, %add3A_53 : vector<1000x128xf32>
    %swap3A = arith.constant 0 : index
    %swap3A_55 = arith.constant 0 : index
    %swap3A_56 = vector.load %arg12[%swap3A, %swap3A_55] : memref<1000x128xf32, #tpu.memory_space<vmem>>, vector<1000x128xf32>
    tpu.vector_store %arg12[%swap3A, %swap3A_55], %add3A_54 {strides = array<i32>} : memref<1000x128xf32, #tpu.memory_space<vmem>>, vector<1000x128xf32>,
    return
  }
  func.func @transform_0(%arg0: i32) -> (i32, i32) {
    %c0_i32 = arith.constant 0 : i32
    %c0_i32_0 = arith.constant 0 : i32
    return %arg0, %c0_i32 : i32, i32
  }
  func.func @transform_1(%arg0: i32) -> (i32, i32) {
    %c0_i32 = arith.constant 0 : i32
    %c0_i32_0 = arith.constant 0 : i32
    return %arg0, %c0_i32 : i32, i32
  }
  func.func @transform_2(%arg0: i32) -> (i32, i32) {
    %c0_i32 = arith.constant 0 : i32
    %c0_i32_0 = arith.constant 0 : i32
    return %arg0, %c0_i32 : i32, i32
  }
  func.func @transform_3(%arg0: i32) -> (i32, i32) {
    %c0_i32 = arith.constant 0 : i32
    %c0_i32_0 = arith.constant 0 : i32
    return %arg0, %c0_i32 : i32, i32
  }
  func.func @transform_4(%arg0: i32) -> (i32, i32) {
    %c0_i32 = arith.constant 0 : i32
    %c0_i32_0 = arith.constant 0 : i32
    %c0_i32_1 = arith.constant 0 : i32
    return %c0_i32, %c0_i32_0 : i32, i32
  }
  func.func @transform_5(%arg0: i32) -> (i32, i32) {
    %c0_i32 = arith.constant 0 : i32
    %c0_i32_0 = arith.constant 0 : i32
    %c0_i32_1 = arith.constant 0 : i32
    return %c0_i32, %c0_i32_0 : i32, i32
  }
  func.func @transform_6(%arg0: i32) -> (i32, i32) {
    %c0_i32 = arith.constant 0 : i32
    %c0_i32_0 = arith.constant 0 : i32
    %c0_i32_1 = arith.constant 0 : i32
    return %c0_i32, %c0_i32_0 : i32, i32
  }
  func.func @transform_7(%arg0: i32) -> (i32, i32) {
    %c0_i32 = arith.constant 0 : i32
    %c0_i32_0 = arith.constant 0 : i32
    %c0_i32_1 = arith.constant 0 : i32
    return %c0_i32, %c0_i32_0 : i32, i32
  }
  func.func @transform_8(%arg0: i32) -> (i32, i32) {
    %c0_i32 = arith.constant 0 : i32
    %c0_i32_0 = arith.constant 0 : i32
    %c0_i32_1 = arith.constant 0 : i32
    return %c0_i32, %c0_i32_0 : i32, i32
  }
  func.func @transform_9(%arg0: i32) -> (i32, i32) {
    %c0_i32 = arith.constant 0 : i32
    %c0_i32_0 = arith.constant 0 : i32
    %c0_i32_1 = arith.constant 0 : i32
    return %c0_i32, %c0_i32_0 : i32, i32
  }
  func.func @transform_10(%arg0: i32) -> (i32, i32) {
    %c0_i32 = arith.constant 0 : i32
    %c0_i32_0 = arith.constant 0 : i32
    %c0_i32_1 = arith.constant 0 : i32
    return %c0_i32, %c0_i32_0 : i32, i32
  }
  func.func @transform_11(%arg0: i32) -> (i32, i32) {
    %c0_i32 = arith.constant 0 : i32
    %c0_i32_0 = arith.constant 0 : i32
    return %arg0, %c0_i32 : i32, i32
  }
}

</mosaic_0001>

<sc_bundles>
// kernel: kernel.10.cloned.1.call-start
scs
__scs_entry_jumppad:
0x0: {  	(pc) =	sbr.rel $0x88, $3  }
0x1: {  	(tag) =	ssettag $0x0;
	lr =	simm.s32 $0x1  }
0x2: {  	[smem:$0x3F95] =	sst lr;
	_ =	strace $0xD0000000  }
0x3: {  	_ = 	snop  }
0x4: {  	_ = 	snop  }
0x5: {  	_ = 	snop  }
0x6: {  	_ = 	snop  }
0x7: {  	_ = 	snop  }
__scs_overlays_trampoline_lowered:
0x8: {  	[smem:$0x3FA4] =	sst s0  }
0x9: {  	[smem:$0x3FA5] =	sst s1  }
0xa: {  	[smem:$0x3FA6] =	sst s2  }
0xb: {  	[smem:$0x3FA7] =	sst s3  }
0xc: {  	[smem:$0x3FA8] =	sst s4  }
0xd: {  	[smem:$0x3FA9] =	sst s5  }
0xe: {  	[smem:$0x3FAA] =	sst s6  }
0xf: {  	[smem:$0x3FAB] =	sst s7  }
0x10: {  	[smem:$0x3FAC] =	sst s8  }
0x11: {  	[smem:$0x3FAD] =	sst s9;
	s0 =	simm.s32 @!p0 $0x0  }
0x12: {  	s1 =	sld [smem:$0x3F93];
	s0 =	simm.s32 @p0 $0x1  }
0x13: {  	[smem:$0x3FAE] =	sst s0;
	s0 =	simm.s32 @!p1 $0x0  }
0x14: {  	s2 =	sld [smem:$0x3F92];
	s0 =	simm.s32 @p1 $0x1  }
0x15: {  	[smem:$0x3FAF] =	sst s0;
	s0 =	simm.s32 @!p2 $0x0  }
0x16: {  	s3 =	sld [smem:$0x3FDB];
	s0 =	simm.s32 @p2 $0x1  }
0x17: {  	s4 =	simm.s32 $0x1BF5;
	[smem:$0x3FB1] =	sst s0  }
0x18: {  	s0 =	sld [smem:$0x3F94];
	_ =	swait.ge [sflag:s4], $0x0  }
0x19: {  	s7 =	sld [smem:$0x3F95]  }
0x1a: {  	s8 =	sadd.s32 $0xFFFFE003, lr  }
0x1b: {  	s9 =	sadd.s32 $0xFFFFFEF7, lr;
	s5 =	simm.s32 $0xFFFFFFFF;
	p2 =	slt.u32 s8, $0xFFFFF086  }
0x1c: {  	p1 =	slt.u32 s9, $0xF7A;
	s5 =	simm.s32 @!p2 $0x0  }
0x1d: {  	s5 =	simm.s32 @p1 $0x1;
	p0 =	seq.s32 s7, s2  }
0x1e: {  	s7 =	smul.u32 @!p0 $0xF7A, s2;
	p2 =	seq.s32 @!p0 s5, $0x0  }
0x1f: {  	s9 =	smul.u32 $0xF7A, s1;
	s8 =	simm.s32 @!p0 $0x1BF5;
	p2 =	por !p2, p0  }
0x20: {  	[sflag:s8] =	ssyncset.s32 @!p0 $0xFFFFF086;
	s6 =	sadd.s32 @!p0 s3, s7;
	s7 =	simm.s32 @!p0 $0x108  }
0x21: {  	s3 =	sadd.s32 s3, s9;
	s6 =	sadd.s32 @!p0 $0x88, s6;
	s7 =	simm.s32 @p2 $0x1082  }
0x22: {  	[simem:s7], [sflag:s8] =	dma.local @!p0 [hbm:s6], $0xF7A  }
0x23: {  	s9 =	sor.u32 $0xD0000000, s2;
	s6 =	simm.s32 $0x108;
	_ =	swait.ge @!p0 [sflag:s8], $0x0  }
0x24: {  	s3 =	sadd.s32 $0x88, s3;
	s6 =	simm.s32 @!p1 $0x1082;
	[sflag:s4] =	ssyncset.s32 $0xFFFFF086  }
0x25: {  	[simem:s6], [sflag:s4] =	dma.local [hbm:s3], $0xF7A  }
0x26: {  	[smem:$0x3F95] =	sst s1;
	(tag) =	ssettag s2;
	_ =	strace s9  }
0x27: {  	s1 =	sld [smem:$0x3FA5]  }
0x28: {  	s2 =	sld [smem:$0x3FA6]  }
0x29: {  	s4 =	sld [smem:$0x3FA8]  }
0x2a: {  	p0 =	seq.s32 s5, $0x0;
	s5 =	sld [smem:$0x3FA9]  }
0x2b: {  	s6 =	sld [smem:$0x3FAA]  }
0x2c: {  	s7 =	sld [smem:$0x3FAB]  }
0x2d: {  	s3 =	simm.s32 $0x108;
	s8 =	sld [smem:$0x3FAC]  }
0x2e: {  	s3 =	simm.s32 @!p0 $0x1082;
	s9 =	sld [smem:$0x3FAD]  }
0x2f: {  	lr =	sadd.s32 s0, s3;
	s0 =	sld [smem:$0x3FA4]  }
0x30: {  	s3 =	sld [smem:$0x3FA7]  }
0x31: {  	[smem:$0x3FB0] =	sst s10  }
0x32: {  	s10 =	sld [smem:$0x3FAE];
	_ =	sdelay $0x3  }
0x33: {  	p0 =	seq.s32 s10, $0x1;
	s10 =	sld [smem:$0x3FB0];
	_ =	sdelay $0x3  }
0x34: {  	[smem:$0x3FB0] =	sst s10  }
0x35: {  	s10 =	sld [smem:$0x3FAF];
	_ =	sdelay $0x3  }
0x36: {  	p1 =	seq.s32 s10, $0x1;
	s10 =	sld [smem:$0x3FB0];
	_ =	sdelay $0x3  }
0x37: {  	[smem:$0x3FB0] =	sst s10  }
0x38: {  	s10 =	sld [smem:$0x3FB1]  }
0x39: {  	_ = 	snop;
	(pc) =	sbr.ind lr, $3  }
0x3a: {  	_ = 	snop  }
0x3b: {  	_ = 	snop  }
0x3c: {  	p2 =	seq.s32 s10, $0x1;
	s10 =	sld [smem:$0x3FB0]  }
0x3d: {  	_ =	shalt  }
0x3e: {  	_ =	shalt  }
0x3f: {  	_ =	shalt  }
0x40: {  	_ =	shalt  }
0x41: {  	_ =	shalt  }
0x42: {  	_ =	shalt  }
0x43: {  	_ =	shalt  }
0x44: {  	_ =	shalt  }
0x45: {  	_ =	shalt  }
0x46: {  	_ =	shalt  }
0x47: {  	_ =	shalt  }
0x48: {  	_ =	shalt  }
0x49: {  	_ =	shalt  }
0x4a: {  	_ =	shalt  }
0x4b: {  	_ =	shalt  }
0x4c: {  	_ =	shalt  }
0x4d: {  	_ =	shalt  }
0x4e: {  	_ =	shalt  }
0x4f: {  	_ =	shalt  }
0x50: {  	_ =	shalt  }
0x51: {  	_ =	shalt  }
0x52: {  	_ =	shalt  }
0x53: {  	_ =	shalt  }
0x54: {  	_ =	shalt  }
0x55: {  	_ =	shalt  }
0x56: {  	_ =	shalt  }
0x57: {  	_ =	shalt  }
0x58: {  	_ =	shalt  }
0x59: {  	_ =	shalt  }
0x5a: {  	_ =	shalt  }
0x5b: {  	_ =	shalt  }
0x5c: {  	_ =	shalt  }
0x5d: {  	_ =	shalt  }
0x5e: {  	_ =	shalt  }
0x5f: {  	_ =	shalt  }
0x60: {  	_ =	shalt  }
0x61: {  	_ =	shalt  }
0x62: {  	_ =	shalt  }
0x63: {  	_ =	shalt  }
0x64: {  	_ =	shalt  }
0x65: {  	_ =	shalt  }
0x66: {  	_ =	shalt  }
0x67: {  	_ =	shalt  }
0x68: {  	_ =	shalt  }
0x69: {  	_ =	shalt  }
0x6a: {  	_ =	shalt  }
0x6b: {  	_ =	shalt  }
0x6c: {  	_ =	shalt  }
0x6d: {  	_ =	shalt  }
0x6e: {  	_ =	shalt  }
0x6f: {  	_ =	shalt  }
0x70: {  	_ =	shalt  }
0x71: {  	_ =	shalt  }
0x72: {  	_ =	shalt  }
0x73: {  	_ =	shalt  }
0x74: {  	_ =	shalt  }
0x75: {  	_ =	shalt  }
0x76: {  	_ =	shalt  }
0x77: {  	_ =	shalt  }
0x78: {  	_ =	shalt  }
0x79: {  	_ =	shalt  }
0x7a: {  	_ =	shalt  }
0x7b: {  	_ =	shalt  }
0x7c: {  	_ =	shalt  }
0x7d: {  	_ =	shalt  }
0x7e: {  	_ =	shalt  }
0x7f: {  	_ =	shalt  }
0x80: {  	_ =	shalt  }
0x81: {  	_ =	shalt  }
0x82: {  	_ =	shalt  }
0x83: {  	_ =	shalt  }
0x84: {  	_ =	shalt  }
0x85: {  	_ =	shalt  }
0x86: {  	_ =	shalt  }
0x87: {  	_ =	shalt  }
.Lfunc_end0:
.L_simem_size_0:
called_computation.1_lowered:
.L_overlay_start_0:
0x88: {  	s2 =	sld [smem:$0x3FD9]  }
0x89: {  	s3 =	sld [smem:$0x3FFE];
	_ =	sdelay $0x1  }
0x8a: {  	s1 =	srdreg.scid  }
0x8b: {  	s0 =	sand.u32 $0x1, s1  }
0x8c: {  	s17 =	sshll.u32 s0, $0xA;
	s2 =	sadd.s32 s3, s2  }
0x8d: {  	s2 =	sadd.s32 s2, s17  }
0x8e: {  	[smem:$0x3FBC] =	sst s2  }
0x8f: {  	_ = 	snop  }
0x90: {  	s4 =	sld [smem:$0x3FC9]  }
0x91: {  	s18 =	sld [smem:$0x3FD0];
	(tm) =	ssettm $0x1  }
0x92: {  	s19 =	sld [smem:$0x3FFB];
	_ =	sdelay $0x3  }
0x93: {  	_ =	strace s19  }
0x94: {  	s2 =	sld [smem:$0x3FFC];
	_ =	sdelay $0x3  }
0x95: {  	_ =	strace s2  }
0x96: {  	s2 =	sld [smem:$0x3FFD];
	_ =	sdelay $0x3  }
0x97: {  	_ =	strace s2  }
0x98: {  	_ =	strace $0x8FFFFFFF  }
0x99: {  	s20 =	sld [smem:$0x3FDB];
	_ =	sdelay $0x1  }
0x9a: {  	s5 =	simm.s32 $_scs_section_size  }
0x9b: {  	s6 =	simm.s32 $_size__tile_overlayer_lowered;
	s7 =	simm.s32 $_tile_overlayer_lowered  }
0x9c: {  	s8 =	simm.s32 $0x1BFF;
	s21 =	sshll.u32 s7, $0x1;
	s5 =	sadd.s32 s5, s20  }
0x9d: {  	s22 =	simm.s32 $0x0;
	s6 =	sshll.u32 s6, $0x1;
	s7 =	sadd.s32 s21, s5  }
0x9e: {  	[timem:s22], [sflag:s8] =	dma.local [hbm:s7], s6  }
0x9f: {  	_ =	swait.ge [sflag:s8], s6  }
0xa0: {  	s6 =	ssub.s32 $0x0, s6;
	[sflag:s8] =	ssyncset.done $0x0  }
0xa1: {  	[sflag:s8] =	ssyncadd.s32 s6;
	_ =	sdelay $0x1  }
0xa2: {  	s23 =	simm.s32 $0x1B8B  }
0xa3: {  	_ =	swait.ge [sflag:s23], $0x1  }
0xa4: {  	[sflag:s23] =	ssyncset.done $0x0  }
0xa5: {  	[sflag:s23] =	ssyncadd.s32 $0xFFFFFFFF  }
0xa6: {  	s6 =	sld [smem:$0x0]  }
0xa7: {  	s7 =	sand.u32 $0xFFFFFFFE, s1  }
0xa8: {  	p0 =	sne.s32 s1, s7  }
0xa9: {  	s7 =	sshll.u32 @p0 s7, $0xE  }
0xaa: {  	s7 =	sadd.s32 @p0 $0x11B8D, s7;
	s8 =	sshll.u32 @p0 s6, $0x11  }
0xab: {  	s7 =	sor.u32 @p0 s8, s7  }
0xac: {  	[sflag:s7] =	ssyncadd.remote.s32 @p0 $0x1;
	_ =	sdelay $0x1  }
0xad: {  	s7 =	simm.s32 @p0 $0x1B8D  }
0xae: {  	_ =	swait.eq @p0 [sflag:s7], $0x1  }
0xaf: {  	[sflag:s7] =	ssyncadd.s32 @p0 $0xFFFFFFFF  }
0xb0: {  	s8 =	sshll.u32 @!p0 s1, $0xE  }
0xb1: {  	s8 =	sor.u32 @!p0 $0x4000, s8;
	s7 =	simm.s32 @!p0 $0x1B8D  }
0xb2: {  	s6 =	sshll.u32 @!p0 s6, $0x11;
	s8 =	sadd.s32 @!p0 $0x11B8D, s8;
	_ =	swait.eq @!p0 [sflag:s7], $0x1  }
0xb3: {  	s6 =	sor.u32 @!p0 s6, s8;
	[sflag:s7] =	ssyncadd.s32 @!p0 $0xFFFFFFFF  }
0xb4: {  	s25 =	simm.s32 $0x1B8E;
	s24 =	sld [smem:$0x3FFE];
	[sflag:s6] =	ssyncadd.remote.s32 @!p0 $0x1  }
0xb5: {  	s26 =	simm.s32 $execute0_lowered;
	[smem:$0x3FD2] =	sst s25  }
0xb6: {  	s7 =	sshll.u32 s26, $0x1;
	_ =	strace $0x80000049;
	[dreg:$0x1] =	wrdreg $0xFFFFFFFF  }
0xb7: {  	s28 =	simm.s32 $_size_execute0_lowered;
	s5 =	sadd.s32 s5, s7;
	[dreg:$0x0] =	wrdreg $0x0  }
0xb8: {  	s7 =	sshll.u32 s28, $0x1;
	[dreg:$0x2] =	wrdreg s5  }
0xb9: {  	[dreg:$0x3] =	wrdreg s7  }
0xba: {  	[dreg:$0x4] =	wrdreg $0xC0  }
0xbb: {  	_ =	task [dreg:s22], $0x5FFFF  }
0xbc: {  	[dreg:$0x1] =	wrdreg $0xFFFFFFFF  }
0xbd: {  	[dreg:$0x0] =	wrdreg $0x60  }
0xbe: {  	[dreg:$0x2] =	wrdreg s4  }
0xbf: {  	[dreg:$0x3] =	wrdreg s24  }
0xc0: {  	[dreg:$0x4] =	wrdreg s18  }
0xc1: {  	[dreg:$0x5] =	wrdreg $0xBB000  }
0xc2: {  	[dreg:$0x6] =	wrdreg $0xA  }
0xc3: {  	_ =	task.clear_ibuf [dreg:s22], $0x7FFFF;
	_ =	strace $0x90000049  }
0xc4: {  	s29 =	simm.s32 $0xA;
	_ =	strace $0x8000004B  }
0xc5: {  	_ =	swait.ge [sflag:s29], $0x1  }
0xc6: {  	[sflag:s29] =	ssyncadd.s32 $0xFFFFFFFF  }
0xc7: {  	_ =	strace $0x9000004B  }
0xc8: {  	_ =	sfence  }
0xc9: {  	s30 =	sld [smem:$0x0];
	_ =	sdelay $0x2  }
0xca: {  	s31 =	sshll.u32 s1, $0xD;
	s1 =	sshrl.u32 s1, $0x2  }
0xcb: {  	s4 =	sand.u32 $0x4000, s31;
	s1 =	sadd.s32 s1, s30  }
0xcc: {  	s0 =	sor.u32 s4, s0;
	s1 =	sshll.u32 s1, $0x11  }
0xcd: {  	s0 =	sor.u32 s1, s0  }
0xce: {  	s0 =	sadd.s32 $0x8F2B, s0  }
0xcf: {  	[sflag:s0] =	ssyncadd.remote.s32 $0x1  }
0xd0: {  	_ =	sfence.sel $0xFFFF  }
0xd1: {  	[dreg:$0x0] =	wrdreg $0xFFFFFFFF;
	(pc) =	sbr.abs _section_cstart, $3  }
0xd2: {  	[dreg:$0x1] =	wrdreg $0xFFFFFFFF  }
0xd3: {  	_ =	task.clear_ibuf [dreg:s22], $0x2FFFF;
	_ =	strace $0x9FFFFFFF  }
0xd4: {  	(tm) =	ssettm $0x7FFFFFFF  }
0xd5: {  	_ =	shalt  }
tec
execute0_lowered:
.L_overlay_start_1:
0x0: {  	(tag) =	ssettag $0x1  }
0x1: {  	s1 =	rddreg [dreg:$0x0]  }
0x2: {  	s0 =	rddreg [dreg:$0x1]  }
0x3: {  	s3 =	rddreg [dreg:$0x2]  }
0x4: {  	s2 =	rddreg [dreg:$0x3]  }
0x5: {  	s4 =	srdreg.scid;
	s13 =	stileid.u32  }
0x6: {  	s28 =	simm.s32 $0x1;
	s29 =	simm.s32 $0x4;
	s30 =	simm.s32 $0x4280  }
0x7: {  	s31 =	simm.s32 $0x9300;
	s7 =	sand.u32 $0x1, s4;
	s9 =	smul.u32 $0x3E80, s13  }
0x8: {  	s4 =	simm.s32 $0x0;
	s6 =	smul.u32 $0x7D000, s13;
	p0 =	slt.u32 s13, $0xA  }
0x9: {  	s5 =	sshll.u32 s7, $0x4;
	[smem:$0x7FF] =	sst s4;
	s11 =	ssub.s32 $0x2, s7  }
0xa: {  	s15 =	smul.u32 $0x3E800, s7;
	p1 =	seq.s32 s7, $0x0;
	s6 =	sshrl.u32 s6, $0x2  }
0xb: {  	p2 =	seq.s32 s7, $0x1;
	s3 =	sadd.s32 s3, s9;
	s6 =	sadd.s32 s6, s2  }
0xc: {  	_ =	strace $0x8000004A;
	[dreg:$0x12] =	wrdreg s3;
	s23 =	sadd.s32 $0x1400, s6  }
0xd: {  	s8 =	sor.u32 s13, s5;
	s24 =	sadd.s32 $0x2800, s6;
	[dreg:$0x8] =	wrdreg s23  }
0xe: {  	s12 =	sshrl.u32 s11, $0x1;
	s25 =	sadd.s32 $0x3C00, s6;
	[dreg:$0x9] =	wrdreg s24  }
0xf: {  	p1 =	por !p0, !p1;
	s26 =	sadd.s32 $0x5000, s6;
	[dreg:$0xa] =	wrdreg s25  }
0x10: {  	p2 =	por !p0, !p2;
	s14 =	sadd.s32 $0x6400, s6;
	[dreg:$0xb] =	wrdreg s26  }
0x11: {  	s5 =	sshll.u32 s8, $0xB;
	s16 =	sadd.s32 $0x8C00, s6;
	[dreg:$0xc] =	wrdreg s14  }
0x12: {  	s11 =	ssub.s32 s11, s12;
	s17 =	sadd.s32 $0xA000, s6;
	[dreg:$0xe] =	wrdreg s16  }
0x13: {  	s12 =	sadd.s32 s9, s15;
	s18 =	sadd.s32 $0xB400, s6;
	[dreg:$0xf] =	wrdreg s17  }
0x14: {  	p0 =	por !p1, !p1;
	s19 =	sadd.s32 $0xC800, s6;
	[dreg:$0x10] =	wrdreg s18  }
0x15: {  	p1 =	por !p2, !p2;
	s22 =	sadd.s32 $0xDC00, s6;
	[dreg:$0x11] =	wrdreg s19  }
0x16: {  	p2 =	sgt.u32 s13, $0x9;
	s11 =	smax.u32 s11, $0x1;
	[dreg:$0x13] =	wrdreg s22  }
0x17: {  	s13 =	simm.s32 $0x4300;
	s15 =	sadd.s32 $0x11800, s6;
	[dreg:$0x19] =	wrdreg s11  }
0x18: {  	s10 =	sadd.s32 s5, s0;
	s14 =	sadd.s32 $0x7800, s6;
	[dreg:$0x1b] =	wrdreg s15  }
0x19: {  	s5 =	sadd.s32 $0x1CA00, s0;
	s23 =	sadd.s32 $0xF000, s6;
	[dreg:$0xd] =	wrdreg s14  }
0x1a: {  	s0 =	sadd.s32 s9, s0;
	s26 =	simm.s32 $0x4100;
	[dreg:$0x14] =	wrdreg s23  }
0x1b: {  	s25 =	smul.u32 $0x3E80, s8;
	s8 =	sadd.s32 $0x10400, s6;
	[dreg:$0x7] =	wrdreg s26  }
0x1c: {  	s20 =	sadd.s32 $0x200, s12;
	s9 =	sadd.s32 $0x2C400, s10;
	[dreg:$0x15] =	wrdreg s8  }
0x1d: {  	s21 =	sadd.s32 $0x100, s12;
	s0 =	sadd.s32 $0x3C400, s0;
	[dreg:$0x16] =	wrdreg s9  }
0x1e: {  	s3 =	sshrl.u32 s20, $0x3;
	s16 =	sadd.s32 $0x12C00, s6;
	[dreg:$0x18] =	wrdreg s0  }
0x1f: {  	s7 =	sshrl.u32 s21, $0x3;
	s17 =	sadd.s32 $0x14000, s6;
	[dreg:$0x1c] =	wrdreg s16  }
0x20: {  	s18 =	sadd.s32 $0x15400, s6;
	s19 =	sadd.s32 $0x16800, s6;
	[dreg:$0x1d] =	wrdreg s17  }
0x21: {  	s20 =	sadd.s32 $0x17C00, s6;
	s21 =	sadd.s32 $0x19000, s6;
	[dreg:$0x1e] =	wrdreg s18  }
0x22: {  	s22 =	sadd.s32 $0x1A400, s6;
	s15 =	simm.s32 $0x4180;
	[dreg:$0x1f] =	wrdreg s19  }
0x23: {  	s11 =	simm.s32 $0x8;
	s3 =	sadd.s32 s3, s5;
	[smem:$0x7F7] =	sst s20  }
0x24: {  	s24 =	sadd.s32 s7, s5;
	s14 =	sadd.s32 $0x180, s12;
	[smem:$0x7F8] =	sst s21  }
0x25: {  	[smem:$0x7F9] =	sst s22;
	s23 =	sadd.s32 $0x1B800, s6;
	s16 =	simm.s32 $0x50  }
0x26: {  	s18 =	simm.s32 $0x4000;
	s19 =	simm.s32 $0x4200;
	[dreg:$0x5] =	wrdreg s3  }
0x27: {  	s20 =	simm.s32 $0x4080;
	s0 =	simm.s32 $0x2;
	[dreg:$0x6] =	wrdreg s24  }
0x28: {  	s7 =	simm.s32 $0x5;
	s8 =	simm.s32 $0x7;
	[dreg:$0x1a] =	wrdreg s14  }
0x29: {  	s9 =	simm.s32 $0x3;
	[smem:$0x7FA] =	sst s23;
	s24 =	sadd.s32 $0x1CC00, s6  }
0x2a: {  	s10 =	sshrl.u32 s25, $0x3;
	s25 =	sadd.s32 $0x1E000, s6;
	[smem:$0x7FB] =	sst s24  }
0x2b: {  	s14 =	simm.s32 $0xA;
	s3 =	sadd.s32 s5, s10;
	[smem:$0x7FC] =	sst s25  }
0x2c: {  	s10 =	simm.s32 $0x6;
	[dreg:$0x17] =	wrdreg s3;
	s26 =	sadd.s32 $0x10, s3  }
0x2d: {  	v0 =	vimm.f32 $0.0e+00;
	s3 =	simm.s32 $0x0;
	[smem:$0x7FD] =	sst s26;
	s26 =	simm.s32 $0x6B00  }
.LBB2_1:
0x2e: {  	s12 =	simm.s32 $0x0;
	s21 =	simm.s32 $0x200  }
.LBB2_2:
0x2f: {  	p3 =	sne.s32 s21, $0x4E00;
	[tilespmem:s12+$0x4370] =	vst v0  }
0x30: {  	[tilespmem:s12+$0x4300] =	vst v0  }
0x31: {  	[tilespmem:s12+$0x4310] =	vst v0  }
.Ltmp0:
0x32: {  	[tilespmem:s12+$0x4320] =	vst v0;
	(pc) =	sbr.rel @p3 .LBB2_2-.Ltmp0, $4  }
0x33: {  	[tilespmem:s12+$0x4330] =	vst v0  }
0x34: {  	[tilespmem:s12+$0x4340] =	vst v0  }
0x35: {  	[tilespmem:s12+$0x4350] =	vst v0  }
0x36: {  	[tilespmem:s12+$0x4360] =	vst v0;
	s12 =	sshra.s32 s21, $0x2;
	s21 =	sadd.s32 $0x200, s21  }
0x37: {  	[tilespmem:s12+$0x4370] =	vst v0  }
0x38: {  	[tilespmem:s12+$0x4300] =	vst v0  }
0x39: {  	[tilespmem:s12+$0x4310] =	vst v0  }
.Ltmp1:
0x3a: {  	[tilespmem:s12+$0x4320] =	vst v0;
	(pc) =	sbr.rel @p2 .LBB2_5-.Ltmp1, $4  }
0x3b: {  	[tilespmem:s12+$0x4330] =	vst v0  }
0x3c: {  	[tilespmem:s12+$0x4340] =	vst v0  }
0x3d: {  	[tilespmem:s12+$0x4350] =	vst v0  }
0x3e: {  	[tilespmem:s12+$0x4360] =	vst v0  }
0x3f: {  	[spmem:s6] =	stream.linear.scatter [tilespmem:s13], [sflag:$0xA], $0x1400, $0x38;
	[tilespmem:$0x1F380] =	vst v63  }
0x40: {  	_ =	swait.ge [sflag:s14], $0x1400  }
0x41: {  	[sflag:s14] =	ssyncset.done $0x0  }
0x42: {  	s12 =	rddreg [dreg:$0x8];
	[sflag:s14] =	ssyncadd.s32 $0xFFFFEC00  }
0x43: {  	[spmem:s12] =	stream.linear.scatter [tilespmem:s13], [sflag:$0xA], $0x1400, $0x38;
	[tilespmem:$0x1F380] =	vst v63  }
0x44: {  	_ =	swait.ge [sflag:s14], $0x1400  }
0x45: {  	[sflag:s14] =	ssyncset.done $0x0  }
0x46: {  	s21 =	rddreg [dreg:$0x9];
	[sflag:s14] =	ssyncadd.s32 $0xFFFFEC00  }
0x47: {  	[spmem:s21] =	stream.linear.scatter [tilespmem:s13], [sflag:$0xA], $0x1400, $0x38;
	[tilespmem:$0x1F380] =	vst v63  }
0x48: {  	_ =	swait.ge [sflag:s14], $0x1400  }
0x49: {  	[sflag:s14] =	ssyncset.done $0x0  }
0x4a: {  	s22 =	rddreg [dreg:$0xa];
	[sflag:s14] =	ssyncadd.s32 $0xFFFFEC00  }
0x4b: {  	[spmem:s22] =	stream.linear.scatter [tilespmem:s13], [sflag:$0xA], $0x1400, $0x38;
	[tilespmem:$0x1F380] =	vst v63  }
0x4c: {  	_ =	swait.ge [sflag:s14], $0x1400  }
0x4d: {  	[sflag:s14] =	ssyncset.done $0x0  }
0x4e: {  	s23 =	rddreg [dreg:$0xb];
	[sflag:s14] =	ssyncadd.s32 $0xFFFFEC00  }
0x4f: {  	[spmem:s23] =	stream.linear.scatter [tilespmem:s13], [sflag:$0xA], $0x1400, $0x38;
	[tilespmem:$0x1F380] =	vst v63  }
0x50: {  	_ =	swait.ge [sflag:s14], $0x1400  }
0x51: {  	[sflag:s14] =	ssyncset.done $0x0  }
0x52: {  	s24 =	rddreg [dreg:$0xc];
	[sflag:s14] =	ssyncadd.s32 $0xFFFFEC00  }
0x53: {  	[spmem:s24] =	stream.linear.scatter [tilespmem:s13], [sflag:$0xA], $0x1400, $0x38;
	[tilespmem:$0x1F380] =	vst v63  }
0x54: {  	_ =	swait.ge [sflag:s14], $0x1400  }
0x55: {  	[sflag:s14] =	ssyncset.done $0x0  }
0x56: {  	s25 =	rddreg [dreg:$0xd];
	[sflag:s14] =	ssyncadd.s32 $0xFFFFEC00  }
0x57: {  	[spmem:s25] =	stream.linear.scatter [tilespmem:s13], [sflag:$0xA], $0x1400, $0x38;
	[tilespmem:$0x1F380] =	vst v63  }
0x58: {  	_ =	swait.ge [sflag:s14], $0x1400  }
0x59: {  	[sflag:s14] =	ssyncset.done $0x0  }
0x5a: {  	s17 =	rddreg [dreg:$0xe];
	[sflag:s14] =	ssyncadd.s32 $0xFFFFEC00  }
0x5b: {  	[spmem:s17] =	stream.linear.scatter [tilespmem:s13], [sflag:$0xA], $0x1400, $0x38;
	[tilespmem:$0x1F380] =	vst v63  }
0x5c: {  	_ =	swait.ge [sflag:s14], $0x1400  }
0x5d: {  	[sflag:s14] =	ssyncset.done $0x0  }
0x5e: {  	s21 =	rddreg [dreg:$0xf];
	[sflag:s14] =	ssyncadd.s32 $0xFFFFEC00  }
0x5f: {  	[spmem:s21] =	stream.linear.scatter [tilespmem:s13], [sflag:$0xA], $0x1400, $0x38;
	[tilespmem:$0x1F380] =	vst v63  }
0x60: {  	_ =	swait.ge [sflag:s14], $0x1400  }
0x61: {  	[sflag:s14] =	ssyncset.done $0x0  }
0x62: {  	s22 =	rddreg [dreg:$0x10];
	[sflag:s14] =	ssyncadd.s32 $0xFFFFEC00  }
0x63: {  	[spmem:s22] =	stream.linear.scatter [tilespmem:s13], [sflag:$0xA], $0x1400, $0x38;
	[tilespmem:$0x1F380] =	vst v63  }
0x64: {  	_ =	swait.ge [sflag:s14], $0x1400  }
0x65: {  	[sflag:s14] =	ssyncset.done $0x0  }
0x66: {  	s23 =	rddreg [dreg:$0x11];
	[sflag:s14] =	ssyncadd.s32 $0xFFFFEC00  }
0x67: {  	[spmem:s23] =	stream.linear.scatter [tilespmem:s13], [sflag:$0xA], $0x1400, $0x38;
	[tilespmem:$0x1F380] =	vst v63  }
0x68: {  	_ =	swait.ge [sflag:s14], $0x1400  }
0x69: {  	[sflag:s14] =	ssyncset.done $0x0  }
0x6a: {  	s24 =	rddreg [dreg:$0x13];
	[sflag:s14] =	ssyncadd.s32 $0xFFFFEC00  }
0x6b: {  	[spmem:s24] =	stream.linear.scatter [tilespmem:s13], [sflag:$0xA], $0x1400, $0x38;
	[tilespmem:$0x1F380] =	vst v63  }
0x6c: {  	_ =	swait.ge [sflag:s14], $0x1400  }
0x6d: {  	[sflag:s14] =	ssyncset.done $0x0  }
0x6e: {  	s25 =	rddreg [dreg:$0x14];
	[sflag:s14] =	ssyncadd.s32 $0xFFFFEC00  }
0x6f: {  	[spmem:s25] =	stream.linear.scatter [tilespmem:s13], [sflag:$0xA], $0x1400, $0x38;
	[tilespmem:$0x1F380] =	vst v63  }
0x70: {  	_ =	swait.ge [sflag:s14], $0x1400  }
0x71: {  	[sflag:s14] =	ssyncset.done $0x0  }
0x72: {  	s17 =	rddreg [dreg:$0x15];
	[sflag:s14] =	ssyncadd.s32 $0xFFFFEC00  }
0x73: {  	[spmem:s17] =	stream.linear.scatter [tilespmem:s13], [sflag:$0xA], $0x1400, $0x38;
	[tilespmem:$0x1F380] =	vst v63  }
0x74: {  	_ =	swait.ge [sflag:s14], $0x1400  }
0x75: {  	[sflag:s14] =	ssyncset.done $0x0  }
0x76: {  	s21 =	rddreg [dreg:$0x1b];
	[sflag:s14] =	ssyncadd.s32 $0xFFFFEC00  }
0x77: {  	[spmem:s21] =	stream.linear.scatter [tilespmem:s13], [sflag:$0xA], $0x1400, $0x38;
	[tilespmem:$0x1F380] =	vst v63  }
0x78: {  	_ =	swait.ge [sflag:s14], $0x1400  }
0x79: {  	[sflag:s14] =	ssyncset.done $0x0  }
0x7a: {  	s22 =	rddreg [dreg:$0x1c];
	[sflag:s14] =	ssyncadd.s32 $0xFFFFEC00  }
0x7b: {  	[spmem:s22] =	stream.linear.scatter [tilespmem:s13], [sflag:$0xA], $0x1400, $0x38;
	[tilespmem:$0x1F380] =	vst v63  }
0x7c: {  	_ =	swait.ge [sflag:s14], $0x1400  }
0x7d: {  	[sflag:s14] =	ssyncset.done $0x0  }
0x7e: {  	s23 =	rddreg [dreg:$0x1d];
	[sflag:s14] =	ssyncadd.s32 $0xFFFFEC00  }
0x7f: {  	[spmem:s23] =	stream.linear.scatter [tilespmem:s13], [sflag:$0xA], $0x1400, $0x38;
	[tilespmem:$0x1F380] =	vst v63  }
0x80: {  	_ =	swait.ge [sflag:s14], $0x1400  }
0x81: {  	[sflag:s14] =	ssyncset.done $0x0  }
0x82: {  	s24 =	rddreg [dreg:$0x1e];
	[sflag:s14] =	ssyncadd.s32 $0xFFFFEC00  }
0x83: {  	[spmem:s24] =	stream.linear.scatter [tilespmem:s13], [sflag:$0xA], $0x1400, $0x38;
	[tilespmem:$0x1F380] =	vst v63  }
0x84: {  	_ =	swait.ge [sflag:s14], $0x1400  }
0x85: {  	[sflag:s14] =	ssyncset.done $0x0  }
0x86: {  	s25 =	rddreg [dreg:$0x1f];
	[sflag:s14] =	ssyncadd.s32 $0xFFFFEC00  }
0x87: {  	[spmem:s25] =	stream.linear.scatter [tilespmem:s13], [sflag:$0xA], $0x1400, $0x38;
	[tilespmem:$0x1F380] =	vst v63  }
0x88: {  	_ =	swait.ge [sflag:s14], $0x1400  }
0x89: {  	s17 =	sld [smem:$0x7F7]  }
0x8a: {  	[sflag:s14] =	ssyncset.done $0x0  }
0x8b: {  	[sflag:s14] =	ssyncadd.s32 $0xFFFFEC00  }
0x8c: {  	[spmem:s17] =	stream.linear.scatter [tilespmem:s13], [sflag:$0xA], $0x1400, $0x38;
	[tilespmem:$0x1F380] =	vst v63  }
0x8d: {  	_ =	swait.ge [sflag:s14], $0x1400  }
0x8e: {  	s21 =	sld [smem:$0x7F8]  }
0x8f: {  	[sflag:s14] =	ssyncset.done $0x0  }
0x90: {  	[sflag:s14] =	ssyncadd.s32 $0xFFFFEC00  }
0x91: {  	[spmem:s21] =	stream.linear.scatter [tilespmem:s13], [sflag:$0xA], $0x1400, $0x38;
	[tilespmem:$0x1F380] =	vst v63  }
0x92: {  	_ =	swait.ge [sflag:s14], $0x1400  }
0x93: {  	s22 =	sld [smem:$0x7F9]  }
0x94: {  	[sflag:s14] =	ssyncset.done $0x0  }
0x95: {  	[sflag:s14] =	ssyncadd.s32 $0xFFFFEC00  }
0x96: {  	[spmem:s22] =	stream.linear.scatter [tilespmem:s13], [sflag:$0xA], $0x1400, $0x38;
	[tilespmem:$0x1F380] =	vst v63  }
0x97: {  	_ =	swait.ge [sflag:s14], $0x1400  }
0x98: {  	s23 =	sld [smem:$0x7FA]  }
0x99: {  	[sflag:s14] =	ssyncset.done $0x0  }
0x9a: {  	[sflag:s14] =	ssyncadd.s32 $0xFFFFEC00  }
0x9b: {  	[spmem:s23] =	stream.linear.scatter [tilespmem:s13], [sflag:$0xA], $0x1400, $0x38;
	[tilespmem:$0x1F380] =	vst v63  }
0x9c: {  	_ =	swait.ge [sflag:s14], $0x1400  }
0x9d: {  	s24 =	sld [smem:$0x7FB]  }
0x9e: {  	[sflag:s14] =	ssyncset.done $0x0  }
0x9f: {  	[sflag:s14] =	ssyncadd.s32 $0xFFFFEC00  }
0xa0: {  	[spmem:s24] =	stream.linear.scatter [tilespmem:s13], [sflag:$0xA], $0x1400, $0x38;
	[tilespmem:$0x1F380] =	vst v63  }
0xa1: {  	_ =	swait.ge [sflag:s14], $0x1400  }
0xa2: {  	s25 =	sld [smem:$0x7FC]  }
0xa3: {  	[sflag:s14] =	ssyncset.done $0x0  }
0xa4: {  	[sflag:s14] =	ssyncadd.s32 $0xFFFFEC00  }
0xa5: {  	[spmem:s25] =	stream.linear.scatter [tilespmem:s13], [sflag:$0xA], $0x1400, $0x38;
	[tilespmem:$0x1F380] =	vst v63  }
0xa6: {  	_ =	swait.ge [sflag:s14], $0x1400  }
0xa7: {  	[sflag:s14] =	ssyncset.done $0x0  }
0xa8: {  	[sflag:s14] =	ssyncadd.s32 $0xFFFFEC00  }
.LBB2_5:
0xa9: {  	[bflag:$0x0] =	sbarrier.arrive $0xFFFF  }
0xaa: {  	s12 =	simm.s32 $0x0;
	s17 =	rddreg [dreg:$0x16]  }
0xab: {  	[tilespmem:s12], [sflag:$0xA] =	stream.linear.gather [hbm4b:s17+s12], $0x3E80, $0x38;
	[tilespmem:$0x1F380] =	vst v63  }
0xac: {  	_ =	swait.ge [sflag:s14], $0x3E80  }
0xad: {  	[sflag:s14] =	ssyncset.done $0x0  }
0xae: {  	s24 =	rddreg [dreg:$0x17];
	[sflag:s14] =	ssyncadd.s32 $0xFFFFC180  }
0xaf: {  	[tilespmem:s15], [sflag:$0x4] =	stream.linear.gather [hbm4b:s24+s12], $0x80, $0x38;
	[tilespmem:$0x1F380] =	vst v63  }
0xb0: {  	v1 =	vld [tilespmem:$0x0]  }
0xb1: {  	v2 =	vld [tilespmem:$0x10]  }
0xb2: {  	v3 =	vld [tilespmem:$0x20]  }
0xb3: {  	v4 =	vld [tilespmem:$0x30]  }
0xb4: {  	v5 =	vld [tilespmem:$0x40]  }
0xb5: {  	[tilespmem:$0x4000] =	vst v1  }
0xb6: {  	[tilespmem:$0x4010] =	vst v2  }
0xb7: {  	[tilespmem:$0x4020] =	vst v3  }
0xb8: {  	[tilespmem:$0x4030] =	vst v4  }
0xb9: {  	s25 =	sld [smem:$0x7FD];
	[tilespmem:$0x4040] =	vst v5  }
0xba: {  	[tilespmem:s13], [sflag:$0x1] =	stream.indirect.gather [hbm4b:s1+s16], $0x80, s18, s16, $0xb8;
	[tilespmem:$0x1F380] =	vst v63  }
0xbb: {  	_ = 	snop  }
0xbc: {  	[tilespmem:s19], [sflag:$0x5] =	stream.linear.gather [hbm4b:s25+s12], $0x80, $0x38;
	[tilespmem:$0x1F380] =	vst v63  }
0xbd: {  	v1 =	vld [tilespmem:$0x80]  }
0xbe: {  	v2 =	vld [tilespmem:$0x90]  }
0xbf: {  	v3 =	vld [tilespmem:$0xA0]  }
0xc0: {  	v62 =	vld [tilespmem:$0xB0]  }
0xc1: {  	v63 =	vld [tilespmem:$0xC0]  }
0xc2: {  	[tilespmem:$0x4080] =	vst v1  }
0xc3: {  	[tilespmem:$0x4090] =	vst v2  }
0xc4: {  	[tilespmem:$0x40A0] =	vst v3  }
0xc5: {  	[tilespmem:$0x40B0] =	vst v62  }
0xc6: {  	[tilespmem:$0x40C0] =	vst v63  }
0xc7: {  	[tilespmem:s26], [sflag:$0x2] =	stream.indirect.gather [hbm4b:s1+s16], $0x80, s20, s16, $0xb8;
	[tilespmem:$0x1F380] =	vst v63  }
0xc8: {  	_ =	swait.ge [sflag:s28], $0x2800  }
0xc9: {  	[sflag:s28] =	ssyncset.done $0x0  }
0xca: {  	[sflag:s28] =	ssyncadd.s32 $0xFFFFD800  }
0xcb: {  	_ =	swait.ge [sflag:s29], $0x80  }
0xcc: {  	p3 =	por $0x1, $0x1;
	[sflag:s29] =	ssyncset.done $0x0  }
0xcd: {  	s12 =	simm.s32 @!p3 $0x9;
	[sflag:s29] =	ssyncadd.s32 $0xFFFFFF80  }
0xce: {  	[spmem:s2] =	stream.indirect.scatter.add.f32 [tilespmem:s13], [sflag:$0x7], $0x80, s15, s16, $0xb8;
	[tilespmem:$0x1F380] =	vst v63  }
0xcf: {  	_ =	swait.ge @!p3 [sflag:s12], $0x2800  }
0xd0: {  	s21 =	rddreg [dreg:$0x6];
	[sflag:s12] =	ssyncset.done @!p3 $0x0  }
0xd1: {  	s22 =	simm.s32 $0x120;
	[sflag:s12] =	ssyncadd.s32 @!p3 $0xFFFFD800;
	s21 =	sadd.s32 $0x0, s21  }
0xd2: {  	[tilespmem:s30], [sflag:$0x6] =	stream.linear.gather [hbm4b:s21+s4], $0x80, $0x38;
	[tilespmem:$0x1F380] =	vst v63  }
0xd3: {  	v1 =	vld [tilespmem:s22+$0xFFFFFFE0];
	_ =	sdelay $0x4  }
0xd4: {  	[tilespmem:$0x4100] =	vst v1  }
0xd5: {  	v1 =	vld [tilespmem:s22+$0xFFFFFFF0];
	_ =	sdelay $0x4  }
0xd6: {  	[tilespmem:$0x4110] =	vst v1  }
0xd7: {  	v1 =	vld [tilespmem:s22+$0x0];
	_ =	sdelay $0x4  }
0xd8: {  	[tilespmem:$0x4120] =	vst v1  }
0xd9: {  	v1 =	vld [tilespmem:s22+$0x10];
	_ =	sdelay $0x4  }
0xda: {  	[tilespmem:$0x4130] =	vst v1  }
0xdb: {  	v1 =	vld [tilespmem:s22+$0x20];
	_ =	sdelay $0x4  }
0xdc: {  	s23 =	rddreg [dreg:$0x7];
	[tilespmem:$0x4140] =	vst v1  }
0xdd: {  	[tilespmem:s31], [sflag:$0x3] =	stream.indirect.gather [hbm4b:s1+s16], $0x80, s23, s16, $0xb8;
	[tilespmem:$0x1F380] =	vst v63  }
0xde: {  	_ =	swait.ge [sflag:s0], $0x2800  }
0xdf: {  	[sflag:s0] =	ssyncset.done $0x0  }
0xe0: {  	[sflag:s0] =	ssyncadd.s32 $0xFFFFD800  }
0xe1: {  	_ =	swait.ge [sflag:s7], $0x80  }
0xe2: {  	[sflag:s7] =	ssyncset.done $0x0  }
0xe3: {  	[sflag:s7] =	ssyncadd.s32 $0xFFFFFF80  }
0xe4: {  	[spmem:s2] =	stream.indirect.scatter.add.f32 [tilespmem:s26], [sflag:$0x8], $0x80, s19, s16, $0xb8;
	[tilespmem:$0x1F380] =	vst v63  }
0xe5: {  	_ =	swait.ge [sflag:s8], $0x2800  }
0xe6: {  	s17 =	rddreg [dreg:$0x1a]  }
0xe7: {  	[sflag:s8] =	ssyncset.done $0x0;
	s24 =	sshrl.u32 s17, $0x3  }
0xe8: {  	[sflag:s8] =	ssyncadd.s32 $0xFFFFD800;
	s12 =	sadd.s32 s5, s24  }
0xe9: {  	[tilespmem:s15], [sflag:$0x4] =	stream.linear.gather [hbm4b:s12+s4], $0x80, $0x38;
	[tilespmem:$0x1F380] =	vst v63  }
0xea: {  	v1 =	vld [tilespmem:s22+$0x60];
	_ =	sdelay $0x4  }
0xeb: {  	[tilespmem:$0x4000] =	vst v1  }
0xec: {  	v1 =	vld [tilespmem:s22+$0x70];
	_ =	sdelay $0x4  }
0xed: {  	[tilespmem:$0x4010] =	vst v1  }
0xee: {  	v1 =	vld [tilespmem:s22+$0x80];
	_ =	sdelay $0x4  }
0xef: {  	[tilespmem:$0x4020] =	vst v1  }
0xf0: {  	v1 =	vld [tilespmem:s22+$0x90];
	_ =	sdelay $0x4  }
0xf1: {  	[tilespmem:$0x4030] =	vst v1  }
0xf2: {  	v1 =	vld [tilespmem:s22+$0xA0];
	_ =	sdelay $0x4  }
0xf3: {  	[tilespmem:$0x4040] =	vst v1  }
0xf4: {  	[tilespmem:s13], [sflag:$0x1] =	stream.indirect.gather [hbm4b:s1+s16], $0x80, s18, s16, $0xb8;
	[tilespmem:$0x1F380] =	vst v63  }
0xf5: {  	_ =	swait.ge [sflag:s9], $0x2800  }
0xf6: {  	[sflag:s9] =	ssyncset.done $0x0  }
0xf7: {  	[sflag:s9] =	ssyncadd.s32 $0xFFFFD800  }
0xf8: {  	_ =	swait.ge [sflag:s10], $0x80  }
0xf9: {  	[sflag:s10] =	ssyncset.done $0x0  }
0xfa: {  	[sflag:s10] =	ssyncadd.s32 $0xFFFFFF80  }
0xfb: {  	[spmem:s2] =	stream.indirect.scatter.add.f32 [tilespmem:s31], [sflag:$0x9], $0x80, s30, s16, $0xb8;
	[tilespmem:$0x1F380] =	vst v63  }
0xfc: {  	_ =	swait.ge [sflag:s11], $0x2800  }
0xfd: {  	s25 =	rddreg [dreg:$0x5];
	[sflag:s11] =	ssyncset.done $0x0  }
0xfe: {  	[sflag:s11] =	ssyncadd.s32 $0xFFFFD800;
	s12 =	sadd.s32 $0x0, s25  }
0xff: {  	[tilespmem:s19], [sflag:$0x5] =	stream.linear.gather [hbm4b:s12+s4], $0x80, $0x38;
	[tilespmem:$0x1F380] =	vst v63  }
0x100: {  	v1 =	vld [tilespmem:s22+$0xE0];
	_ =	sdelay $0x4  }
0x101: {  	[tilespmem:$0x4080] =	vst v1  }
0x102: {  	v1 =	vld [tilespmem:s22+$0xF0];
	_ =	sdelay $0x4  }
0x103: {  	[tilespmem:$0x4090] =	vst v1  }
0x104: {  	v1 =	vld [tilespmem:s22+$0x100];
	_ =	sdelay $0x4  }
0x105: {  	[tilespmem:$0x40A0] =	vst v1  }
0x106: {  	v1 =	vld [tilespmem:s22+$0x110];
	_ =	sdelay $0x4  }
0x107: {  	[tilespmem:$0x40B0] =	vst v1  }
0x108: {  	v1 =	vld [tilespmem:s22+$0x120];
	_ =	sdelay $0x4  }
0x109: {  	[tilespmem:$0x40C0] =	vst v1  }
0x10a: {  	[tilespmem:s26], [sflag:$0x2] =	stream.indirect.gather [hbm4b:s1+s16], $0x80, s20, s16, $0xb8;
	[tilespmem:$0x1F380] =	vst v63  }
0x10b: {  	_ =	swait.ge [sflag:s28], $0x2800  }
0x10c: {  	[sflag:s28] =	ssyncset.done $0x0  }
0x10d: {  	p4 =	por $0x0, $0x0;
	[sflag:s28] =	ssyncadd.s32 $0xFFFFD800  }
0x10e: {  	s21 =	simm.s32 $0x2A0;
	s23 =	simm.s32 $0x30;
	_ =	swait.ge [sflag:s29], $0x80  }
0x10f: {  	s24 =	sadd.s32 $0x180, s17;
	s12 =	simm.s32 $0x60;
	[sflag:s29] =	ssyncset.done $0x0  }
.LBB2_6:
0x110: {  	s17 =	simm.s32 @!p4 $0x9;
	[sflag:s29] =	ssyncadd.s32 $0xFFFFFF80  }
0x111: {  	[spmem:s2] =	stream.indirect.scatter.add.f32 [tilespmem:s13], [sflag:$0x7], $0x80, s15, s16, $0xb8;
	[tilespmem:$0x1F380] =	vst v63  }
0x112: {  	_ =	swait.ge @!p4 [sflag:s17], $0x2800  }
0x113: {  	s25 =	rddreg [dreg:$0x6];
	[sflag:s17] =	ssyncset.done @!p4 $0x0  }
0x114: {  	[sflag:s17] =	ssyncadd.s32 @!p4 $0xFFFFD800;
	s25 =	sadd.s32 s23, s25  }
0x115: {  	[tilespmem:s30], [sflag:$0x6] =	stream.linear.gather [hbm4b:s25+s4], $0x80, $0x38;
	[tilespmem:$0x1F380] =	vst v63  }
0x116: {  	v1 =	vld [tilespmem:s21+$0xFFFFFFE0];
	_ =	sdelay $0x4  }
0x117: {  	[tilespmem:$0x4100] =	vst v1  }
0x118: {  	v1 =	vld [tilespmem:s21+$0xFFFFFFF0];
	_ =	sdelay $0x4  }
0x119: {  	[tilespmem:$0x4110] =	vst v1  }
0x11a: {  	v1 =	vld [tilespmem:s21+$0x0];
	_ =	sdelay $0x4  }
0x11b: {  	[tilespmem:$0x4120] =	vst v1  }
0x11c: {  	v1 =	vld [tilespmem:s21+$0x10];
	_ =	sdelay $0x4  }
0x11d: {  	[tilespmem:$0x4130] =	vst v1  }
0x11e: {  	v1 =	vld [tilespmem:s21+$0x20];
	_ =	sdelay $0x4  }
0x11f: {  	s25 =	rddreg [dreg:$0x7];
	[tilespmem:$0x4140] =	vst v1  }
0x120: {  	[tilespmem:s31], [sflag:$0x3] =	stream.indirect.gather [hbm4b:s1+s16], $0x80, s25, s16, $0xb8;
	[tilespmem:$0x1F380] =	vst v63  }
0x121: {  	_ =	swait.ge [sflag:s0], $0x2800  }
0x122: {  	[sflag:s0] =	ssyncset.done $0x0  }
0x123: {  	[sflag:s0] =	ssyncadd.s32 $0xFFFFD800  }
0x124: {  	_ =	swait.ge [sflag:s7], $0x80  }
0x125: {  	[sflag:s7] =	ssyncset.done $0x0  }
0x126: {  	[sflag:s7] =	ssyncadd.s32 $0xFFFFFF80  }
0x127: {  	[spmem:s2] =	stream.indirect.scatter.add.f32 [tilespmem:s26], [sflag:$0x8], $0x80, s19, s16, $0xb8;
	[tilespmem:$0x1F380] =	vst v63  }
0x128: {  	_ =	swait.ge [sflag:s8], $0x2800  }
0x129: {  	s25 =	sshrl.u32 s24, $0x3;
	[sflag:s8] =	ssyncset.done $0x0  }
0x12a: {  	s17 =	sadd.s32 s5, s25;
	[sflag:s8] =	ssyncadd.s32 $0xFFFFD800  }
0x12b: {  	[tilespmem:s15], [sflag:$0x4] =	stream.linear.gather [hbm4b:s17+s4], $0x80, $0x38;
	[tilespmem:$0x1F380] =	vst v63  }
0x12c: {  	v1 =	vld [tilespmem:s21+$0x60];
	_ =	sdelay $0x4  }
0x12d: {  	[tilespmem:$0x4000] =	vst v1  }
0x12e: {  	v1 =	vld [tilespmem:s21+$0x70];
	_ =	sdelay $0x4  }
0x12f: {  	[tilespmem:$0x4010] =	vst v1  }
0x130: {  	v1 =	vld [tilespmem:s21+$0x80];
	_ =	sdelay $0x4  }
0x131: {  	[tilespmem:$0x4020] =	vst v1  }
0x132: {  	v1 =	vld [tilespmem:s21+$0x90];
	_ =	sdelay $0x4  }
0x133: {  	[tilespmem:$0x4030] =	vst v1  }
0x134: {  	v1 =	vld [tilespmem:s21+$0xA0];
	_ =	sdelay $0x4  }
0x135: {  	[tilespmem:$0x4040] =	vst v1  }
0x136: {  	[tilespmem:s13], [sflag:$0x1] =	stream.indirect.gather [hbm4b:s1+s16], $0x80, s18, s16, $0xb8;
	[tilespmem:$0x1F380] =	vst v63  }
0x137: {  	_ =	swait.ge [sflag:s9], $0x2800  }
0x138: {  	[sflag:s9] =	ssyncset.done $0x0  }
0x139: {  	[sflag:s9] =	ssyncadd.s32 $0xFFFFD800  }
0x13a: {  	_ =	swait.ge [sflag:s10], $0x80  }
0x13b: {  	[sflag:s10] =	ssyncset.done $0x0  }
0x13c: {  	[sflag:s10] =	ssyncadd.s32 $0xFFFFFF80  }
0x13d: {  	[spmem:s2] =	stream.indirect.scatter.add.f32 [tilespmem:s31], [sflag:$0x9], $0x80, s30, s16, $0xb8;
	[tilespmem:$0x1F380] =	vst v63  }
0x13e: {  	_ =	swait.ge [sflag:s11], $0x2800  }
0x13f: {  	s25 =	rddreg [dreg:$0x5];
	[sflag:s11] =	ssyncset.done $0x0  }
0x140: {  	[sflag:s11] =	ssyncadd.s32 $0xFFFFD800;
	s17 =	sadd.s32 s23, s25  }
0x141: {  	[tilespmem:s19], [sflag:$0x5] =	stream.linear.gather [hbm4b:s17+s4], $0x80, $0x38;
	[tilespmem:$0x1F380] =	vst v63  }
0x142: {  	v1 =	vld [tilespmem:s21+$0xE0];
	_ =	sdelay $0x4  }
0x143: {  	[tilespmem:$0x4080] =	vst v1  }
0x144: {  	v1 =	vld [tilespmem:s21+$0xF0];
	_ =	sdelay $0x4  }
0x145: {  	[tilespmem:$0x4090] =	vst v1  }
0x146: {  	v1 =	vld [tilespmem:s21+$0x100];
	_ =	sdelay $0x4  }
0x147: {  	[tilespmem:$0x40A0] =	vst v1  }
0x148: {  	v1 =	vld [tilespmem:s21+$0x110];
	_ =	sdelay $0x4  }
0x149: {  	[tilespmem:$0x40B0] =	vst v1  }
0x14a: {  	v1 =	vld [tilespmem:s21+$0x120];
	_ =	sdelay $0x3  }
0x14b: {  	s22 =	smov.u32 s12;
	s12 =	sadd.s32 $0x30, s12  }
0x14c: {  	p3 =	sne.s32 s12, $0x7B0;
	[tilespmem:$0x40C0] =	vst v1  }
0x14d: {  	[tilespmem:s26], [sflag:$0x2] =	stream.indirect.gather [hbm4b:s1+s16], $0x80, s20, s16, $0xb8;
	[tilespmem:$0x1F380] =	vst v63  }
.Ltmp2:
0x14e: {  	_ =	swait.ge [sflag:s28], $0x2800;
	(pc) =	sbr.rel @p3 .LBB2_6-.Ltmp2, $4  }
0x14f: {  	[sflag:s28] =	ssyncset.done $0x0  }
0x150: {  	[sflag:s28] =	ssyncadd.s32 $0xFFFFD800  }
0x151: {  	s24 =	sadd.s32 $0x180, s24;
	s23 =	smov.u32 s22;
	_ =	swait.ge [sflag:s29], $0x80  }
0x152: {  	p4 =	seq.s32 s23, $0x0;
	s21 =	sadd.s32 $0x180, s21;
	[sflag:s29] =	ssyncset.done $0x0  }
0x153: {  	s12 =	simm.s32 @!p4 $0x9;
	[sflag:s29] =	ssyncadd.s32 $0xFFFFFF80  }
0x154: {  	[spmem:s2] =	stream.indirect.scatter.add.f32 [tilespmem:s13], [sflag:$0x7], $0x80, s15, s16, $0xb8;
	[tilespmem:$0x1F380] =	vst v63  }
0x155: {  	_ =	swait.ge @!p4 [sflag:s12], $0x2800  }
0x156: {  	s17 =	rddreg [dreg:$0x6];
	[sflag:s12] =	ssyncset.done @!p4 $0x0  }
0x157: {  	[sflag:s12] =	ssyncadd.s32 @!p4 $0xFFFFD800;
	s22 =	sadd.s32 s23, s17  }
0x158: {  	[tilespmem:s30], [sflag:$0x6] =	stream.linear.gather [hbm4b:s22+s4], $0x80, $0x38;
	[tilespmem:$0x1F380] =	vst v63  }
0x159: {  	v1 =	vld [tilespmem:s21+$0xFFFFFFE0];
	_ =	sdelay $0x4  }
0x15a: {  	[tilespmem:$0x4100] =	vst v1  }
0x15b: {  	v1 =	vld [tilespmem:s21+$0xFFFFFFF0];
	_ =	sdelay $0x4  }
0x15c: {  	[tilespmem:$0x4110] =	vst v1  }
0x15d: {  	v1 =	vld [tilespmem:s21+$0x0];
	_ =	sdelay $0x4  }
0x15e: {  	[tilespmem:$0x4120] =	vst v1  }
0x15f: {  	v1 =	vld [tilespmem:s21+$0x10];
	_ =	sdelay $0x4  }
0x160: {  	[tilespmem:$0x4130] =	vst v1  }
0x161: {  	v1 =	vld [tilespmem:s21+$0x20];
	_ =	sdelay $0x4  }
0x162: {  	s25 =	rddreg [dreg:$0x7];
	[tilespmem:$0x4140] =	vst v1  }
0x163: {  	[tilespmem:s31], [sflag:$0x3] =	stream.indirect.gather [hbm4b:s1+s16], $0x80, s25, s16, $0xb8;
	[tilespmem:$0x1F380] =	vst v63  }
0x164: {  	_ =	swait.ge [sflag:s0], $0x2800  }
0x165: {  	[sflag:s0] =	ssyncset.done $0x0  }
0x166: {  	[sflag:s0] =	ssyncadd.s32 $0xFFFFD800  }
0x167: {  	_ =	swait.ge [sflag:s7], $0x80  }
0x168: {  	[sflag:s7] =	ssyncset.done $0x0  }
0x169: {  	[sflag:s7] =	ssyncadd.s32 $0xFFFFFF80  }
0x16a: {  	[spmem:s2] =	stream.indirect.scatter.add.f32 [tilespmem:s26], [sflag:$0x8], $0x80, s19, s16, $0xb8;
	[tilespmem:$0x1F380] =	vst v63  }
0x16b: {  	_ =	swait.ge [sflag:s8], $0x2800  }
0x16c: {  	s17 =	sshrl.u32 s24, $0x3;
	[sflag:s8] =	ssyncset.done $0x0  }
0x16d: {  	s12 =	sadd.s32 s5, s17;
	[sflag:s8] =	ssyncadd.s32 $0xFFFFD800  }
0x16e: {  	[tilespmem:s15], [sflag:$0x4] =	stream.linear.gather [hbm4b:s12+s4], $0x80, $0x38;
	[tilespmem:$0x1F380] =	vst v63  }
0x16f: {  	v1 =	vld [tilespmem:s21+$0x60];
	_ =	sdelay $0x4  }
0x170: {  	[tilespmem:$0x4000] =	vst v1  }
0x171: {  	v1 =	vld [tilespmem:s21+$0x70];
	_ =	sdelay $0x4  }
0x172: {  	[tilespmem:$0x4010] =	vst v1  }
0x173: {  	v1 =	vld [tilespmem:s21+$0x80];
	_ =	sdelay $0x4  }
0x174: {  	[tilespmem:$0x4020] =	vst v1  }
0x175: {  	v1 =	vld [tilespmem:s21+$0x90];
	_ =	sdelay $0x4  }
0x176: {  	[tilespmem:$0x4030] =	vst v1  }
0x177: {  	v1 =	vld [tilespmem:s21+$0xA0];
	_ =	sdelay $0x4  }
0x178: {  	[tilespmem:$0x4040] =	vst v1  }
0x179: {  	[tilespmem:s13], [sflag:$0x1] =	stream.indirect.gather [hbm4b:s1+s16], $0x80, s18, s16, $0xb8;
	[tilespmem:$0x1F380] =	vst v63  }
0x17a: {  	_ =	swait.ge [sflag:s9], $0x2800  }
0x17b: {  	[sflag:s9] =	ssyncset.done $0x0  }
0x17c: {  	[sflag:s9] =	ssyncadd.s32 $0xFFFFD800  }
0x17d: {  	_ =	swait.ge [sflag:s10], $0x80  }
0x17e: {  	[sflag:s10] =	ssyncset.done $0x0  }
0x17f: {  	[sflag:s10] =	ssyncadd.s32 $0xFFFFFF80  }
0x180: {  	[spmem:s2] =	stream.indirect.scatter.add.f32 [tilespmem:s31], [sflag:$0x9], $0x80, s30, s16, $0xb8;
	[tilespmem:$0x1F380] =	vst v63  }
0x181: {  	_ =	swait.ge [sflag:s11], $0x2800  }
0x182: {  	s22 =	rddreg [dreg:$0x5];
	[sflag:s11] =	ssyncset.done $0x0  }
0x183: {  	s12 =	sadd.s32 s23, s22;
	[sflag:s11] =	ssyncadd.s32 $0xFFFFD800  }
0x184: {  	[tilespmem:s19], [sflag:$0x5] =	stream.linear.gather [hbm4b:s12+s4], $0x80, $0x38;
	[tilespmem:$0x1F380] =	vst v63  }
0x185: {  	v1 =	vld [tilespmem:s21+$0xE0];
	_ =	sdelay $0x4  }
0x186: {  	[tilespmem:$0x4080] =	vst v1  }
0x187: {  	v1 =	vld [tilespmem:s21+$0xF0];
	_ =	sdelay $0x4  }
0x188: {  	[tilespmem:$0x4090] =	vst v1  }
0x189: {  	v1 =	vld [tilespmem:s21+$0x100];
	_ =	sdelay $0x4  }
0x18a: {  	[tilespmem:$0x40A0] =	vst v1  }
0x18b: {  	v1 =	vld [tilespmem:s21+$0x110];
	_ =	sdelay $0x4  }
0x18c: {  	[tilespmem:$0x40B0] =	vst v1  }
0x18d: {  	v1 =	vld [tilespmem:s21+$0x120];
	_ =	sdelay $0x4  }
0x18e: {  	[tilespmem:$0x40C0] =	vst v1  }
0x18f: {  	[tilespmem:s26], [sflag:$0x2] =	stream.indirect.gather [hbm4b:s1+s16], $0x80, s20, s16, $0xb8;
	[tilespmem:$0x1F380] =	vst v63  }
0x190: {  	_ =	swait.ge [sflag:s28], $0x2800  }
0x191: {  	[sflag:s28] =	ssyncset.done $0x0  }
0x192: {  	[sflag:s28] =	ssyncadd.s32 $0xFFFFD800  }
0x193: {  	_ =	swait.ge [sflag:s29], $0x80  }
0x194: {  	[sflag:s29] =	ssyncset.done $0x0  }
0x195: {  	[sflag:s29] =	ssyncadd.s32 $0xFFFFFF80  }
0x196: {  	[spmem:s2] =	stream.indirect.scatter.add.f32 [tilespmem:s13], [sflag:$0x7], $0x80, s15, s16, $0xb8;
	[tilespmem:$0x1F380] =	vst v63  }
0x197: {  	_ =	swait.ge [sflag:s0], $0x2800  }
0x198: {  	[sflag:s0] =	ssyncset.done $0x0  }
0x199: {  	[sflag:s0] =	ssyncadd.s32 $0xFFFFD800  }
0x19a: {  	_ =	swait.ge [sflag:s7], $0x80  }
0x19b: {  	[sflag:s7] =	ssyncset.done $0x0  }
0x19c: {  	s24 =	simm.s32 $0x9;
	[sflag:s7] =	ssyncadd.s32 $0xFFFFFF80  }
0x19d: {  	[spmem:s2] =	stream.indirect.scatter.add.f32 [tilespmem:s26], [sflag:$0x8], $0x80, s19, s16, $0xb8;
	[tilespmem:$0x1F380] =	vst v63  }
0x19e: {  	_ =	swait.ge [sflag:s24], $0x2800  }
0x19f: {  	[sflag:s24] =	ssyncset.done $0x0  }
0x1a0: {  	[sflag:s24] =	ssyncadd.s32 $0xFFFFD800  }
0x1a1: {  	_ =	swait.ge [sflag:s8], $0x2800  }
0x1a2: {  	[sflag:s8] =	ssyncset.done $0x0  }
0x1a3: {  	[sflag:s8] =	ssyncadd.s32 $0xFFFFD800  }
0x1a4: {  	_ =	swait.ge [sflag:s11], $0x2800  }
0x1a5: {  	[sflag:s11] =	ssyncset.done $0x0  }
0x1a6: {  	s22 =	stileid.u32;
	[sflag:s11] =	ssyncadd.s32 $0xFFFFD800  }
0x1a7: {  	s12 =	sshll.u32 @p0 s22, $0x6;
	[bflag:$0x0] =	sbarrier.arrive $0xFFFF  }
0x1a8: {  	s17 =	sshrl.u32 @p0 s6, $0x3;
	s12 =	sor.u32 @p0 $0x1C0A, s12;
	s21 =	rddreg [dreg:$0x12]  }
0x1a9: {  	[hbm:s21], [sflag:s12] =	dma.local @p0 [spmem:s17], $0x3E80  }
0x1aa: {  	s12 =	simm.s32 @p0 $0xA  }
0x1ab: {  	_ =	swait.ge @p0 [sflag:s12], $0x3E80  }
0x1ac: {  	s17 =	sshll.u32 @p1 s22, $0x6;
	[sflag:s12] =	ssyncset.done @p0 $0x0;
	s22 =	rddreg [dreg:$0x18]  }
0x1ad: {  	[sflag:s12] =	ssyncadd.s32 @p0 $0xFFFFC180;
	s12 =	sor.u32 @p1 $0x1C0A, s17;
	s17 =	sshrl.u32 @p1 s6, $0x3  }
0x1ae: {  	[hbm:s22], [sflag:s12] =	dma.local @p1 [spmem:s17], $0x3E80  }
0x1af: {  	s12 =	simm.s32 @p1 $0xA  }
0x1b0: {  	_ =	swait.ge @p1 [sflag:s12], $0x3E80  }
0x1b1: {  	s3 =	sadd.s32 $0x1, s3;
	s25 =	rddreg [dreg:$0x19]  }
0x1b2: {  	p3 =	sne.s32 s3, s25  }
.Ltmp3:
0x1b3: {  	_ = 	snop;
	(pc) =	sbr.rel @p3 .LBB2_1-.Ltmp3, $3  }
0x1b4: {  	_ =	sdelay $0x1  }
0x1b5: {  	[sflag:s12] =	ssyncset.done @p1 $0x0  }
0x1b6: {  	s21 =	stileid.u32;
	[sflag:s12] =	ssyncadd.s32 @p1 $0xFFFFC180  }
0x1b7: {  	_ =	sfence.sel $0x180000  }
0x1b8: {  	[bflag:$0x0] =	sbarrier.arrive $0xFFFF  }
0x1b9: {  	_ =	strace $0x9000004A  }
0x1ba: {  	[bflag:$0x2] =	sbarrier.arrive $0xFFFF  }
0x1bb: {  	p0 =	sne.s32 s21, $0x0;
	s0 =	rddreg [dreg:$0x4]  }
0x1bc: {  	s0 =	sadd.s32 @!p0 $0x100000, s0  }
0x1bd: {  	[sflag:s0] =	ssyncadd.tile.s32 @!p0 $0x1;
	_ =	shalt  }
.Lfunc_end2:
_tile_overlayer_lowered:
.L_overlay_start_2:
0x1be: {  	(tag) =	ssettag $0x2  }
0x1bf: {  	s0 =	rddreg [dreg:$0x0];
	s2 =	stileid.u32  }
0x1c0: {  	s1 =	rddreg [dreg:$0x1];
	p0 =	sne.s32 s2, $0x0  }
0x1c1: {  	s3 =	rddreg [dreg:$0x2];
	[bflag:$0x3] =	sbarrier.arrive $0xFFFF;
	s2 =	simm.s32 @!p0 $0x1C0A  }
0x1c2: {  	[timem:s3], [sflag:s2] =	dma.local @!p0 [hbm:s0], s1  }
0x1c3: {  	s0 =	simm.s32 @!p0 $0xA  }
0x1c4: {  	_ =	swait.ge @!p0 [sflag:s0], s1  }
0x1c5: {  	s1 =	ssub.s32 @!p0 $0x0, s1;
	[sflag:s0] =	ssyncset.done @!p0 $0x0  }
0x1c6: {  	[sflag:s0] =	ssyncadd.s32 @!p0 s1  }
0x1c7: {  	[bflag:$0x3] =	sbarrier.arrive $0xFFFF  }
0x1c8: {  	_ =	shalt  }

// kernel: kernel.13.cloned.1.call-start
scs
__scs_entry_jumppad:
0x0: {  	(pc) =	sbr.rel $0x88, $3  }
0x1: {  	(tag) =	ssettag $0x0;
	lr =	simm.s32 $0x1  }
0x2: {  	[smem:$0x3F95] =	sst lr;
	_ =	strace $0xD0000000  }
0x3: {  	_ = 	snop  }
0x4: {  	_ = 	snop  }
0x5: {  	_ = 	snop  }
0x6: {  	_ = 	snop  }
0x7: {  	_ = 	snop  }
__scs_overlays_trampoline_lowered:
0x8: {  	[smem:$0x3FA4] =	sst s0  }
0x9: {  	[smem:$0x3FA5] =	sst s1  }
0xa: {  	[smem:$0x3FA6] =	sst s2  }
0xb: {  	[smem:$0x3FA7] =	sst s3  }
0xc: {  	[smem:$0x3FA8] =	sst s4  }
0xd: {  	[smem:$0x3FA9] =	sst s5  }
0xe: {  	[smem:$0x3FAA] =	sst s6  }
0xf: {  	[smem:$0x3FAB] =	sst s7  }
0x10: {  	[smem:$0x3FAC] =	sst s8  }
0x11: {  	[smem:$0x3FAD] =	sst s9;
	s0 =	simm.s32 @!p0 $0x0  }
0x12: {  	s1 =	sld [smem:$0x3F93];
	s0 =	simm.s32 @p0 $0x1  }
0x13: {  	[smem:$0x3FAE] =	sst s0;
	s0 =	simm.s32 @!p1 $0x0  }
0x14: {  	s2 =	sld [smem:$0x3F92];
	s0 =	simm.s32 @p1 $0x1  }
0x15: {  	[smem:$0x3FAF] =	sst s0;
	s0 =	simm.s32 @!p2 $0x0  }
0x16: {  	s3 =	sld [smem:$0x3FDB];
	s0 =	simm.s32 @p2 $0x1  }
0x17: {  	s4 =	simm.s32 $0x1BF5;
	[smem:$0x3FB1] =	sst s0  }
0x18: {  	s0 =	sld [smem:$0x3F94];
	_ =	swait.ge [sflag:s4], $0x0  }
0x19: {  	s7 =	sld [smem:$0x3F95]  }
0x1a: {  	s8 =	sadd.s32 $0xFFFFE003, lr  }
0x1b: {  	s9 =	sadd.s32 $0xFFFFFEF7, lr;
	s5 =	simm.s32 $0xFFFFFFFF;
	p2 =	slt.u32 s8, $0xFFFFF086  }
0x1c: {  	p1 =	slt.u32 s9, $0xF7A;
	s5 =	simm.s32 @!p2 $0x0  }
0x1d: {  	s5 =	simm.s32 @p1 $0x1;
	p0 =	seq.s32 s7, s2  }
0x1e: {  	s7 =	smul.u32 @!p0 $0xF7A, s2;
	p2 =	seq.s32 @!p0 s5, $0x0  }
0x1f: {  	s9 =	smul.u32 $0xF7A, s1;
	s8 =	simm.s32 @!p0 $0x1BF5;
	p2 =	por !p2, p0  }
0x20: {  	[sflag:s8] =	ssyncset.s32 @!p0 $0xFFFFF086;
	s6 =	sadd.s32 @!p0 s3, s7;
	s7 =	simm.s32 @!p0 $0x108  }
0x21: {  	s3 =	sadd.s32 s3, s9;
	s6 =	sadd.s32 @!p0 $0x88, s6;
	s7 =	simm.s32 @p2 $0x1082  }
0x22: {  	[simem:s7], [sflag:s8] =	dma.local @!p0 [hbm:s6], $0xF7A  }
0x23: {  	s9 =	sor.u32 $0xD0000000, s2;
	s6 =	simm.s32 $0x108;
	_ =	swait.ge @!p0 [sflag:s8], $0x0  }
0x24: {  	s3 =	sadd.s32 $0x88, s3;
	s6 =	simm.s32 @!p1 $0x1082;
	[sflag:s4] =	ssyncset.s32 $0xFFFFF086  }
0x25: {  	[simem:s6], [sflag:s4] =	dma.local [hbm:s3], $0xF7A  }
0x26: {  	[smem:$0x3F95] =	sst s1;
	(tag) =	ssettag s2;
	_ =	strace s9  }
0x27: {  	s1 =	sld [smem:$0x3FA5]  }
0x28: {  	s2 =	sld [smem:$0x3FA6]  }
0x29: {  	s4 =	sld [smem:$0x3FA8]  }
0x2a: {  	p0 =	seq.s32 s5, $0x0;
	s5 =	sld [smem:$0x3FA9]  }
0x2b: {  	s6 =	sld [smem:$0x3FAA]  }
0x2c: {  	s7 =	sld [smem:$0x3FAB]  }
0x2d: {  	s3 =	simm.s32 $0x108;
	s8 =	sld [smem:$0x3FAC]  }
0x2e: {  	s3 =	simm.s32 @!p0 $0x1082;
	s9 =	sld [smem:$0x3FAD]  }
0x2f: {  	lr =	sadd.s32 s0, s3;
	s0 =	sld [smem:$0x3FA4]  }
0x30: {  	s3 =	sld [smem:$0x3FA7]  }
0x31: {  	[smem:$0x3FB0] =	sst s10  }
0x32: {  	s10 =	sld [smem:$0x3FAE];
	_ =	sdelay $0x3  }
0x33: {  	p0 =	seq.s32 s10, $0x1;
	s10 =	sld [smem:$0x3FB0];
	_ =	sdelay $0x3  }
0x34: {  	[smem:$0x3FB0] =	sst s10  }
0x35: {  	s10 =	sld [smem:$0x3FAF];
	_ =	sdelay $0x3  }
0x36: {  	p1 =	seq.s32 s10, $0x1;
	s10 =	sld [smem:$0x3FB0];
	_ =	sdelay $0x3  }
0x37: {  	[smem:$0x3FB0] =	sst s10  }
0x38: {  	s10 =	sld [smem:$0x3FB1]  }
0x39: {  	_ = 	snop;
	(pc) =	sbr.ind lr, $3  }
0x3a: {  	_ = 	snop  }
0x3b: {  	_ = 	snop  }
0x3c: {  	p2 =	seq.s32 s10, $0x1;
	s10 =	sld [smem:$0x3FB0]  }
0x3d: {  	_ =	shalt  }
0x3e: {  	_ =	shalt  }
0x3f: {  	_ =	shalt  }
0x40: {  	_ =	shalt  }
0x41: {  	_ =	shalt  }
0x42: {  	_ =	shalt  }
0x43: {  	_ =	shalt  }
0x44: {  	_ =	shalt  }
0x45: {  	_ =	shalt  }
0x46: {  	_ =	shalt  }
0x47: {  	_ =	shalt  }
0x48: {  	_ =	shalt  }
0x49: {  	_ =	shalt  }
0x4a: {  	_ =	shalt  }
0x4b: {  	_ =	shalt  }
0x4c: {  	_ =	shalt  }
0x4d: {  	_ =	shalt  }
0x4e: {  	_ =	shalt  }
0x4f: {  	_ =	shalt  }
0x50: {  	_ =	shalt  }
0x51: {  	_ =	shalt  }
0x52: {  	_ =	shalt  }
0x53: {  	_ =	shalt  }
0x54: {  	_ =	shalt  }
0x55: {  	_ =	shalt  }
0x56: {  	_ =	shalt  }
0x57: {  	_ =	shalt  }
0x58: {  	_ =	shalt  }
0x59: {  	_ =	shalt  }
0x5a: {  	_ =	shalt  }
0x5b: {  	_ =	shalt  }
0x5c: {  	_ =	shalt  }
0x5d: {  	_ =	shalt  }
0x5e: {  	_ =	shalt  }
0x5f: {  	_ =	shalt  }
0x60: {  	_ =	shalt  }
0x61: {  	_ =	shalt  }
0x62: {  	_ =	shalt  }
0x63: {  	_ =	shalt  }
0x64: {  	_ =	shalt  }
0x65: {  	_ =	shalt  }
0x66: {  	_ =	shalt  }
0x67: {  	_ =	shalt  }
0x68: {  	_ =	shalt  }
0x69: {  	_ =	shalt  }
0x6a: {  	_ =	shalt  }
0x6b: {  	_ =	shalt  }
0x6c: {  	_ =	shalt  }
0x6d: {  	_ =	shalt  }
0x6e: {  	_ =	shalt  }
0x6f: {  	_ =	shalt  }
0x70: {  	_ =	shalt  }
0x71: {  	_ =	shalt  }
0x72: {  	_ =	shalt  }
0x73: {  	_ =	shalt  }
0x74: {  	_ =	shalt  }
0x75: {  	_ =	shalt  }
0x76: {  	_ =	shalt  }
0x77: {  	_ =	shalt  }
0x78: {  	_ =	shalt  }
0x79: {  	_ =	shalt  }
0x7a: {  	_ =	shalt  }
0x7b: {  	_ =	shalt  }
0x7c: {  	_ =	shalt  }
0x7d: {  	_ =	shalt  }
0x7e: {  	_ =	shalt  }
0x7f: {  	_ =	shalt  }
0x80: {  	_ =	shalt  }
0x81: {  	_ =	shalt  }
0x82: {  	_ =	shalt  }
0x83: {  	_ =	shalt  }
0x84: {  	_ =	shalt  }
0x85: {  	_ =	shalt  }
0x86: {  	_ =	shalt  }
0x87: {  	_ =	shalt  }
.Lfunc_end0:
.L_simem_size_0:
called_computation.2_lowered:
.L_overlay_start_0:
0x88: {  	s2 =	sld [smem:$0x3FD9]  }
0x89: {  	s3 =	sld [smem:$0x3FFE];
	_ =	sdelay $0x1  }
0x8a: {  	s1 =	srdreg.scid  }
0x8b: {  	s0 =	sand.u32 $0x1, s1  }
0x8c: {  	s17 =	sshll.u32 s0, $0xA;
	s2 =	sadd.s32 s3, s2  }
0x8d: {  	s2 =	sadd.s32 s2, s17  }
0x8e: {  	[smem:$0x3FBC] =	sst s2  }
0x8f: {  	_ = 	snop  }
0x90: {  	s2 =	sld [smem:$0x3FD0];
	(tm) =	ssettm $0x1  }
0x91: {  	s18 =	sld [smem:$0x3FFB];
	_ =	sdelay $0x3  }
0x92: {  	_ =	strace s18  }
0x93: {  	s3 =	sld [smem:$0x3FFC];
	_ =	sdelay $0x3  }
0x94: {  	_ =	strace s3  }
0x95: {  	s3 =	sld [smem:$0x3FFD];
	_ =	sdelay $0x3  }
0x96: {  	_ =	strace s3  }
0x97: {  	_ =	strace $0x8FFFFFFF  }
0x98: {  	s19 =	sld [smem:$0x3FDB];
	_ =	sdelay $0x1  }
0x99: {  	s4 =	simm.s32 $_scs_section_size  }
0x9a: {  	s5 =	simm.s32 $_size__tile_overlayer_lowered;
	s6 =	simm.s32 $_tile_overlayer_lowered  }
0x9b: {  	s22 =	simm.s32 $0x1BFF;
	s21 =	sshll.u32 s6, $0x1;
	s3 =	sadd.s32 s4, s19  }
0x9c: {  	s7 =	simm.s32 $0x0;
	s20 =	sshll.u32 s5, $0x1;
	s5 =	sadd.s32 s21, s3  }
0x9d: {  	[timem:s7], [sflag:s22] =	dma.local [hbm:s5], s20  }
0x9e: {  	_ =	swait.ge [sflag:s22], s20  }
0x9f: {  	s4 =	ssub.s32 $0x0, s20;
	[sflag:s22] =	ssyncset.done $0x0  }
0xa0: {  	[sflag:s22] =	ssyncadd.s32 s4;
	_ =	sdelay $0x1  }
0xa1: {  	s23 =	simm.s32 $0x1B8B  }
0xa2: {  	_ =	swait.ge [sflag:s23], $0x1  }
0xa3: {  	[sflag:s23] =	ssyncset.done $0x0  }
0xa4: {  	s25 =	simm.s32 $0x1B8E;
	s24 =	sld [smem:$0x3FFE];
	[sflag:s23] =	ssyncadd.s32 $0xFFFFFFFF  }
0xa5: {  	s26 =	simm.s32 $execute0_lowered;
	[smem:$0x3FD2] =	sst s25  }
0xa6: {  	s5 =	sshll.u32 s26, $0x1;
	_ =	strace $0x8000004C;
	[dreg:$0x1] =	wrdreg $0xFFFFFFFF  }
0xa7: {  	s28 =	simm.s32 $_size_execute0_lowered;
	s3 =	sadd.s32 s3, s5;
	[dreg:$0x0] =	wrdreg $0x0  }
0xa8: {  	s5 =	sshll.u32 s28, $0x1;
	[dreg:$0x2] =	wrdreg s3  }
0xa9: {  	[dreg:$0x3] =	wrdreg s5  }
0xaa: {  	[dreg:$0x4] =	wrdreg $0xC0  }
0xab: {  	_ =	task [dreg:s7], $0x5FFFF  }
0xac: {  	[dreg:$0x1] =	wrdreg $0xFFFFFFFF  }
0xad: {  	[dreg:$0x0] =	wrdreg $0x60  }
0xae: {  	[dreg:$0x2] =	wrdreg s2  }
0xaf: {  	[dreg:$0x3] =	wrdreg s24  }
0xb0: {  	[dreg:$0x4] =	wrdreg $0xBB000  }
0xb1: {  	[dreg:$0x5] =	wrdreg $0x9  }
0xb2: {  	_ =	task.clear_ibuf [dreg:s7], $0x6FFFF;
	_ =	strace $0x9000004C  }
0xb3: {  	s29 =	simm.s32 $0x9;
	_ =	strace $0x8000004E  }
0xb4: {  	_ =	swait.ge [sflag:s29], $0x1  }
0xb5: {  	[sflag:s29] =	ssyncadd.s32 $0xFFFFFFFF  }
0xb6: {  	_ =	strace $0x9000004E  }
0xb7: {  	_ =	sfence  }
0xb8: {  	s30 =	sld [smem:$0x0];
	_ =	sdelay $0x2  }
0xb9: {  	s31 =	sshll.u32 s1, $0xD;
	s1 =	sshrl.u32 s1, $0x2  }
0xba: {  	s3 =	sand.u32 $0x4000, s31;
	s1 =	sadd.s32 s1, s30  }
0xbb: {  	s0 =	sor.u32 s3, s0;
	s1 =	sshll.u32 s1, $0x11  }
0xbc: {  	s0 =	sor.u32 s1, s0  }
0xbd: {  	s0 =	sadd.s32 $0x8F2B, s0  }
0xbe: {  	[sflag:s0] =	ssyncadd.remote.s32 $0x1  }
0xbf: {  	_ =	sfence.sel $0xFFFF  }
0xc0: {  	[dreg:$0x0] =	wrdreg $0xFFFFFFFF;
	(pc) =	sbr.abs _section_cstart, $3  }
0xc1: {  	[dreg:$0x1] =	wrdreg $0xFFFFFFFF  }
0xc2: {  	_ =	task.clear_ibuf [dreg:s7], $0x2FFFF;
	_ =	strace $0x9FFFFFFF  }
0xc3: {  	(tm) =	ssettm $0x7FFFFFFF  }
tec
execute0_lowered:
.L_overlay_start_1:
0x0: {  	(tag) =	ssettag $0x1  }
0x1: {  	s1 =	rddreg [dreg:$0x0]  }
0x2: {  	s0 =	rddreg [dreg:$0x1]  }
0x3: {  	s2 =	rddreg [dreg:$0x2];
	s3 =	srdreg.scid;
	s4 =	simm.s32 $0x0  }
0x4: {  	s12 =	stileid.u32;
	s28 =	simm.s32 $0x1;
	s29 =	simm.s32 $0x4  }
0x5: {  	s30 =	simm.s32 $0x4280;
	s31 =	simm.s32 $0x9300;
	s6 =	smul.u32 $0x7D000, s12  }
0x6: {  	s3 =	sand.u32 $0x1, s3;
	[smem:$0x7FF] =	sst s4;
	s8 =	smul.u32 $0x3E80, s12  }
0x7: {  	p1 =	slt.u32 s12, $0xA;
	s5 =	sshll.u32 s3, $0x4;
	s6 =	sshrl.u32 s6, $0x2  }
0x8: {  	_ =	strace $0x8000004D;
	s10 =	ssub.s32 $0x2, s3;
	s6 =	sadd.s32 s6, s2  }
0x9: {  	s16 =	smul.u32 $0x3E800, s3;
	p0 =	seq.s32 s3, $0x0;
	s25 =	sadd.s32 $0x1400, s6  }
0xa: {  	p2 =	seq.s32 s3, $0x1;
	s26 =	sadd.s32 $0x2800, s6;
	[dreg:$0x7] =	wrdreg s25  }
0xb: {  	s7 =	sor.u32 s12, s5;
	s13 =	sadd.s32 $0x3C00, s6;
	[dreg:$0x8] =	wrdreg s26  }
0xc: {  	s11 =	sshrl.u32 s10, $0x1;
	s14 =	sadd.s32 $0x5000, s6;
	[dreg:$0x9] =	wrdreg s13  }
0xd: {  	p0 =	por !p1, !p0;
	s15 =	sadd.s32 $0x6400, s6;
	[dreg:$0xa] =	wrdreg s14  }
0xe: {  	p1 =	por !p1, !p2;
	s17 =	sadd.s32 $0x8C00, s6;
	[dreg:$0xb] =	wrdreg s15  }
0xf: {  	p2 =	sgt.u32 s12, $0x9;
	s18 =	sadd.s32 $0xA000, s6;
	[dreg:$0xd] =	wrdreg s17  }
0x10: {  	s5 =	sshll.u32 s7, $0xB;
	s19 =	sadd.s32 $0xB400, s6;
	[dreg:$0xe] =	wrdreg s18  }
0x11: {  	s9 =	sadd.s32 s5, s0;
	s20 =	sadd.s32 $0xC800, s6;
	[dreg:$0xf] =	wrdreg s19  }
0x12: {  	s5 =	sadd.s32 $0x1CA00, s0;
	s21 =	sadd.s32 $0xDC00, s6;
	[dreg:$0x10] =	wrdreg s20  }
0x13: {  	s0 =	sadd.s32 s8, s0;
	s22 =	sadd.s32 $0xF000, s6;
	[dreg:$0x11] =	wrdreg s21  }
0x14: {  	s8 =	sadd.s32 s8, s16;
	s16 =	sadd.s32 $0x12C00, s6;
	[dreg:$0x12] =	wrdreg s22  }
0x15: {  	s10 =	ssub.s32 s10, s11;
	s13 =	sadd.s32 $0x7800, s6;
	[dreg:$0x1b] =	wrdreg s16  }
0x16: {  	s7 =	smul.u32 $0x3E80, s7;
	s25 =	sadd.s32 $0x10400, s6;
	[dreg:$0xc] =	wrdreg s13  }
0x17: {  	p0 =	por !p0, !p0;
	s9 =	sadd.s32 $0x2C400, s9;
	[dreg:$0x13] =	wrdreg s25  }
0x18: {  	p1 =	por !p1, !p1;
	s11 =	sadd.s32 $0x3C400, s0;
	[dreg:$0x14] =	wrdreg s9  }
0x19: {  	s23 =	sadd.s32 $0x200, s8;
	s0 =	sadd.s32 $0x63600, s0;
	[dreg:$0x16] =	wrdreg s11  }
0x1a: {  	s26 =	sadd.s32 $0x100, s8;
	s14 =	sadd.s32 $0x180, s8;
	[dreg:$0x17] =	wrdreg s0  }
0x1b: {  	s7 =	sshrl.u32 s7, $0x3;
	s15 =	sadd.s32 $0x11800, s6;
	[dreg:$0x19] =	wrdreg s14  }
0x1c: {  	s17 =	sadd.s32 $0x14000, s6;
	s18 =	sadd.s32 $0x15400, s6;
	[dreg:$0x1a] =	wrdreg s15  }
0x1d: {  	s19 =	sadd.s32 $0x16800, s6;
	s20 =	sadd.s32 $0x17C00, s6;
	[dreg:$0x1c] =	wrdreg s17  }
0x1e: {  	s21 =	sadd.s32 $0x19000, s6;
	s22 =	sadd.s32 $0x1A400, s6;
	[dreg:$0x1d] =	wrdreg s18  }
0x1f: {  	s16 =	simm.s32 $0x50;
	s8 =	simm.s32 $0x7;
	[dreg:$0x1e] =	wrdreg s19  }
0x20: {  	s24 =	sshrl.u32 s23, $0x3;
	s7 =	sadd.s32 s5, s7;
	[dreg:$0x1f] =	wrdreg s20  }
0x21: {  	s9 =	simm.s32 $0x4100;
	s13 =	smax.u32 s10, $0x1;
	[smem:$0x7F8] =	sst s21  }
0x22: {  	[smem:$0x7F9] =	sst s22;
	s23 =	sadd.s32 $0x1B800, s6;
	s25 =	sadd.s32 $0x1E000, s6  }
0x23: {  	s14 =	simm.s32 $0xA;
	s15 =	simm.s32 $0x4180;
	[dreg:$0x6] =	wrdreg s9  }
0x24: {  	s17 =	simm.s32 $0x4000;
	s18 =	simm.s32 $0x4200;
	[dreg:$0x18] =	wrdreg s13  }
0x25: {  	s19 =	simm.s32 $0x4080;
	s0 =	simm.s32 $0x2;
	[smem:$0x7FA] =	sst s23  }
0x26: {  	s10 =	simm.s32 $0x6;
	s11 =	simm.s32 $0x8;
	[smem:$0x7FC] =	sst s25  }
0x27: {  	s3 =	sadd.s32 s24, s5;
	s24 =	sadd.s32 $0x1CC00, s6;
	[dreg:$0x15] =	wrdreg s7  }
0x28: {  	s13 =	simm.s32 $0x4300;
	s9 =	simm.s32 $0x3;
	[dreg:$0x4] =	wrdreg s3  }
0x29: {  	s3 =	sshrl.u32 s26, $0x3;
	[smem:$0x7FB] =	sst s24;
	s26 =	sadd.s32 $0x10, s7  }
0x2a: {  	s7 =	simm.s32 $0x5;
	s3 =	sadd.s32 s3, s5;
	[smem:$0x7FD] =	sst s26  }
0x2b: {  	v0 =	vimm.f32 $0.0e+00;
	s26 =	simm.s32 $0x6B00;
	[dreg:$0x5] =	wrdreg s3;
	s3 =	simm.s32 $0x0  }
.LBB2_1:
0x2c: {  	s12 =	simm.s32 $0x0;
	s21 =	simm.s32 $0x200  }
.LBB2_2:
0x2d: {  	p3 =	sne.s32 s21, $0x4E00;
	[tilespmem:s12+$0x4370] =	vst v0  }
0x2e: {  	[tilespmem:s12+$0x4300] =	vst v0  }
0x2f: {  	[tilespmem:s12+$0x4310] =	vst v0  }
.Ltmp0:
0x30: {  	[tilespmem:s12+$0x4320] =	vst v0;
	(pc) =	sbr.rel @p3 .LBB2_2-.Ltmp0, $4  }
0x31: {  	[tilespmem:s12+$0x4330] =	vst v0  }
0x32: {  	[tilespmem:s12+$0x4340] =	vst v0  }
0x33: {  	[tilespmem:s12+$0x4350] =	vst v0  }
0x34: {  	[tilespmem:s12+$0x4360] =	vst v0;
	s12 =	sshra.s32 s21, $0x2;
	s21 =	sadd.s32 $0x200, s21  }
0x35: {  	[tilespmem:s12+$0x4370] =	vst v0  }
0x36: {  	[tilespmem:s12+$0x4300] =	vst v0  }
0x37: {  	[tilespmem:s12+$0x4310] =	vst v0  }
.Ltmp1:
0x38: {  	[tilespmem:s12+$0x4320] =	vst v0;
	(pc) =	sbr.rel @p2 .LBB2_5-.Ltmp1, $4  }
0x39: {  	[tilespmem:s12+$0x4330] =	vst v0  }
0x3a: {  	[tilespmem:s12+$0x4340] =	vst v0  }
0x3b: {  	[tilespmem:s12+$0x4350] =	vst v0  }
0x3c: {  	[tilespmem:s12+$0x4360] =	vst v0  }
0x3d: {  	[spmem:s6] =	stream.linear.scatter [tilespmem:s13], [sflag:$0xA], $0x1400, $0x38;
	[tilespmem:$0x1F380] =	vst v63  }
0x3e: {  	_ =	swait.ge [sflag:s14], $0x1400  }
0x3f: {  	[sflag:s14] =	ssyncset.done $0x0  }
0x40: {  	s12 =	rddreg [dreg:$0x7];
	[sflag:s14] =	ssyncadd.s32 $0xFFFFEC00  }
0x41: {  	[spmem:s12] =	stream.linear.scatter [tilespmem:s13], [sflag:$0xA], $0x1400, $0x38;
	[tilespmem:$0x1F380] =	vst v63  }
0x42: {  	_ =	swait.ge [sflag:s14], $0x1400  }
0x43: {  	[sflag:s14] =	ssyncset.done $0x0  }
0x44: {  	s21 =	rddreg [dreg:$0x8];
	[sflag:s14] =	ssyncadd.s32 $0xFFFFEC00  }
0x45: {  	[spmem:s21] =	stream.linear.scatter [tilespmem:s13], [sflag:$0xA], $0x1400, $0x38;
	[tilespmem:$0x1F380] =	vst v63  }
0x46: {  	_ =	swait.ge [sflag:s14], $0x1400  }
0x47: {  	[sflag:s14] =	ssyncset.done $0x0  }
0x48: {  	s22 =	rddreg [dreg:$0x9];
	[sflag:s14] =	ssyncadd.s32 $0xFFFFEC00  }
0x49: {  	[spmem:s22] =	stream.linear.scatter [tilespmem:s13], [sflag:$0xA], $0x1400, $0x38;
	[tilespmem:$0x1F380] =	vst v63  }
0x4a: {  	_ =	swait.ge [sflag:s14], $0x1400  }
0x4b: {  	[sflag:s14] =	ssyncset.done $0x0  }
0x4c: {  	s23 =	rddreg [dreg:$0xa];
	[sflag:s14] =	ssyncadd.s32 $0xFFFFEC00  }
0x4d: {  	[spmem:s23] =	stream.linear.scatter [tilespmem:s13], [sflag:$0xA], $0x1400, $0x38;
	[tilespmem:$0x1F380] =	vst v63  }
0x4e: {  	_ =	swait.ge [sflag:s14], $0x1400  }
0x4f: {  	[sflag:s14] =	ssyncset.done $0x0  }
0x50: {  	s24 =	rddreg [dreg:$0xb];
	[sflag:s14] =	ssyncadd.s32 $0xFFFFEC00  }
0x51: {  	[spmem:s24] =	stream.linear.scatter [tilespmem:s13], [sflag:$0xA], $0x1400, $0x38;
	[tilespmem:$0x1F380] =	vst v63  }
0x52: {  	_ =	swait.ge [sflag:s14], $0x1400  }
0x53: {  	[sflag:s14] =	ssyncset.done $0x0  }
0x54: {  	s25 =	rddreg [dreg:$0xc];
	[sflag:s14] =	ssyncadd.s32 $0xFFFFEC00  }
0x55: {  	[spmem:s25] =	stream.linear.scatter [tilespmem:s13], [sflag:$0xA], $0x1400, $0x38;
	[tilespmem:$0x1F380] =	vst v63  }
0x56: {  	_ =	swait.ge [sflag:s14], $0x1400  }
0x57: {  	[sflag:s14] =	ssyncset.done $0x0  }
0x58: {  	s20 =	rddreg [dreg:$0xd];
	[sflag:s14] =	ssyncadd.s32 $0xFFFFEC00  }
0x59: {  	[spmem:s20] =	stream.linear.scatter [tilespmem:s13], [sflag:$0xA], $0x1400, $0x38;
	[tilespmem:$0x1F380] =	vst v63  }
0x5a: {  	_ =	swait.ge [sflag:s14], $0x1400  }
0x5b: {  	[sflag:s14] =	ssyncset.done $0x0  }
0x5c: {  	s21 =	rddreg [dreg:$0xe];
	[sflag:s14] =	ssyncadd.s32 $0xFFFFEC00  }
0x5d: {  	[spmem:s21] =	stream.linear.scatter [tilespmem:s13], [sflag:$0xA], $0x1400, $0x38;
	[tilespmem:$0x1F380] =	vst v63  }
0x5e: {  	_ =	swait.ge [sflag:s14], $0x1400  }
0x5f: {  	[sflag:s14] =	ssyncset.done $0x0  }
0x60: {  	s22 =	rddreg [dreg:$0xf];
	[sflag:s14] =	ssyncadd.s32 $0xFFFFEC00  }
0x61: {  	[spmem:s22] =	stream.linear.scatter [tilespmem:s13], [sflag:$0xA], $0x1400, $0x38;
	[tilespmem:$0x1F380] =	vst v63  }
0x62: {  	_ =	swait.ge [sflag:s14], $0x1400  }
0x63: {  	[sflag:s14] =	ssyncset.done $0x0  }
0x64: {  	s23 =	rddreg [dreg:$0x10];
	[sflag:s14] =	ssyncadd.s32 $0xFFFFEC00  }
0x65: {  	[spmem:s23] =	stream.linear.scatter [tilespmem:s13], [sflag:$0xA], $0x1400, $0x38;
	[tilespmem:$0x1F380] =	vst v63  }
0x66: {  	_ =	swait.ge [sflag:s14], $0x1400  }
0x67: {  	[sflag:s14] =	ssyncset.done $0x0  }
0x68: {  	s24 =	rddreg [dreg:$0x11];
	[sflag:s14] =	ssyncadd.s32 $0xFFFFEC00  }
0x69: {  	[spmem:s24] =	stream.linear.scatter [tilespmem:s13], [sflag:$0xA], $0x1400, $0x38;
	[tilespmem:$0x1F380] =	vst v63  }
0x6a: {  	_ =	swait.ge [sflag:s14], $0x1400  }
0x6b: {  	[sflag:s14] =	ssyncset.done $0x0  }
0x6c: {  	s25 =	rddreg [dreg:$0x12];
	[sflag:s14] =	ssyncadd.s32 $0xFFFFEC00  }
0x6d: {  	[spmem:s25] =	stream.linear.scatter [tilespmem:s13], [sflag:$0xA], $0x1400, $0x38;
	[tilespmem:$0x1F380] =	vst v63  }
0x6e: {  	_ =	swait.ge [sflag:s14], $0x1400  }
0x6f: {  	[sflag:s14] =	ssyncset.done $0x0  }
0x70: {  	s20 =	rddreg [dreg:$0x13];
	[sflag:s14] =	ssyncadd.s32 $0xFFFFEC00  }
0x71: {  	[spmem:s20] =	stream.linear.scatter [tilespmem:s13], [sflag:$0xA], $0x1400, $0x38;
	[tilespmem:$0x1F380] =	vst v63  }
0x72: {  	_ =	swait.ge [sflag:s14], $0x1400  }
0x73: {  	[sflag:s14] =	ssyncset.done $0x0  }
0x74: {  	s21 =	rddreg [dreg:$0x1a];
	[sflag:s14] =	ssyncadd.s32 $0xFFFFEC00  }
0x75: {  	[spmem:s21] =	stream.linear.scatter [tilespmem:s13], [sflag:$0xA], $0x1400, $0x38;
	[tilespmem:$0x1F380] =	vst v63  }
0x76: {  	_ =	swait.ge [sflag:s14], $0x1400  }
0x77: {  	[sflag:s14] =	ssyncset.done $0x0  }
0x78: {  	s22 =	rddreg [dreg:$0x1b];
	[sflag:s14] =	ssyncadd.s32 $0xFFFFEC00  }
0x79: {  	[spmem:s22] =	stream.linear.scatter [tilespmem:s13], [sflag:$0xA], $0x1400, $0x38;
	[tilespmem:$0x1F380] =	vst v63  }
0x7a: {  	_ =	swait.ge [sflag:s14], $0x1400  }
0x7b: {  	[sflag:s14] =	ssyncset.done $0x0  }
0x7c: {  	s23 =	rddreg [dreg:$0x1c];
	[sflag:s14] =	ssyncadd.s32 $0xFFFFEC00  }
0x7d: {  	[spmem:s23] =	stream.linear.scatter [tilespmem:s13], [sflag:$0xA], $0x1400, $0x38;
	[tilespmem:$0x1F380] =	vst v63  }
0x7e: {  	_ =	swait.ge [sflag:s14], $0x1400  }
0x7f: {  	[sflag:s14] =	ssyncset.done $0x0  }
0x80: {  	s24 =	rddreg [dreg:$0x1d];
	[sflag:s14] =	ssyncadd.s32 $0xFFFFEC00  }
0x81: {  	[spmem:s24] =	stream.linear.scatter [tilespmem:s13], [sflag:$0xA], $0x1400, $0x38;
	[tilespmem:$0x1F380] =	vst v63  }
0x82: {  	_ =	swait.ge [sflag:s14], $0x1400  }
0x83: {  	[sflag:s14] =	ssyncset.done $0x0  }
0x84: {  	s25 =	rddreg [dreg:$0x1e];
	[sflag:s14] =	ssyncadd.s32 $0xFFFFEC00  }
0x85: {  	[spmem:s25] =	stream.linear.scatter [tilespmem:s13], [sflag:$0xA], $0x1400, $0x38;
	[tilespmem:$0x1F380] =	vst v63  }
0x86: {  	_ =	swait.ge [sflag:s14], $0x1400  }
0x87: {  	[sflag:s14] =	ssyncset.done $0x0  }
0x88: {  	s20 =	rddreg [dreg:$0x1f];
	[sflag:s14] =	ssyncadd.s32 $0xFFFFEC00  }
0x89: {  	[spmem:s20] =	stream.linear.scatter [tilespmem:s13], [sflag:$0xA], $0x1400, $0x38;
	[tilespmem:$0x1F380] =	vst v63  }
0x8a: {  	_ =	swait.ge [sflag:s14], $0x1400  }
0x8b: {  	s21 =	sld [smem:$0x7F8]  }
0x8c: {  	[sflag:s14] =	ssyncset.done $0x0  }
0x8d: {  	[sflag:s14] =	ssyncadd.s32 $0xFFFFEC00  }
0x8e: {  	[spmem:s21] =	stream.linear.scatter [tilespmem:s13], [sflag:$0xA], $0x1400, $0x38;
	[tilespmem:$0x1F380] =	vst v63  }
0x8f: {  	_ =	swait.ge [sflag:s14], $0x1400  }
0x90: {  	s22 =	sld [smem:$0x7F9]  }
0x91: {  	[sflag:s14] =	ssyncset.done $0x0  }
0x92: {  	[sflag:s14] =	ssyncadd.s32 $0xFFFFEC00  }
0x93: {  	[spmem:s22] =	stream.linear.scatter [tilespmem:s13], [sflag:$0xA], $0x1400, $0x38;
	[tilespmem:$0x1F380] =	vst v63  }
0x94: {  	_ =	swait.ge [sflag:s14], $0x1400  }
0x95: {  	s23 =	sld [smem:$0x7FA]  }
0x96: {  	[sflag:s14] =	ssyncset.done $0x0  }
0x97: {  	[sflag:s14] =	ssyncadd.s32 $0xFFFFEC00  }
0x98: {  	[spmem:s23] =	stream.linear.scatter [tilespmem:s13], [sflag:$0xA], $0x1400, $0x38;
	[tilespmem:$0x1F380] =	vst v63  }
0x99: {  	_ =	swait.ge [sflag:s14], $0x1400  }
0x9a: {  	s24 =	sld [smem:$0x7FB]  }
0x9b: {  	[sflag:s14] =	ssyncset.done $0x0  }
0x9c: {  	[sflag:s14] =	ssyncadd.s32 $0xFFFFEC00  }
0x9d: {  	[spmem:s24] =	stream.linear.scatter [tilespmem:s13], [sflag:$0xA], $0x1400, $0x38;
	[tilespmem:$0x1F380] =	vst v63  }
0x9e: {  	_ =	swait.ge [sflag:s14], $0x1400  }
0x9f: {  	s25 =	sld [smem:$0x7FC]  }
0xa0: {  	[sflag:s14] =	ssyncset.done $0x0  }
0xa1: {  	[sflag:s14] =	ssyncadd.s32 $0xFFFFEC00  }
0xa2: {  	[spmem:s25] =	stream.linear.scatter [tilespmem:s13], [sflag:$0xA], $0x1400, $0x38;
	[tilespmem:$0x1F380] =	vst v63  }
0xa3: {  	_ =	swait.ge [sflag:s14], $0x1400  }
0xa4: {  	[sflag:s14] =	ssyncset.done $0x0  }
0xa5: {  	[sflag:s14] =	ssyncadd.s32 $0xFFFFEC00  }
.LBB2_5:
0xa6: {  	[bflag:$0x0] =	sbarrier.arrive $0xFFFF  }
0xa7: {  	s12 =	simm.s32 $0x0;
	s20 =	rddreg [dreg:$0x14]  }
0xa8: {  	[tilespmem:s12], [sflag:$0xA] =	stream.linear.gather [hbm4b:s20+s12], $0x3E80, $0x38;
	[tilespmem:$0x1F380] =	vst v63  }
0xa9: {  	_ =	swait.ge [sflag:s14], $0x3E80  }
0xaa: {  	[sflag:s14] =	ssyncset.done $0x0  }
0xab: {  	s24 =	rddreg [dreg:$0x15];
	[sflag:s14] =	ssyncadd.s32 $0xFFFFC180  }
0xac: {  	[tilespmem:s15], [sflag:$0x4] =	stream.linear.gather [hbm4b:s24+s12], $0x80, $0x38;
	[tilespmem:$0x1F380] =	vst v63  }
0xad: {  	v1 =	vld [tilespmem:$0x0]  }
0xae: {  	v2 =	vld [tilespmem:$0x10]  }
0xaf: {  	v3 =	vld [tilespmem:$0x20]  }
0xb0: {  	v4 =	vld [tilespmem:$0x30]  }
0xb1: {  	v5 =	vld [tilespmem:$0x40]  }
0xb2: {  	[tilespmem:$0x4000] =	vst v1  }
0xb3: {  	[tilespmem:$0x4010] =	vst v2  }
0xb4: {  	[tilespmem:$0x4020] =	vst v3  }
0xb5: {  	[tilespmem:$0x4030] =	vst v4  }
0xb6: {  	s25 =	sld [smem:$0x7FD];
	[tilespmem:$0x4040] =	vst v5  }
0xb7: {  	[tilespmem:s13], [sflag:$0x1] =	stream.indirect.gather [hbm4b:s1+s16], $0x80, s17, s16, $0xb8;
	[tilespmem:$0x1F380] =	vst v63  }
0xb8: {  	_ = 	snop  }
0xb9: {  	[tilespmem:s18], [sflag:$0x5] =	stream.linear.gather [hbm4b:s25+s12], $0x80, $0x38;
	[tilespmem:$0x1F380] =	vst v63  }
0xba: {  	v1 =	vld [tilespmem:$0x80]  }
0xbb: {  	v2 =	vld [tilespmem:$0x90]  }
0xbc: {  	v3 =	vld [tilespmem:$0xA0]  }
0xbd: {  	v62 =	vld [tilespmem:$0xB0]  }
0xbe: {  	v63 =	vld [tilespmem:$0xC0]  }
0xbf: {  	[tilespmem:$0x4080] =	vst v1  }
0xc0: {  	[tilespmem:$0x4090] =	vst v2  }
0xc1: {  	[tilespmem:$0x40A0] =	vst v3  }
0xc2: {  	[tilespmem:$0x40B0] =	vst v62  }
0xc3: {  	[tilespmem:$0x40C0] =	vst v63  }
0xc4: {  	[tilespmem:s26], [sflag:$0x2] =	stream.indirect.gather [hbm4b:s1+s16], $0x80, s19, s16, $0xb8;
	[tilespmem:$0x1F380] =	vst v63  }
0xc5: {  	_ =	swait.ge [sflag:s28], $0x2800  }
0xc6: {  	[sflag:s28] =	ssyncset.done $0x0  }
0xc7: {  	[sflag:s28] =	ssyncadd.s32 $0xFFFFD800  }
0xc8: {  	_ =	swait.ge [sflag:s29], $0x80  }
0xc9: {  	p3 =	por $0x1, $0x1;
	[sflag:s29] =	ssyncset.done $0x0  }
0xca: {  	s12 =	simm.s32 @!p3 $0x9;
	[sflag:s29] =	ssyncadd.s32 $0xFFFFFF80  }
0xcb: {  	[spmem:s2] =	stream.indirect.scatter.add.f32 [tilespmem:s13], [sflag:$0x7], $0x80, s15, s16, $0xb8;
	[tilespmem:$0x1F380] =	vst v63  }
0xcc: {  	_ =	swait.ge @!p3 [sflag:s12], $0x2800  }
0xcd: {  	s21 =	rddreg [dreg:$0x5];
	[sflag:s12] =	ssyncset.done @!p3 $0x0  }
0xce: {  	s22 =	simm.s32 $0x120;
	[sflag:s12] =	ssyncadd.s32 @!p3 $0xFFFFD800;
	s21 =	sadd.s32 $0x0, s21  }
0xcf: {  	[tilespmem:s30], [sflag:$0x6] =	stream.linear.gather [hbm4b:s21+s4], $0x80, $0x38;
	[tilespmem:$0x1F380] =	vst v63  }
0xd0: {  	v1 =	vld [tilespmem:s22+$0xFFFFFFE0];
	_ =	sdelay $0x4  }
0xd1: {  	[tilespmem:$0x4100] =	vst v1  }
0xd2: {  	v1 =	vld [tilespmem:s22+$0xFFFFFFF0];
	_ =	sdelay $0x4  }
0xd3: {  	[tilespmem:$0x4110] =	vst v1  }
0xd4: {  	v1 =	vld [tilespmem:s22+$0x0];
	_ =	sdelay $0x4  }
0xd5: {  	[tilespmem:$0x4120] =	vst v1  }
0xd6: {  	v1 =	vld [tilespmem:s22+$0x10];
	_ =	sdelay $0x4  }
0xd7: {  	[tilespmem:$0x4130] =	vst v1  }
0xd8: {  	v1 =	vld [tilespmem:s22+$0x20];
	_ =	sdelay $0x4  }
0xd9: {  	s23 =	rddreg [dreg:$0x6];
	[tilespmem:$0x4140] =	vst v1  }
0xda: {  	[tilespmem:s31], [sflag:$0x3] =	stream.indirect.gather [hbm4b:s1+s16], $0x80, s23, s16, $0xb8;
	[tilespmem:$0x1F380] =	vst v63  }
0xdb: {  	_ =	swait.ge [sflag:s0], $0x2800  }
0xdc: {  	[sflag:s0] =	ssyncset.done $0x0  }
0xdd: {  	[sflag:s0] =	ssyncadd.s32 $0xFFFFD800  }
0xde: {  	_ =	swait.ge [sflag:s7], $0x80  }
0xdf: {  	[sflag:s7] =	ssyncset.done $0x0  }
0xe0: {  	[sflag:s7] =	ssyncadd.s32 $0xFFFFFF80  }
0xe1: {  	[spmem:s2] =	stream.indirect.scatter.add.f32 [tilespmem:s26], [sflag:$0x8], $0x80, s18, s16, $0xb8;
	[tilespmem:$0x1F380] =	vst v63  }
0xe2: {  	_ =	swait.ge [sflag:s8], $0x2800  }
0xe3: {  	s20 =	rddreg [dreg:$0x19]  }
0xe4: {  	[sflag:s8] =	ssyncset.done $0x0;
	s24 =	sshrl.u32 s20, $0x3  }
0xe5: {  	[sflag:s8] =	ssyncadd.s32 $0xFFFFD800;
	s12 =	sadd.s32 s5, s24  }
0xe6: {  	[tilespmem:s15], [sflag:$0x4] =	stream.linear.gather [hbm4b:s12+s4], $0x80, $0x38;
	[tilespmem:$0x1F380] =	vst v63  }
0xe7: {  	v1 =	vld [tilespmem:s22+$0x60];
	_ =	sdelay $0x4  }
0xe8: {  	[tilespmem:$0x4000] =	vst v1  }
0xe9: {  	v1 =	vld [tilespmem:s22+$0x70];
	_ =	sdelay $0x4  }
0xea: {  	[tilespmem:$0x4010] =	vst v1  }
0xeb: {  	v1 =	vld [tilespmem:s22+$0x80];
	_ =	sdelay $0x4  }
0xec: {  	[tilespmem:$0x4020] =	vst v1  }
0xed: {  	v1 =	vld [tilespmem:s22+$0x90];
	_ =	sdelay $0x4  }
0xee: {  	[tilespmem:$0x4030] =	vst v1  }
0xef: {  	v1 =	vld [tilespmem:s22+$0xA0];
	_ =	sdelay $0x4  }
0xf0: {  	[tilespmem:$0x4040] =	vst v1  }
0xf1: {  	[tilespmem:s13], [sflag:$0x1] =	stream.indirect.gather [hbm4b:s1+s16], $0x80, s17, s16, $0xb8;
	[tilespmem:$0x1F380] =	vst v63  }
0xf2: {  	_ =	swait.ge [sflag:s9], $0x2800  }
0xf3: {  	[sflag:s9] =	ssyncset.done $0x0  }
0xf4: {  	[sflag:s9] =	ssyncadd.s32 $0xFFFFD800  }
0xf5: {  	_ =	swait.ge [sflag:s10], $0x80  }
0xf6: {  	[sflag:s10] =	ssyncset.done $0x0  }
0xf7: {  	[sflag:s10] =	ssyncadd.s32 $0xFFFFFF80  }
0xf8: {  	[spmem:s2] =	stream.indirect.scatter.add.f32 [tilespmem:s31], [sflag:$0x9], $0x80, s30, s16, $0xb8;
	[tilespmem:$0x1F380] =	vst v63  }
0xf9: {  	_ =	swait.ge [sflag:s11], $0x2800  }
0xfa: {  	s25 =	rddreg [dreg:$0x4];
	[sflag:s11] =	ssyncset.done $0x0  }
0xfb: {  	[sflag:s11] =	ssyncadd.s32 $0xFFFFD800;
	s12 =	sadd.s32 $0x0, s25  }
0xfc: {  	[tilespmem:s18], [sflag:$0x5] =	stream.linear.gather [hbm4b:s12+s4], $0x80, $0x38;
	[tilespmem:$0x1F380] =	vst v63  }
0xfd: {  	v1 =	vld [tilespmem:s22+$0xE0];
	_ =	sdelay $0x4  }
0xfe: {  	[tilespmem:$0x4080] =	vst v1  }
0xff: {  	v1 =	vld [tilespmem:s22+$0xF0];
	_ =	sdelay $0x4  }
0x100: {  	[tilespmem:$0x4090] =	vst v1  }
0x101: {  	v1 =	vld [tilespmem:s22+$0x100];
	_ =	sdelay $0x4  }
0x102: {  	[tilespmem:$0x40A0] =	vst v1  }
0x103: {  	v1 =	vld [tilespmem:s22+$0x110];
	_ =	sdelay $0x4  }
0x104: {  	[tilespmem:$0x40B0] =	vst v1  }
0x105: {  	v1 =	vld [tilespmem:s22+$0x120];
	_ =	sdelay $0x4  }
0x106: {  	[tilespmem:$0x40C0] =	vst v1  }
0x107: {  	[tilespmem:s26], [sflag:$0x2] =	stream.indirect.gather [hbm4b:s1+s16], $0x80, s19, s16, $0xb8;
	[tilespmem:$0x1F380] =	vst v63  }
0x108: {  	_ =	swait.ge [sflag:s28], $0x2800  }
0x109: {  	[sflag:s28] =	ssyncset.done $0x0  }
0x10a: {  	p4 =	por $0x0, $0x0;
	[sflag:s28] =	ssyncadd.s32 $0xFFFFD800  }
0x10b: {  	s21 =	simm.s32 $0x60;
	s23 =	simm.s32 $0x30;
	_ =	swait.ge [sflag:s29], $0x80  }
0x10c: {  	s24 =	sadd.s32 $0x180, s20;
	s22 =	simm.s32 $0x2A0;
	[sflag:s29] =	ssyncset.done $0x0  }
.LBB2_6:
0x10d: {  	s20 =	simm.s32 @!p4 $0x9;
	[sflag:s29] =	ssyncadd.s32 $0xFFFFFF80  }
0x10e: {  	[spmem:s2] =	stream.indirect.scatter.add.f32 [tilespmem:s13], [sflag:$0x7], $0x80, s15, s16, $0xb8;
	[tilespmem:$0x1F380] =	vst v63  }
0x10f: {  	_ =	swait.ge @!p4 [sflag:s20], $0x2800  }
0x110: {  	s25 =	rddreg [dreg:$0x5];
	[sflag:s20] =	ssyncset.done @!p4 $0x0  }
0x111: {  	[sflag:s20] =	ssyncadd.s32 @!p4 $0xFFFFD800;
	s25 =	sadd.s32 s23, s25  }
0x112: {  	[tilespmem:s30], [sflag:$0x6] =	stream.linear.gather [hbm4b:s25+s4], $0x80, $0x38;
	[tilespmem:$0x1F380] =	vst v63  }
0x113: {  	v1 =	vld [tilespmem:s22+$0xFFFFFFE0];
	_ =	sdelay $0x4  }
0x114: {  	[tilespmem:$0x4100] =	vst v1  }
0x115: {  	v1 =	vld [tilespmem:s22+$0xFFFFFFF0];
	_ =	sdelay $0x4  }
0x116: {  	[tilespmem:$0x4110] =	vst v1  }
0x117: {  	v1 =	vld [tilespmem:s22+$0x0];
	_ =	sdelay $0x4  }
0x118: {  	[tilespmem:$0x4120] =	vst v1  }
0x119: {  	v1 =	vld [tilespmem:s22+$0x10];
	_ =	sdelay $0x4  }
0x11a: {  	[tilespmem:$0x4130] =	vst v1  }
0x11b: {  	v1 =	vld [tilespmem:s22+$0x20];
	_ =	sdelay $0x4  }
0x11c: {  	s25 =	rddreg [dreg:$0x6];
	[tilespmem:$0x4140] =	vst v1  }
0x11d: {  	[tilespmem:s31], [sflag:$0x3] =	stream.indirect.gather [hbm4b:s1+s16], $0x80, s25, s16, $0xb8;
	[tilespmem:$0x1F380] =	vst v63  }
0x11e: {  	_ =	swait.ge [sflag:s0], $0x2800  }
0x11f: {  	[sflag:s0] =	ssyncset.done $0x0  }
0x120: {  	[sflag:s0] =	ssyncadd.s32 $0xFFFFD800  }
0x121: {  	_ =	swait.ge [sflag:s7], $0x80  }
0x122: {  	[sflag:s7] =	ssyncset.done $0x0  }
0x123: {  	[sflag:s7] =	ssyncadd.s32 $0xFFFFFF80  }
0x124: {  	[spmem:s2] =	stream.indirect.scatter.add.f32 [tilespmem:s26], [sflag:$0x8], $0x80, s18, s16, $0xb8;
	[tilespmem:$0x1F380] =	vst v63  }
0x125: {  	_ =	swait.ge [sflag:s8], $0x2800  }
0x126: {  	s25 =	sshrl.u32 s24, $0x3;
	[sflag:s8] =	ssyncset.done $0x0  }
0x127: {  	s20 =	sadd.s32 s5, s25;
	[sflag:s8] =	ssyncadd.s32 $0xFFFFD800  }
0x128: {  	[tilespmem:s15], [sflag:$0x4] =	stream.linear.gather [hbm4b:s20+s4], $0x80, $0x38;
	[tilespmem:$0x1F380] =	vst v63  }
0x129: {  	v1 =	vld [tilespmem:s22+$0x60];
	_ =	sdelay $0x4  }
0x12a: {  	[tilespmem:$0x4000] =	vst v1  }
0x12b: {  	v1 =	vld [tilespmem:s22+$0x70];
	_ =	sdelay $0x4  }
0x12c: {  	[tilespmem:$0x4010] =	vst v1  }
0x12d: {  	v1 =	vld [tilespmem:s22+$0x80];
	_ =	sdelay $0x4  }
0x12e: {  	[tilespmem:$0x4020] =	vst v1  }
0x12f: {  	v1 =	vld [tilespmem:s22+$0x90];
	_ =	sdelay $0x4  }
0x130: {  	[tilespmem:$0x4030] =	vst v1  }
0x131: {  	v1 =	vld [tilespmem:s22+$0xA0];
	_ =	sdelay $0x4  }
0x132: {  	[tilespmem:$0x4040] =	vst v1  }
0x133: {  	[tilespmem:s13], [sflag:$0x1] =	stream.indirect.gather [hbm4b:s1+s16], $0x80, s17, s16, $0xb8;
	[tilespmem:$0x1F380] =	vst v63  }
0x134: {  	_ =	swait.ge [sflag:s9], $0x2800  }
0x135: {  	[sflag:s9] =	ssyncset.done $0x0  }
0x136: {  	[sflag:s9] =	ssyncadd.s32 $0xFFFFD800  }
0x137: {  	_ =	swait.ge [sflag:s10], $0x80  }
0x138: {  	[sflag:s10] =	ssyncset.done $0x0  }
0x139: {  	[sflag:s10] =	ssyncadd.s32 $0xFFFFFF80  }
0x13a: {  	[spmem:s2] =	stream.indirect.scatter.add.f32 [tilespmem:s31], [sflag:$0x9], $0x80, s30, s16, $0xb8;
	[tilespmem:$0x1F380] =	vst v63  }
0x13b: {  	_ =	swait.ge [sflag:s11], $0x2800  }
0x13c: {  	s25 =	rddreg [dreg:$0x4];
	[sflag:s11] =	ssyncset.done $0x0  }
0x13d: {  	[sflag:s11] =	ssyncadd.s32 $0xFFFFD800;
	s20 =	sadd.s32 s23, s25  }
0x13e: {  	[tilespmem:s18], [sflag:$0x5] =	stream.linear.gather [hbm4b:s20+s4], $0x80, $0x38;
	[tilespmem:$0x1F380] =	vst v63  }
0x13f: {  	v1 =	vld [tilespmem:s22+$0xE0];
	_ =	sdelay $0x4  }
0x140: {  	[tilespmem:$0x4080] =	vst v1  }
0x141: {  	v1 =	vld [tilespmem:s22+$0xF0];
	_ =	sdelay $0x4  }
0x142: {  	[tilespmem:$0x4090] =	vst v1  }
0x143: {  	v1 =	vld [tilespmem:s22+$0x100];
	_ =	sdelay $0x4  }
0x144: {  	[tilespmem:$0x40A0] =	vst v1  }
0x145: {  	v1 =	vld [tilespmem:s22+$0x110];
	_ =	sdelay $0x4  }
0x146: {  	[tilespmem:$0x40B0] =	vst v1  }
0x147: {  	v1 =	vld [tilespmem:s22+$0x120];
	_ =	sdelay $0x3  }
0x148: {  	s12 =	smov.u32 s21;
	s21 =	sadd.s32 $0x30, s21  }
0x149: {  	p3 =	sne.s32 s21, $0x7B0;
	[tilespmem:$0x40C0] =	vst v1  }
0x14a: {  	[tilespmem:s26], [sflag:$0x2] =	stream.indirect.gather [hbm4b:s1+s16], $0x80, s19, s16, $0xb8;
	[tilespmem:$0x1F380] =	vst v63  }
.Ltmp2:
0x14b: {  	_ =	swait.ge [sflag:s28], $0x2800;
	(pc) =	sbr.rel @p3 .LBB2_6-.Ltmp2, $4  }
0x14c: {  	[sflag:s28] =	ssyncset.done $0x0  }
0x14d: {  	[sflag:s28] =	ssyncadd.s32 $0xFFFFD800  }
0x14e: {  	s24 =	sadd.s32 $0x180, s24;
	s23 =	smov.u32 s12;
	_ =	swait.ge [sflag:s29], $0x80  }
0x14f: {  	p4 =	seq.s32 s23, $0x0;
	s22 =	sadd.s32 $0x180, s22;
	[sflag:s29] =	ssyncset.done $0x0  }
0x150: {  	s12 =	simm.s32 @!p4 $0x9;
	[sflag:s29] =	ssyncadd.s32 $0xFFFFFF80  }
0x151: {  	[spmem:s2] =	stream.indirect.scatter.add.f32 [tilespmem:s13], [sflag:$0x7], $0x80, s15, s16, $0xb8;
	[tilespmem:$0x1F380] =	vst v63  }
0x152: {  	_ =	swait.ge @!p4 [sflag:s12], $0x2800  }
0x153: {  	s20 =	rddreg [dreg:$0x5];
	[sflag:s12] =	ssyncset.done @!p4 $0x0  }
0x154: {  	[sflag:s12] =	ssyncadd.s32 @!p4 $0xFFFFD800;
	s21 =	sadd.s32 s23, s20  }
0x155: {  	[tilespmem:s30], [sflag:$0x6] =	stream.linear.gather [hbm4b:s21+s4], $0x80, $0x38;
	[tilespmem:$0x1F380] =	vst v63  }
0x156: {  	v1 =	vld [tilespmem:s22+$0xFFFFFFE0];
	_ =	sdelay $0x4  }
0x157: {  	[tilespmem:$0x4100] =	vst v1  }
0x158: {  	v1 =	vld [tilespmem:s22+$0xFFFFFFF0];
	_ =	sdelay $0x4  }
0x159: {  	[tilespmem:$0x4110] =	vst v1  }
0x15a: {  	v1 =	vld [tilespmem:s22+$0x0];
	_ =	sdelay $0x4  }
0x15b: {  	[tilespmem:$0x4120] =	vst v1  }
0x15c: {  	v1 =	vld [tilespmem:s22+$0x10];
	_ =	sdelay $0x4  }
0x15d: {  	[tilespmem:$0x4130] =	vst v1  }
0x15e: {  	v1 =	vld [tilespmem:s22+$0x20];
	_ =	sdelay $0x4  }
0x15f: {  	s25 =	rddreg [dreg:$0x6];
	[tilespmem:$0x4140] =	vst v1  }
0x160: {  	[tilespmem:s31], [sflag:$0x3] =	stream.indirect.gather [hbm4b:s1+s16], $0x80, s25, s16, $0xb8;
	[tilespmem:$0x1F380] =	vst v63  }
0x161: {  	_ =	swait.ge [sflag:s0], $0x2800  }
0x162: {  	[sflag:s0] =	ssyncset.done $0x0  }
0x163: {  	[sflag:s0] =	ssyncadd.s32 $0xFFFFD800  }
0x164: {  	_ =	swait.ge [sflag:s7], $0x80  }
0x165: {  	[sflag:s7] =	ssyncset.done $0x0  }
0x166: {  	[sflag:s7] =	ssyncadd.s32 $0xFFFFFF80  }
0x167: {  	[spmem:s2] =	stream.indirect.scatter.add.f32 [tilespmem:s26], [sflag:$0x8], $0x80, s18, s16, $0xb8;
	[tilespmem:$0x1F380] =	vst v63  }
0x168: {  	_ =	swait.ge [sflag:s8], $0x2800  }
0x169: {  	s20 =	sshrl.u32 s24, $0x3;
	[sflag:s8] =	ssyncset.done $0x0  }
0x16a: {  	s12 =	sadd.s32 s5, s20;
	[sflag:s8] =	ssyncadd.s32 $0xFFFFD800  }
0x16b: {  	[tilespmem:s15], [sflag:$0x4] =	stream.linear.gather [hbm4b:s12+s4], $0x80, $0x38;
	[tilespmem:$0x1F380] =	vst v63  }
0x16c: {  	v1 =	vld [tilespmem:s22+$0x60];
	_ =	sdelay $0x4  }
0x16d: {  	[tilespmem:$0x4000] =	vst v1  }
0x16e: {  	v1 =	vld [tilespmem:s22+$0x70];
	_ =	sdelay $0x4  }
0x16f: {  	[tilespmem:$0x4010] =	vst v1  }
0x170: {  	v1 =	vld [tilespmem:s22+$0x80];
	_ =	sdelay $0x4  }
0x171: {  	[tilespmem:$0x4020] =	vst v1  }
0x172: {  	v1 =	vld [tilespmem:s22+$0x90];
	_ =	sdelay $0x4  }
0x173: {  	[tilespmem:$0x4030] =	vst v1  }
0x174: {  	v1 =	vld [tilespmem:s22+$0xA0];
	_ =	sdelay $0x4  }
0x175: {  	[tilespmem:$0x4040] =	vst v1  }
0x176: {  	[tilespmem:s13], [sflag:$0x1] =	stream.indirect.gather [hbm4b:s1+s16], $0x80, s17, s16, $0xb8;
	[tilespmem:$0x1F380] =	vst v63  }
0x177: {  	_ =	swait.ge [sflag:s9], $0x2800  }
0x178: {  	[sflag:s9] =	ssyncset.done $0x0  }
0x179: {  	[sflag:s9] =	ssyncadd.s32 $0xFFFFD800  }
0x17a: {  	_ =	swait.ge [sflag:s10], $0x80  }
0x17b: {  	[sflag:s10] =	ssyncset.done $0x0  }
0x17c: {  	[sflag:s10] =	ssyncadd.s32 $0xFFFFFF80  }
0x17d: {  	[spmem:s2] =	stream.indirect.scatter.add.f32 [tilespmem:s31], [sflag:$0x9], $0x80, s30, s16, $0xb8;
	[tilespmem:$0x1F380] =	vst v63  }
0x17e: {  	_ =	swait.ge [sflag:s11], $0x2800  }
0x17f: {  	s21 =	rddreg [dreg:$0x4];
	[sflag:s11] =	ssyncset.done $0x0  }
0x180: {  	s12 =	sadd.s32 s23, s21;
	[sflag:s11] =	ssyncadd.s32 $0xFFFFD800  }
0x181: {  	[tilespmem:s18], [sflag:$0x5] =	stream.linear.gather [hbm4b:s12+s4], $0x80, $0x38;
	[tilespmem:$0x1F380] =	vst v63  }
0x182: {  	v1 =	vld [tilespmem:s22+$0xE0];
	_ =	sdelay $0x4  }
0x183: {  	[tilespmem:$0x4080] =	vst v1  }
0x184: {  	v1 =	vld [tilespmem:s22+$0xF0];
	_ =	sdelay $0x4  }
0x185: {  	[tilespmem:$0x4090] =	vst v1  }
0x186: {  	v1 =	vld [tilespmem:s22+$0x100];
	_ =	sdelay $0x4  }
0x187: {  	[tilespmem:$0x40A0] =	vst v1  }
0x188: {  	v1 =	vld [tilespmem:s22+$0x110];
	_ =	sdelay $0x4  }
0x189: {  	[tilespmem:$0x40B0] =	vst v1  }
0x18a: {  	v1 =	vld [tilespmem:s22+$0x120];
	_ =	sdelay $0x4  }
0x18b: {  	[tilespmem:$0x40C0] =	vst v1  }
0x18c: {  	[tilespmem:s26], [sflag:$0x2] =	stream.indirect.gather [hbm4b:s1+s16], $0x80, s19, s16, $0xb8;
	[tilespmem:$0x1F380] =	vst v63  }
0x18d: {  	_ =	swait.ge [sflag:s28], $0x2800  }
0x18e: {  	[sflag:s28] =	ssyncset.done $0x0  }
0x18f: {  	[sflag:s28] =	ssyncadd.s32 $0xFFFFD800  }
0x190: {  	_ =	swait.ge [sflag:s29], $0x80  }
0x191: {  	[sflag:s29] =	ssyncset.done $0x0  }
0x192: {  	[sflag:s29] =	ssyncadd.s32 $0xFFFFFF80  }
0x193: {  	[spmem:s2] =	stream.indirect.scatter.add.f32 [tilespmem:s13], [sflag:$0x7], $0x80, s15, s16, $0xb8;
	[tilespmem:$0x1F380] =	vst v63  }
0x194: {  	_ =	swait.ge [sflag:s0], $0x2800  }
0x195: {  	[sflag:s0] =	ssyncset.done $0x0  }
0x196: {  	[sflag:s0] =	ssyncadd.s32 $0xFFFFD800  }
0x197: {  	_ =	swait.ge [sflag:s7], $0x80  }
0x198: {  	[sflag:s7] =	ssyncset.done $0x0  }
0x199: {  	s24 =	simm.s32 $0x9;
	[sflag:s7] =	ssyncadd.s32 $0xFFFFFF80  }
0x19a: {  	[spmem:s2] =	stream.indirect.scatter.add.f32 [tilespmem:s26], [sflag:$0x8], $0x80, s18, s16, $0xb8;
	[tilespmem:$0x1F380] =	vst v63  }
0x19b: {  	_ =	swait.ge [sflag:s24], $0x2800  }
0x19c: {  	[sflag:s24] =	ssyncset.done $0x0  }
0x19d: {  	[sflag:s24] =	ssyncadd.s32 $0xFFFFD800  }
0x19e: {  	_ =	swait.ge [sflag:s8], $0x2800  }
0x19f: {  	[sflag:s8] =	ssyncset.done $0x0  }
0x1a0: {  	[sflag:s8] =	ssyncadd.s32 $0xFFFFD800  }
0x1a1: {  	_ =	swait.ge [sflag:s11], $0x2800  }
0x1a2: {  	[sflag:s11] =	ssyncset.done $0x0  }
0x1a3: {  	s22 =	stileid.u32;
	[sflag:s11] =	ssyncadd.s32 $0xFFFFD800  }
0x1a4: {  	s12 =	sshll.u32 @p0 s22, $0x6;
	[bflag:$0x0] =	sbarrier.arrive $0xFFFF  }
0x1a5: {  	s20 =	sshrl.u32 @p0 s6, $0x3;
	s12 =	sor.u32 @p0 $0x1C0A, s12;
	s21 =	rddreg [dreg:$0x16]  }
0x1a6: {  	[hbm:s21], [sflag:s12] =	dma.local @p0 [spmem:s20], $0x3E80  }
0x1a7: {  	s12 =	simm.s32 @p0 $0xA  }
0x1a8: {  	_ =	swait.ge @p0 [sflag:s12], $0x3E80  }
0x1a9: {  	s20 =	sshll.u32 @p1 s22, $0x6;
	[sflag:s12] =	ssyncset.done @p0 $0x0;
	s22 =	rddreg [dreg:$0x17]  }
0x1aa: {  	[sflag:s12] =	ssyncadd.s32 @p0 $0xFFFFC180;
	s12 =	sor.u32 @p1 $0x1C0A, s20;
	s20 =	sshrl.u32 @p1 s6, $0x3  }
0x1ab: {  	[hbm:s22], [sflag:s12] =	dma.local @p1 [spmem:s20], $0x3E80  }
0x1ac: {  	s12 =	simm.s32 @p1 $0xA  }
0x1ad: {  	_ =	swait.ge @p1 [sflag:s12], $0x3E80  }
0x1ae: {  	s3 =	sadd.s32 $0x1, s3;
	s25 =	rddreg [dreg:$0x18]  }
0x1af: {  	p3 =	sne.s32 s3, s25  }
.Ltmp3:
0x1b0: {  	_ = 	snop;
	(pc) =	sbr.rel @p3 .LBB2_1-.Ltmp3, $3  }
0x1b1: {  	_ =	sdelay $0x1  }
0x1b2: {  	[sflag:s12] =	ssyncset.done @p1 $0x0  }
0x1b3: {  	s21 =	stileid.u32;
	[sflag:s12] =	ssyncadd.s32 @p1 $0xFFFFC180  }
0x1b4: {  	_ =	sfence.sel $0x180000  }
0x1b5: {  	[bflag:$0x0] =	sbarrier.arrive $0xFFFF  }
0x1b6: {  	_ =	strace $0x9000004D  }
0x1b7: {  	[bflag:$0x2] =	sbarrier.arrive $0xFFFF  }
0x1b8: {  	p0 =	sne.s32 s21, $0x0;
	s0 =	rddreg [dreg:$0x3]  }
0x1b9: {  	s0 =	sadd.s32 @!p0 $0x100000, s0  }
0x1ba: {  	[sflag:s0] =	ssyncadd.tile.s32 @!p0 $0x1;
	_ =	shalt  }
.Lfunc_end2:
_tile_overlayer_lowered:
.L_overlay_start_2:
0x1bb: {  	(tag) =	ssettag $0x2  }
0x1bc: {  	s0 =	rddreg [dreg:$0x0];
	s2 =	stileid.u32  }
0x1bd: {  	s1 =	rddreg [dreg:$0x1];
	p0 =	sne.s32 s2, $0x0  }
0x1be: {  	s3 =	rddreg [dreg:$0x2];
	[bflag:$0x3] =	sbarrier.arrive $0xFFFF;
	s2 =	simm.s32 @!p0 $0x1C0A  }
0x1bf: {  	[timem:s3], [sflag:s2] =	dma.local @!p0 [hbm:s0], s1  }
0x1c0: {  	s0 =	simm.s32 @!p0 $0xA  }
0x1c1: {  	_ =	swait.ge @!p0 [sflag:s0], s1  }
0x1c2: {  	s1 =	ssub.s32 @!p0 $0x0, s1;
	[sflag:s0] =	ssyncset.done @!p0 $0x0  }
0x1c3: {  	[sflag:s0] =	ssyncadd.s32 @!p0 s1  }
0x1c4: {  	[bflag:$0x3] =	sbarrier.arrive $0xFFFF  }
0x1c5: {  	_ =	shalt  }

// kernel: kernel.7.cloned.1.call-start
scs
__scs_entry_jumppad:
0x0: {  	(pc) =	sbr.rel $0x88, $3  }
0x1: {  	(tag) =	ssettag $0x0;
	lr =	simm.s32 $0x1  }
0x2: {  	[smem:$0x3F95] =	sst lr;
	_ =	strace $0xD0000000  }
0x3: {  	_ = 	snop  }
0x4: {  	_ = 	snop  }
0x5: {  	_ = 	snop  }
0x6: {  	_ = 	snop  }
0x7: {  	_ = 	snop  }
__scs_overlays_trampoline_lowered:
0x8: {  	[smem:$0x3FA4] =	sst s0  }
0x9: {  	[smem:$0x3FA5] =	sst s1  }
0xa: {  	[smem:$0x3FA6] =	sst s2  }
0xb: {  	[smem:$0x3FA7] =	sst s3  }
0xc: {  	[smem:$0x3FA8] =	sst s4  }
0xd: {  	[smem:$0x3FA9] =	sst s5  }
0xe: {  	[smem:$0x3FAA] =	sst s6  }
0xf: {  	[smem:$0x3FAB] =	sst s7  }
0x10: {  	[smem:$0x3FAC] =	sst s8  }
0x11: {  	[smem:$0x3FAD] =	sst s9;
	s0 =	simm.s32 @!p0 $0x0  }
0x12: {  	s1 =	sld [smem:$0x3F93];
	s0 =	simm.s32 @p0 $0x1  }
0x13: {  	[smem:$0x3FAE] =	sst s0;
	s0 =	simm.s32 @!p1 $0x0  }
0x14: {  	s2 =	sld [smem:$0x3F92];
	s0 =	simm.s32 @p1 $0x1  }
0x15: {  	[smem:$0x3FAF] =	sst s0;
	s0 =	simm.s32 @!p2 $0x0  }
0x16: {  	s3 =	sld [smem:$0x3FDB];
	s0 =	simm.s32 @p2 $0x1  }
0x17: {  	s4 =	simm.s32 $0x1BF5;
	[smem:$0x3FB1] =	sst s0  }
0x18: {  	s0 =	sld [smem:$0x3F94];
	_ =	swait.ge [sflag:s4], $0x0  }
0x19: {  	s7 =	sld [smem:$0x3F95]  }
0x1a: {  	s8 =	sadd.s32 $0xFFFFE003, lr  }
0x1b: {  	s9 =	sadd.s32 $0xFFFFFEF7, lr;
	s5 =	simm.s32 $0xFFFFFFFF;
	p2 =	slt.u32 s8, $0xFFFFF086  }
0x1c: {  	p1 =	slt.u32 s9, $0xF7A;
	s5 =	simm.s32 @!p2 $0x0  }
0x1d: {  	s5 =	simm.s32 @p1 $0x1;
	p0 =	seq.s32 s7, s2  }
0x1e: {  	s7 =	smul.u32 @!p0 $0xF7A, s2;
	p2 =	seq.s32 @!p0 s5, $0x0  }
0x1f: {  	s9 =	smul.u32 $0xF7A, s1;
	s8 =	simm.s32 @!p0 $0x1BF5;
	p2 =	por !p2, p0  }
0x20: {  	[sflag:s8] =	ssyncset.s32 @!p0 $0xFFFFF086;
	s6 =	sadd.s32 @!p0 s3, s7;
	s7 =	simm.s32 @!p0 $0x108  }
0x21: {  	s3 =	sadd.s32 s3, s9;
	s6 =	sadd.s32 @!p0 $0x88, s6;
	s7 =	simm.s32 @p2 $0x1082  }
0x22: {  	[simem:s7], [sflag:s8] =	dma.local @!p0 [hbm:s6], $0xF7A  }
0x23: {  	s9 =	sor.u32 $0xD0000000, s2;
	s6 =	simm.s32 $0x108;
	_ =	swait.ge @!p0 [sflag:s8], $0x0  }
0x24: {  	s3 =	sadd.s32 $0x88, s3;
	s6 =	simm.s32 @!p1 $0x1082;
	[sflag:s4] =	ssyncset.s32 $0xFFFFF086  }
0x25: {  	[simem:s6], [sflag:s4] =	dma.local [hbm:s3], $0xF7A  }
0x26: {  	[smem:$0x3F95] =	sst s1;
	(tag) =	ssettag s2;
	_ =	strace s9  }
0x27: {  	s1 =	sld [smem:$0x3FA5]  }
0x28: {  	s2 =	sld [smem:$0x3FA6]  }
0x29: {  	s4 =	sld [smem:$0x3FA8]  }
0x2a: {  	p0 =	seq.s32 s5, $0x0;
	s5 =	sld [smem:$0x3FA9]  }
0x2b: {  	s6 =	sld [smem:$0x3FAA]  }
0x2c: {  	s7 =	sld [smem:$0x3FAB]  }
0x2d: {  	s3 =	simm.s32 $0x108;
	s8 =	sld [smem:$0x3FAC]  }
0x2e: {  	s3 =	simm.s32 @!p0 $0x1082;
	s9 =	sld [smem:$0x3FAD]  }
0x2f: {  	lr =	sadd.s32 s0, s3;
	s0 =	sld [smem:$0x3FA4]  }
0x30: {  	s3 =	sld [smem:$0x3FA7]  }
0x31: {  	[smem:$0x3FB0] =	sst s10  }
0x32: {  	s10 =	sld [smem:$0x3FAE];
	_ =	sdelay $0x3  }
0x33: {  	p0 =	seq.s32 s10, $0x1;
	s10 =	sld [smem:$0x3FB0];
	_ =	sdelay $0x3  }
0x34: {  	[smem:$0x3FB0] =	sst s10  }
0x35: {  	s10 =	sld [smem:$0x3FAF];
	_ =	sdelay $0x3  }
0x36: {  	p1 =	seq.s32 s10, $0x1;
	s10 =	sld [smem:$0x3FB0];
	_ =	sdelay $0x3  }
0x37: {  	[smem:$0x3FB0] =	sst s10  }
0x38: {  	s10 =	sld [smem:$0x3FB1]  }
0x39: {  	_ = 	snop;
	(pc) =	sbr.ind lr, $3  }
0x3a: {  	_ = 	snop  }
0x3b: {  	_ = 	snop  }
0x3c: {  	p2 =	seq.s32 s10, $0x1;
	s10 =	sld [smem:$0x3FB0]  }
0x3d: {  	_ =	shalt  }
0x3e: {  	_ =	shalt  }
0x3f: {  	_ =	shalt  }
0x40: {  	_ =	shalt  }
0x41: {  	_ =	shalt  }
0x42: {  	_ =	shalt  }
0x43: {  	_ =	shalt  }
0x44: {  	_ =	shalt  }
0x45: {  	_ =	shalt  }
0x46: {  	_ =	shalt  }
0x47: {  	_ =	shalt  }
0x48: {  	_ =	shalt  }
0x49: {  	_ =	shalt  }
0x4a: {  	_ =	shalt  }
0x4b: {  	_ =	shalt  }
0x4c: {  	_ =	shalt  }
0x4d: {  	_ =	shalt  }
0x4e: {  	_ =	shalt  }
0x4f: {  	_ =	shalt  }
0x50: {  	_ =	shalt  }
0x51: {  	_ =	shalt  }
0x52: {  	_ =	shalt  }
0x53: {  	_ =	shalt  }
0x54: {  	_ =	shalt  }
0x55: {  	_ =	shalt  }
0x56: {  	_ =	shalt  }
0x57: {  	_ =	shalt  }
0x58: {  	_ =	shalt  }
0x59: {  	_ =	shalt  }
0x5a: {  	_ =	shalt  }
0x5b: {  	_ =	shalt  }
0x5c: {  	_ =	shalt  }
0x5d: {  	_ =	shalt  }
0x5e: {  	_ =	shalt  }
0x5f: {  	_ =	shalt  }
0x60: {  	_ =	shalt  }
0x61: {  	_ =	shalt  }
0x62: {  	_ =	shalt  }
0x63: {  	_ =	shalt  }
0x64: {  	_ =	shalt  }
0x65: {  	_ =	shalt  }
0x66: {  	_ =	shalt  }
0x67: {  	_ =	shalt  }
0x68: {  	_ =	shalt  }
0x69: {  	_ =	shalt  }
0x6a: {  	_ =	shalt  }
0x6b: {  	_ =	shalt  }
0x6c: {  	_ =	shalt  }
0x6d: {  	_ =	shalt  }
0x6e: {  	_ =	shalt  }
0x6f: {  	_ =	shalt  }
0x70: {  	_ =	shalt  }
0x71: {  	_ =	shalt  }
0x72: {  	_ =	shalt  }
0x73: {  	_ =	shalt  }
0x74: {  	_ =	shalt  }
0x75: {  	_ =	shalt  }
0x76: {  	_ =	shalt  }
0x77: {  	_ =	shalt  }
0x78: {  	_ =	shalt  }
0x79: {  	_ =	shalt  }
0x7a: {  	_ =	shalt  }
0x7b: {  	_ =	shalt  }
0x7c: {  	_ =	shalt  }
0x7d: {  	_ =	shalt  }
0x7e: {  	_ =	shalt  }
0x7f: {  	_ =	shalt  }
0x80: {  	_ =	shalt  }
0x81: {  	_ =	shalt  }
0x82: {  	_ =	shalt  }
0x83: {  	_ =	shalt  }
0x84: {  	_ =	shalt  }
0x85: {  	_ =	shalt  }
0x86: {  	_ =	shalt  }
0x87: {  	_ =	shalt  }
.Lfunc_end0:
.L_simem_size_0:
called_computation_lowered:
.L_overlay_start_0:
0x88: {  	s2 =	sld [smem:$0x3FD9]  }
0x89: {  	s3 =	sld [smem:$0x3FFE];
	_ =	sdelay $0x1  }
0x8a: {  	s1 =	srdreg.scid  }
0x8b: {  	s0 =	sand.u32 $0x1, s1  }
0x8c: {  	s16 =	sshll.u32 s0, $0xA;
	s2 =	sadd.s32 s3, s2  }
0x8d: {  	s2 =	sadd.s32 s2, s16  }
0x8e: {  	[smem:$0x3FBC] =	sst s2  }
0x8f: {  	_ = 	snop  }
0x90: {  	(tm) =	ssettm $0x1  }
0x91: {  	s17 =	sld [smem:$0x3FFB];
	_ =	sdelay $0x3  }
0x92: {  	_ =	strace s17  }
0x93: {  	s2 =	sld [smem:$0x3FFC];
	_ =	sdelay $0x3  }
0x94: {  	_ =	strace s2  }
0x95: {  	s2 =	sld [smem:$0x3FFD];
	_ =	sdelay $0x3  }
0x96: {  	_ =	strace s2  }
0x97: {  	_ =	strace $0x8FFFFFFF  }
0x98: {  	s18 =	sld [smem:$0x3FDB];
	_ =	sdelay $0x1  }
0x99: {  	s19 =	simm.s32 $_scs_section_size  }
0x9a: {  	s4 =	simm.s32 $_size__tile_overlayer_lowered;
	s5 =	simm.s32 $_tile_overlayer_lowered  }
0x9b: {  	s22 =	simm.s32 $0x1BFF;
	s21 =	sshll.u32 s5, $0x1;
	s2 =	sadd.s32 s19, s18  }
0x9c: {  	s6 =	simm.s32 $0x0;
	s20 =	sshll.u32 s4, $0x1;
	s4 =	sadd.s32 s21, s2  }
0x9d: {  	[timem:s6], [sflag:s22] =	dma.local [hbm:s4], s20  }
0x9e: {  	_ =	swait.ge [sflag:s22], s20  }
0x9f: {  	s3 =	ssub.s32 $0x0, s20;
	[sflag:s22] =	ssyncset.done $0x0  }
0xa0: {  	[sflag:s22] =	ssyncadd.s32 s3;
	_ =	sdelay $0x1  }
0xa1: {  	s23 =	simm.s32 $0x1B8B  }
0xa2: {  	_ =	swait.ge [sflag:s23], $0x1  }
0xa3: {  	[sflag:s23] =	ssyncset.done $0x0  }
0xa4: {  	s25 =	simm.s32 $0x1B8E;
	s24 =	sld [smem:$0x3FFE];
	[sflag:s23] =	ssyncadd.s32 $0xFFFFFFFF  }
0xa5: {  	s26 =	simm.s32 $execute0_lowered;
	[smem:$0x3FD2] =	sst s25  }
0xa6: {  	s4 =	sshll.u32 s26, $0x1;
	_ =	strace $0x80000046;
	[dreg:$0x1] =	wrdreg $0xFFFFFFFF  }
0xa7: {  	s28 =	simm.s32 $_size_execute0_lowered;
	s2 =	sadd.s32 s2, s4;
	[dreg:$0x0] =	wrdreg $0x0  }
0xa8: {  	s4 =	sshll.u32 s28, $0x1;
	[dreg:$0x2] =	wrdreg s2  }
0xa9: {  	[dreg:$0x3] =	wrdreg s4  }
0xaa: {  	[dreg:$0x4] =	wrdreg $0xC0  }
0xab: {  	_ =	task [dreg:s6], $0x5FFFF  }
0xac: {  	[dreg:$0x1] =	wrdreg $0xFFFFFFFF  }
0xad: {  	[dreg:$0x0] =	wrdreg $0x60  }
0xae: {  	[dreg:$0x2] =	wrdreg s24  }
0xaf: {  	[dreg:$0x3] =	wrdreg $0x9  }
0xb0: {  	_ =	task.clear_ibuf [dreg:s6], $0x4FFFF;
	_ =	strace $0x90000046  }
0xb1: {  	s29 =	simm.s32 $0x9;
	_ =	strace $0x80000048  }
0xb2: {  	_ =	swait.ge [sflag:s29], $0x1  }
0xb3: {  	[sflag:s29] =	ssyncadd.s32 $0xFFFFFFFF  }
0xb4: {  	_ =	strace $0x90000048  }
0xb5: {  	_ =	sfence  }
0xb6: {  	s30 =	sld [smem:$0x0];
	_ =	sdelay $0x2  }
0xb7: {  	s31 =	sshll.u32 s1, $0xD;
	s1 =	sshrl.u32 s1, $0x2  }
0xb8: {  	s3 =	sand.u32 $0x4000, s31;
	s1 =	sadd.s32 s1, s30  }
0xb9: {  	s0 =	sor.u32 s3, s0;
	s1 =	sshll.u32 s1, $0x11  }
0xba: {  	s0 =	sor.u32 s1, s0  }
0xbb: {  	s0 =	sadd.s32 $0x8F2B, s0  }
0xbc: {  	[sflag:s0] =	ssyncadd.remote.s32 $0x1  }
0xbd: {  	_ =	sfence.sel $0xFFFF  }
0xbe: {  	[dreg:$0x0] =	wrdreg $0xFFFFFFFF;
	(pc) =	sbr.abs _section_cstart, $3  }
0xbf: {  	[dreg:$0x1] =	wrdreg $0xFFFFFFFF  }
0xc0: {  	_ =	task.clear_ibuf [dreg:s6], $0x2FFFF;
	_ =	strace $0x9FFFFFFF  }
0xc1: {  	(tm) =	ssettm $0x7FFFFFFF  }
tec
execute0_lowered:
.L_overlay_start_1:
0x0: {  	(tag) =	ssettag $0x1  }
0x1: {  	s0 =	srdreg.scid  }
0x2: {  	s3 =	sand.u32 $0x1, s0  }
0x3: {  	s4 =	rddreg [dreg:$0x0];
	s0 =	stileid.u32;
	s1 =	sshll.u32 s3, $0x4  }
0x4: {  	s2 =	simm.s32 $0x0;
	s8 =	simm.s32 $0x80;
	s5 =	sor.u32 s0, s1  }
0x5: {  	s9 =	simm.s32 $0x400;
	[smem:$0x7FF] =	sst s2;
	s6 =	sshrl.u32 s5, $0x3  }
0x6: {  	s7 =	sshll.u32 s0, $0x7;
	s3 =	ssub.s32 $0x2, s3;
	s6 =	smul.u32 $0x13C00, s6  }
0x7: {  	s1 =	rddreg [dreg:$0x1];
	_ =	strace $0x80000047;
	s7 =	sand.u32 $0x380, s7  }
0x8: {  	s30 =	sshrl.u32 s3, $0x1;
	s5 =	sshll.u32 s5, $0xB;
	s6 =	sor.u32 s7, s6  }
0x9: {  	s31 =	ssub.s32 s3, s30;
	s5 =	sadd.s32 s5, s4;
	s6 =	sshrl.u32 s6, $0x3  }
0xa: {  	s3 =	sadd.s32 $0x2C00, s5;
	s5 =	smax.u32 s31, $0x1;
	s4 =	sadd.s32 s6, s4  }
0xb: {  	v0 =	vimm.f32 $0.0e+00;
	v1 =	vimm.f32 $1.000000000e+00;
	s7 =	simm.s32 $0x4000;
	s6 =	simm.s32 $0x1;
	s4 =	sadd.s32 $0x12C00, s4  }
.LBB2_1:
0xc: {  	s10 =	simm.s32 $0x40;
	s11 =	simm.s32 $0x0  }
.LBB2_2:
0xd: {  	p0 =	sne.s32 s10, $0x9C00;
	[tilespmem:s11+$0x4000] =	vst v0;
	s11 =	smov.u32 s10;
	s10 =	sadd.s32 $0x40, s10  }
.Ltmp0:
0xe: {  	(pc) =	sbr.rel @p0 .LBB2_2-.Ltmp0, $2  }
0xf: {  	_ =	sdelay $0x2  }
0x10: {  	s11 =	sshra.s32 s11, $0x2  }
0x11: {  	[tilespmem:s11+$0x4000] =	vst v0;
	s10 =	simm.s32 $0x0  }
0x12: {  	[tilespmem:s10], [sflag:$0x1] =	stream.linear.gather [hbm4b:s3+s10], $0x3E80, $0x38;
	[tilespmem:$0x6780] =	vst v63  }
0x13: {  	_ =	swait.ge [sflag:s6], $0x3E80  }
0x14: {  	[sflag:s6] =	ssyncset.done $0x0  }
0x15: {  	[sflag:s6] =	ssyncadd.s32 $0xFFFFC180  }
.LBB2_4:
0x16: {  	s11 =	sshra.s32 s10, $0x2  }
0x17: {  	v2 =	vld [tilespmem:s11+$0x0];
	_ =	sdelay $0x7  }
0x18: {  	[tilespmem:v2+s7+$0x0] =	vst.idx.add.f32.msk $0xffff, v1  }
0x19: {  	v2 =	vld [tilespmem:s11+$0x10];
	_ =	sdelay $0x7  }
0x1a: {  	[tilespmem:v2+s7+$0x0] =	vst.idx.add.f32.msk $0xffff, v1  }
0x1b: {  	v2 =	vld [tilespmem:s11+$0x20];
	_ =	sdelay $0x7  }
0x1c: {  	[tilespmem:v2+s7+$0x0] =	vst.idx.add.f32.msk $0xffff, v1  }
0x1d: {  	v2 =	vld [tilespmem:s11+$0x30];
	_ =	sdelay $0x7  }
0x1e: {  	[tilespmem:v2+s7+$0x0] =	vst.idx.add.f32.msk $0xffff, v1  }
0x1f: {  	v2 =	vld [tilespmem:s11+$0x40];
	_ =	sdelay $0x2  }
0x20: {  	p0 =	sne.s32 s10, $0xF800  }
.Ltmp1:
0x21: {  	_ = 	snop;
	(pc) =	sbr.rel @p0 .LBB2_4-.Ltmp1, $2  }
0x22: {  	_ =	sdelay $0x2  }
0x23: {  	s10 =	sadd.s32 $0x200, s10;
	[tilespmem:v2+s7+$0x0] =	vst.idx.add.f32.msk $0xffff, v1  }
0x24: {  	s2 =	sadd.s32 $0x1, s2  }
0x25: {  	p0 =	sne.s32 s2, s5  }
.Ltmp2:
0x26: {  	_ = 	snop;
	(pc) =	sbr.rel @p0 .LBB2_1-.Ltmp2, $4  }
0x27: {  	[hbm4b:s4+s8] =	stream.strided.scatter [tilespmem:s7], [sflag:$0x1], $0x2780, s9, s8, $0x38;
	[tilespmem:$0x6780] =	vst v63  }
0x28: {  	_ =	swait.ge [sflag:s6], $0x2780  }
0x29: {  	[sflag:s6] =	ssyncset.done $0x0  }
0x2a: {  	[sflag:s6] =	ssyncadd.s32 $0xFFFFD880  }
0x2b: {  	_ =	sfence.sel $0x180000  }
0x2c: {  	[bflag:$0x0] =	sbarrier.arrive $0xFFFF  }
0x2d: {  	p0 =	sne.s32 s0, $0x0;
	_ =	strace $0x90000047  }
0x2e: {  	s0 =	sadd.s32 @!p0 $0x100000, s1;
	[bflag:$0x2] =	sbarrier.arrive $0xFFFF  }
0x2f: {  	[sflag:s0] =	ssyncadd.tile.s32 @!p0 $0x1;
	_ =	shalt  }
.Lfunc_end2:
_tile_overlayer_lowered:
.L_overlay_start_2:
0x30: {  	(tag) =	ssettag $0x2  }
0x31: {  	s0 =	rddreg [dreg:$0x0];
	s2 =	stileid.u32  }
0x32: {  	s1 =	rddreg [dreg:$0x1];
	p0 =	sne.s32 s2, $0x0  }
0x33: {  	s3 =	rddreg [dreg:$0x2];
	[bflag:$0x3] =	sbarrier.arrive $0xFFFF;
	s2 =	simm.s32 @!p0 $0x1C01  }
0x34: {  	[timem:s3], [sflag:s2] =	dma.local @!p0 [hbm:s0], s1  }
0x35: {  	s0 =	simm.s32 @!p0 $0x1  }
0x36: {  	_ =	swait.ge @!p0 [sflag:s0], s1  }
0x37: {  	s1 =	ssub.s32 @!p0 $0x0, s1;
	[sflag:s0] =	ssyncset.done @!p0 $0x0  }
0x38: {  	[sflag:s0] =	ssyncadd.s32 @!p0 s1  }
0x39: {  	[bflag:$0x3] =	sbarrier.arrive $0xFFFF  }
0x3a: {  	_ =	shalt  }

</sc_bundles>
